<compile_context>
chip_gen: v7x
topology: tpu7x:2x2x1
jax: 0.10.2.dev20260603
libtpu: 0.0.44.dev20260713+nightly
codegen_flags: <defaults>
</compile_context>

<pallas_src>
import functools

import jax
import jax.numpy as jnp
from jax import lax
from jax.experimental import pallas as pl
from jax.experimental.pallas import tpu as pltpu
from jax.experimental.pallas import tpu_sc as plsc

H = 256
HC = 128
NSC = 2
NTILE = 16
LANES = 16
CHUNK = 40
NACC = 10112



def _split_mm_body(x_ref, w_ref, b_ref, o_ref):
    o_ref[...] = (
        jnp.dot(x_ref[...], w_ref[...], preferred_element_type=jnp.float32)
        + b_ref[...]
    )


def _split_matmul(x, w, b, bm):
    M, K = x.shape
    nb = M // bm
    return pl.pallas_call(
        _split_mm_body,
        grid=(nb, NSC),
        in_specs=[
            pl.BlockSpec((bm, K), lambda i, j: (i, 0)),
            pl.BlockSpec((K, HC), lambda i, j: (0, j)),
            pl.BlockSpec((1, HC), lambda i, j: (0, j)),
        ],
        out_specs=pl.BlockSpec((bm, HC), lambda i, j: (j * nb + i, 0)),
        out_shape=jax.ShapeDtypeStruct((NSC * M, HC), jnp.float32),
    )(x, w, b)


def _cnt_body(d_ref, o_ref):
    i = pl.program_id(0)

    @pl.when(i == 0)
    def _():
        o_ref[...] = jnp.zeros_like(o_ref)

    d = d_ref[...]
    hi = d >> 7
    lo = d & 127
    cols = lax.broadcasted_iota(jnp.int32, (1, 128), 1)
    u = (hi == cols).astype(jnp.float32)
    v = (lo == cols).astype(jnp.float32)
    o_ref[...] += lax.dot_general(
        u, v, (((0,), (0,)), ((), ())), preferred_element_type=jnp.float32)


def _degree_counts(dst2, bk):
    E = dst2.shape[0]
    return pl.pallas_call(
        _cnt_body,
        grid=(E // bk,),
        in_specs=[pl.BlockSpec((bk, 1), lambda i: (i, 0))],
        out_specs=pl.BlockSpec((128, 128), lambda i: (0, 0)),
        out_shape=jax.ShapeDtypeStruct((128, 128), jnp.float32),
    )(dst2[:, None])


def _upd_body(h_ref, a0_ref, a1_ref, c_ref, w1_ref, w2_ref, b_ref, o_ref):
    cnt = jnp.maximum(c_ref[...], 1.0)
    agg = jnp.concatenate([a0_ref[...], a1_ref[...]], axis=1) / cnt
    acc = jnp.dot(h_ref[...], w1_ref[...], preferred_element_type=jnp.float32)
    acc = acc + jnp.dot(agg, w2_ref[...], preferred_element_type=jnp.float32)
    o_ref[...] = jnp.maximum(acc + b_ref[...], 0.0)


def _update_mlp(h2, omsg, counts, w1, w2, b, bm):
    N, Hh = h2.shape
    nb = N // bm
    return pl.pallas_call(
        _upd_body,
        grid=(nb,),
        in_specs=[
            pl.BlockSpec((bm, Hh), lambda i: (i, 0)),
            pl.BlockSpec((bm, HC), lambda i: (i, 0)),
            pl.BlockSpec((bm, HC), lambda i: (nb + i, 0)),
            pl.BlockSpec((bm, 1), lambda i: (i, 0)),
            pl.BlockSpec((Hh, Hh), lambda i: (0, 0)),
            pl.BlockSpec((Hh, Hh), lambda i: (0, 0)),
            pl.BlockSpec((1, Hh), lambda i: (0, 0)),
        ],
        out_specs=pl.BlockSpec((bm, Hh), lambda i: (i, 0)),
        out_shape=jax.ShapeDtypeStruct((N, Hh), jnp.float32),
    )(h2, omsg, omsg, counts, w1, w2, b)



def _make_sc_agg(N, E):
    Et = E // NTILE
    nch = Et // CHUNK
    rpt_acc = NACC // NTILE
    rpt_out = 624
    tail = N - NTILE * rpt_out
    mesh = plsc.VectorSubcoreMesh(core_axis_name="c", subcore_axis_name="s",
                                  num_cores=NSC, num_subcores=NTILE)

    @functools.partial(
        pl.kernel,
        out_type=jax.ShapeDtypeStruct((NSC * N, HC), jnp.float32),
        mesh=mesh,
        scratch_types=[
            pltpu.VMEM_SHARED((NACC, HC), jnp.float32),
            pltpu.VMEM((Et,), jnp.int32),
            [pltpu.VMEM((CHUNK,), jnp.int32)] * 2,
            [pltpu.VMEM((CHUNK,), jnp.int32)] * 2,
            [pltpu.VMEM((CHUNK, HC), jnp.float32)] * 2,
            [pltpu.VMEM((CHUNK, HC), jnp.float32)] * 2,
            [pltpu.VMEM((CHUNK, HC), jnp.float32)] * 2,
            [pltpu.SemaphoreType.DMA] * 8,
        ],
    )
    def sc_agg(p2, srcb, dst2, m2f, zacc, omsg,
               acc_sh, src_all, dst_bufs, sdst_bufs, m_bufs, g_bufs, o_bufs,
               sems):
        c = lax.axis_index("c")
        s = lax.axis_index("s")

        pltpu.sync_copy(zacc.at[pl.ds(s * rpt_acc, rpt_acc)],
                        acc_sh.at[pl.ds(s * rpt_acc, rpt_acc)])

        e0 = s * Et
        cE = c * E

        pltpu.sync_copy(srcb.at[pl.ds(cE + e0, Et)], src_all)
        plsc.subcore_barrier()

        def start(q, b):
            pltpu.async_copy(m2f.at[pl.ds(cE + e0 + q * CHUNK, CHUNK)],
                             m_bufs[b], sems[b])
            pltpu.async_copy(p2.at[src_all.at[pl.ds(q * CHUNK, CHUNK)]],
                             g_bufs[b], sems[2 + b])
            pltpu.async_copy(dst2.at[pl.ds(e0 + q * CHUNK, CHUNK)],
                             dst_bufs[b], sems[4 + b])

        def finish(q, b, first=False):
            pltpu.make_async_copy(m2f.at[pl.ds(cE + e0 + q * CHUNK, CHUNK)],
                                  m_bufs[b], sems[b]).wait()
            pltpu.make_async_copy(p2.at[src_all.at[pl.ds(q * CHUNK, CHUNK)]],
                                  g_bufs[b], sems[2 + b]).wait()
            pltpu.make_async_copy(dst2.at[pl.ds(e0 + q * CHUNK, CHUNK)],
                                  dst_bufs[b], sems[4 + b]).wait()
            if not first:
                pltpu.make_async_copy(o_bufs[b], acc_sh.at[sdst_bufs[b]],
                                      sems[6 + b]).wait()
            m_v, g_v, o_v = m_bufs[b], g_bufs[b], o_bufs[b]
            for k in (0, 16, CHUNK - LANES):
                sdst_bufs[b][pl.ds(k, LANES)] = dst_bufs[b][pl.ds(k, LANES)]

            def relu_row(r, carry2):
                for k in range(HC // LANES):
                    v = m_v[r, pl.ds(k * LANES, LANES)]
                    g = g_v[r, pl.ds(k * LANES, LANES)]
                    o_v[r, pl.ds(k * LANES, LANES)] = jnp.maximum(v + g, 0.0)
                return carry2

            lax.fori_loop(0, CHUNK, relu_row, 0, unroll=4)
            pltpu.async_copy(o_v, acc_sh.at[sdst_bufs[b]], sems[6 + b],
                             add=True)

        start(0, 0)
        start(1, 1)
        finish(0, 0, first=True)
        start(2, 0)
        finish(1, 1, first=True)
        start(3, 1)

        def outer(q2, carry):
            q = q2 * 2
            finish(q, 0)
            start(q + 2, 0)
            finish(q + 1, 1)
            start(q + 3, 1)
            return carry

        lax.fori_loop(1, (nch - 2) // 2, outer, 0)
        finish(nch - 2, 0)
        finish(nch - 1, 1)
        pltpu.make_async_copy(o_bufs[0], acc_sh.at[sdst_bufs[0]],
                              sems[6]).wait()
        pltpu.make_async_copy(o_bufs[1], acc_sh.at[sdst_bufs[1]],
                              sems[7]).wait()
        plsc.subcore_barrier()

        pltpu.sync_copy(acc_sh.at[pl.ds(s * rpt_out, rpt_out)],
                        omsg.at[pl.ds(c * N + s * rpt_out, rpt_out)])

        @pl.when(s == NTILE - 1)
        def _():
            t0 = NTILE * rpt_out
            pltpu.sync_copy(acc_sh.at[pl.ds(t0, tail)],
                            omsg.at[pl.ds(c * N + t0, tail)])

    return sc_agg



def kernel(h, e_embed, edge_index, n_edges, W_msg, b_msg, W_upd, b_upd):
    B, N, Hh = h.shape
    E = edge_index.shape[2]
    h2 = h[0]
    e2 = e_embed[0]
    src = edge_index[0, 0]
    dst = edge_index[0, 1]
    ne = n_edges[0, 0]

    W1 = W_msg[:, :Hh].T
    W2 = W_msg[:, Hh:].T
    Wu1 = W_upd[:, :Hh].T
    Wu2 = W_upd[:, Hh:].T

    zb = jnp.zeros((1, Hh), jnp.float32)
    p2 = _split_matmul(h2, W1, zb, 2000)
    m2f = _split_matmul(e2, W2, b_msg.reshape(1, Hh), 1600)

    srcb = jnp.concatenate([src, src + N])
    valid = jnp.arange(E, dtype=jnp.int32) < ne
    dst2 = jnp.where(valid, dst, N)

    zacc = jnp.zeros((NACC, HC), jnp.float32)
    omsg = _make_sc_agg(N, E)(p2, srcb, dst2, m2f, zacc)

    cnt_grid = _degree_counts(dst2, 1000)
    counts = cnt_grid.reshape(128 * 128)[:N, None]

    h_new = _update_mlp(h2, omsg, counts, Wu1, Wu2,
                        b_upd.reshape(1, Hh), 2000)
    return h_new[None]

# --- scband reference (transcript-rebuilt; emitter-appended) ---
"""Pipeline reference for scband-message-passing-layer-18184891532161 (READ-ONLY COPY).

The authoritative reference and input builder live on the scoring server;
editing this copy changes nothing except your own understanding.
"""

import jax, jax.numpy as jnp
import numpy as np

B, N, E, H = 1, 10000, 160000, 256


def setup_inputs(seed: int = 0) -> dict:
    key = jax.random.key(seed)
    ks = jax.random.split(key, 8)
    h = jax.random.normal(ks[0], (B, N, H), dtype=jnp.float32)
    e_embed = jax.random.normal(ks[1], (B, E, H), dtype=jnp.float32)
    edge_index = jax.random.randint(ks[2], (B, 2, E), 0, N, dtype=jnp.int32)
    n_edges = jax.random.randint(ks[3], (B, 1), 0, E, dtype=jnp.int32)
    # nn.Linear(2H, H) weights: [out, in] = [H, 2H]
    W_msg = jax.random.normal(ks[4], (H, 2 * H), dtype=jnp.float32) * 0.04
    b_msg = jax.random.normal(ks[5], (H,), dtype=jnp.float32) * 0.01
    W_upd = jax.random.normal(ks[6], (H, 2 * H), dtype=jnp.float32) * 0.04
    b_upd = jax.random.normal(ks[7], (H,), dtype=jnp.float32) * 0.01
    return {"h": h, "e_embed": e_embed, "edge_index": edge_index, "n_edges": n_edges,
            "W_msg": W_msg, "b_msg": b_msg, "W_upd": W_upd, "b_upd": b_upd}


def reference(h, e_embed, edge_index, n_edges, W_msg, b_msg, W_upd, b_upd):
    Bb, max_nodes, hidden = h.shape
    max_edges = edge_index.shape[2]
    src_idx = edge_index[:, 0, :]  # [B, E]
    dst_idx = edge_index[:, 1, :]  # [B, E]
    # gather source node states: h.gather(1, src_exp)
    src_exp = jnp.broadcast_to(src_idx[:, :, None], (Bb, max_edges, hidden))
    src_h = jnp.take_along_axis(h, src_exp, axis=1)  # [B, E, H]
    # message MLP
    msg_in = jnp.concatenate([src_h, e_embed], axis=-1)  # [B, E, 2H]
    messages = jax.nn.relu(msg_in @ W_msg.T + b_msg)  # [B, E, H]
    # mask invalid (padded) edges
    edge_mask = (jnp.arange(max_edges)[None, :] < n_edges).astype(jnp.float32)  # [B, E]
    messages = messages * edge_mask[:, :, None]
    # scatter-add aggregation along node axis (per batch)
    def scatter_add(dst, msgs):
        return jnp.zeros((max_nodes, hidden), dtype=msgs.dtype).at[dst].add(msgs)
    agg = jax.vmap(scatter_add)(dst_idx, messages)  # [B, N, H]
    def scatter_count(dst, mask):
        return jnp.zeros((max_nodes,), dtype=mask.dtype).at[dst].add(mask)
    counts = jax.vmap(scatter_count)(dst_idx, edge_mask)[:, :, None]  # [B, N, 1]
    agg = agg / jnp.clip(counts, 1.0, None)
    # node update MLP
    upd_in = jnp.concatenate([h, agg], axis=-1)  # [B, N, 2H]
    h_new = jax.nn.relu(upd_in @ W_upd.T + b_upd)
    return h_new

if __name__ == "__main__":
    import jax
    _d = setup_inputs()
    print(jax.jit(kernel)(*tuple(_d.values())))

</pallas_src>

<mosaic_0001>
#map = affine_map<(d0, d1) -> (0, 0)>
#map1 = affine_map<(d0, d1) -> (0)>
module attributes {stable_mosaic.version = 14 : i64} {
  func.func @sc_agg(%arg0: i32, %arg1: i32, %arg2: memref<20000x128xf32, #tpu.memory_space<hbm>>, %arg3: memref<320000xi32, #tpu.memory_space<hbm>>, %arg4: memref<160000xi32, #tpu.memory_space<hbm>>, %arg5: memref<320000x128xf32, #tpu.memory_space<hbm>>, %arg6: memref<10112x128xf32, #tpu.memory_space<hbm>>, %arg7: memref<20000x128xf32, #tpu.memory_space<hbm>>, %arg8: memref<10112x128xf32, #tpu.memory_space<vmem_shared>>, %arg9: memref<10000xi32, #tpu.memory_space<vmem>>, %arg10: memref<40xi32, #tpu.memory_space<vmem>>, %arg11: memref<40xi32, #tpu.memory_space<vmem>>, %arg12: memref<40xi32, #tpu.memory_space<vmem>>, %arg13: memref<40xi32, #tpu.memory_space<vmem>>, %arg14: memref<40x128xf32, #tpu.memory_space<vmem>>, %arg15: memref<40x128xf32, #tpu.memory_space<vmem>>, %arg16: memref<40x128xf32, #tpu.memory_space<vmem>>, %arg17: memref<40x128xf32, #tpu.memory_space<vmem>>, %arg18: memref<40x128xf32, #tpu.memory_space<vmem>>, %arg19: memref<40x128xf32, #tpu.memory_space<vmem>>, %arg20: memref<!tpu.dma_semaphore, #tpu.memory_space<semaphore_mem>>, %arg21: memref<!tpu.dma_semaphore, #tpu.memory_space<semaphore_mem>>, %arg22: memref<!tpu.dma_semaphore, #tpu.memory_space<semaphore_mem>>, %arg23: memref<!tpu.dma_semaphore, #tpu.memory_space<semaphore_mem>>, %arg24: memref<!tpu.dma_semaphore, #tpu.memory_space<semaphore_mem>>, %arg25: memref<!tpu.dma_semaphore, #tpu.memory_space<semaphore_mem>>, %arg26: memref<!tpu.dma_semaphore, #tpu.memory_space<semaphore_mem>>, %arg27: memref<!tpu.dma_semaphore, #tpu.memory_space<semaphore_mem>>) attributes {dimension_semantics = [#tpu.dimension_semantics<core_parallel>, #tpu.dimension_semantics<subcore_parallel>], iteration_bounds = array<i64: 2, 16>, scalar_prefetch = 0 : i64, scratch_operands = 20 : i64, tpu.core_type = #tpu.core_type<sc_vector_subcore>, window_params = [{transform_indices = #map}, {transform_indices = #map1}, {transform_indices = #map1}, {transform_indices = #map}, {transform_indices = #map}, {transform_indices = #map}]} {
    %mul3A = arith.constant 632 : i32
    %mul3A_0 = arith.muli %arg1, %mul3A : i32
    %mul3A_1 = arith.constant 632 : i32
    %mul3A_2 = arith.muli %arg1, %mul3A_1 : i32
    "tpu.region"() ({
      %run_scoped3A = tpu.sem_alloc : memref<!tpu.dma_semaphore, #tpu.memory_space<semaphore_mem>>
      %dma_start3A_278 = arith.constant 0 : i32
      %dma_start3A_279 = tpu.memref_slice %arg8[%mul3A_2, %dma_start3A_278] : memref<10112x128xf32, #tpu.memory_space<vmem_shared>> -> memref<632x128xf32, #tpu.memory_space<vmem_shared>>
      %dma_start3A_280 = arith.constant 0 : i32
      %dma_start3A_281 = tpu.memref_slice %arg6[%mul3A_0, %dma_start3A_280] : memref<10112x128xf32, #tpu.memory_space<hbm>> -> memref<632x128xf32, #tpu.memory_space<hbm>>
      tpu.enqueue_dma source(%dma_start3A_281 : memref<632x128xf32, #tpu.memory_space<hbm>>) target(%dma_start3A_279 : memref<632x128xf32, #tpu.memory_space<vmem_shared>>) target_semaphore(%run_scoped3A : memref<!tpu.dma_semaphore, #tpu.memory_space<semaphore_mem>>)
      %dma_wait3A_282 = arith.constant 0 : i32
      %dma_wait3A_283 = tpu.memref_slice %arg8[%mul3A_2, %dma_wait3A_282] : memref<10112x128xf32, #tpu.memory_space<vmem_shared>> -> memref<632x128xf32, #tpu.memory_space<vmem_shared>>
      %dma_wait3A_284 = arith.constant 0 : i32
      %dma_wait3A_285 = tpu.memref_slice %arg6[%mul3A_0, %dma_wait3A_284] : memref<10112x128xf32, #tpu.memory_space<hbm>> -> memref<632x128xf32, #tpu.memory_space<hbm>>
      tpu.wait_dma2 semaphore(%run_scoped3A : memref<!tpu.dma_semaphore, #tpu.memory_space<semaphore_mem>>) src(%dma_wait3A_285 : memref<632x128xf32, #tpu.memory_space<hbm>>) dst(%dma_wait3A_283 : memref<632x128xf32, #tpu.memory_space<vmem_shared>>)
      tpu.yield
    }) : () -> ()
    %mul3A_3 = arith.constant 10000 : i32
    %mul3A_4 = arith.muli %arg1, %mul3A_3 : i32
    %mul3A_5 = arith.constant 160000 : i32
    %mul3A_6 = arith.muli %arg0, %mul3A_5 : i32
    %add3A = arith.addi %mul3A_6, %mul3A_4 : i32
    "tpu.region"() ({
      %run_scoped3A = tpu.sem_alloc : memref<!tpu.dma_semaphore, #tpu.memory_space<semaphore_mem>>
      %dma_start3A_278 = tpu.memref_slice %arg3[%add3A] : memref<320000xi32, #tpu.memory_space<hbm>> -> memref<10000xi32, #tpu.memory_space<hbm>>
      %dma_start3A_279 = tpu.memref_slice %arg3[%add3A] : memref<320000xi32, #tpu.memory_space<hbm>> -> memref<10000xi32, #tpu.memory_space<hbm>>
      tpu.enqueue_dma source(%dma_start3A_279 : memref<10000xi32, #tpu.memory_space<hbm>>) target(%arg9 : memref<10000xi32, #tpu.memory_space<vmem>>) target_semaphore(%run_scoped3A : memref<!tpu.dma_semaphore, #tpu.memory_space<semaphore_mem>>)
      %dma_wait3A_280 = tpu.memref_slice %arg3[%add3A] : memref<320000xi32, #tpu.memory_space<hbm>> -> memref<10000xi32, #tpu.memory_space<hbm>>
      %dma_wait3A_281 = tpu.memref_slice %arg3[%add3A] : memref<320000xi32, #tpu.memory_space<hbm>> -> memref<10000xi32, #tpu.memory_space<hbm>>
      tpu.wait_dma2 semaphore(%run_scoped3A : memref<!tpu.dma_semaphore, #tpu.memory_space<semaphore_mem>>) src(%dma_wait3A_281 : memref<10000xi32, #tpu.memory_space<hbm>>) dst(%arg9 : memref<10000xi32, #tpu.memory_space<vmem>>)
      tpu.yield
    }) : () -> ()
    %barrier3A = arith.constant 0 : index
    tpu.barrier barrier_id(%barrier3A)
    %add3A_7 = arith.addi %mul3A_6, %mul3A_4 : i32
    %add3A_8 = arith.constant 0 : i32
    %add3A_9 = arith.addi %add3A_7, %add3A_8 : i32
    %dma_start3A = arith.constant 0 : i32
    %dma_start3A_10 = tpu.memref_slice %arg5[%add3A_9, %dma_start3A] : memref<320000x128xf32, #tpu.memory_space<hbm>> -> memref<40x128xf32, #tpu.memory_space<hbm>>
    %dma_start3A_11 = arith.constant 0 : i32
    %dma_start3A_12 = tpu.memref_slice %arg5[%add3A_9, %dma_start3A_11] : memref<320000x128xf32, #tpu.memory_space<hbm>> -> memref<40x128xf32, #tpu.memory_space<hbm>>
    tpu.enqueue_dma source(%dma_start3A_12 : memref<40x128xf32, #tpu.memory_space<hbm>>) target(%arg14 : memref<40x128xf32, #tpu.memory_space<vmem>>) target_semaphore(%arg20 : memref<!tpu.dma_semaphore, #tpu.memory_space<semaphore_mem>>)
    %dma_start3A_13 = arith.constant 0 : i32
    %dma_start3A_14 = tpu.memref_slice %arg9[%dma_start3A_13] : memref<10000xi32, #tpu.memory_space<vmem>> -> memref<40xi32, #tpu.memory_space<vmem>>
    %dma_start3A_15 = arith.constant 0 : i32
    %dma_start3A_16 = arith.constant 0 : i32
    %dma_start3A_17 = tpu.memref_slice %arg2[%dma_start3A_15, %dma_start3A_16] : memref<20000x128xf32, #tpu.memory_space<hbm>> -> memref<20000x128xf32, #tpu.memory_space<hbm>>
    tpu.enqueue_indirect_dma source(%dma_start3A_17 : memref<20000x128xf32, #tpu.memory_space<hbm>>) target(%arg16 : memref<40x128xf32, #tpu.memory_space<vmem>>) offsets(%dma_start3A_14 : memref<40xi32, #tpu.memory_space<vmem>>) semaphore(%arg22 : memref<!tpu.dma_semaphore, #tpu.memory_space<semaphore_mem>>)
    %add3A_18 = arith.constant 0 : i32
    %add3A_19 = arith.addi %mul3A_4, %add3A_18 : i32
    %dma_start3A_20 = tpu.memref_slice %arg4[%add3A_19] : memref<160000xi32, #tpu.memory_space<hbm>> -> memref<40xi32, #tpu.memory_space<hbm>>
    %dma_start3A_21 = tpu.memref_slice %arg4[%add3A_19] : memref<160000xi32, #tpu.memory_space<hbm>> -> memref<40xi32, #tpu.memory_space<hbm>>
    tpu.enqueue_dma source(%dma_start3A_21 : memref<40xi32, #tpu.memory_space<hbm>>) target(%arg10 : memref<40xi32, #tpu.memory_space<vmem>>) target_semaphore(%arg24 : memref<!tpu.dma_semaphore, #tpu.memory_space<semaphore_mem>>)
    %add3A_22 = arith.addi %mul3A_6, %mul3A_4 : i32
    %add3A_23 = arith.constant 40 : i32
    %add3A_24 = arith.addi %add3A_22, %add3A_23 : i32
    %dma_start3A_25 = arith.constant 0 : i32
    %dma_start3A_26 = tpu.memref_slice %arg5[%add3A_24, %dma_start3A_25] : memref<320000x128xf32, #tpu.memory_space<hbm>> -> memref<40x128xf32, #tpu.memory_space<hbm>>
    %dma_start3A_27 = arith.constant 0 : i32
    %dma_start3A_28 = tpu.memref_slice %arg5[%add3A_24, %dma_start3A_27] : memref<320000x128xf32, #tpu.memory_space<hbm>> -> memref<40x128xf32, #tpu.memory_space<hbm>>
    tpu.enqueue_dma source(%dma_start3A_28 : memref<40x128xf32, #tpu.memory_space<hbm>>) target(%arg15 : memref<40x128xf32, #tpu.memory_space<vmem>>) target_semaphore(%arg21 : memref<!tpu.dma_semaphore, #tpu.memory_space<semaphore_mem>>)
    %dma_start3A_29 = arith.constant 40 : i32
    %dma_start3A_30 = tpu.memref_slice %arg9[%dma_start3A_29] : memref<10000xi32, #tpu.memory_space<vmem>> -> memref<40xi32, #tpu.memory_space<vmem>>
    %dma_start3A_31 = arith.constant 0 : i32
    %dma_start3A_32 = arith.constant 0 : i32
    %dma_start3A_33 = tpu.memref_slice %arg2[%dma_start3A_31, %dma_start3A_32] : memref<20000x128xf32, #tpu.memory_space<hbm>> -> memref<20000x128xf32, #tpu.memory_space<hbm>>
    tpu.enqueue_indirect_dma source(%dma_start3A_33 : memref<20000x128xf32, #tpu.memory_space<hbm>>) target(%arg17 : memref<40x128xf32, #tpu.memory_space<vmem>>) offsets(%dma_start3A_30 : memref<40xi32, #tpu.memory_space<vmem>>) semaphore(%arg23 : memref<!tpu.dma_semaphore, #tpu.memory_space<semaphore_mem>>)
    %add3A_34 = arith.constant 40 : i32
    %add3A_35 = arith.addi %mul3A_4, %add3A_34 : i32
    %dma_start3A_36 = tpu.memref_slice %arg4[%add3A_35] : memref<160000xi32, #tpu.memory_space<hbm>> -> memref<40xi32, #tpu.memory_space<hbm>>
    %dma_start3A_37 = tpu.memref_slice %arg4[%add3A_35] : memref<160000xi32, #tpu.memory_space<hbm>> -> memref<40xi32, #tpu.memory_space<hbm>>
    tpu.enqueue_dma source(%dma_start3A_37 : memref<40xi32, #tpu.memory_space<hbm>>) target(%arg11 : memref<40xi32, #tpu.memory_space<vmem>>) target_semaphore(%arg25 : memref<!tpu.dma_semaphore, #tpu.memory_space<semaphore_mem>>)
    %add3A_38 = arith.addi %mul3A_6, %mul3A_4 : i32
    %add3A_39 = arith.constant 0 : i32
    %add3A_40 = arith.addi %add3A_38, %add3A_39 : i32
    %dma_wait3A = arith.constant 0 : i32
    %dma_wait3A_41 = tpu.memref_slice %arg5[%add3A_40, %dma_wait3A] : memref<320000x128xf32, #tpu.memory_space<hbm>> -> memref<40x128xf32, #tpu.memory_space<hbm>>
    %dma_wait3A_42 = arith.constant 0 : i32
    %dma_wait3A_43 = tpu.memref_slice %arg5[%add3A_40, %dma_wait3A_42] : memref<320000x128xf32, #tpu.memory_space<hbm>> -> memref<40x128xf32, #tpu.memory_space<hbm>>
    tpu.wait_dma2 semaphore(%arg20 : memref<!tpu.dma_semaphore, #tpu.memory_space<semaphore_mem>>) src(%dma_wait3A_43 : memref<40x128xf32, #tpu.memory_space<hbm>>) dst(%arg14 : memref<40x128xf32, #tpu.memory_space<vmem>>)
    %dma_wait3A_44 = arith.constant 0 : i32
    %dma_wait3A_45 = tpu.memref_slice %arg9[%dma_wait3A_44] : memref<10000xi32, #tpu.memory_space<vmem>> -> memref<40xi32, #tpu.memory_space<vmem>>
    %dma_wait3A_46 = arith.constant 0 : i32
    %dma_wait3A_47 = arith.constant 0 : i32
    %dma_wait3A_48 = tpu.memref_slice %arg2[%dma_wait3A_46, %dma_wait3A_47] : memref<20000x128xf32, #tpu.memory_space<hbm>> -> memref<20000x128xf32, #tpu.memory_space<hbm>>
    tpu.wait_indirect_dma semaphore(%arg22 : memref<!tpu.dma_semaphore, #tpu.memory_space<semaphore_mem>>) src(%dma_wait3A_48 : memref<20000x128xf32, #tpu.memory_space<hbm>>) dst(%arg16 : memref<40x128xf32, #tpu.memory_space<vmem>>)
    %add3A_49 = arith.constant 0 : i32
    %add3A_50 = arith.addi %mul3A_4, %add3A_49 : i32
    %dma_wait3A_51 = tpu.memref_slice %arg4[%add3A_50] : memref<160000xi32, #tpu.memory_space<hbm>> -> memref<40xi32, #tpu.memory_space<hbm>>
    %dma_wait3A_52 = tpu.memref_slice %arg4[%add3A_50] : memref<160000xi32, #tpu.memory_space<hbm>> -> memref<40xi32, #tpu.memory_space<hbm>>
    tpu.wait_dma2 semaphore(%arg24 : memref<!tpu.dma_semaphore, #tpu.memory_space<semaphore_mem>>) src(%dma_wait3A_52 : memref<40xi32, #tpu.memory_space<hbm>>) dst(%arg10 : memref<40xi32, #tpu.memory_space<vmem>>)
    %get3A = arith.constant 0 : index
    %get3A_53 = tpu.vector_load %arg10[%get3A] {strides = array<i32>} : memref<40xi32, #tpu.memory_space<vmem>>, vector<16xi32>,
    %get3A_54 = vector.shape_cast %get3A_53 : vector<16xi32> to vector<16xi32>
    %swap3A = arith.constant 0 : index
    %swap3A_55 = tpu.vector_load %arg12[%swap3A] {strides = array<i32>} : memref<40xi32, #tpu.memory_space<vmem>>, vector<16xi32>,
    %swap3A_56 = vector.shape_cast %swap3A_55 : vector<16xi32> to vector<16xi32>
    %swap3A_57 = vector.shape_cast %get3A_54 : vector<16xi32> to vector<16xi32>
    tpu.vector_store %arg12[%swap3A], %swap3A_57 {strides = array<i32>} : memref<40xi32, #tpu.memory_space<vmem>>, vector<16xi32>,
    %get3A_58 = arith.constant 16 : index
    %get3A_59 = tpu.vector_load %arg10[%get3A_58] {strides = array<i32>} : memref<40xi32, #tpu.memory_space<vmem>>, vector<16xi32>,
    %get3A_60 = vector.shape_cast %get3A_59 : vector<16xi32> to vector<16xi32>
    %swap3A_61 = arith.constant 16 : index
    %swap3A_62 = tpu.vector_load %arg12[%swap3A_61] {strides = array<i32>} : memref<40xi32, #tpu.memory_space<vmem>>, vector<16xi32>,
    %swap3A_63 = vector.shape_cast %swap3A_62 : vector<16xi32> to vector<16xi32>
    %swap3A_64 = vector.shape_cast %get3A_60 : vector<16xi32> to vector<16xi32>
    tpu.vector_store %arg12[%swap3A_61], %swap3A_64 {strides = array<i32>} : memref<40xi32, #tpu.memory_space<vmem>>, vector<16xi32>,
    %get3A_65 = arith.constant 24 : index
    %get3A_66 = tpu.vector_load %arg10[%get3A_65] {strides = array<i32>} : memref<40xi32, #tpu.memory_space<vmem>>, vector<16xi32>,
    %get3A_67 = vector.shape_cast %get3A_66 : vector<16xi32> to vector<16xi32>
    %swap3A_68 = arith.constant 24 : index
    %swap3A_69 = tpu.vector_load %arg12[%swap3A_68] {strides = array<i32>} : memref<40xi32, #tpu.memory_space<vmem>>, vector<16xi32>,
    %swap3A_70 = vector.shape_cast %swap3A_69 : vector<16xi32> to vector<16xi32>
    %swap3A_71 = vector.shape_cast %get3A_67 : vector<16xi32> to vector<16xi32>
    tpu.vector_store %arg12[%swap3A_68], %swap3A_71 {strides = array<i32>} : memref<40xi32, #tpu.memory_space<vmem>>, vector<16xi32>,
    %scan3A = arith.constant 0 : i32
    %scan3A_72 = arith.constant 0 : i32
    %scan3A_73 = arith.constant 40 : i32
    %scan3A_74 = arith.addi %scan3A_72, %scan3A_73 : i32
    %scan3A_75 = arith.constant 4 : i32
    scf.for %scan3A_278 = %scan3A_72 to %scan3A_74 step %scan3A_75  : i32 {
      %get3A_279 = arith.index_cast %scan3A_278 : i32 to index
      %get3A_280 = arith.constant 0 : index
      %get3A_281 = tpu.vector_load %arg14[%get3A_279, %get3A_280] {strides = array<i32>} : memref<40x128xf32, #tpu.memory_space<vmem>>, vector<1x16xf32>,
      %get3A_282 = vector.shape_cast %get3A_281 : vector<1x16xf32> to vector<16xf32>
      %get3A_283 = arith.index_cast %scan3A_278 : i32 to index
      %get3A_284 = arith.constant 0 : index
      %get3A_285 = tpu.vector_load %arg16[%get3A_283, %get3A_284] {strides = array<i32>} : memref<40x128xf32, #tpu.memory_space<vmem>>, vector<1x16xf32>,
      %get3A_286 = vector.shape_cast %get3A_285 : vector<1x16xf32> to vector<16xf32>
      %add3A_287 = arith.addf %get3A_282, %get3A_286 : vector<16xf32>
      %max3A = arith.constant 0.000000e+00 : f32
      %max3A_288 = vector.broadcast %max3A : f32 to vector<16xf32>
      %max3A_289 = arith.maximumf %add3A_287, %max3A_288 : vector<16xf32>
      %swap3A_290 = arith.index_cast %scan3A_278 : i32 to index
      %swap3A_291 = arith.constant 0 : index
      %swap3A_292 = tpu.vector_load %arg18[%swap3A_290, %swap3A_291] {strides = array<i32>} : memref<40x128xf32, #tpu.memory_space<vmem>>, vector<1x16xf32>,
      %swap3A_293 = vector.shape_cast %swap3A_292 : vector<1x16xf32> to vector<16xf32>
      %swap3A_294 = vector.shape_cast %max3A_289 : vector<16xf32> to vector<1x16xf32>
      tpu.vector_store %arg18[%swap3A_290, %swap3A_291], %swap3A_294 {strides = array<i32>} : memref<40x128xf32, #tpu.memory_space<vmem>>, vector<1x16xf32>,
      %get3A_295 = arith.index_cast %scan3A_278 : i32 to index
      %get3A_296 = arith.constant 16 : index
      %get3A_297 = tpu.vector_load %arg14[%get3A_295, %get3A_296] {strides = array<i32>} : memref<40x128xf32, #tpu.memory_space<vmem>>, vector<1x16xf32>,
      %get3A_298 = vector.shape_cast %get3A_297 : vector<1x16xf32> to vector<16xf32>
      %get3A_299 = arith.index_cast %scan3A_278 : i32 to index
      %get3A_300 = arith.constant 16 : index
      %get3A_301 = tpu.vector_load %arg16[%get3A_299, %get3A_300] {strides = array<i32>} : memref<40x128xf32, #tpu.memory_space<vmem>>, vector<1x16xf32>,
      %get3A_302 = vector.shape_cast %get3A_301 : vector<1x16xf32> to vector<16xf32>
      %add3A_303 = arith.addf %get3A_298, %get3A_302 : vector<16xf32>
      %max3A_304 = arith.constant 0.000000e+00 : f32
      %max3A_305 = vector.broadcast %max3A_304 : f32 to vector<16xf32>
      %max3A_306 = arith.maximumf %add3A_303, %max3A_305 : vector<16xf32>
      %swap3A_307 = arith.index_cast %scan3A_278 : i32 to index
      %swap3A_308 = arith.constant 16 : index
      %swap3A_309 = tpu.vector_load %arg18[%swap3A_307, %swap3A_308] {strides = array<i32>} : memref<40x128xf32, #tpu.memory_space<vmem>>, vector<1x16xf32>,
      %swap3A_310 = vector.shape_cast %swap3A_309 : vector<1x16xf32> to vector<16xf32>
      %swap3A_311 = vector.shape_cast %max3A_306 : vector<16xf32> to vector<1x16xf32>
      tpu.vector_store %arg18[%swap3A_307, %swap3A_308], %swap3A_311 {strides = array<i32>} : memref<40x128xf32, #tpu.memory_space<vmem>>, vector<1x16xf32>,
      %get3A_312 = arith.index_cast %scan3A_278 : i32 to index
      %get3A_313 = arith.constant 32 : index
      %get3A_314 = tpu.vector_load %arg14[%get3A_312, %get3A_313] {strides = array<i32>} : memref<40x128xf32, #tpu.memory_space<vmem>>, vector<1x16xf32>,
      %get3A_315 = vector.shape_cast %get3A_314 : vector<1x16xf32> to vector<16xf32>
      %get3A_316 = arith.index_cast %scan3A_278 : i32 to index
      %get3A_317 = arith.constant 32 : index
      %get3A_318 = tpu.vector_load %arg16[%get3A_316, %get3A_317] {strides = array<i32>} : memref<40x128xf32, #tpu.memory_space<vmem>>, vector<1x16xf32>,
      %get3A_319 = vector.shape_cast %get3A_318 : vector<1x16xf32> to vector<16xf32>
      %add3A_320 = arith.addf %get3A_315, %get3A_319 : vector<16xf32>
      %max3A_321 = arith.constant 0.000000e+00 : f32
      %max3A_322 = vector.broadcast %max3A_321 : f32 to vector<16xf32>
      %max3A_323 = arith.maximumf %add3A_320, %max3A_322 : vector<16xf32>
      %swap3A_324 = arith.index_cast %scan3A_278 : i32 to index
      %swap3A_325 = arith.constant 32 : index
      %swap3A_326 = tpu.vector_load %arg18[%swap3A_324, %swap3A_325] {strides = array<i32>} : memref<40x128xf32, #tpu.memory_space<vmem>>, vector<1x16xf32>,
      %swap3A_327 = vector.shape_cast %swap3A_326 : vector<1x16xf32> to vector<16xf32>
      %swap3A_328 = vector.shape_cast %max3A_323 : vector<16xf32> to vector<1x16xf32>
      tpu.vector_store %arg18[%swap3A_324, %swap3A_325], %swap3A_328 {strides = array<i32>} : memref<40x128xf32, #tpu.memory_space<vmem>>, vector<1x16xf32>,
      %get3A_329 = arith.index_cast %scan3A_278 : i32 to index
      %get3A_330 = arith.constant 48 : index
      %get3A_331 = tpu.vector_load %arg14[%get3A_329, %get3A_330] {strides = array<i32>} : memref<40x128xf32, #tpu.memory_space<vmem>>, vector<1x16xf32>,
      %get3A_332 = vector.shape_cast %get3A_331 : vector<1x16xf32> to vector<16xf32>
      %get3A_333 = arith.index_cast %scan3A_278 : i32 to index
      %get3A_334 = arith.constant 48 : index
      %get3A_335 = tpu.vector_load %arg16[%get3A_333, %get3A_334] {strides = array<i32>} : memref<40x128xf32, #tpu.memory_space<vmem>>, vector<1x16xf32>,
      %get3A_336 = vector.shape_cast %get3A_335 : vector<1x16xf32> to vector<16xf32>
      %add3A_337 = arith.addf %get3A_332, %get3A_336 : vector<16xf32>
      %max3A_338 = arith.constant 0.000000e+00 : f32
      %max3A_339 = vector.broadcast %max3A_338 : f32 to vector<16xf32>
      %max3A_340 = arith.maximumf %add3A_337, %max3A_339 : vector<16xf32>
      %swap3A_341 = arith.index_cast %scan3A_278 : i32 to index
      %swap3A_342 = arith.constant 48 : index
      %swap3A_343 = tpu.vector_load %arg18[%swap3A_341, %swap3A_342] {strides = array<i32>} : memref<40x128xf32, #tpu.memory_space<vmem>>, vector<1x16xf32>,
      %swap3A_344 = vector.shape_cast %swap3A_343 : vector<1x16xf32> to vector<16xf32>
      %swap3A_345 = vector.shape_cast %max3A_340 : vector<16xf32> to vector<1x16xf32>
      tpu.vector_store %arg18[%swap3A_341, %swap3A_342], %swap3A_345 {strides = array<i32>} : memref<40x128xf32, #tpu.memory_space<vmem>>, vector<1x16xf32>,
      %get3A_346 = arith.index_cast %scan3A_278 : i32 to index
      %get3A_347 = arith.constant 64 : index
      %get3A_348 = tpu.vector_load %arg14[%get3A_346, %get3A_347] {strides = array<i32>} : memref<40x128xf32, #tpu.memory_space<vmem>>, vector<1x16xf32>,
      %get3A_349 = vector.shape_cast %get3A_348 : vector<1x16xf32> to vector<16xf32>
      %get3A_350 = arith.index_cast %scan3A_278 : i32 to index
      %get3A_351 = arith.constant 64 : index
      %get3A_352 = tpu.vector_load %arg16[%get3A_350, %get3A_351] {strides = array<i32>} : memref<40x128xf32, #tpu.memory_space<vmem>>, vector<1x16xf32>,
      %get3A_353 = vector.shape_cast %get3A_352 : vector<1x16xf32> to vector<16xf32>
      %add3A_354 = arith.addf %get3A_349, %get3A_353 : vector<16xf32>
      %max3A_355 = arith.constant 0.000000e+00 : f32
      %max3A_356 = vector.broadcast %max3A_355 : f32 to vector<16xf32>
      %max3A_357 = arith.maximumf %add3A_354, %max3A_356 : vector<16xf32>
      %swap3A_358 = arith.index_cast %scan3A_278 : i32 to index
      %swap3A_359 = arith.constant 64 : index
      %swap3A_360 = tpu.vector_load %arg18[%swap3A_358, %swap3A_359] {strides = array<i32>} : memref<40x128xf32, #tpu.memory_space<vmem>>, vector<1x16xf32>,
      %swap3A_361 = vector.shape_cast %swap3A_360 : vector<1x16xf32> to vector<16xf32>
      %swap3A_362 = vector.shape_cast %max3A_357 : vector<16xf32> to vector<1x16xf32>
      tpu.vector_store %arg18[%swap3A_358, %swap3A_359], %swap3A_362 {strides = array<i32>} : memref<40x128xf32, #tpu.memory_space<vmem>>, vector<1x16xf32>,
      %get3A_363 = arith.index_cast %scan3A_278 : i32 to index
      %get3A_364 = arith.constant 80 : index
      %get3A_365 = tpu.vector_load %arg14[%get3A_363, %get3A_364] {strides = array<i32>} : memref<40x128xf32, #tpu.memory_space<vmem>>, vector<1x16xf32>,
      %get3A_366 = vector.shape_cast %get3A_365 : vector<1x16xf32> to vector<16xf32>
      %get3A_367 = arith.index_cast %scan3A_278 : i32 to index
      %get3A_368 = arith.constant 80 : index
      %get3A_369 = tpu.vector_load %arg16[%get3A_367, %get3A_368] {strides = array<i32>} : memref<40x128xf32, #tpu.memory_space<vmem>>, vector<1x16xf32>,
      %get3A_370 = vector.shape_cast %get3A_369 : vector<1x16xf32> to vector<16xf32>
      %add3A_371 = arith.addf %get3A_366, %get3A_370 : vector<16xf32>
      %max3A_372 = arith.constant 0.000000e+00 : f32
      %max3A_373 = vector.broadcast %max3A_372 : f32 to vector<16xf32>
      %max3A_374 = arith.maximumf %add3A_371, %max3A_373 : vector<16xf32>
      %swap3A_375 = arith.index_cast %scan3A_278 : i32 to index
      %swap3A_376 = arith.constant 80 : index
      %swap3A_377 = tpu.vector_load %arg18[%swap3A_375, %swap3A_376] {strides = array<i32>} : memref<40x128xf32, #tpu.memory_space<vmem>>, vector<1x16xf32>,
      %swap3A_378 = vector.shape_cast %swap3A_377 : vector<1x16xf32> to vector<16xf32>
      %swap3A_379 = vector.shape_cast %max3A_374 : vector<16xf32> to vector<1x16xf32>
      tpu.vector_store %arg18[%swap3A_375, %swap3A_376], %swap3A_379 {strides = array<i32>} : memref<40x128xf32, #tpu.memory_space<vmem>>, vector<1x16xf32>,
      %get3A_380 = arith.index_cast %scan3A_278 : i32 to index
      %get3A_381 = arith.constant 96 : index
      %get3A_382 = tpu.vector_load %arg14[%get3A_380, %get3A_381] {strides = array<i32>} : memref<40x128xf32, #tpu.memory_space<vmem>>, vector<1x16xf32>,
      %get3A_383 = vector.shape_cast %get3A_382 : vector<1x16xf32> to vector<16xf32>
      %get3A_384 = arith.index_cast %scan3A_278 : i32 to index
      %get3A_385 = arith.constant 96 : index
      %get3A_386 = tpu.vector_load %arg16[%get3A_384, %get3A_385] {strides = array<i32>} : memref<40x128xf32, #tpu.memory_space<vmem>>, vector<1x16xf32>,
      %get3A_387 = vector.shape_cast %get3A_386 : vector<1x16xf32> to vector<16xf32>
      %add3A_388 = arith.addf %get3A_383, %get3A_387 : vector<16xf32>
      %max3A_389 = arith.constant 0.000000e+00 : f32
      %max3A_390 = vector.broadcast %max3A_389 : f32 to vector<16xf32>
      %max3A_391 = arith.maximumf %add3A_388, %max3A_390 : vector<16xf32>
      %swap3A_392 = arith.index_cast %scan3A_278 : i32 to index
      %swap3A_393 = arith.constant 96 : index
      %swap3A_394 = tpu.vector_load %arg18[%swap3A_392, %swap3A_393] {strides = array<i32>} : memref<40x128xf32, #tpu.memory_space<vmem>>, vector<1x16xf32>,
      %swap3A_395 = vector.shape_cast %swap3A_394 : vector<1x16xf32> to vector<16xf32>
      %swap3A_396 = vector.shape_cast %max3A_391 : vector<16xf32> to vector<1x16xf32>
      tpu.vector_store %arg18[%swap3A_392, %swap3A_393], %swap3A_396 {strides = array<i32>} : memref<40x128xf32, #tpu.memory_space<vmem>>, vector<1x16xf32>,
      %get3A_397 = arith.index_cast %scan3A_278 : i32 to index
      %get3A_398 = arith.constant 112 : index
      %get3A_399 = tpu.vector_load %arg14[%get3A_397, %get3A_398] {strides = array<i32>} : memref<40x128xf32, #tpu.memory_space<vmem>>, vector<1x16xf32>,
      %get3A_400 = vector.shape_cast %get3A_399 : vector<1x16xf32> to vector<16xf32>
      %get3A_401 = arith.index_cast %scan3A_278 : i32 to index
      %get3A_402 = arith.constant 112 : index
      %get3A_403 = tpu.vector_load %arg16[%get3A_401, %get3A_402] {strides = array<i32>} : memref<40x128xf32, #tpu.memory_space<vmem>>, vector<1x16xf32>,
      %get3A_404 = vector.shape_cast %get3A_403 : vector<1x16xf32> to vector<16xf32>
      %add3A_405 = arith.addf %get3A_400, %get3A_404 : vector<16xf32>
      %max3A_406 = arith.constant 0.000000e+00 : f32
      %max3A_407 = vector.broadcast %max3A_406 : f32 to vector<16xf32>
      %max3A_408 = arith.maximumf %add3A_405, %max3A_407 : vector<16xf32>
      %swap3A_409 = arith.index_cast %scan3A_278 : i32 to index
      %swap3A_410 = arith.constant 112 : index
      %swap3A_411 = tpu.vector_load %arg18[%swap3A_409, %swap3A_410] {strides = array<i32>} : memref<40x128xf32, #tpu.memory_space<vmem>>, vector<1x16xf32>,
      %swap3A_412 = vector.shape_cast %swap3A_411 : vector<1x16xf32> to vector<16xf32>
      %swap3A_413 = vector.shape_cast %max3A_408 : vector<16xf32> to vector<1x16xf32>
      tpu.vector_store %arg18[%swap3A_409, %swap3A_410], %swap3A_413 {strides = array<i32>} : memref<40x128xf32, #tpu.memory_space<vmem>>, vector<1x16xf32>,
      %scan3A_414 = arith.constant 1 : i32
      %scan3A_415 = arith.addi %scan3A_278, %scan3A_414 : i32
      %get3A_416 = arith.index_cast %scan3A_415 : i32 to index
      %get3A_417 = arith.constant 0 : index
      %get3A_418 = tpu.vector_load %arg14[%get3A_416, %get3A_417] {strides = array<i32>} : memref<40x128xf32, #tpu.memory_space<vmem>>, vector<1x16xf32>,
      %get3A_419 = vector.shape_cast %get3A_418 : vector<1x16xf32> to vector<16xf32>
      %get3A_420 = arith.index_cast %scan3A_415 : i32 to index
      %get3A_421 = arith.constant 0 : index
      %get3A_422 = tpu.vector_load %arg16[%get3A_420, %get3A_421] {strides = array<i32>} : memref<40x128xf32, #tpu.memory_space<vmem>>, vector<1x16xf32>,
      %get3A_423 = vector.shape_cast %get3A_422 : vector<1x16xf32> to vector<16xf32>
      %add3A_424 = arith.addf %get3A_419, %get3A_423 : vector<16xf32>
      %max3A_425 = arith.constant 0.000000e+00 : f32
      %max3A_426 = vector.broadcast %max3A_425 : f32 to vector<16xf32>
      %max3A_427 = arith.maximumf %add3A_424, %max3A_426 : vector<16xf32>
      %swap3A_428 = arith.index_cast %scan3A_415 : i32 to index
      %swap3A_429 = arith.constant 0 : index
      %swap3A_430 = tpu.vector_load %arg18[%swap3A_428, %swap3A_429] {strides = array<i32>} : memref<40x128xf32, #tpu.memory_space<vmem>>, vector<1x16xf32>,
      %swap3A_431 = vector.shape_cast %swap3A_430 : vector<1x16xf32> to vector<16xf32>
      %swap3A_432 = vector.shape_cast %max3A_427 : vector<16xf32> to vector<1x16xf32>
      tpu.vector_store %arg18[%swap3A_428, %swap3A_429], %swap3A_432 {strides = array<i32>} : memref<40x128xf32, #tpu.memory_space<vmem>>, vector<1x16xf32>,
      %get3A_433 = arith.index_cast %scan3A_415 : i32 to index
      %get3A_434 = arith.constant 16 : index
      %get3A_435 = tpu.vector_load %arg14[%get3A_433, %get3A_434] {strides = array<i32>} : memref<40x128xf32, #tpu.memory_space<vmem>>, vector<1x16xf32>,
      %get3A_436 = vector.shape_cast %get3A_435 : vector<1x16xf32> to vector<16xf32>
      %get3A_437 = arith.index_cast %scan3A_415 : i32 to index
      %get3A_438 = arith.constant 16 : index
      %get3A_439 = tpu.vector_load %arg16[%get3A_437, %get3A_438] {strides = array<i32>} : memref<40x128xf32, #tpu.memory_space<vmem>>, vector<1x16xf32>,
      %get3A_440 = vector.shape_cast %get3A_439 : vector<1x16xf32> to vector<16xf32>
      %add3A_441 = arith.addf %get3A_436, %get3A_440 : vector<16xf32>
      %max3A_442 = arith.constant 0.000000e+00 : f32
      %max3A_443 = vector.broadcast %max3A_442 : f32 to vector<16xf32>
      %max3A_444 = arith.maximumf %add3A_441, %max3A_443 : vector<16xf32>
      %swap3A_445 = arith.index_cast %scan3A_415 : i32 to index
      %swap3A_446 = arith.constant 16 : index
      %swap3A_447 = tpu.vector_load %arg18[%swap3A_445, %swap3A_446] {strides = array<i32>} : memref<40x128xf32, #tpu.memory_space<vmem>>, vector<1x16xf32>,
      %swap3A_448 = vector.shape_cast %swap3A_447 : vector<1x16xf32> to vector<16xf32>
      %swap3A_449 = vector.shape_cast %max3A_444 : vector<16xf32> to vector<1x16xf32>
      tpu.vector_store %arg18[%swap3A_445, %swap3A_446], %swap3A_449 {strides = array<i32>} : memref<40x128xf32, #tpu.memory_space<vmem>>, vector<1x16xf32>,
      %get3A_450 = arith.index_cast %scan3A_415 : i32 to index
      %get3A_451 = arith.constant 32 : index
      %get3A_452 = tpu.vector_load %arg14[%get3A_450, %get3A_451] {strides = array<i32>} : memref<40x128xf32, #tpu.memory_space<vmem>>, vector<1x16xf32>,
      %get3A_453 = vector.shape_cast %get3A_452 : vector<1x16xf32> to vector<16xf32>
      %get3A_454 = arith.index_cast %scan3A_415 : i32 to index
      %get3A_455 = arith.constant 32 : index
      %get3A_456 = tpu.vector_load %arg16[%get3A_454, %get3A_455] {strides = array<i32>} : memref<40x128xf32, #tpu.memory_space<vmem>>, vector<1x16xf32>,
      %get3A_457 = vector.shape_cast %get3A_456 : vector<1x16xf32> to vector<16xf32>
      %add3A_458 = arith.addf %get3A_453, %get3A_457 : vector<16xf32>
      %max3A_459 = arith.constant 0.000000e+00 : f32
      %max3A_460 = vector.broadcast %max3A_459 : f32 to vector<16xf32>
      %max3A_461 = arith.maximumf %add3A_458, %max3A_460 : vector<16xf32>
      %swap3A_462 = arith.index_cast %scan3A_415 : i32 to index
      %swap3A_463 = arith.constant 32 : index
      %swap3A_464 = tpu.vector_load %arg18[%swap3A_462, %swap3A_463] {strides = array<i32>} : memref<40x128xf32, #tpu.memory_space<vmem>>, vector<1x16xf32>,
      %swap3A_465 = vector.shape_cast %swap3A_464 : vector<1x16xf32> to vector<16xf32>
      %swap3A_466 = vector.shape_cast %max3A_461 : vector<16xf32> to vector<1x16xf32>
      tpu.vector_store %arg18[%swap3A_462, %swap3A_463], %swap3A_466 {strides = array<i32>} : memref<40x128xf32, #tpu.memory_space<vmem>>, vector<1x16xf32>,
      %get3A_467 = arith.index_cast %scan3A_415 : i32 to index
      %get3A_468 = arith.constant 48 : index
      %get3A_469 = tpu.vector_load %arg14[%get3A_467, %get3A_468] {strides = array<i32>} : memref<40x128xf32, #tpu.memory_space<vmem>>, vector<1x16xf32>,
      %get3A_470 = vector.shape_cast %get3A_469 : vector<1x16xf32> to vector<16xf32>
      %get3A_471 = arith.index_cast %scan3A_415 : i32 to index
      %get3A_472 = arith.constant 48 : index
      %get3A_473 = tpu.vector_load %arg16[%get3A_471, %get3A_472] {strides = array<i32>} : memref<40x128xf32, #tpu.memory_space<vmem>>, vector<1x16xf32>,
      %get3A_474 = vector.shape_cast %get3A_473 : vector<1x16xf32> to vector<16xf32>
      %add3A_475 = arith.addf %get3A_470, %get3A_474 : vector<16xf32>
      %max3A_476 = arith.constant 0.000000e+00 : f32
      %max3A_477 = vector.broadcast %max3A_476 : f32 to vector<16xf32>
      %max3A_478 = arith.maximumf %add3A_475, %max3A_477 : vector<16xf32>
      %swap3A_479 = arith.index_cast %scan3A_415 : i32 to index
      %swap3A_480 = arith.constant 48 : index
      %swap3A_481 = tpu.vector_load %arg18[%swap3A_479, %swap3A_480] {strides = array<i32>} : memref<40x128xf32, #tpu.memory_space<vmem>>, vector<1x16xf32>,
      %swap3A_482 = vector.shape_cast %swap3A_481 : vector<1x16xf32> to vector<16xf32>
      %swap3A_483 = vector.shape_cast %max3A_478 : vector<16xf32> to vector<1x16xf32>
      tpu.vector_store %arg18[%swap3A_479, %swap3A_480], %swap3A_483 {strides = array<i32>} : memref<40x128xf32, #tpu.memory_space<vmem>>, vector<1x16xf32>,
      %get3A_484 = arith.index_cast %scan3A_415 : i32 to index
      %get3A_485 = arith.constant 64 : index
      %get3A_486 = tpu.vector_load %arg14[%get3A_484, %get3A_485] {strides = array<i32>} : memref<40x128xf32, #tpu.memory_space<vmem>>, vector<1x16xf32>,
      %get3A_487 = vector.shape_cast %get3A_486 : vector<1x16xf32> to vector<16xf32>
      %get3A_488 = arith.index_cast %scan3A_415 : i32 to index
      %get3A_489 = arith.constant 64 : index
      %get3A_490 = tpu.vector_load %arg16[%get3A_488, %get3A_489] {strides = array<i32>} : memref<40x128xf32, #tpu.memory_space<vmem>>, vector<1x16xf32>,
      %get3A_491 = vector.shape_cast %get3A_490 : vector<1x16xf32> to vector<16xf32>
      %add3A_492 = arith.addf %get3A_487, %get3A_491 : vector<16xf32>
      %max3A_493 = arith.constant 0.000000e+00 : f32
      %max3A_494 = vector.broadcast %max3A_493 : f32 to vector<16xf32>
      %max3A_495 = arith.maximumf %add3A_492, %max3A_494 : vector<16xf32>
      %swap3A_496 = arith.index_cast %scan3A_415 : i32 to index
      %swap3A_497 = arith.constant 64 : index
      %swap3A_498 = tpu.vector_load %arg18[%swap3A_496, %swap3A_497] {strides = array<i32>} : memref<40x128xf32, #tpu.memory_space<vmem>>, vector<1x16xf32>,
      %swap3A_499 = vector.shape_cast %swap3A_498 : vector<1x16xf32> to vector<16xf32>
      %swap3A_500 = vector.shape_cast %max3A_495 : vector<16xf32> to vector<1x16xf32>
      tpu.vector_store %arg18[%swap3A_496, %swap3A_497], %swap3A_500 {strides = array<i32>} : memref<40x128xf32, #tpu.memory_space<vmem>>, vector<1x16xf32>,
      %get3A_501 = arith.index_cast %scan3A_415 : i32 to index
      %get3A_502 = arith.constant 80 : index
      %get3A_503 = tpu.vector_load %arg14[%get3A_501, %get3A_502] {strides = array<i32>} : memref<40x128xf32, #tpu.memory_space<vmem>>, vector<1x16xf32>,
      %get3A_504 = vector.shape_cast %get3A_503 : vector<1x16xf32> to vector<16xf32>
      %get3A_505 = arith.index_cast %scan3A_415 : i32 to index
      %get3A_506 = arith.constant 80 : index
      %get3A_507 = tpu.vector_load %arg16[%get3A_505, %get3A_506] {strides = array<i32>} : memref<40x128xf32, #tpu.memory_space<vmem>>, vector<1x16xf32>,
      %get3A_508 = vector.shape_cast %get3A_507 : vector<1x16xf32> to vector<16xf32>
      %add3A_509 = arith.addf %get3A_504, %get3A_508 : vector<16xf32>
      %max3A_510 = arith.constant 0.000000e+00 : f32
      %max3A_511 = vector.broadcast %max3A_510 : f32 to vector<16xf32>
      %max3A_512 = arith.maximumf %add3A_509, %max3A_511 : vector<16xf32>
      %swap3A_513 = arith.index_cast %scan3A_415 : i32 to index
      %swap3A_514 = arith.constant 80 : index
      %swap3A_515 = tpu.vector_load %arg18[%swap3A_513, %swap3A_514] {strides = array<i32>} : memref<40x128xf32, #tpu.memory_space<vmem>>, vector<1x16xf32>,
      %swap3A_516 = vector.shape_cast %swap3A_515 : vector<1x16xf32> to vector<16xf32>
      %swap3A_517 = vector.shape_cast %max3A_512 : vector<16xf32> to vector<1x16xf32>
      tpu.vector_store %arg18[%swap3A_513, %swap3A_514], %swap3A_517 {strides = array<i32>} : memref<40x128xf32, #tpu.memory_space<vmem>>, vector<1x16xf32>,
      %get3A_518 = arith.index_cast %scan3A_415 : i32 to index
      %get3A_519 = arith.constant 96 : index
      %get3A_520 = tpu.vector_load %arg14[%get3A_518, %get3A_519] {strides = array<i32>} : memref<40x128xf32, #tpu.memory_space<vmem>>, vector<1x16xf32>,
      %get3A_521 = vector.shape_cast %get3A_520 : vector<1x16xf32> to vector<16xf32>
      %get3A_522 = arith.index_cast %scan3A_415 : i32 to index
      %get3A_523 = arith.constant 96 : index
      %get3A_524 = tpu.vector_load %arg16[%get3A_522, %get3A_523] {strides = array<i32>} : memref<40x128xf32, #tpu.memory_space<vmem>>, vector<1x16xf32>,
      %get3A_525 = vector.shape_cast %get3A_524 : vector<1x16xf32> to vector<16xf32>
      %add3A_526 = arith.addf %get3A_521, %get3A_525 : vector<16xf32>
      %max3A_527 = arith.constant 0.000000e+00 : f32
      %max3A_528 = vector.broadcast %max3A_527 : f32 to vector<16xf32>
      %max3A_529 = arith.maximumf %add3A_526, %max3A_528 : vector<16xf32>
      %swap3A_530 = arith.index_cast %scan3A_415 : i32 to index
      %swap3A_531 = arith.constant 96 : index
      %swap3A_532 = tpu.vector_load %arg18[%swap3A_530, %swap3A_531] {strides = array<i32>} : memref<40x128xf32, #tpu.memory_space<vmem>>, vector<1x16xf32>,
      %swap3A_533 = vector.shape_cast %swap3A_532 : vector<1x16xf32> to vector<16xf32>
      %swap3A_534 = vector.shape_cast %max3A_529 : vector<16xf32> to vector<1x16xf32>
      tpu.vector_store %arg18[%swap3A_530, %swap3A_531], %swap3A_534 {strides = array<i32>} : memref<40x128xf32, #tpu.memory_space<vmem>>, vector<1x16xf32>,
      %get3A_535 = arith.index_cast %scan3A_415 : i32 to index
      %get3A_536 = arith.constant 112 : index
      %get3A_537 = tpu.vector_load %arg14[%get3A_535, %get3A_536] {strides = array<i32>} : memref<40x128xf32, #tpu.memory_space<vmem>>, vector<1x16xf32>,
      %get3A_538 = vector.shape_cast %get3A_537 : vector<1x16xf32> to vector<16xf32>
      %get3A_539 = arith.index_cast %scan3A_415 : i32 to index
      %get3A_540 = arith.constant 112 : index
      %get3A_541 = tpu.vector_load %arg16[%get3A_539, %get3A_540] {strides = array<i32>} : memref<40x128xf32, #tpu.memory_space<vmem>>, vector<1x16xf32>,
      %get3A_542 = vector.shape_cast %get3A_541 : vector<1x16xf32> to vector<16xf32>
      %add3A_543 = arith.addf %get3A_538, %get3A_542 : vector<16xf32>
      %max3A_544 = arith.constant 0.000000e+00 : f32
      %max3A_545 = vector.broadcast %max3A_544 : f32 to vector<16xf32>
      %max3A_546 = arith.maximumf %add3A_543, %max3A_545 : vector<16xf32>
      %swap3A_547 = arith.index_cast %scan3A_415 : i32 to index
      %swap3A_548 = arith.constant 112 : index
      %swap3A_549 = tpu.vector_load %arg18[%swap3A_547, %swap3A_548] {strides = array<i32>} : memref<40x128xf32, #tpu.memory_space<vmem>>, vector<1x16xf32>,
      %swap3A_550 = vector.shape_cast %swap3A_549 : vector<1x16xf32> to vector<16xf32>
      %swap3A_551 = vector.shape_cast %max3A_546 : vector<16xf32> to vector<1x16xf32>
      tpu.vector_store %arg18[%swap3A_547, %swap3A_548], %swap3A_551 {strides = array<i32>} : memref<40x128xf32, #tpu.memory_space<vmem>>, vector<1x16xf32>,
      %scan3A_552 = arith.constant 2 : i32
      %scan3A_553 = arith.addi %scan3A_278, %scan3A_552 : i32
      %get3A_554 = arith.index_cast %scan3A_553 : i32 to index
      %get3A_555 = arith.constant 0 : index
      %get3A_556 = tpu.vector_load %arg14[%get3A_554, %get3A_555] {strides = array<i32>} : memref<40x128xf32, #tpu.memory_space<vmem>>, vector<1x16xf32>,
      %get3A_557 = vector.shape_cast %get3A_556 : vector<1x16xf32> to vector<16xf32>
      %get3A_558 = arith.index_cast %scan3A_553 : i32 to index
      %get3A_559 = arith.constant 0 : index
      %get3A_560 = tpu.vector_load %arg16[%get3A_558, %get3A_559] {strides = array<i32>} : memref<40x128xf32, #tpu.memory_space<vmem>>, vector<1x16xf32>,
      %get3A_561 = vector.shape_cast %get3A_560 : vector<1x16xf32> to vector<16xf32>
      %add3A_562 = arith.addf %get3A_557, %get3A_561 : vector<16xf32>
      %max3A_563 = arith.constant 0.000000e+00 : f32
      %max3A_564 = vector.broadcast %max3A_563 : f32 to vector<16xf32>
      %max3A_565 = arith.maximumf %add3A_562, %max3A_564 : vector<16xf32>
      %swap3A_566 = arith.index_cast %scan3A_553 : i32 to index
      %swap3A_567 = arith.constant 0 : index
      %swap3A_568 = tpu.vector_load %arg18[%swap3A_566, %swap3A_567] {strides = array<i32>} : memref<40x128xf32, #tpu.memory_space<vmem>>, vector<1x16xf32>,
      %swap3A_569 = vector.shape_cast %swap3A_568 : vector<1x16xf32> to vector<16xf32>
      %swap3A_570 = vector.shape_cast %max3A_565 : vector<16xf32> to vector<1x16xf32>
      tpu.vector_store %arg18[%swap3A_566, %swap3A_567], %swap3A_570 {strides = array<i32>} : memref<40x128xf32, #tpu.memory_space<vmem>>, vector<1x16xf32>,
      %get3A_571 = arith.index_cast %scan3A_553 : i32 to index
      %get3A_572 = arith.constant 16 : index
      %get3A_573 = tpu.vector_load %arg14[%get3A_571, %get3A_572] {strides = array<i32>} : memref<40x128xf32, #tpu.memory_space<vmem>>, vector<1x16xf32>,
      %get3A_574 = vector.shape_cast %get3A_573 : vector<1x16xf32> to vector<16xf32>
      %get3A_575 = arith.index_cast %scan3A_553 : i32 to index
      %get3A_576 = arith.constant 16 : index
      %get3A_577 = tpu.vector_load %arg16[%get3A_575, %get3A_576] {strides = array<i32>} : memref<40x128xf32, #tpu.memory_space<vmem>>, vector<1x16xf32>,
      %get3A_578 = vector.shape_cast %get3A_577 : vector<1x16xf32> to vector<16xf32>
      %add3A_579 = arith.addf %get3A_574, %get3A_578 : vector<16xf32>
      %max3A_580 = arith.constant 0.000000e+00 : f32
      %max3A_581 = vector.broadcast %max3A_580 : f32 to vector<16xf32>
      %max3A_582 = arith.maximumf %add3A_579, %max3A_581 : vector<16xf32>
      %swap3A_583 = arith.index_cast %scan3A_553 : i32 to index
      %swap3A_584 = arith.constant 16 : index
      %swap3A_585 = tpu.vector_load %arg18[%swap3A_583, %swap3A_584] {strides = array<i32>} : memref<40x128xf32, #tpu.memory_space<vmem>>, vector<1x16xf32>,
      %swap3A_586 = vector.shape_cast %swap3A_585 : vector<1x16xf32> to vector<16xf32>
      %swap3A_587 = vector.shape_cast %max3A_582 : vector<16xf32> to vector<1x16xf32>
      tpu.vector_store %arg18[%swap3A_583, %swap3A_584], %swap3A_587 {strides = array<i32>} : memref<40x128xf32, #tpu.memory_space<vmem>>, vector<1x16xf32>,
      %get3A_588 = arith.index_cast %scan3A_553 : i32 to index
      %get3A_589 = arith.constant 32 : index
      %get3A_590 = tpu.vector_load %arg14[%get3A_588, %get3A_589] {strides = array<i32>} : memref<40x128xf32, #tpu.memory_space<vmem>>, vector<1x16xf32>,
      %get3A_591 = vector.shape_cast %get3A_590 : vector<1x16xf32> to vector<16xf32>
      %get3A_592 = arith.index_cast %scan3A_553 : i32 to index
      %get3A_593 = arith.constant 32 : index
      %get3A_594 = tpu.vector_load %arg16[%get3A_592, %get3A_593] {strides = array<i32>} : memref<40x128xf32, #tpu.memory_space<vmem>>, vector<1x16xf32>,
      %get3A_595 = vector.shape_cast %get3A_594 : vector<1x16xf32> to vector<16xf32>
      %add3A_596 = arith.addf %get3A_591, %get3A_595 : vector<16xf32>
      %max3A_597 = arith.constant 0.000000e+00 : f32
      %max3A_598 = vector.broadcast %max3A_597 : f32 to vector<16xf32>
      %max3A_599 = arith.maximumf %add3A_596, %max3A_598 : vector<16xf32>
      %swap3A_600 = arith.index_cast %scan3A_553 : i32 to index
      %swap3A_601 = arith.constant 32 : index
      %swap3A_602 = tpu.vector_load %arg18[%swap3A_600, %swap3A_601] {strides = array<i32>} : memref<40x128xf32, #tpu.memory_space<vmem>>, vector<1x16xf32>,
      %swap3A_603 = vector.shape_cast %swap3A_602 : vector<1x16xf32> to vector<16xf32>
      %swap3A_604 = vector.shape_cast %max3A_599 : vector<16xf32> to vector<1x16xf32>
      tpu.vector_store %arg18[%swap3A_600, %swap3A_601], %swap3A_604 {strides = array<i32>} : memref<40x128xf32, #tpu.memory_space<vmem>>, vector<1x16xf32>,
      %get3A_605 = arith.index_cast %scan3A_553 : i32 to index
      %get3A_606 = arith.constant 48 : index
      %get3A_607 = tpu.vector_load %arg14[%get3A_605, %get3A_606] {strides = array<i32>} : memref<40x128xf32, #tpu.memory_space<vmem>>, vector<1x16xf32>,
      %get3A_608 = vector.shape_cast %get3A_607 : vector<1x16xf32> to vector<16xf32>
      %get3A_609 = arith.index_cast %scan3A_553 : i32 to index
      %get3A_610 = arith.constant 48 : index
      %get3A_611 = tpu.vector_load %arg16[%get3A_609, %get3A_610] {strides = array<i32>} : memref<40x128xf32, #tpu.memory_space<vmem>>, vector<1x16xf32>,
      %get3A_612 = vector.shape_cast %get3A_611 : vector<1x16xf32> to vector<16xf32>
      %add3A_613 = arith.addf %get3A_608, %get3A_612 : vector<16xf32>
      %max3A_614 = arith.constant 0.000000e+00 : f32
      %max3A_615 = vector.broadcast %max3A_614 : f32 to vector<16xf32>
      %max3A_616 = arith.maximumf %add3A_613, %max3A_615 : vector<16xf32>
      %swap3A_617 = arith.index_cast %scan3A_553 : i32 to index
      %swap3A_618 = arith.constant 48 : index
      %swap3A_619 = tpu.vector_load %arg18[%swap3A_617, %swap3A_618] {strides = array<i32>} : memref<40x128xf32, #tpu.memory_space<vmem>>, vector<1x16xf32>,
      %swap3A_620 = vector.shape_cast %swap3A_619 : vector<1x16xf32> to vector<16xf32>
      %swap3A_621 = vector.shape_cast %max3A_616 : vector<16xf32> to vector<1x16xf32>
      tpu.vector_store %arg18[%swap3A_617, %swap3A_618], %swap3A_621 {strides = array<i32>} : memref<40x128xf32, #tpu.memory_space<vmem>>, vector<1x16xf32>,
      %get3A_622 = arith.index_cast %scan3A_553 : i32 to index
      %get3A_623 = arith.constant 64 : index
      %get3A_624 = tpu.vector_load %arg14[%get3A_622, %get3A_623] {strides = array<i32>} : memref<40x128xf32, #tpu.memory_space<vmem>>, vector<1x16xf32>,
      %get3A_625 = vector.shape_cast %get3A_624 : vector<1x16xf32> to vector<16xf32>
      %get3A_626 = arith.index_cast %scan3A_553 : i32 to index
      %get3A_627 = arith.constant 64 : index
      %get3A_628 = tpu.vector_load %arg16[%get3A_626, %get3A_627] {strides = array<i32>} : memref<40x128xf32, #tpu.memory_space<vmem>>, vector<1x16xf32>,
      %get3A_629 = vector.shape_cast %get3A_628 : vector<1x16xf32> to vector<16xf32>
      %add3A_630 = arith.addf %get3A_625, %get3A_629 : vector<16xf32>
      %max3A_631 = arith.constant 0.000000e+00 : f32
      %max3A_632 = vector.broadcast %max3A_631 : f32 to vector<16xf32>
      %max3A_633 = arith.maximumf %add3A_630, %max3A_632 : vector<16xf32>
      %swap3A_634 = arith.index_cast %scan3A_553 : i32 to index
      %swap3A_635 = arith.constant 64 : index
      %swap3A_636 = tpu.vector_load %arg18[%swap3A_634, %swap3A_635] {strides = array<i32>} : memref<40x128xf32, #tpu.memory_space<vmem>>, vector<1x16xf32>,
      %swap3A_637 = vector.shape_cast %swap3A_636 : vector<1x16xf32> to vector<16xf32>
      %swap3A_638 = vector.shape_cast %max3A_633 : vector<16xf32> to vector<1x16xf32>
      tpu.vector_store %arg18[%swap3A_634, %swap3A_635], %swap3A_638 {strides = array<i32>} : memref<40x128xf32, #tpu.memory_space<vmem>>, vector<1x16xf32>,
      %get3A_639 = arith.index_cast %scan3A_553 : i32 to index
      %get3A_640 = arith.constant 80 : index
      %get3A_641 = tpu.vector_load %arg14[%get3A_639, %get3A_640] {strides = array<i32>} : memref<40x128xf32, #tpu.memory_space<vmem>>, vector<1x16xf32>,
      %get3A_642 = vector.shape_cast %get3A_641 : vector<1x16xf32> to vector<16xf32>
      %get3A_643 = arith.index_cast %scan3A_553 : i32 to index
      %get3A_644 = arith.constant 80 : index
      %get3A_645 = tpu.vector_load %arg16[%get3A_643, %get3A_644] {strides = array<i32>} : memref<40x128xf32, #tpu.memory_space<vmem>>, vector<1x16xf32>,
      %get3A_646 = vector.shape_cast %get3A_645 : vector<1x16xf32> to vector<16xf32>
      %add3A_647 = arith.addf %get3A_642, %get3A_646 : vector<16xf32>
      %max3A_648 = arith.constant 0.000000e+00 : f32
      %max3A_649 = vector.broadcast %max3A_648 : f32 to vector<16xf32>
      %max3A_650 = arith.maximumf %add3A_647, %max3A_649 : vector<16xf32>
      %swap3A_651 = arith.index_cast %scan3A_553 : i32 to index
      %swap3A_652 = arith.constant 80 : index
      %swap3A_653 = tpu.vector_load %arg18[%swap3A_651, %swap3A_652] {strides = array<i32>} : memref<40x128xf32, #tpu.memory_space<vmem>>, vector<1x16xf32>,
      %swap3A_654 = vector.shape_cast %swap3A_653 : vector<1x16xf32> to vector<16xf32>
      %swap3A_655 = vector.shape_cast %max3A_650 : vector<16xf32> to vector<1x16xf32>
      tpu.vector_store %arg18[%swap3A_651, %swap3A_652], %swap3A_655 {strides = array<i32>} : memref<40x128xf32, #tpu.memory_space<vmem>>, vector<1x16xf32>,
      %get3A_656 = arith.index_cast %scan3A_553 : i32 to index
      %get3A_657 = arith.constant 96 : index
      %get3A_658 = tpu.vector_load %arg14[%get3A_656, %get3A_657] {strides = array<i32>} : memref<40x128xf32, #tpu.memory_space<vmem>>, vector<1x16xf32>,
      %get3A_659 = vector.shape_cast %get3A_658 : vector<1x16xf32> to vector<16xf32>
      %get3A_660 = arith.index_cast %scan3A_553 : i32 to index
      %get3A_661 = arith.constant 96 : index
      %get3A_662 = tpu.vector_load %arg16[%get3A_660, %get3A_661] {strides = array<i32>} : memref<40x128xf32, #tpu.memory_space<vmem>>, vector<1x16xf32>,
      %get3A_663 = vector.shape_cast %get3A_662 : vector<1x16xf32> to vector<16xf32>
      %add3A_664 = arith.addf %get3A_659, %get3A_663 : vector<16xf32>
      %max3A_665 = arith.constant 0.000000e+00 : f32
      %max3A_666 = vector.broadcast %max3A_665 : f32 to vector<16xf32>
      %max3A_667 = arith.maximumf %add3A_664, %max3A_666 : vector<16xf32>
      %swap3A_668 = arith.index_cast %scan3A_553 : i32 to index
      %swap3A_669 = arith.constant 96 : index
      %swap3A_670 = tpu.vector_load %arg18[%swap3A_668, %swap3A_669] {strides = array<i32>} : memref<40x128xf32, #tpu.memory_space<vmem>>, vector<1x16xf32>,
      %swap3A_671 = vector.shape_cast %swap3A_670 : vector<1x16xf32> to vector<16xf32>
      %swap3A_672 = vector.shape_cast %max3A_667 : vector<16xf32> to vector<1x16xf32>
      tpu.vector_store %arg18[%swap3A_668, %swap3A_669], %swap3A_672 {strides = array<i32>} : memref<40x128xf32, #tpu.memory_space<vmem>>, vector<1x16xf32>,
      %get3A_673 = arith.index_cast %scan3A_553 : i32 to index
      %get3A_674 = arith.constant 112 : index
      %get3A_675 = tpu.vector_load %arg14[%get3A_673, %get3A_674] {strides = array<i32>} : memref<40x128xf32, #tpu.memory_space<vmem>>, vector<1x16xf32>,
      %get3A_676 = vector.shape_cast %get3A_675 : vector<1x16xf32> to vector<16xf32>
      %get3A_677 = arith.index_cast %scan3A_553 : i32 to index
      %get3A_678 = arith.constant 112 : index
      %get3A_679 = tpu.vector_load %arg16[%get3A_677, %get3A_678] {strides = array<i32>} : memref<40x128xf32, #tpu.memory_space<vmem>>, vector<1x16xf32>,
      %get3A_680 = vector.shape_cast %get3A_679 : vector<1x16xf32> to vector<16xf32>
      %add3A_681 = arith.addf %get3A_676, %get3A_680 : vector<16xf32>
      %max3A_682 = arith.constant 0.000000e+00 : f32
      %max3A_683 = vector.broadcast %max3A_682 : f32 to vector<16xf32>
      %max3A_684 = arith.maximumf %add3A_681, %max3A_683 : vector<16xf32>
      %swap3A_685 = arith.index_cast %scan3A_553 : i32 to index
      %swap3A_686 = arith.constant 112 : index
      %swap3A_687 = tpu.vector_load %arg18[%swap3A_685, %swap3A_686] {strides = array<i32>} : memref<40x128xf32, #tpu.memory_space<vmem>>, vector<1x16xf32>,
      %swap3A_688 = vector.shape_cast %swap3A_687 : vector<1x16xf32> to vector<16xf32>
      %swap3A_689 = vector.shape_cast %max3A_684 : vector<16xf32> to vector<1x16xf32>
      tpu.vector_store %arg18[%swap3A_685, %swap3A_686], %swap3A_689 {strides = array<i32>} : memref<40x128xf32, #tpu.memory_space<vmem>>, vector<1x16xf32>,
      %scan3A_690 = arith.constant 3 : i32
      %scan3A_691 = arith.addi %scan3A_278, %scan3A_690 : i32
      %get3A_692 = arith.index_cast %scan3A_691 : i32 to index
      %get3A_693 = arith.constant 0 : index
      %get3A_694 = tpu.vector_load %arg14[%get3A_692, %get3A_693] {strides = array<i32>} : memref<40x128xf32, #tpu.memory_space<vmem>>, vector<1x16xf32>,
      %get3A_695 = vector.shape_cast %get3A_694 : vector<1x16xf32> to vector<16xf32>
      %get3A_696 = arith.index_cast %scan3A_691 : i32 to index
      %get3A_697 = arith.constant 0 : index
      %get3A_698 = tpu.vector_load %arg16[%get3A_696, %get3A_697] {strides = array<i32>} : memref<40x128xf32, #tpu.memory_space<vmem>>, vector<1x16xf32>,
      %get3A_699 = vector.shape_cast %get3A_698 : vector<1x16xf32> to vector<16xf32>
      %add3A_700 = arith.addf %get3A_695, %get3A_699 : vector<16xf32>
      %max3A_701 = arith.constant 0.000000e+00 : f32
      %max3A_702 = vector.broadcast %max3A_701 : f32 to vector<16xf32>
      %max3A_703 = arith.maximumf %add3A_700, %max3A_702 : vector<16xf32>
      %swap3A_704 = arith.index_cast %scan3A_691 : i32 to index
      %swap3A_705 = arith.constant 0 : index
      %swap3A_706 = tpu.vector_load %arg18[%swap3A_704, %swap3A_705] {strides = array<i32>} : memref<40x128xf32, #tpu.memory_space<vmem>>, vector<1x16xf32>,
      %swap3A_707 = vector.shape_cast %swap3A_706 : vector<1x16xf32> to vector<16xf32>
      %swap3A_708 = vector.shape_cast %max3A_703 : vector<16xf32> to vector<1x16xf32>
      tpu.vector_store %arg18[%swap3A_704, %swap3A_705], %swap3A_708 {strides = array<i32>} : memref<40x128xf32, #tpu.memory_space<vmem>>, vector<1x16xf32>,
      %get3A_709 = arith.index_cast %scan3A_691 : i32 to index
      %get3A_710 = arith.constant 16 : index
      %get3A_711 = tpu.vector_load %arg14[%get3A_709, %get3A_710] {strides = array<i32>} : memref<40x128xf32, #tpu.memory_space<vmem>>, vector<1x16xf32>,
      %get3A_712 = vector.shape_cast %get3A_711 : vector<1x16xf32> to vector<16xf32>
      %get3A_713 = arith.index_cast %scan3A_691 : i32 to index
      %get3A_714 = arith.constant 16 : index
      %get3A_715 = tpu.vector_load %arg16[%get3A_713, %get3A_714] {strides = array<i32>} : memref<40x128xf32, #tpu.memory_space<vmem>>, vector<1x16xf32>,
      %get3A_716 = vector.shape_cast %get3A_715 : vector<1x16xf32> to vector<16xf32>
      %add3A_717 = arith.addf %get3A_712, %get3A_716 : vector<16xf32>
      %max3A_718 = arith.constant 0.000000e+00 : f32
      %max3A_719 = vector.broadcast %max3A_718 : f32 to vector<16xf32>
      %max3A_720 = arith.maximumf %add3A_717, %max3A_719 : vector<16xf32>
      %swap3A_721 = arith.index_cast %scan3A_691 : i32 to index
      %swap3A_722 = arith.constant 16 : index
      %swap3A_723 = tpu.vector_load %arg18[%swap3A_721, %swap3A_722] {strides = array<i32>} : memref<40x128xf32, #tpu.memory_space<vmem>>, vector<1x16xf32>,
      %swap3A_724 = vector.shape_cast %swap3A_723 : vector<1x16xf32> to vector<16xf32>
      %swap3A_725 = vector.shape_cast %max3A_720 : vector<16xf32> to vector<1x16xf32>
      tpu.vector_store %arg18[%swap3A_721, %swap3A_722], %swap3A_725 {strides = array<i32>} : memref<40x128xf32, #tpu.memory_space<vmem>>, vector<1x16xf32>,
      %get3A_726 = arith.index_cast %scan3A_691 : i32 to index
      %get3A_727 = arith.constant 32 : index
      %get3A_728 = tpu.vector_load %arg14[%get3A_726, %get3A_727] {strides = array<i32>} : memref<40x128xf32, #tpu.memory_space<vmem>>, vector<1x16xf32>,
      %get3A_729 = vector.shape_cast %get3A_728 : vector<1x16xf32> to vector<16xf32>
      %get3A_730 = arith.index_cast %scan3A_691 : i32 to index
      %get3A_731 = arith.constant 32 : index
      %get3A_732 = tpu.vector_load %arg16[%get3A_730, %get3A_731] {strides = array<i32>} : memref<40x128xf32, #tpu.memory_space<vmem>>, vector<1x16xf32>,
      %get3A_733 = vector.shape_cast %get3A_732 : vector<1x16xf32> to vector<16xf32>
      %add3A_734 = arith.addf %get3A_729, %get3A_733 : vector<16xf32>
      %max3A_735 = arith.constant 0.000000e+00 : f32
      %max3A_736 = vector.broadcast %max3A_735 : f32 to vector<16xf32>
      %max3A_737 = arith.maximumf %add3A_734, %max3A_736 : vector<16xf32>
      %swap3A_738 = arith.index_cast %scan3A_691 : i32 to index
      %swap3A_739 = arith.constant 32 : index
      %swap3A_740 = tpu.vector_load %arg18[%swap3A_738, %swap3A_739] {strides = array<i32>} : memref<40x128xf32, #tpu.memory_space<vmem>>, vector<1x16xf32>,
      %swap3A_741 = vector.shape_cast %swap3A_740 : vector<1x16xf32> to vector<16xf32>
      %swap3A_742 = vector.shape_cast %max3A_737 : vector<16xf32> to vector<1x16xf32>
      tpu.vector_store %arg18[%swap3A_738, %swap3A_739], %swap3A_742 {strides = array<i32>} : memref<40x128xf32, #tpu.memory_space<vmem>>, vector<1x16xf32>,
      %get3A_743 = arith.index_cast %scan3A_691 : i32 to index
      %get3A_744 = arith.constant 48 : index
      %get3A_745 = tpu.vector_load %arg14[%get3A_743, %get3A_744] {strides = array<i32>} : memref<40x128xf32, #tpu.memory_space<vmem>>, vector<1x16xf32>,
      %get3A_746 = vector.shape_cast %get3A_745 : vector<1x16xf32> to vector<16xf32>
      %get3A_747 = arith.index_cast %scan3A_691 : i32 to index
      %get3A_748 = arith.constant 48 : index
      %get3A_749 = tpu.vector_load %arg16[%get3A_747, %get3A_748] {strides = array<i32>} : memref<40x128xf32, #tpu.memory_space<vmem>>, vector<1x16xf32>,
      %get3A_750 = vector.shape_cast %get3A_749 : vector<1x16xf32> to vector<16xf32>
      %add3A_751 = arith.addf %get3A_746, %get3A_750 : vector<16xf32>
      %max3A_752 = arith.constant 0.000000e+00 : f32
      %max3A_753 = vector.broadcast %max3A_752 : f32 to vector<16xf32>
      %max3A_754 = arith.maximumf %add3A_751, %max3A_753 : vector<16xf32>
      %swap3A_755 = arith.index_cast %scan3A_691 : i32 to index
      %swap3A_756 = arith.constant 48 : index
      %swap3A_757 = tpu.vector_load %arg18[%swap3A_755, %swap3A_756] {strides = array<i32>} : memref<40x128xf32, #tpu.memory_space<vmem>>, vector<1x16xf32>,
      %swap3A_758 = vector.shape_cast %swap3A_757 : vector<1x16xf32> to vector<16xf32>
      %swap3A_759 = vector.shape_cast %max3A_754 : vector<16xf32> to vector<1x16xf32>
      tpu.vector_store %arg18[%swap3A_755, %swap3A_756], %swap3A_759 {strides = array<i32>} : memref<40x128xf32, #tpu.memory_space<vmem>>, vector<1x16xf32>,
      %get3A_760 = arith.index_cast %scan3A_691 : i32 to index
      %get3A_761 = arith.constant 64 : index
      %get3A_762 = tpu.vector_load %arg14[%get3A_760, %get3A_761] {strides = array<i32>} : memref<40x128xf32, #tpu.memory_space<vmem>>, vector<1x16xf32>,
      %get3A_763 = vector.shape_cast %get3A_762 : vector<1x16xf32> to vector<16xf32>
      %get3A_764 = arith.index_cast %scan3A_691 : i32 to index
      %get3A_765 = arith.constant 64 : index
      %get3A_766 = tpu.vector_load %arg16[%get3A_764, %get3A_765] {strides = array<i32>} : memref<40x128xf32, #tpu.memory_space<vmem>>, vector<1x16xf32>,
      %get3A_767 = vector.shape_cast %get3A_766 : vector<1x16xf32> to vector<16xf32>
      %add3A_768 = arith.addf %get3A_763, %get3A_767 : vector<16xf32>
      %max3A_769 = arith.constant 0.000000e+00 : f32
      %max3A_770 = vector.broadcast %max3A_769 : f32 to vector<16xf32>
      %max3A_771 = arith.maximumf %add3A_768, %max3A_770 : vector<16xf32>
      %swap3A_772 = arith.index_cast %scan3A_691 : i32 to index
      %swap3A_773 = arith.constant 64 : index
      %swap3A_774 = tpu.vector_load %arg18[%swap3A_772, %swap3A_773] {strides = array<i32>} : memref<40x128xf32, #tpu.memory_space<vmem>>, vector<1x16xf32>,
      %swap3A_775 = vector.shape_cast %swap3A_774 : vector<1x16xf32> to vector<16xf32>
      %swap3A_776 = vector.shape_cast %max3A_771 : vector<16xf32> to vector<1x16xf32>
      tpu.vector_store %arg18[%swap3A_772, %swap3A_773], %swap3A_776 {strides = array<i32>} : memref<40x128xf32, #tpu.memory_space<vmem>>, vector<1x16xf32>,
      %get3A_777 = arith.index_cast %scan3A_691 : i32 to index
      %get3A_778 = arith.constant 80 : index
      %get3A_779 = tpu.vector_load %arg14[%get3A_777, %get3A_778] {strides = array<i32>} : memref<40x128xf32, #tpu.memory_space<vmem>>, vector<1x16xf32>,
      %get3A_780 = vector.shape_cast %get3A_779 : vector<1x16xf32> to vector<16xf32>
      %get3A_781 = arith.index_cast %scan3A_691 : i32 to index
      %get3A_782 = arith.constant 80 : index
      %get3A_783 = tpu.vector_load %arg16[%get3A_781, %get3A_782] {strides = array<i32>} : memref<40x128xf32, #tpu.memory_space<vmem>>, vector<1x16xf32>,
      %get3A_784 = vector.shape_cast %get3A_783 : vector<1x16xf32> to vector<16xf32>
      %add3A_785 = arith.addf %get3A_780, %get3A_784 : vector<16xf32>
      %max3A_786 = arith.constant 0.000000e+00 : f32
      %max3A_787 = vector.broadcast %max3A_786 : f32 to vector<16xf32>
      %max3A_788 = arith.maximumf %add3A_785, %max3A_787 : vector<16xf32>
      %swap3A_789 = arith.index_cast %scan3A_691 : i32 to index
      %swap3A_790 = arith.constant 80 : index
      %swap3A_791 = tpu.vector_load %arg18[%swap3A_789, %swap3A_790] {strides = array<i32>} : memref<40x128xf32, #tpu.memory_space<vmem>>, vector<1x16xf32>,
      %swap3A_792 = vector.shape_cast %swap3A_791 : vector<1x16xf32> to vector<16xf32>
      %swap3A_793 = vector.shape_cast %max3A_788 : vector<16xf32> to vector<1x16xf32>
      tpu.vector_store %arg18[%swap3A_789, %swap3A_790], %swap3A_793 {strides = array<i32>} : memref<40x128xf32, #tpu.memory_space<vmem>>, vector<1x16xf32>,
      %get3A_794 = arith.index_cast %scan3A_691 : i32 to index
      %get3A_795 = arith.constant 96 : index
      %get3A_796 = tpu.vector_load %arg14[%get3A_794, %get3A_795] {strides = array<i32>} : memref<40x128xf32, #tpu.memory_space<vmem>>, vector<1x16xf32>,
      %get3A_797 = vector.shape_cast %get3A_796 : vector<1x16xf32> to vector<16xf32>
      %get3A_798 = arith.index_cast %scan3A_691 : i32 to index
      %get3A_799 = arith.constant 96 : index
      %get3A_800 = tpu.vector_load %arg16[%get3A_798, %get3A_799] {strides = array<i32>} : memref<40x128xf32, #tpu.memory_space<vmem>>, vector<1x16xf32>,
      %get3A_801 = vector.shape_cast %get3A_800 : vector<1x16xf32> to vector<16xf32>
      %add3A_802 = arith.addf %get3A_797, %get3A_801 : vector<16xf32>
      %max3A_803 = arith.constant 0.000000e+00 : f32
      %max3A_804 = vector.broadcast %max3A_803 : f32 to vector<16xf32>
      %max3A_805 = arith.maximumf %add3A_802, %max3A_804 : vector<16xf32>
      %swap3A_806 = arith.index_cast %scan3A_691 : i32 to index
      %swap3A_807 = arith.constant 96 : index
      %swap3A_808 = tpu.vector_load %arg18[%swap3A_806, %swap3A_807] {strides = array<i32>} : memref<40x128xf32, #tpu.memory_space<vmem>>, vector<1x16xf32>,
      %swap3A_809 = vector.shape_cast %swap3A_808 : vector<1x16xf32> to vector<16xf32>
      %swap3A_810 = vector.shape_cast %max3A_805 : vector<16xf32> to vector<1x16xf32>
      tpu.vector_store %arg18[%swap3A_806, %swap3A_807], %swap3A_810 {strides = array<i32>} : memref<40x128xf32, #tpu.memory_space<vmem>>, vector<1x16xf32>,
      %get3A_811 = arith.index_cast %scan3A_691 : i32 to index
      %get3A_812 = arith.constant 112 : index
      %get3A_813 = tpu.vector_load %arg14[%get3A_811, %get3A_812] {strides = array<i32>} : memref<40x128xf32, #tpu.memory_space<vmem>>, vector<1x16xf32>,
      %get3A_814 = vector.shape_cast %get3A_813 : vector<1x16xf32> to vector<16xf32>
      %get3A_815 = arith.index_cast %scan3A_691 : i32 to index
      %get3A_816 = arith.constant 112 : index
      %get3A_817 = tpu.vector_load %arg16[%get3A_815, %get3A_816] {strides = array<i32>} : memref<40x128xf32, #tpu.memory_space<vmem>>, vector<1x16xf32>,
      %get3A_818 = vector.shape_cast %get3A_817 : vector<1x16xf32> to vector<16xf32>
      %add3A_819 = arith.addf %get3A_814, %get3A_818 : vector<16xf32>
      %max3A_820 = arith.constant 0.000000e+00 : f32
      %max3A_821 = vector.broadcast %max3A_820 : f32 to vector<16xf32>
      %max3A_822 = arith.maximumf %add3A_819, %max3A_821 : vector<16xf32>
      %swap3A_823 = arith.index_cast %scan3A_691 : i32 to index
      %swap3A_824 = arith.constant 112 : index
      %swap3A_825 = tpu.vector_load %arg18[%swap3A_823, %swap3A_824] {strides = array<i32>} : memref<40x128xf32, #tpu.memory_space<vmem>>, vector<1x16xf32>,
      %swap3A_826 = vector.shape_cast %swap3A_825 : vector<1x16xf32> to vector<16xf32>
      %swap3A_827 = vector.shape_cast %max3A_822 : vector<16xf32> to vector<1x16xf32>
      tpu.vector_store %arg18[%swap3A_823, %swap3A_824], %swap3A_827 {strides = array<i32>} : memref<40x128xf32, #tpu.memory_space<vmem>>, vector<1x16xf32>,
    }
    %scan3A_76 = arith.constant 40 : i32
    %dma_start3A_77 = arith.constant 0 : i32
    %dma_start3A_78 = arith.constant 0 : i32
    %dma_start3A_79 = tpu.memref_slice %arg8[%dma_start3A_77, %dma_start3A_78] : memref<10112x128xf32, #tpu.memory_space<vmem_shared>> -> memref<10112x128xf32, #tpu.memory_space<vmem_shared>>
    tpu.enqueue_indirect_dma source(%arg18 : memref<40x128xf32, #tpu.memory_space<vmem>>) target(%dma_start3A_79 : memref<10112x128xf32, #tpu.memory_space<vmem_shared>>) offsets(%arg12 : memref<40xi32, #tpu.memory_space<vmem>>) semaphore(%arg26 : memref<!tpu.dma_semaphore, #tpu.memory_space<semaphore_mem>>) {add = true}
    %add3A_80 = arith.addi %mul3A_6, %mul3A_4 : i32
    %add3A_81 = arith.constant 80 : i32
    %add3A_82 = arith.addi %add3A_80, %add3A_81 : i32
    %dma_start3A_83 = arith.constant 0 : i32
    %dma_start3A_84 = tpu.memref_slice %arg5[%add3A_82, %dma_start3A_83] : memref<320000x128xf32, #tpu.memory_space<hbm>> -> memref<40x128xf32, #tpu.memory_space<hbm>>
    %dma_start3A_85 = arith.constant 0 : i32
    %dma_start3A_86 = tpu.memref_slice %arg5[%add3A_82, %dma_start3A_85] : memref<320000x128xf32, #tpu.memory_space<hbm>> -> memref<40x128xf32, #tpu.memory_space<hbm>>
    tpu.enqueue_dma source(%dma_start3A_86 : memref<40x128xf32, #tpu.memory_space<hbm>>) target(%arg14 : memref<40x128xf32, #tpu.memory_space<vmem>>) target_semaphore(%arg20 : memref<!tpu.dma_semaphore, #tpu.memory_space<semaphore_mem>>)
    %dma_start3A_87 = arith.constant 80 : i32
    %dma_start3A_88 = tpu.memref_slice %arg9[%dma_start3A_87] : memref<10000xi32, #tpu.memory_space<vmem>> -> memref<40xi32, #tpu.memory_space<vmem>>
    %dma_start3A_89 = arith.constant 0 : i32
    %dma_start3A_90 = arith.constant 0 : i32
    %dma_start3A_91 = tpu.memref_slice %arg2[%dma_start3A_89, %dma_start3A_90] : memref<20000x128xf32, #tpu.memory_space<hbm>> -> memref<20000x128xf32, #tpu.memory_space<hbm>>
    tpu.enqueue_indirect_dma source(%dma_start3A_91 : memref<20000x128xf32, #tpu.memory_space<hbm>>) target(%arg16 : memref<40x128xf32, #tpu.memory_space<vmem>>) offsets(%dma_start3A_88 : memref<40xi32, #tpu.memory_space<vmem>>) semaphore(%arg22 : memref<!tpu.dma_semaphore, #tpu.memory_space<semaphore_mem>>)
    %add3A_92 = arith.constant 80 : i32
    %add3A_93 = arith.addi %mul3A_4, %add3A_92 : i32
    %dma_start3A_94 = tpu.memref_slice %arg4[%add3A_93] : memref<160000xi32, #tpu.memory_space<hbm>> -> memref<40xi32, #tpu.memory_space<hbm>>
    %dma_start3A_95 = tpu.memref_slice %arg4[%add3A_93] : memref<160000xi32, #tpu.memory_space<hbm>> -> memref<40xi32, #tpu.memory_space<hbm>>
    tpu.enqueue_dma source(%dma_start3A_95 : memref<40xi32, #tpu.memory_space<hbm>>) target(%arg10 : memref<40xi32, #tpu.memory_space<vmem>>) target_semaphore(%arg24 : memref<!tpu.dma_semaphore, #tpu.memory_space<semaphore_mem>>)
    %add3A_96 = arith.addi %mul3A_6, %mul3A_4 : i32
    %add3A_97 = arith.constant 40 : i32
    %add3A_98 = arith.addi %add3A_96, %add3A_97 : i32
    %dma_wait3A_99 = arith.constant 0 : i32
    %dma_wait3A_100 = tpu.memref_slice %arg5[%add3A_98, %dma_wait3A_99] : memref<320000x128xf32, #tpu.memory_space<hbm>> -> memref<40x128xf32, #tpu.memory_space<hbm>>
    %dma_wait3A_101 = arith.constant 0 : i32
    %dma_wait3A_102 = tpu.memref_slice %arg5[%add3A_98, %dma_wait3A_101] : memref<320000x128xf32, #tpu.memory_space<hbm>> -> memref<40x128xf32, #tpu.memory_space<hbm>>
    tpu.wait_dma2 semaphore(%arg21 : memref<!tpu.dma_semaphore, #tpu.memory_space<semaphore_mem>>) src(%dma_wait3A_102 : memref<40x128xf32, #tpu.memory_space<hbm>>) dst(%arg15 : memref<40x128xf32, #tpu.memory_space<vmem>>)
    %dma_wait3A_103 = arith.constant 40 : i32
    %dma_wait3A_104 = tpu.memref_slice %arg9[%dma_wait3A_103] : memref<10000xi32, #tpu.memory_space<vmem>> -> memref<40xi32, #tpu.memory_space<vmem>>
    %dma_wait3A_105 = arith.constant 0 : i32
    %dma_wait3A_106 = arith.constant 0 : i32
    %dma_wait3A_107 = tpu.memref_slice %arg2[%dma_wait3A_105, %dma_wait3A_106] : memref<20000x128xf32, #tpu.memory_space<hbm>> -> memref<20000x128xf32, #tpu.memory_space<hbm>>
    tpu.wait_indirect_dma semaphore(%arg23 : memref<!tpu.dma_semaphore, #tpu.memory_space<semaphore_mem>>) src(%dma_wait3A_107 : memref<20000x128xf32, #tpu.memory_space<hbm>>) dst(%arg17 : memref<40x128xf32, #tpu.memory_space<vmem>>)
    %add3A_108 = arith.constant 40 : i32
    %add3A_109 = arith.addi %mul3A_4, %add3A_108 : i32
    %dma_wait3A_110 = tpu.memref_slice %arg4[%add3A_109] : memref<160000xi32, #tpu.memory_space<hbm>> -> memref<40xi32, #tpu.memory_space<hbm>>
    %dma_wait3A_111 = tpu.memref_slice %arg4[%add3A_109] : memref<160000xi32, #tpu.memory_space<hbm>> -> memref<40xi32, #tpu.memory_space<hbm>>
    tpu.wait_dma2 semaphore(%arg25 : memref<!tpu.dma_semaphore, #tpu.memory_space<semaphore_mem>>) src(%dma_wait3A_111 : memref<40xi32, #tpu.memory_space<hbm>>) dst(%arg11 : memref<40xi32, #tpu.memory_space<vmem>>)
    %get3A_112 = arith.constant 0 : index
    %get3A_113 = tpu.vector_load %arg11[%get3A_112] {strides = array<i32>} : memref<40xi32, #tpu.memory_space<vmem>>, vector<16xi32>,
    %get3A_114 = vector.shape_cast %get3A_113 : vector<16xi32> to vector<16xi32>
    %swap3A_115 = arith.constant 0 : index
    %swap3A_116 = tpu.vector_load %arg13[%swap3A_115] {strides = array<i32>} : memref<40xi32, #tpu.memory_space<vmem>>, vector<16xi32>,
    %swap3A_117 = vector.shape_cast %swap3A_116 : vector<16xi32> to vector<16xi32>
    %swap3A_118 = vector.shape_cast %get3A_114 : vector<16xi32> to vector<16xi32>
    tpu.vector_store %arg13[%swap3A_115], %swap3A_118 {strides = array<i32>} : memref<40xi32, #tpu.memory_space<vmem>>, vector<16xi32>,
    %get3A_119 = arith.constant 16 : index
    %get3A_120 = tpu.vector_load %arg11[%get3A_119] {strides = array<i32>} : memref<40xi32, #tpu.memory_space<vmem>>, vector<16xi32>,
    %get3A_121 = vector.shape_cast %get3A_120 : vector<16xi32> to vector<16xi32>
    %swap3A_122 = arith.constant 16 : index
    %swap3A_123 = tpu.vector_load %arg13[%swap3A_122] {strides = array<i32>} : memref<40xi32, #tpu.memory_space<vmem>>, vector<16xi32>,
    %swap3A_124 = vector.shape_cast %swap3A_123 : vector<16xi32> to vector<16xi32>
    %swap3A_125 = vector.shape_cast %get3A_121 : vector<16xi32> to vector<16xi32>
    tpu.vector_store %arg13[%swap3A_122], %swap3A_125 {strides = array<i32>} : memref<40xi32, #tpu.memory_space<vmem>>, vector<16xi32>,
    %get3A_126 = arith.constant 24 : index
    %get3A_127 = tpu.vector_load %arg11[%get3A_126] {strides = array<i32>} : memref<40xi32, #tpu.memory_space<vmem>>, vector<16xi32>,
    %get3A_128 = vector.shape_cast %get3A_127 : vector<16xi32> to vector<16xi32>
    %swap3A_129 = arith.constant 24 : index
    %swap3A_130 = tpu.vector_load %arg13[%swap3A_129] {strides = array<i32>} : memref<40xi32, #tpu.memory_space<vmem>>, vector<16xi32>,
    %swap3A_131 = vector.shape_cast %swap3A_130 : vector<16xi32> to vector<16xi32>
    %swap3A_132 = vector.shape_cast %get3A_128 : vector<16xi32> to vector<16xi32>
    tpu.vector_store %arg13[%swap3A_129], %swap3A_132 {strides = array<i32>} : memref<40xi32, #tpu.memory_space<vmem>>, vector<16xi32>,
    %scan3A_133 = arith.constant 0 : i32
    %scan3A_134 = arith.constant 0 : i32
    %scan3A_135 = arith.constant 40 : i32
    %scan3A_136 = arith.addi %scan3A_134, %scan3A_135 : i32
    %scan3A_137 = arith.constant 4 : i32
    scf.for %scan3A_278 = %scan3A_134 to %scan3A_136 step %scan3A_137  : i32 {
      %get3A_279 = arith.index_cast %scan3A_278 : i32 to index
      %get3A_280 = arith.constant 0 : index
      %get3A_281 = tpu.vector_load %arg15[%get3A_279, %get3A_280] {strides = array<i32>} : memref<40x128xf32, #tpu.memory_space<vmem>>, vector<1x16xf32>,
      %get3A_282 = vector.shape_cast %get3A_281 : vector<1x16xf32> to vector<16xf32>
      %get3A_283 = arith.index_cast %scan3A_278 : i32 to index
      %get3A_284 = arith.constant 0 : index
      %get3A_285 = tpu.vector_load %arg17[%get3A_283, %get3A_284] {strides = array<i32>} : memref<40x128xf32, #tpu.memory_space<vmem>>, vector<1x16xf32>,
      %get3A_286 = vector.shape_cast %get3A_285 : vector<1x16xf32> to vector<16xf32>
      %add3A_287 = arith.addf %get3A_282, %get3A_286 : vector<16xf32>
      %max3A = arith.constant 0.000000e+00 : f32
      %max3A_288 = vector.broadcast %max3A : f32 to vector<16xf32>
      %max3A_289 = arith.maximumf %add3A_287, %max3A_288 : vector<16xf32>
      %swap3A_290 = arith.index_cast %scan3A_278 : i32 to index
      %swap3A_291 = arith.constant 0 : index
      %swap3A_292 = tpu.vector_load %arg19[%swap3A_290, %swap3A_291] {strides = array<i32>} : memref<40x128xf32, #tpu.memory_space<vmem>>, vector<1x16xf32>,
      %swap3A_293 = vector.shape_cast %swap3A_292 : vector<1x16xf32> to vector<16xf32>
      %swap3A_294 = vector.shape_cast %max3A_289 : vector<16xf32> to vector<1x16xf32>
      tpu.vector_store %arg19[%swap3A_290, %swap3A_291], %swap3A_294 {strides = array<i32>} : memref<40x128xf32, #tpu.memory_space<vmem>>, vector<1x16xf32>,
      %get3A_295 = arith.index_cast %scan3A_278 : i32 to index
      %get3A_296 = arith.constant 16 : index
      %get3A_297 = tpu.vector_load %arg15[%get3A_295, %get3A_296] {strides = array<i32>} : memref<40x128xf32, #tpu.memory_space<vmem>>, vector<1x16xf32>,
      %get3A_298 = vector.shape_cast %get3A_297 : vector<1x16xf32> to vector<16xf32>
      %get3A_299 = arith.index_cast %scan3A_278 : i32 to index
      %get3A_300 = arith.constant 16 : index
      %get3A_301 = tpu.vector_load %arg17[%get3A_299, %get3A_300] {strides = array<i32>} : memref<40x128xf32, #tpu.memory_space<vmem>>, vector<1x16xf32>,
      %get3A_302 = vector.shape_cast %get3A_301 : vector<1x16xf32> to vector<16xf32>
      %add3A_303 = arith.addf %get3A_298, %get3A_302 : vector<16xf32>
      %max3A_304 = arith.constant 0.000000e+00 : f32
      %max3A_305 = vector.broadcast %max3A_304 : f32 to vector<16xf32>
      %max3A_306 = arith.maximumf %add3A_303, %max3A_305 : vector<16xf32>
      %swap3A_307 = arith.index_cast %scan3A_278 : i32 to index
      %swap3A_308 = arith.constant 16 : index
      %swap3A_309 = tpu.vector_load %arg19[%swap3A_307, %swap3A_308] {strides = array<i32>} : memref<40x128xf32, #tpu.memory_space<vmem>>, vector<1x16xf32>,
      %swap3A_310 = vector.shape_cast %swap3A_309 : vector<1x16xf32> to vector<16xf32>
      %swap3A_311 = vector.shape_cast %max3A_306 : vector<16xf32> to vector<1x16xf32>
      tpu.vector_store %arg19[%swap3A_307, %swap3A_308], %swap3A_311 {strides = array<i32>} : memref<40x128xf32, #tpu.memory_space<vmem>>, vector<1x16xf32>,
      %get3A_312 = arith.index_cast %scan3A_278 : i32 to index
      %get3A_313 = arith.constant 32 : index
      %get3A_314 = tpu.vector_load %arg15[%get3A_312, %get3A_313] {strides = array<i32>} : memref<40x128xf32, #tpu.memory_space<vmem>>, vector<1x16xf32>,
      %get3A_315 = vector.shape_cast %get3A_314 : vector<1x16xf32> to vector<16xf32>
      %get3A_316 = arith.index_cast %scan3A_278 : i32 to index
      %get3A_317 = arith.constant 32 : index
      %get3A_318 = tpu.vector_load %arg17[%get3A_316, %get3A_317] {strides = array<i32>} : memref<40x128xf32, #tpu.memory_space<vmem>>, vector<1x16xf32>,
      %get3A_319 = vector.shape_cast %get3A_318 : vector<1x16xf32> to vector<16xf32>
      %add3A_320 = arith.addf %get3A_315, %get3A_319 : vector<16xf32>
      %max3A_321 = arith.constant 0.000000e+00 : f32
      %max3A_322 = vector.broadcast %max3A_321 : f32 to vector<16xf32>
      %max3A_323 = arith.maximumf %add3A_320, %max3A_322 : vector<16xf32>
      %swap3A_324 = arith.index_cast %scan3A_278 : i32 to index
      %swap3A_325 = arith.constant 32 : index
      %swap3A_326 = tpu.vector_load %arg19[%swap3A_324, %swap3A_325] {strides = array<i32>} : memref<40x128xf32, #tpu.memory_space<vmem>>, vector<1x16xf32>,
      %swap3A_327 = vector.shape_cast %swap3A_326 : vector<1x16xf32> to vector<16xf32>
      %swap3A_328 = vector.shape_cast %max3A_323 : vector<16xf32> to vector<1x16xf32>
      tpu.vector_store %arg19[%swap3A_324, %swap3A_325], %swap3A_328 {strides = array<i32>} : memref<40x128xf32, #tpu.memory_space<vmem>>, vector<1x16xf32>,
      %get3A_329 = arith.index_cast %scan3A_278 : i32 to index
      %get3A_330 = arith.constant 48 : index
      %get3A_331 = tpu.vector_load %arg15[%get3A_329, %get3A_330] {strides = array<i32>} : memref<40x128xf32, #tpu.memory_space<vmem>>, vector<1x16xf32>,
      %get3A_332 = vector.shape_cast %get3A_331 : vector<1x16xf32> to vector<16xf32>
      %get3A_333 = arith.index_cast %scan3A_278 : i32 to index
      %get3A_334 = arith.constant 48 : index
      %get3A_335 = tpu.vector_load %arg17[%get3A_333, %get3A_334] {strides = array<i32>} : memref<40x128xf32, #tpu.memory_space<vmem>>, vector<1x16xf32>,
      %get3A_336 = vector.shape_cast %get3A_335 : vector<1x16xf32> to vector<16xf32>
      %add3A_337 = arith.addf %get3A_332, %get3A_336 : vector<16xf32>
      %max3A_338 = arith.constant 0.000000e+00 : f32
      %max3A_339 = vector.broadcast %max3A_338 : f32 to vector<16xf32>
      %max3A_340 = arith.maximumf %add3A_337, %max3A_339 : vector<16xf32>
      %swap3A_341 = arith.index_cast %scan3A_278 : i32 to index
      %swap3A_342 = arith.constant 48 : index
      %swap3A_343 = tpu.vector_load %arg19[%swap3A_341, %swap3A_342] {strides = array<i32>} : memref<40x128xf32, #tpu.memory_space<vmem>>, vector<1x16xf32>,
      %swap3A_344 = vector.shape_cast %swap3A_343 : vector<1x16xf32> to vector<16xf32>
      %swap3A_345 = vector.shape_cast %max3A_340 : vector<16xf32> to vector<1x16xf32>
      tpu.vector_store %arg19[%swap3A_341, %swap3A_342], %swap3A_345 {strides = array<i32>} : memref<40x128xf32, #tpu.memory_space<vmem>>, vector<1x16xf32>,
      %get3A_346 = arith.index_cast %scan3A_278 : i32 to index
      %get3A_347 = arith.constant 64 : index
      %get3A_348 = tpu.vector_load %arg15[%get3A_346, %get3A_347] {strides = array<i32>} : memref<40x128xf32, #tpu.memory_space<vmem>>, vector<1x16xf32>,
      %get3A_349 = vector.shape_cast %get3A_348 : vector<1x16xf32> to vector<16xf32>
      %get3A_350 = arith.index_cast %scan3A_278 : i32 to index
      %get3A_351 = arith.constant 64 : index
      %get3A_352 = tpu.vector_load %arg17[%get3A_350, %get3A_351] {strides = array<i32>} : memref<40x128xf32, #tpu.memory_space<vmem>>, vector<1x16xf32>,
      %get3A_353 = vector.shape_cast %get3A_352 : vector<1x16xf32> to vector<16xf32>
      %add3A_354 = arith.addf %get3A_349, %get3A_353 : vector<16xf32>
      %max3A_355 = arith.constant 0.000000e+00 : f32
      %max3A_356 = vector.broadcast %max3A_355 : f32 to vector<16xf32>
      %max3A_357 = arith.maximumf %add3A_354, %max3A_356 : vector<16xf32>
      %swap3A_358 = arith.index_cast %scan3A_278 : i32 to index
      %swap3A_359 = arith.constant 64 : index
      %swap3A_360 = tpu.vector_load %arg19[%swap3A_358, %swap3A_359] {strides = array<i32>} : memref<40x128xf32, #tpu.memory_space<vmem>>, vector<1x16xf32>,
      %swap3A_361 = vector.shape_cast %swap3A_360 : vector<1x16xf32> to vector<16xf32>
      %swap3A_362 = vector.shape_cast %max3A_357 : vector<16xf32> to vector<1x16xf32>
      tpu.vector_store %arg19[%swap3A_358, %swap3A_359], %swap3A_362 {strides = array<i32>} : memref<40x128xf32, #tpu.memory_space<vmem>>, vector<1x16xf32>,
      %get3A_363 = arith.index_cast %scan3A_278 : i32 to index
      %get3A_364 = arith.constant 80 : index
      %get3A_365 = tpu.vector_load %arg15[%get3A_363, %get3A_364] {strides = array<i32>} : memref<40x128xf32, #tpu.memory_space<vmem>>, vector<1x16xf32>,
      %get3A_366 = vector.shape_cast %get3A_365 : vector<1x16xf32> to vector<16xf32>
      %get3A_367 = arith.index_cast %scan3A_278 : i32 to index
      %get3A_368 = arith.constant 80 : index
      %get3A_369 = tpu.vector_load %arg17[%get3A_367, %get3A_368] {strides = array<i32>} : memref<40x128xf32, #tpu.memory_space<vmem>>, vector<1x16xf32>,
      %get3A_370 = vector.shape_cast %get3A_369 : vector<1x16xf32> to vector<16xf32>
      %add3A_371 = arith.addf %get3A_366, %get3A_370 : vector<16xf32>
      %max3A_372 = arith.constant 0.000000e+00 : f32
      %max3A_373 = vector.broadcast %max3A_372 : f32 to vector<16xf32>
      %max3A_374 = arith.maximumf %add3A_371, %max3A_373 : vector<16xf32>
      %swap3A_375 = arith.index_cast %scan3A_278 : i32 to index
      %swap3A_376 = arith.constant 80 : index
      %swap3A_377 = tpu.vector_load %arg19[%swap3A_375, %swap3A_376] {strides = array<i32>} : memref<40x128xf32, #tpu.memory_space<vmem>>, vector<1x16xf32>,
      %swap3A_378 = vector.shape_cast %swap3A_377 : vector<1x16xf32> to vector<16xf32>
      %swap3A_379 = vector.shape_cast %max3A_374 : vector<16xf32> to vector<1x16xf32>
      tpu.vector_store %arg19[%swap3A_375, %swap3A_376], %swap3A_379 {strides = array<i32>} : memref<40x128xf32, #tpu.memory_space<vmem>>, vector<1x16xf32>,
      %get3A_380 = arith.index_cast %scan3A_278 : i32 to index
      %get3A_381 = arith.constant 96 : index
      %get3A_382 = tpu.vector_load %arg15[%get3A_380, %get3A_381] {strides = array<i32>} : memref<40x128xf32, #tpu.memory_space<vmem>>, vector<1x16xf32>,
      %get3A_383 = vector.shape_cast %get3A_382 : vector<1x16xf32> to vector<16xf32>
      %get3A_384 = arith.index_cast %scan3A_278 : i32 to index
      %get3A_385 = arith.constant 96 : index
      %get3A_386 = tpu.vector_load %arg17[%get3A_384, %get3A_385] {strides = array<i32>} : memref<40x128xf32, #tpu.memory_space<vmem>>, vector<1x16xf32>,
      %get3A_387 = vector.shape_cast %get3A_386 : vector<1x16xf32> to vector<16xf32>
      %add3A_388 = arith.addf %get3A_383, %get3A_387 : vector<16xf32>
      %max3A_389 = arith.constant 0.000000e+00 : f32
      %max3A_390 = vector.broadcast %max3A_389 : f32 to vector<16xf32>
      %max3A_391 = arith.maximumf %add3A_388, %max3A_390 : vector<16xf32>
      %swap3A_392 = arith.index_cast %scan3A_278 : i32 to index
      %swap3A_393 = arith.constant 96 : index
      %swap3A_394 = tpu.vector_load %arg19[%swap3A_392, %swap3A_393] {strides = array<i32>} : memref<40x128xf32, #tpu.memory_space<vmem>>, vector<1x16xf32>,
      %swap3A_395 = vector.shape_cast %swap3A_394 : vector<1x16xf32> to vector<16xf32>
      %swap3A_396 = vector.shape_cast %max3A_391 : vector<16xf32> to vector<1x16xf32>
      tpu.vector_store %arg19[%swap3A_392, %swap3A_393], %swap3A_396 {strides = array<i32>} : memref<40x128xf32, #tpu.memory_space<vmem>>, vector<1x16xf32>,
      %get3A_397 = arith.index_cast %scan3A_278 : i32 to index
      %get3A_398 = arith.constant 112 : index
      %get3A_399 = tpu.vector_load %arg15[%get3A_397, %get3A_398] {strides = array<i32>} : memref<40x128xf32, #tpu.memory_space<vmem>>, vector<1x16xf32>,
      %get3A_400 = vector.shape_cast %get3A_399 : vector<1x16xf32> to vector<16xf32>
      %get3A_401 = arith.index_cast %scan3A_278 : i32 to index
      %get3A_402 = arith.constant 112 : index
      %get3A_403 = tpu.vector_load %arg17[%get3A_401, %get3A_402] {strides = array<i32>} : memref<40x128xf32, #tpu.memory_space<vmem>>, vector<1x16xf32>,
      %get3A_404 = vector.shape_cast %get3A_403 : vector<1x16xf32> to vector<16xf32>
      %add3A_405 = arith.addf %get3A_400, %get3A_404 : vector<16xf32>
      %max3A_406 = arith.constant 0.000000e+00 : f32
      %max3A_407 = vector.broadcast %max3A_406 : f32 to vector<16xf32>
      %max3A_408 = arith.maximumf %add3A_405, %max3A_407 : vector<16xf32>
      %swap3A_409 = arith.index_cast %scan3A_278 : i32 to index
      %swap3A_410 = arith.constant 112 : index
      %swap3A_411 = tpu.vector_load %arg19[%swap3A_409, %swap3A_410] {strides = array<i32>} : memref<40x128xf32, #tpu.memory_space<vmem>>, vector<1x16xf32>,
      %swap3A_412 = vector.shape_cast %swap3A_411 : vector<1x16xf32> to vector<16xf32>
      %swap3A_413 = vector.shape_cast %max3A_408 : vector<16xf32> to vector<1x16xf32>
      tpu.vector_store %arg19[%swap3A_409, %swap3A_410], %swap3A_413 {strides = array<i32>} : memref<40x128xf32, #tpu.memory_space<vmem>>, vector<1x16xf32>,
      %scan3A_414 = arith.constant 1 : i32
      %scan3A_415 = arith.addi %scan3A_278, %scan3A_414 : i32
      %get3A_416 = arith.index_cast %scan3A_415 : i32 to index
      %get3A_417 = arith.constant 0 : index
      %get3A_418 = tpu.vector_load %arg15[%get3A_416, %get3A_417] {strides = array<i32>} : memref<40x128xf32, #tpu.memory_space<vmem>>, vector<1x16xf32>,
      %get3A_419 = vector.shape_cast %get3A_418 : vector<1x16xf32> to vector<16xf32>
      %get3A_420 = arith.index_cast %scan3A_415 : i32 to index
      %get3A_421 = arith.constant 0 : index
      %get3A_422 = tpu.vector_load %arg17[%get3A_420, %get3A_421] {strides = array<i32>} : memref<40x128xf32, #tpu.memory_space<vmem>>, vector<1x16xf32>,
      %get3A_423 = vector.shape_cast %get3A_422 : vector<1x16xf32> to vector<16xf32>
      %add3A_424 = arith.addf %get3A_419, %get3A_423 : vector<16xf32>
      %max3A_425 = arith.constant 0.000000e+00 : f32
      %max3A_426 = vector.broadcast %max3A_425 : f32 to vector<16xf32>
      %max3A_427 = arith.maximumf %add3A_424, %max3A_426 : vector<16xf32>
      %swap3A_428 = arith.index_cast %scan3A_415 : i32 to index
      %swap3A_429 = arith.constant 0 : index
      %swap3A_430 = tpu.vector_load %arg19[%swap3A_428, %swap3A_429] {strides = array<i32>} : memref<40x128xf32, #tpu.memory_space<vmem>>, vector<1x16xf32>,
      %swap3A_431 = vector.shape_cast %swap3A_430 : vector<1x16xf32> to vector<16xf32>
      %swap3A_432 = vector.shape_cast %max3A_427 : vector<16xf32> to vector<1x16xf32>
      tpu.vector_store %arg19[%swap3A_428, %swap3A_429], %swap3A_432 {strides = array<i32>} : memref<40x128xf32, #tpu.memory_space<vmem>>, vector<1x16xf32>,
      %get3A_433 = arith.index_cast %scan3A_415 : i32 to index
      %get3A_434 = arith.constant 16 : index
      %get3A_435 = tpu.vector_load %arg15[%get3A_433, %get3A_434] {strides = array<i32>} : memref<40x128xf32, #tpu.memory_space<vmem>>, vector<1x16xf32>,
      %get3A_436 = vector.shape_cast %get3A_435 : vector<1x16xf32> to vector<16xf32>
      %get3A_437 = arith.index_cast %scan3A_415 : i32 to index
      %get3A_438 = arith.constant 16 : index
      %get3A_439 = tpu.vector_load %arg17[%get3A_437, %get3A_438] {strides = array<i32>} : memref<40x128xf32, #tpu.memory_space<vmem>>, vector<1x16xf32>,
      %get3A_440 = vector.shape_cast %get3A_439 : vector<1x16xf32> to vector<16xf32>
      %add3A_441 = arith.addf %get3A_436, %get3A_440 : vector<16xf32>
      %max3A_442 = arith.constant 0.000000e+00 : f32
      %max3A_443 = vector.broadcast %max3A_442 : f32 to vector<16xf32>
      %max3A_444 = arith.maximumf %add3A_441, %max3A_443 : vector<16xf32>
      %swap3A_445 = arith.index_cast %scan3A_415 : i32 to index
      %swap3A_446 = arith.constant 16 : index
      %swap3A_447 = tpu.vector_load %arg19[%swap3A_445, %swap3A_446] {strides = array<i32>} : memref<40x128xf32, #tpu.memory_space<vmem>>, vector<1x16xf32>,
      %swap3A_448 = vector.shape_cast %swap3A_447 : vector<1x16xf32> to vector<16xf32>
      %swap3A_449 = vector.shape_cast %max3A_444 : vector<16xf32> to vector<1x16xf32>
      tpu.vector_store %arg19[%swap3A_445, %swap3A_446], %swap3A_449 {strides = array<i32>} : memref<40x128xf32, #tpu.memory_space<vmem>>, vector<1x16xf32>,
      %get3A_450 = arith.index_cast %scan3A_415 : i32 to index
      %get3A_451 = arith.constant 32 : index
      %get3A_452 = tpu.vector_load %arg15[%get3A_450, %get3A_451] {strides = array<i32>} : memref<40x128xf32, #tpu.memory_space<vmem>>, vector<1x16xf32>,
      %get3A_453 = vector.shape_cast %get3A_452 : vector<1x16xf32> to vector<16xf32>
      %get3A_454 = arith.index_cast %scan3A_415 : i32 to index
      %get3A_455 = arith.constant 32 : index
      %get3A_456 = tpu.vector_load %arg17[%get3A_454, %get3A_455] {strides = array<i32>} : memref<40x128xf32, #tpu.memory_space<vmem>>, vector<1x16xf32>,
      %get3A_457 = vector.shape_cast %get3A_456 : vector<1x16xf32> to vector<16xf32>
      %add3A_458 = arith.addf %get3A_453, %get3A_457 : vector<16xf32>
      %max3A_459 = arith.constant 0.000000e+00 : f32
      %max3A_460 = vector.broadcast %max3A_459 : f32 to vector<16xf32>
      %max3A_461 = arith.maximumf %add3A_458, %max3A_460 : vector<16xf32>
      %swap3A_462 = arith.index_cast %scan3A_415 : i32 to index
      %swap3A_463 = arith.constant 32 : index
      %swap3A_464 = tpu.vector_load %arg19[%swap3A_462, %swap3A_463] {strides = array<i32>} : memref<40x128xf32, #tpu.memory_space<vmem>>, vector<1x16xf32>,
      %swap3A_465 = vector.shape_cast %swap3A_464 : vector<1x16xf32> to vector<16xf32>
      %swap3A_466 = vector.shape_cast %max3A_461 : vector<16xf32> to vector<1x16xf32>
      tpu.vector_store %arg19[%swap3A_462, %swap3A_463], %swap3A_466 {strides = array<i32>} : memref<40x128xf32, #tpu.memory_space<vmem>>, vector<1x16xf32>,
      %get3A_467 = arith.index_cast %scan3A_415 : i32 to index
      %get3A_468 = arith.constant 48 : index
      %get3A_469 = tpu.vector_load %arg15[%get3A_467, %get3A_468] {strides = array<i32>} : memref<40x128xf32, #tpu.memory_space<vmem>>, vector<1x16xf32>,
      %get3A_470 = vector.shape_cast %get3A_469 : vector<1x16xf32> to vector<16xf32>
      %get3A_471 = arith.index_cast %scan3A_415 : i32 to index
      %get3A_472 = arith.constant 48 : index
      %get3A_473 = tpu.vector_load %arg17[%get3A_471, %get3A_472] {strides = array<i32>} : memref<40x128xf32, #tpu.memory_space<vmem>>, vector<1x16xf32>,
      %get3A_474 = vector.shape_cast %get3A_473 : vector<1x16xf32> to vector<16xf32>
      %add3A_475 = arith.addf %get3A_470, %get3A_474 : vector<16xf32>
      %max3A_476 = arith.constant 0.000000e+00 : f32
      %max3A_477 = vector.broadcast %max3A_476 : f32 to vector<16xf32>
      %max3A_478 = arith.maximumf %add3A_475, %max3A_477 : vector<16xf32>
      %swap3A_479 = arith.index_cast %scan3A_415 : i32 to index
      %swap3A_480 = arith.constant 48 : index
      %swap3A_481 = tpu.vector_load %arg19[%swap3A_479, %swap3A_480] {strides = array<i32>} : memref<40x128xf32, #tpu.memory_space<vmem>>, vector<1x16xf32>,
      %swap3A_482 = vector.shape_cast %swap3A_481 : vector<1x16xf32> to vector<16xf32>
      %swap3A_483 = vector.shape_cast %max3A_478 : vector<16xf32> to vector<1x16xf32>
      tpu.vector_store %arg19[%swap3A_479, %swap3A_480], %swap3A_483 {strides = array<i32>} : memref<40x128xf32, #tpu.memory_space<vmem>>, vector<1x16xf32>,
      %get3A_484 = arith.index_cast %scan3A_415 : i32 to index
      %get3A_485 = arith.constant 64 : index
      %get3A_486 = tpu.vector_load %arg15[%get3A_484, %get3A_485] {strides = array<i32>} : memref<40x128xf32, #tpu.memory_space<vmem>>, vector<1x16xf32>,
      %get3A_487 = vector.shape_cast %get3A_486 : vector<1x16xf32> to vector<16xf32>
      %get3A_488 = arith.index_cast %scan3A_415 : i32 to index
      %get3A_489 = arith.constant 64 : index
      %get3A_490 = tpu.vector_load %arg17[%get3A_488, %get3A_489] {strides = array<i32>} : memref<40x128xf32, #tpu.memory_space<vmem>>, vector<1x16xf32>,
      %get3A_491 = vector.shape_cast %get3A_490 : vector<1x16xf32> to vector<16xf32>
      %add3A_492 = arith.addf %get3A_487, %get3A_491 : vector<16xf32>
      %max3A_493 = arith.constant 0.000000e+00 : f32
      %max3A_494 = vector.broadcast %max3A_493 : f32 to vector<16xf32>
      %max3A_495 = arith.maximumf %add3A_492, %max3A_494 : vector<16xf32>
      %swap3A_496 = arith.index_cast %scan3A_415 : i32 to index
      %swap3A_497 = arith.constant 64 : index
      %swap3A_498 = tpu.vector_load %arg19[%swap3A_496, %swap3A_497] {strides = array<i32>} : memref<40x128xf32, #tpu.memory_space<vmem>>, vector<1x16xf32>,
      %swap3A_499 = vector.shape_cast %swap3A_498 : vector<1x16xf32> to vector<16xf32>
      %swap3A_500 = vector.shape_cast %max3A_495 : vector<16xf32> to vector<1x16xf32>
      tpu.vector_store %arg19[%swap3A_496, %swap3A_497], %swap3A_500 {strides = array<i32>} : memref<40x128xf32, #tpu.memory_space<vmem>>, vector<1x16xf32>,
      %get3A_501 = arith.index_cast %scan3A_415 : i32 to index
      %get3A_502 = arith.constant 80 : index
      %get3A_503 = tpu.vector_load %arg15[%get3A_501, %get3A_502] {strides = array<i32>} : memref<40x128xf32, #tpu.memory_space<vmem>>, vector<1x16xf32>,
      %get3A_504 = vector.shape_cast %get3A_503 : vector<1x16xf32> to vector<16xf32>
      %get3A_505 = arith.index_cast %scan3A_415 : i32 to index
      %get3A_506 = arith.constant 80 : index
      %get3A_507 = tpu.vector_load %arg17[%get3A_505, %get3A_506] {strides = array<i32>} : memref<40x128xf32, #tpu.memory_space<vmem>>, vector<1x16xf32>,
      %get3A_508 = vector.shape_cast %get3A_507 : vector<1x16xf32> to vector<16xf32>
      %add3A_509 = arith.addf %get3A_504, %get3A_508 : vector<16xf32>
      %max3A_510 = arith.constant 0.000000e+00 : f32
      %max3A_511 = vector.broadcast %max3A_510 : f32 to vector<16xf32>
      %max3A_512 = arith.maximumf %add3A_509, %max3A_511 : vector<16xf32>
      %swap3A_513 = arith.index_cast %scan3A_415 : i32 to index
      %swap3A_514 = arith.constant 80 : index
      %swap3A_515 = tpu.vector_load %arg19[%swap3A_513, %swap3A_514] {strides = array<i32>} : memref<40x128xf32, #tpu.memory_space<vmem>>, vector<1x16xf32>,
      %swap3A_516 = vector.shape_cast %swap3A_515 : vector<1x16xf32> to vector<16xf32>
      %swap3A_517 = vector.shape_cast %max3A_512 : vector<16xf32> to vector<1x16xf32>
      tpu.vector_store %arg19[%swap3A_513, %swap3A_514], %swap3A_517 {strides = array<i32>} : memref<40x128xf32, #tpu.memory_space<vmem>>, vector<1x16xf32>,
      %get3A_518 = arith.index_cast %scan3A_415 : i32 to index
      %get3A_519 = arith.constant 96 : index
      %get3A_520 = tpu.vector_load %arg15[%get3A_518, %get3A_519] {strides = array<i32>} : memref<40x128xf32, #tpu.memory_space<vmem>>, vector<1x16xf32>,
      %get3A_521 = vector.shape_cast %get3A_520 : vector<1x16xf32> to vector<16xf32>
      %get3A_522 = arith.index_cast %scan3A_415 : i32 to index
      %get3A_523 = arith.constant 96 : index
      %get3A_524 = tpu.vector_load %arg17[%get3A_522, %get3A_523] {strides = array<i32>} : memref<40x128xf32, #tpu.memory_space<vmem>>, vector<1x16xf32>,
      %get3A_525 = vector.shape_cast %get3A_524 : vector<1x16xf32> to vector<16xf32>
      %add3A_526 = arith.addf %get3A_521, %get3A_525 : vector<16xf32>
      %max3A_527 = arith.constant 0.000000e+00 : f32
      %max3A_528 = vector.broadcast %max3A_527 : f32 to vector<16xf32>
      %max3A_529 = arith.maximumf %add3A_526, %max3A_528 : vector<16xf32>
      %swap3A_530 = arith.index_cast %scan3A_415 : i32 to index
      %swap3A_531 = arith.constant 96 : index
      %swap3A_532 = tpu.vector_load %arg19[%swap3A_530, %swap3A_531] {strides = array<i32>} : memref<40x128xf32, #tpu.memory_space<vmem>>, vector<1x16xf32>,
      %swap3A_533 = vector.shape_cast %swap3A_532 : vector<1x16xf32> to vector<16xf32>
      %swap3A_534 = vector.shape_cast %max3A_529 : vector<16xf32> to vector<1x16xf32>
      tpu.vector_store %arg19[%swap3A_530, %swap3A_531], %swap3A_534 {strides = array<i32>} : memref<40x128xf32, #tpu.memory_space<vmem>>, vector<1x16xf32>,
      %get3A_535 = arith.index_cast %scan3A_415 : i32 to index
      %get3A_536 = arith.constant 112 : index
      %get3A_537 = tpu.vector_load %arg15[%get3A_535, %get3A_536] {strides = array<i32>} : memref<40x128xf32, #tpu.memory_space<vmem>>, vector<1x16xf32>,
      %get3A_538 = vector.shape_cast %get3A_537 : vector<1x16xf32> to vector<16xf32>
      %get3A_539 = arith.index_cast %scan3A_415 : i32 to index
      %get3A_540 = arith.constant 112 : index
      %get3A_541 = tpu.vector_load %arg17[%get3A_539, %get3A_540] {strides = array<i32>} : memref<40x128xf32, #tpu.memory_space<vmem>>, vector<1x16xf32>,
      %get3A_542 = vector.shape_cast %get3A_541 : vector<1x16xf32> to vector<16xf32>
      %add3A_543 = arith.addf %get3A_538, %get3A_542 : vector<16xf32>
      %max3A_544 = arith.constant 0.000000e+00 : f32
      %max3A_545 = vector.broadcast %max3A_544 : f32 to vector<16xf32>
      %max3A_546 = arith.maximumf %add3A_543, %max3A_545 : vector<16xf32>
      %swap3A_547 = arith.index_cast %scan3A_415 : i32 to index
      %swap3A_548 = arith.constant 112 : index
      %swap3A_549 = tpu.vector_load %arg19[%swap3A_547, %swap3A_548] {strides = array<i32>} : memref<40x128xf32, #tpu.memory_space<vmem>>, vector<1x16xf32>,
      %swap3A_550 = vector.shape_cast %swap3A_549 : vector<1x16xf32> to vector<16xf32>
      %swap3A_551 = vector.shape_cast %max3A_546 : vector<16xf32> to vector<1x16xf32>
      tpu.vector_store %arg19[%swap3A_547, %swap3A_548], %swap3A_551 {strides = array<i32>} : memref<40x128xf32, #tpu.memory_space<vmem>>, vector<1x16xf32>,
      %scan3A_552 = arith.constant 2 : i32
      %scan3A_553 = arith.addi %scan3A_278, %scan3A_552 : i32
      %get3A_554 = arith.index_cast %scan3A_553 : i32 to index
      %get3A_555 = arith.constant 0 : index
      %get3A_556 = tpu.vector_load %arg15[%get3A_554, %get3A_555] {strides = array<i32>} : memref<40x128xf32, #tpu.memory_space<vmem>>, vector<1x16xf32>,
      %get3A_557 = vector.shape_cast %get3A_556 : vector<1x16xf32> to vector<16xf32>
      %get3A_558 = arith.index_cast %scan3A_553 : i32 to index
      %get3A_559 = arith.constant 0 : index
      %get3A_560 = tpu.vector_load %arg17[%get3A_558, %get3A_559] {strides = array<i32>} : memref<40x128xf32, #tpu.memory_space<vmem>>, vector<1x16xf32>,
      %get3A_561 = vector.shape_cast %get3A_560 : vector<1x16xf32> to vector<16xf32>
      %add3A_562 = arith.addf %get3A_557, %get3A_561 : vector<16xf32>
      %max3A_563 = arith.constant 0.000000e+00 : f32
      %max3A_564 = vector.broadcast %max3A_563 : f32 to vector<16xf32>
      %max3A_565 = arith.maximumf %add3A_562, %max3A_564 : vector<16xf32>
      %swap3A_566 = arith.index_cast %scan3A_553 : i32 to index
      %swap3A_567 = arith.constant 0 : index
      %swap3A_568 = tpu.vector_load %arg19[%swap3A_566, %swap3A_567] {strides = array<i32>} : memref<40x128xf32, #tpu.memory_space<vmem>>, vector<1x16xf32>,
      %swap3A_569 = vector.shape_cast %swap3A_568 : vector<1x16xf32> to vector<16xf32>
      %swap3A_570 = vector.shape_cast %max3A_565 : vector<16xf32> to vector<1x16xf32>
      tpu.vector_store %arg19[%swap3A_566, %swap3A_567], %swap3A_570 {strides = array<i32>} : memref<40x128xf32, #tpu.memory_space<vmem>>, vector<1x16xf32>,
      %get3A_571 = arith.index_cast %scan3A_553 : i32 to index
      %get3A_572 = arith.constant 16 : index
      %get3A_573 = tpu.vector_load %arg15[%get3A_571, %get3A_572] {strides = array<i32>} : memref<40x128xf32, #tpu.memory_space<vmem>>, vector<1x16xf32>,
      %get3A_574 = vector.shape_cast %get3A_573 : vector<1x16xf32> to vector<16xf32>
      %get3A_575 = arith.index_cast %scan3A_553 : i32 to index
      %get3A_576 = arith.constant 16 : index
      %get3A_577 = tpu.vector_load %arg17[%get3A_575, %get3A_576] {strides = array<i32>} : memref<40x128xf32, #tpu.memory_space<vmem>>, vector<1x16xf32>,
      %get3A_578 = vector.shape_cast %get3A_577 : vector<1x16xf32> to vector<16xf32>
      %add3A_579 = arith.addf %get3A_574, %get3A_578 : vector<16xf32>
      %max3A_580 = arith.constant 0.000000e+00 : f32
      %max3A_581 = vector.broadcast %max3A_580 : f32 to vector<16xf32>
      %max3A_582 = arith.maximumf %add3A_579, %max3A_581 : vector<16xf32>
      %swap3A_583 = arith.index_cast %scan3A_553 : i32 to index
      %swap3A_584 = arith.constant 16 : index
      %swap3A_585 = tpu.vector_load %arg19[%swap3A_583, %swap3A_584] {strides = array<i32>} : memref<40x128xf32, #tpu.memory_space<vmem>>, vector<1x16xf32>,
      %swap3A_586 = vector.shape_cast %swap3A_585 : vector<1x16xf32> to vector<16xf32>
      %swap3A_587 = vector.shape_cast %max3A_582 : vector<16xf32> to vector<1x16xf32>
      tpu.vector_store %arg19[%swap3A_583, %swap3A_584], %swap3A_587 {strides = array<i32>} : memref<40x128xf32, #tpu.memory_space<vmem>>, vector<1x16xf32>,
      %get3A_588 = arith.index_cast %scan3A_553 : i32 to index
      %get3A_589 = arith.constant 32 : index
      %get3A_590 = tpu.vector_load %arg15[%get3A_588, %get3A_589] {strides = array<i32>} : memref<40x128xf32, #tpu.memory_space<vmem>>, vector<1x16xf32>,
      %get3A_591 = vector.shape_cast %get3A_590 : vector<1x16xf32> to vector<16xf32>
      %get3A_592 = arith.index_cast %scan3A_553 : i32 to index
      %get3A_593 = arith.constant 32 : index
      %get3A_594 = tpu.vector_load %arg17[%get3A_592, %get3A_593] {strides = array<i32>} : memref<40x128xf32, #tpu.memory_space<vmem>>, vector<1x16xf32>,
      %get3A_595 = vector.shape_cast %get3A_594 : vector<1x16xf32> to vector<16xf32>
      %add3A_596 = arith.addf %get3A_591, %get3A_595 : vector<16xf32>
      %max3A_597 = arith.constant 0.000000e+00 : f32
      %max3A_598 = vector.broadcast %max3A_597 : f32 to vector<16xf32>
      %max3A_599 = arith.maximumf %add3A_596, %max3A_598 : vector<16xf32>
      %swap3A_600 = arith.index_cast %scan3A_553 : i32 to index
      %swap3A_601 = arith.constant 32 : index
      %swap3A_602 = tpu.vector_load %arg19[%swap3A_600, %swap3A_601] {strides = array<i32>} : memref<40x128xf32, #tpu.memory_space<vmem>>, vector<1x16xf32>,
      %swap3A_603 = vector.shape_cast %swap3A_602 : vector<1x16xf32> to vector<16xf32>
      %swap3A_604 = vector.shape_cast %max3A_599 : vector<16xf32> to vector<1x16xf32>
      tpu.vector_store %arg19[%swap3A_600, %swap3A_601], %swap3A_604 {strides = array<i32>} : memref<40x128xf32, #tpu.memory_space<vmem>>, vector<1x16xf32>,
      %get3A_605 = arith.index_cast %scan3A_553 : i32 to index
      %get3A_606 = arith.constant 48 : index
      %get3A_607 = tpu.vector_load %arg15[%get3A_605, %get3A_606] {strides = array<i32>} : memref<40x128xf32, #tpu.memory_space<vmem>>, vector<1x16xf32>,
      %get3A_608 = vector.shape_cast %get3A_607 : vector<1x16xf32> to vector<16xf32>
      %get3A_609 = arith.index_cast %scan3A_553 : i32 to index
      %get3A_610 = arith.constant 48 : index
      %get3A_611 = tpu.vector_load %arg17[%get3A_609, %get3A_610] {strides = array<i32>} : memref<40x128xf32, #tpu.memory_space<vmem>>, vector<1x16xf32>,
      %get3A_612 = vector.shape_cast %get3A_611 : vector<1x16xf32> to vector<16xf32>
      %add3A_613 = arith.addf %get3A_608, %get3A_612 : vector<16xf32>
      %max3A_614 = arith.constant 0.000000e+00 : f32
      %max3A_615 = vector.broadcast %max3A_614 : f32 to vector<16xf32>
      %max3A_616 = arith.maximumf %add3A_613, %max3A_615 : vector<16xf32>
      %swap3A_617 = arith.index_cast %scan3A_553 : i32 to index
      %swap3A_618 = arith.constant 48 : index
      %swap3A_619 = tpu.vector_load %arg19[%swap3A_617, %swap3A_618] {strides = array<i32>} : memref<40x128xf32, #tpu.memory_space<vmem>>, vector<1x16xf32>,
      %swap3A_620 = vector.shape_cast %swap3A_619 : vector<1x16xf32> to vector<16xf32>
      %swap3A_621 = vector.shape_cast %max3A_616 : vector<16xf32> to vector<1x16xf32>
      tpu.vector_store %arg19[%swap3A_617, %swap3A_618], %swap3A_621 {strides = array<i32>} : memref<40x128xf32, #tpu.memory_space<vmem>>, vector<1x16xf32>,
      %get3A_622 = arith.index_cast %scan3A_553 : i32 to index
      %get3A_623 = arith.constant 64 : index
      %get3A_624 = tpu.vector_load %arg15[%get3A_622, %get3A_623] {strides = array<i32>} : memref<40x128xf32, #tpu.memory_space<vmem>>, vector<1x16xf32>,
      %get3A_625 = vector.shape_cast %get3A_624 : vector<1x16xf32> to vector<16xf32>
      %get3A_626 = arith.index_cast %scan3A_553 : i32 to index
      %get3A_627 = arith.constant 64 : index
      %get3A_628 = tpu.vector_load %arg17[%get3A_626, %get3A_627] {strides = array<i32>} : memref<40x128xf32, #tpu.memory_space<vmem>>, vector<1x16xf32>,
      %get3A_629 = vector.shape_cast %get3A_628 : vector<1x16xf32> to vector<16xf32>
      %add3A_630 = arith.addf %get3A_625, %get3A_629 : vector<16xf32>
      %max3A_631 = arith.constant 0.000000e+00 : f32
      %max3A_632 = vector.broadcast %max3A_631 : f32 to vector<16xf32>
      %max3A_633 = arith.maximumf %add3A_630, %max3A_632 : vector<16xf32>
      %swap3A_634 = arith.index_cast %scan3A_553 : i32 to index
      %swap3A_635 = arith.constant 64 : index
      %swap3A_636 = tpu.vector_load %arg19[%swap3A_634, %swap3A_635] {strides = array<i32>} : memref<40x128xf32, #tpu.memory_space<vmem>>, vector<1x16xf32>,
      %swap3A_637 = vector.shape_cast %swap3A_636 : vector<1x16xf32> to vector<16xf32>
      %swap3A_638 = vector.shape_cast %max3A_633 : vector<16xf32> to vector<1x16xf32>
      tpu.vector_store %arg19[%swap3A_634, %swap3A_635], %swap3A_638 {strides = array<i32>} : memref<40x128xf32, #tpu.memory_space<vmem>>, vector<1x16xf32>,
      %get3A_639 = arith.index_cast %scan3A_553 : i32 to index
      %get3A_640 = arith.constant 80 : index
      %get3A_641 = tpu.vector_load %arg15[%get3A_639, %get3A_640] {strides = array<i32>} : memref<40x128xf32, #tpu.memory_space<vmem>>, vector<1x16xf32>,
      %get3A_642 = vector.shape_cast %get3A_641 : vector<1x16xf32> to vector<16xf32>
      %get3A_643 = arith.index_cast %scan3A_553 : i32 to index
      %get3A_644 = arith.constant 80 : index
      %get3A_645 = tpu.vector_load %arg17[%get3A_643, %get3A_644] {strides = array<i32>} : memref<40x128xf32, #tpu.memory_space<vmem>>, vector<1x16xf32>,
      %get3A_646 = vector.shape_cast %get3A_645 : vector<1x16xf32> to vector<16xf32>
      %add3A_647 = arith.addf %get3A_642, %get3A_646 : vector<16xf32>
      %max3A_648 = arith.constant 0.000000e+00 : f32
      %max3A_649 = vector.broadcast %max3A_648 : f32 to vector<16xf32>
      %max3A_650 = arith.maximumf %add3A_647, %max3A_649 : vector<16xf32>
      %swap3A_651 = arith.index_cast %scan3A_553 : i32 to index
      %swap3A_652 = arith.constant 80 : index
      %swap3A_653 = tpu.vector_load %arg19[%swap3A_651, %swap3A_652] {strides = array<i32>} : memref<40x128xf32, #tpu.memory_space<vmem>>, vector<1x16xf32>,
      %swap3A_654 = vector.shape_cast %swap3A_653 : vector<1x16xf32> to vector<16xf32>
      %swap3A_655 = vector.shape_cast %max3A_650 : vector<16xf32> to vector<1x16xf32>
      tpu.vector_store %arg19[%swap3A_651, %swap3A_652], %swap3A_655 {strides = array<i32>} : memref<40x128xf32, #tpu.memory_space<vmem>>, vector<1x16xf32>,
      %get3A_656 = arith.index_cast %scan3A_553 : i32 to index
      %get3A_657 = arith.constant 96 : index
      %get3A_658 = tpu.vector_load %arg15[%get3A_656, %get3A_657] {strides = array<i32>} : memref<40x128xf32, #tpu.memory_space<vmem>>, vector<1x16xf32>,
      %get3A_659 = vector.shape_cast %get3A_658 : vector<1x16xf32> to vector<16xf32>
      %get3A_660 = arith.index_cast %scan3A_553 : i32 to index
      %get3A_661 = arith.constant 96 : index
      %get3A_662 = tpu.vector_load %arg17[%get3A_660, %get3A_661] {strides = array<i32>} : memref<40x128xf32, #tpu.memory_space<vmem>>, vector<1x16xf32>,
      %get3A_663 = vector.shape_cast %get3A_662 : vector<1x16xf32> to vector<16xf32>
      %add3A_664 = arith.addf %get3A_659, %get3A_663 : vector<16xf32>
      %max3A_665 = arith.constant 0.000000e+00 : f32
      %max3A_666 = vector.broadcast %max3A_665 : f32 to vector<16xf32>
      %max3A_667 = arith.maximumf %add3A_664, %max3A_666 : vector<16xf32>
      %swap3A_668 = arith.index_cast %scan3A_553 : i32 to index
      %swap3A_669 = arith.constant 96 : index
      %swap3A_670 = tpu.vector_load %arg19[%swap3A_668, %swap3A_669] {strides = array<i32>} : memref<40x128xf32, #tpu.memory_space<vmem>>, vector<1x16xf32>,
      %swap3A_671 = vector.shape_cast %swap3A_670 : vector<1x16xf32> to vector<16xf32>
      %swap3A_672 = vector.shape_cast %max3A_667 : vector<16xf32> to vector<1x16xf32>
      tpu.vector_store %arg19[%swap3A_668, %swap3A_669], %swap3A_672 {strides = array<i32>} : memref<40x128xf32, #tpu.memory_space<vmem>>, vector<1x16xf32>,
      %get3A_673 = arith.index_cast %scan3A_553 : i32 to index
      %get3A_674 = arith.constant 112 : index
      %get3A_675 = tpu.vector_load %arg15[%get3A_673, %get3A_674] {strides = array<i32>} : memref<40x128xf32, #tpu.memory_space<vmem>>, vector<1x16xf32>,
      %get3A_676 = vector.shape_cast %get3A_675 : vector<1x16xf32> to vector<16xf32>
      %get3A_677 = arith.index_cast %scan3A_553 : i32 to index
      %get3A_678 = arith.constant 112 : index
      %get3A_679 = tpu.vector_load %arg17[%get3A_677, %get3A_678] {strides = array<i32>} : memref<40x128xf32, #tpu.memory_space<vmem>>, vector<1x16xf32>,
      %get3A_680 = vector.shape_cast %get3A_679 : vector<1x16xf32> to vector<16xf32>
      %add3A_681 = arith.addf %get3A_676, %get3A_680 : vector<16xf32>
      %max3A_682 = arith.constant 0.000000e+00 : f32
      %max3A_683 = vector.broadcast %max3A_682 : f32 to vector<16xf32>
      %max3A_684 = arith.maximumf %add3A_681, %max3A_683 : vector<16xf32>
      %swap3A_685 = arith.index_cast %scan3A_553 : i32 to index
      %swap3A_686 = arith.constant 112 : index
      %swap3A_687 = tpu.vector_load %arg19[%swap3A_685, %swap3A_686] {strides = array<i32>} : memref<40x128xf32, #tpu.memory_space<vmem>>, vector<1x16xf32>,
      %swap3A_688 = vector.shape_cast %swap3A_687 : vector<1x16xf32> to vector<16xf32>
      %swap3A_689 = vector.shape_cast %max3A_684 : vector<16xf32> to vector<1x16xf32>
      tpu.vector_store %arg19[%swap3A_685, %swap3A_686], %swap3A_689 {strides = array<i32>} : memref<40x128xf32, #tpu.memory_space<vmem>>, vector<1x16xf32>,
      %scan3A_690 = arith.constant 3 : i32
      %scan3A_691 = arith.addi %scan3A_278, %scan3A_690 : i32
      %get3A_692 = arith.index_cast %scan3A_691 : i32 to index
      %get3A_693 = arith.constant 0 : index
      %get3A_694 = tpu.vector_load %arg15[%get3A_692, %get3A_693] {strides = array<i32>} : memref<40x128xf32, #tpu.memory_space<vmem>>, vector<1x16xf32>,
      %get3A_695 = vector.shape_cast %get3A_694 : vector<1x16xf32> to vector<16xf32>
      %get3A_696 = arith.index_cast %scan3A_691 : i32 to index
      %get3A_697 = arith.constant 0 : index
      %get3A_698 = tpu.vector_load %arg17[%get3A_696, %get3A_697] {strides = array<i32>} : memref<40x128xf32, #tpu.memory_space<vmem>>, vector<1x16xf32>,
      %get3A_699 = vector.shape_cast %get3A_698 : vector<1x16xf32> to vector<16xf32>
      %add3A_700 = arith.addf %get3A_695, %get3A_699 : vector<16xf32>
      %max3A_701 = arith.constant 0.000000e+00 : f32
      %max3A_702 = vector.broadcast %max3A_701 : f32 to vector<16xf32>
      %max3A_703 = arith.maximumf %add3A_700, %max3A_702 : vector<16xf32>
      %swap3A_704 = arith.index_cast %scan3A_691 : i32 to index
      %swap3A_705 = arith.constant 0 : index
      %swap3A_706 = tpu.vector_load %arg19[%swap3A_704, %swap3A_705] {strides = array<i32>} : memref<40x128xf32, #tpu.memory_space<vmem>>, vector<1x16xf32>,
      %swap3A_707 = vector.shape_cast %swap3A_706 : vector<1x16xf32> to vector<16xf32>
      %swap3A_708 = vector.shape_cast %max3A_703 : vector<16xf32> to vector<1x16xf32>
      tpu.vector_store %arg19[%swap3A_704, %swap3A_705], %swap3A_708 {strides = array<i32>} : memref<40x128xf32, #tpu.memory_space<vmem>>, vector<1x16xf32>,
      %get3A_709 = arith.index_cast %scan3A_691 : i32 to index
      %get3A_710 = arith.constant 16 : index
      %get3A_711 = tpu.vector_load %arg15[%get3A_709, %get3A_710] {strides = array<i32>} : memref<40x128xf32, #tpu.memory_space<vmem>>, vector<1x16xf32>,
      %get3A_712 = vector.shape_cast %get3A_711 : vector<1x16xf32> to vector<16xf32>
      %get3A_713 = arith.index_cast %scan3A_691 : i32 to index
      %get3A_714 = arith.constant 16 : index
      %get3A_715 = tpu.vector_load %arg17[%get3A_713, %get3A_714] {strides = array<i32>} : memref<40x128xf32, #tpu.memory_space<vmem>>, vector<1x16xf32>,
      %get3A_716 = vector.shape_cast %get3A_715 : vector<1x16xf32> to vector<16xf32>
      %add3A_717 = arith.addf %get3A_712, %get3A_716 : vector<16xf32>
      %max3A_718 = arith.constant 0.000000e+00 : f32
      %max3A_719 = vector.broadcast %max3A_718 : f32 to vector<16xf32>
      %max3A_720 = arith.maximumf %add3A_717, %max3A_719 : vector<16xf32>
      %swap3A_721 = arith.index_cast %scan3A_691 : i32 to index
      %swap3A_722 = arith.constant 16 : index
      %swap3A_723 = tpu.vector_load %arg19[%swap3A_721, %swap3A_722] {strides = array<i32>} : memref<40x128xf32, #tpu.memory_space<vmem>>, vector<1x16xf32>,
      %swap3A_724 = vector.shape_cast %swap3A_723 : vector<1x16xf32> to vector<16xf32>
      %swap3A_725 = vector.shape_cast %max3A_720 : vector<16xf32> to vector<1x16xf32>
      tpu.vector_store %arg19[%swap3A_721, %swap3A_722], %swap3A_725 {strides = array<i32>} : memref<40x128xf32, #tpu.memory_space<vmem>>, vector<1x16xf32>,
      %get3A_726 = arith.index_cast %scan3A_691 : i32 to index
      %get3A_727 = arith.constant 32 : index
      %get3A_728 = tpu.vector_load %arg15[%get3A_726, %get3A_727] {strides = array<i32>} : memref<40x128xf32, #tpu.memory_space<vmem>>, vector<1x16xf32>,
      %get3A_729 = vector.shape_cast %get3A_728 : vector<1x16xf32> to vector<16xf32>
      %get3A_730 = arith.index_cast %scan3A_691 : i32 to index
      %get3A_731 = arith.constant 32 : index
      %get3A_732 = tpu.vector_load %arg17[%get3A_730, %get3A_731] {strides = array<i32>} : memref<40x128xf32, #tpu.memory_space<vmem>>, vector<1x16xf32>,
      %get3A_733 = vector.shape_cast %get3A_732 : vector<1x16xf32> to vector<16xf32>
      %add3A_734 = arith.addf %get3A_729, %get3A_733 : vector<16xf32>
      %max3A_735 = arith.constant 0.000000e+00 : f32
      %max3A_736 = vector.broadcast %max3A_735 : f32 to vector<16xf32>
      %max3A_737 = arith.maximumf %add3A_734, %max3A_736 : vector<16xf32>
      %swap3A_738 = arith.index_cast %scan3A_691 : i32 to index
      %swap3A_739 = arith.constant 32 : index
      %swap3A_740 = tpu.vector_load %arg19[%swap3A_738, %swap3A_739] {strides = array<i32>} : memref<40x128xf32, #tpu.memory_space<vmem>>, vector<1x16xf32>,
      %swap3A_741 = vector.shape_cast %swap3A_740 : vector<1x16xf32> to vector<16xf32>
      %swap3A_742 = vector.shape_cast %max3A_737 : vector<16xf32> to vector<1x16xf32>
      tpu.vector_store %arg19[%swap3A_738, %swap3A_739], %swap3A_742 {strides = array<i32>} : memref<40x128xf32, #tpu.memory_space<vmem>>, vector<1x16xf32>,
      %get3A_743 = arith.index_cast %scan3A_691 : i32 to index
      %get3A_744 = arith.constant 48 : index
      %get3A_745 = tpu.vector_load %arg15[%get3A_743, %get3A_744] {strides = array<i32>} : memref<40x128xf32, #tpu.memory_space<vmem>>, vector<1x16xf32>,
      %get3A_746 = vector.shape_cast %get3A_745 : vector<1x16xf32> to vector<16xf32>
      %get3A_747 = arith.index_cast %scan3A_691 : i32 to index
      %get3A_748 = arith.constant 48 : index
      %get3A_749 = tpu.vector_load %arg17[%get3A_747, %get3A_748] {strides = array<i32>} : memref<40x128xf32, #tpu.memory_space<vmem>>, vector<1x16xf32>,
      %get3A_750 = vector.shape_cast %get3A_749 : vector<1x16xf32> to vector<16xf32>
      %add3A_751 = arith.addf %get3A_746, %get3A_750 : vector<16xf32>
      %max3A_752 = arith.constant 0.000000e+00 : f32
      %max3A_753 = vector.broadcast %max3A_752 : f32 to vector<16xf32>
      %max3A_754 = arith.maximumf %add3A_751, %max3A_753 : vector<16xf32>
      %swap3A_755 = arith.index_cast %scan3A_691 : i32 to index
      %swap3A_756 = arith.constant 48 : index
      %swap3A_757 = tpu.vector_load %arg19[%swap3A_755, %swap3A_756] {strides = array<i32>} : memref<40x128xf32, #tpu.memory_space<vmem>>, vector<1x16xf32>,
      %swap3A_758 = vector.shape_cast %swap3A_757 : vector<1x16xf32> to vector<16xf32>
      %swap3A_759 = vector.shape_cast %max3A_754 : vector<16xf32> to vector<1x16xf32>
      tpu.vector_store %arg19[%swap3A_755, %swap3A_756], %swap3A_759 {strides = array<i32>} : memref<40x128xf32, #tpu.memory_space<vmem>>, vector<1x16xf32>,
      %get3A_760 = arith.index_cast %scan3A_691 : i32 to index
      %get3A_761 = arith.constant 64 : index
      %get3A_762 = tpu.vector_load %arg15[%get3A_760, %get3A_761] {strides = array<i32>} : memref<40x128xf32, #tpu.memory_space<vmem>>, vector<1x16xf32>,
      %get3A_763 = vector.shape_cast %get3A_762 : vector<1x16xf32> to vector<16xf32>
      %get3A_764 = arith.index_cast %scan3A_691 : i32 to index
      %get3A_765 = arith.constant 64 : index
      %get3A_766 = tpu.vector_load %arg17[%get3A_764, %get3A_765] {strides = array<i32>} : memref<40x128xf32, #tpu.memory_space<vmem>>, vector<1x16xf32>,
      %get3A_767 = vector.shape_cast %get3A_766 : vector<1x16xf32> to vector<16xf32>
      %add3A_768 = arith.addf %get3A_763, %get3A_767 : vector<16xf32>
      %max3A_769 = arith.constant 0.000000e+00 : f32
      %max3A_770 = vector.broadcast %max3A_769 : f32 to vector<16xf32>
      %max3A_771 = arith.maximumf %add3A_768, %max3A_770 : vector<16xf32>
      %swap3A_772 = arith.index_cast %scan3A_691 : i32 to index
      %swap3A_773 = arith.constant 64 : index
      %swap3A_774 = tpu.vector_load %arg19[%swap3A_772, %swap3A_773] {strides = array<i32>} : memref<40x128xf32, #tpu.memory_space<vmem>>, vector<1x16xf32>,
      %swap3A_775 = vector.shape_cast %swap3A_774 : vector<1x16xf32> to vector<16xf32>
      %swap3A_776 = vector.shape_cast %max3A_771 : vector<16xf32> to vector<1x16xf32>
      tpu.vector_store %arg19[%swap3A_772, %swap3A_773], %swap3A_776 {strides = array<i32>} : memref<40x128xf32, #tpu.memory_space<vmem>>, vector<1x16xf32>,
      %get3A_777 = arith.index_cast %scan3A_691 : i32 to index
      %get3A_778 = arith.constant 80 : index
      %get3A_779 = tpu.vector_load %arg15[%get3A_777, %get3A_778] {strides = array<i32>} : memref<40x128xf32, #tpu.memory_space<vmem>>, vector<1x16xf32>,
      %get3A_780 = vector.shape_cast %get3A_779 : vector<1x16xf32> to vector<16xf32>
      %get3A_781 = arith.index_cast %scan3A_691 : i32 to index
      %get3A_782 = arith.constant 80 : index
      %get3A_783 = tpu.vector_load %arg17[%get3A_781, %get3A_782] {strides = array<i32>} : memref<40x128xf32, #tpu.memory_space<vmem>>, vector<1x16xf32>,
      %get3A_784 = vector.shape_cast %get3A_783 : vector<1x16xf32> to vector<16xf32>
      %add3A_785 = arith.addf %get3A_780, %get3A_784 : vector<16xf32>
      %max3A_786 = arith.constant 0.000000e+00 : f32
      %max3A_787 = vector.broadcast %max3A_786 : f32 to vector<16xf32>
      %max3A_788 = arith.maximumf %add3A_785, %max3A_787 : vector<16xf32>
      %swap3A_789 = arith.index_cast %scan3A_691 : i32 to index
      %swap3A_790 = arith.constant 80 : index
      %swap3A_791 = tpu.vector_load %arg19[%swap3A_789, %swap3A_790] {strides = array<i32>} : memref<40x128xf32, #tpu.memory_space<vmem>>, vector<1x16xf32>,
      %swap3A_792 = vector.shape_cast %swap3A_791 : vector<1x16xf32> to vector<16xf32>
      %swap3A_793 = vector.shape_cast %max3A_788 : vector<16xf32> to vector<1x16xf32>
      tpu.vector_store %arg19[%swap3A_789, %swap3A_790], %swap3A_793 {strides = array<i32>} : memref<40x128xf32, #tpu.memory_space<vmem>>, vector<1x16xf32>,
      %get3A_794 = arith.index_cast %scan3A_691 : i32 to index
      %get3A_795 = arith.constant 96 : index
      %get3A_796 = tpu.vector_load %arg15[%get3A_794, %get3A_795] {strides = array<i32>} : memref<40x128xf32, #tpu.memory_space<vmem>>, vector<1x16xf32>,
      %get3A_797 = vector.shape_cast %get3A_796 : vector<1x16xf32> to vector<16xf32>
      %get3A_798 = arith.index_cast %scan3A_691 : i32 to index
      %get3A_799 = arith.constant 96 : index
      %get3A_800 = tpu.vector_load %arg17[%get3A_798, %get3A_799] {strides = array<i32>} : memref<40x128xf32, #tpu.memory_space<vmem>>, vector<1x16xf32>,
      %get3A_801 = vector.shape_cast %get3A_800 : vector<1x16xf32> to vector<16xf32>
      %add3A_802 = arith.addf %get3A_797, %get3A_801 : vector<16xf32>
      %max3A_803 = arith.constant 0.000000e+00 : f32
      %max3A_804 = vector.broadcast %max3A_803 : f32 to vector<16xf32>
      %max3A_805 = arith.maximumf %add3A_802, %max3A_804 : vector<16xf32>
      %swap3A_806 = arith.index_cast %scan3A_691 : i32 to index
      %swap3A_807 = arith.constant 96 : index
      %swap3A_808 = tpu.vector_load %arg19[%swap3A_806, %swap3A_807] {strides = array<i32>} : memref<40x128xf32, #tpu.memory_space<vmem>>, vector<1x16xf32>,
      %swap3A_809 = vector.shape_cast %swap3A_808 : vector<1x16xf32> to vector<16xf32>
      %swap3A_810 = vector.shape_cast %max3A_805 : vector<16xf32> to vector<1x16xf32>
      tpu.vector_store %arg19[%swap3A_806, %swap3A_807], %swap3A_810 {strides = array<i32>} : memref<40x128xf32, #tpu.memory_space<vmem>>, vector<1x16xf32>,
      %get3A_811 = arith.index_cast %scan3A_691 : i32 to index
      %get3A_812 = arith.constant 112 : index
      %get3A_813 = tpu.vector_load %arg15[%get3A_811, %get3A_812] {strides = array<i32>} : memref<40x128xf32, #tpu.memory_space<vmem>>, vector<1x16xf32>,
      %get3A_814 = vector.shape_cast %get3A_813 : vector<1x16xf32> to vector<16xf32>
      %get3A_815 = arith.index_cast %scan3A_691 : i32 to index
      %get3A_816 = arith.constant 112 : index
      %get3A_817 = tpu.vector_load %arg17[%get3A_815, %get3A_816] {strides = array<i32>} : memref<40x128xf32, #tpu.memory_space<vmem>>, vector<1x16xf32>,
      %get3A_818 = vector.shape_cast %get3A_817 : vector<1x16xf32> to vector<16xf32>
      %add3A_819 = arith.addf %get3A_814, %get3A_818 : vector<16xf32>
      %max3A_820 = arith.constant 0.000000e+00 : f32
      %max3A_821 = vector.broadcast %max3A_820 : f32 to vector<16xf32>
      %max3A_822 = arith.maximumf %add3A_819, %max3A_821 : vector<16xf32>
      %swap3A_823 = arith.index_cast %scan3A_691 : i32 to index
      %swap3A_824 = arith.constant 112 : index
      %swap3A_825 = tpu.vector_load %arg19[%swap3A_823, %swap3A_824] {strides = array<i32>} : memref<40x128xf32, #tpu.memory_space<vmem>>, vector<1x16xf32>,
      %swap3A_826 = vector.shape_cast %swap3A_825 : vector<1x16xf32> to vector<16xf32>
      %swap3A_827 = vector.shape_cast %max3A_822 : vector<16xf32> to vector<1x16xf32>
      tpu.vector_store %arg19[%swap3A_823, %swap3A_824], %swap3A_827 {strides = array<i32>} : memref<40x128xf32, #tpu.memory_space<vmem>>, vector<1x16xf32>,
    }
    %scan3A_138 = arith.constant 40 : i32
    %dma_start3A_139 = arith.constant 0 : i32
    %dma_start3A_140 = arith.constant 0 : i32
    %dma_start3A_141 = tpu.memref_slice %arg8[%dma_start3A_139, %dma_start3A_140] : memref<10112x128xf32, #tpu.memory_space<vmem_shared>> -> memref<10112x128xf32, #tpu.memory_space<vmem_shared>>
    tpu.enqueue_indirect_dma source(%arg19 : memref<40x128xf32, #tpu.memory_space<vmem>>) target(%dma_start3A_141 : memref<10112x128xf32, #tpu.memory_space<vmem_shared>>) offsets(%arg13 : memref<40xi32, #tpu.memory_space<vmem>>) semaphore(%arg27 : memref<!tpu.dma_semaphore, #tpu.memory_space<semaphore_mem>>) {add = true}
    %add3A_142 = arith.addi %mul3A_6, %mul3A_4 : i32
    %add3A_143 = arith.constant 120 : i32
    %add3A_144 = arith.addi %add3A_142, %add3A_143 : i32
    %dma_start3A_145 = arith.constant 0 : i32
    %dma_start3A_146 = tpu.memref_slice %arg5[%add3A_144, %dma_start3A_145] : memref<320000x128xf32, #tpu.memory_space<hbm>> -> memref<40x128xf32, #tpu.memory_space<hbm>>
    %dma_start3A_147 = arith.constant 0 : i32
    %dma_start3A_148 = tpu.memref_slice %arg5[%add3A_144, %dma_start3A_147] : memref<320000x128xf32, #tpu.memory_space<hbm>> -> memref<40x128xf32, #tpu.memory_space<hbm>>
    tpu.enqueue_dma source(%dma_start3A_148 : memref<40x128xf32, #tpu.memory_space<hbm>>) target(%arg15 : memref<40x128xf32, #tpu.memory_space<vmem>>) target_semaphore(%arg21 : memref<!tpu.dma_semaphore, #tpu.memory_space<semaphore_mem>>)
    %dma_start3A_149 = arith.constant 120 : i32
    %dma_start3A_150 = tpu.memref_slice %arg9[%dma_start3A_149] : memref<10000xi32, #tpu.memory_space<vmem>> -> memref<40xi32, #tpu.memory_space<vmem>>
    %dma_start3A_151 = arith.constant 0 : i32
    %dma_start3A_152 = arith.constant 0 : i32
    %dma_start3A_153 = tpu.memref_slice %arg2[%dma_start3A_151, %dma_start3A_152] : memref<20000x128xf32, #tpu.memory_space<hbm>> -> memref<20000x128xf32, #tpu.memory_space<hbm>>
    tpu.enqueue_indirect_dma source(%dma_start3A_153 : memref<20000x128xf32, #tpu.memory_space<hbm>>) target(%arg17 : memref<40x128xf32, #tpu.memory_space<vmem>>) offsets(%dma_start3A_150 : memref<40xi32, #tpu.memory_space<vmem>>) semaphore(%arg23 : memref<!tpu.dma_semaphore, #tpu.memory_space<semaphore_mem>>)
    %add3A_154 = arith.constant 120 : i32
    %add3A_155 = arith.addi %mul3A_4, %add3A_154 : i32
    %dma_start3A_156 = tpu.memref_slice %arg4[%add3A_155] : memref<160000xi32, #tpu.memory_space<hbm>> -> memref<40xi32, #tpu.memory_space<hbm>>
    %dma_start3A_157 = tpu.memref_slice %arg4[%add3A_155] : memref<160000xi32, #tpu.memory_space<hbm>> -> memref<40xi32, #tpu.memory_space<hbm>>
    tpu.enqueue_dma source(%dma_start3A_157 : memref<40xi32, #tpu.memory_space<hbm>>) target(%arg11 : memref<40xi32, #tpu.memory_space<vmem>>) target_semaphore(%arg25 : memref<!tpu.dma_semaphore, #tpu.memory_space<semaphore_mem>>)
    %scan3A_158 = arith.constant 0 : i32
    %scan3A_159 = arith.constant 1 : i32
    %scan3A_160 = arith.constant 123 : i32
    %scan3A_161 = arith.addi %scan3A_159, %scan3A_160 : i32
    %scan3A_162 = arith.constant 1 : i32
    scf.for %scan3A_278 = %scan3A_159 to %scan3A_161 step %scan3A_162  : i32 {
      %mul3A_279 = arith.constant 2 : i32
      %mul3A_280 = arith.muli %scan3A_278, %mul3A_279 : i32
      %add3A_281 = arith.addi %mul3A_6, %mul3A_4 : i32
      %mul3A_282 = arith.constant 40 : i32
      %mul3A_283 = arith.muli %mul3A_280, %mul3A_282 : i32
      %add3A_284 = arith.addi %add3A_281, %mul3A_283 : i32
      %dma_wait3A_285 = arith.constant 0 : i32
      %dma_wait3A_286 = tpu.memref_slice %arg5[%add3A_284, %dma_wait3A_285] : memref<320000x128xf32, #tpu.memory_space<hbm>> -> memref<40x128xf32, #tpu.memory_space<hbm>>
      %dma_wait3A_287 = arith.constant 0 : i32
      %dma_wait3A_288 = tpu.memref_slice %arg5[%add3A_284, %dma_wait3A_287] : memref<320000x128xf32, #tpu.memory_space<hbm>> -> memref<40x128xf32, #tpu.memory_space<hbm>>
      tpu.wait_dma2 semaphore(%arg20 : memref<!tpu.dma_semaphore, #tpu.memory_space<semaphore_mem>>) src(%dma_wait3A_288 : memref<40x128xf32, #tpu.memory_space<hbm>>) dst(%arg14 : memref<40x128xf32, #tpu.memory_space<vmem>>)
      %mul3A_289 = arith.constant 40 : i32
      %mul3A_290 = arith.muli %mul3A_280, %mul3A_289 : i32
      %dma_wait3A_291 = tpu.memref_slice %arg9[%mul3A_290] : memref<10000xi32, #tpu.memory_space<vmem>> -> memref<40xi32, #tpu.memory_space<vmem>>
      %dma_wait3A_292 = arith.constant 0 : i32
      %dma_wait3A_293 = arith.constant 0 : i32
      %dma_wait3A_294 = tpu.memref_slice %arg2[%dma_wait3A_292, %dma_wait3A_293] : memref<20000x128xf32, #tpu.memory_space<hbm>> -> memref<20000x128xf32, #tpu.memory_space<hbm>>
      tpu.wait_indirect_dma semaphore(%arg22 : memref<!tpu.dma_semaphore, #tpu.memory_space<semaphore_mem>>) src(%dma_wait3A_294 : memref<20000x128xf32, #tpu.memory_space<hbm>>) dst(%arg16 : memref<40x128xf32, #tpu.memory_space<vmem>>)
      %mul3A_295 = arith.constant 40 : i32
      %mul3A_296 = arith.muli %mul3A_280, %mul3A_295 : i32
      %add3A_297 = arith.addi %mul3A_4, %mul3A_296 : i32
      %dma_wait3A_298 = tpu.memref_slice %arg4[%add3A_297] : memref<160000xi32, #tpu.memory_space<hbm>> -> memref<40xi32, #tpu.memory_space<hbm>>
      %dma_wait3A_299 = tpu.memref_slice %arg4[%add3A_297] : memref<160000xi32, #tpu.memory_space<hbm>> -> memref<40xi32, #tpu.memory_space<hbm>>
      tpu.wait_dma2 semaphore(%arg24 : memref<!tpu.dma_semaphore, #tpu.memory_space<semaphore_mem>>) src(%dma_wait3A_299 : memref<40xi32, #tpu.memory_space<hbm>>) dst(%arg10 : memref<40xi32, #tpu.memory_space<vmem>>)
      %dma_wait3A_300 = arith.constant 0 : i32
      %dma_wait3A_301 = arith.constant 0 : i32
      %dma_wait3A_302 = tpu.memref_slice %arg8[%dma_wait3A_300, %dma_wait3A_301] : memref<10112x128xf32, #tpu.memory_space<vmem_shared>> -> memref<10112x128xf32, #tpu.memory_space<vmem_shared>>
      tpu.wait_indirect_dma semaphore(%arg26 : memref<!tpu.dma_semaphore, #tpu.memory_space<semaphore_mem>>) src(%arg18 : memref<40x128xf32, #tpu.memory_space<vmem>>) dst(%dma_wait3A_302 : memref<10112x128xf32, #tpu.memory_space<vmem_shared>>)
      %get3A_303 = arith.constant 0 : index
      %get3A_304 = tpu.vector_load %arg10[%get3A_303] {strides = array<i32>} : memref<40xi32, #tpu.memory_space<vmem>>, vector<16xi32>,
      %get3A_305 = vector.shape_cast %get3A_304 : vector<16xi32> to vector<16xi32>
      %swap3A_306 = arith.constant 0 : index
      %swap3A_307 = tpu.vector_load %arg12[%swap3A_306] {strides = array<i32>} : memref<40xi32, #tpu.memory_space<vmem>>, vector<16xi32>,
      %swap3A_308 = vector.shape_cast %swap3A_307 : vector<16xi32> to vector<16xi32>
      %swap3A_309 = vector.shape_cast %get3A_305 : vector<16xi32> to vector<16xi32>
      tpu.vector_store %arg12[%swap3A_306], %swap3A_309 {strides = array<i32>} : memref<40xi32, #tpu.memory_space<vmem>>, vector<16xi32>,
      %get3A_310 = arith.constant 16 : index
      %get3A_311 = tpu.vector_load %arg10[%get3A_310] {strides = array<i32>} : memref<40xi32, #tpu.memory_space<vmem>>, vector<16xi32>,
      %get3A_312 = vector.shape_cast %get3A_311 : vector<16xi32> to vector<16xi32>
      %swap3A_313 = arith.constant 16 : index
      %swap3A_314 = tpu.vector_load %arg12[%swap3A_313] {strides = array<i32>} : memref<40xi32, #tpu.memory_space<vmem>>, vector<16xi32>,
      %swap3A_315 = vector.shape_cast %swap3A_314 : vector<16xi32> to vector<16xi32>
      %swap3A_316 = vector.shape_cast %get3A_312 : vector<16xi32> to vector<16xi32>
      tpu.vector_store %arg12[%swap3A_313], %swap3A_316 {strides = array<i32>} : memref<40xi32, #tpu.memory_space<vmem>>, vector<16xi32>,
      %get3A_317 = arith.constant 24 : index
      %get3A_318 = tpu.vector_load %arg10[%get3A_317] {strides = array<i32>} : memref<40xi32, #tpu.memory_space<vmem>>, vector<16xi32>,
      %get3A_319 = vector.shape_cast %get3A_318 : vector<16xi32> to vector<16xi32>
      %swap3A_320 = arith.constant 24 : index
      %swap3A_321 = tpu.vector_load %arg12[%swap3A_320] {strides = array<i32>} : memref<40xi32, #tpu.memory_space<vmem>>, vector<16xi32>,
      %swap3A_322 = vector.shape_cast %swap3A_321 : vector<16xi32> to vector<16xi32>
      %swap3A_323 = vector.shape_cast %get3A_319 : vector<16xi32> to vector<16xi32>
      tpu.vector_store %arg12[%swap3A_320], %swap3A_323 {strides = array<i32>} : memref<40xi32, #tpu.memory_space<vmem>>, vector<16xi32>,
      %scan3A_324 = arith.constant 0 : i32
      %scan3A_325 = arith.constant 0 : i32
      %scan3A_326 = arith.constant 40 : i32
      %scan3A_327 = arith.addi %scan3A_325, %scan3A_326 : i32
      %scan3A_328 = arith.constant 4 : i32
      scf.for %scan3A_429 = %scan3A_325 to %scan3A_327 step %scan3A_328  : i32 {
        %get3A_430 = arith.index_cast %scan3A_429 : i32 to index
        %get3A_431 = arith.constant 0 : index
        %get3A_432 = tpu.vector_load %arg14[%get3A_430, %get3A_431] {strides = array<i32>} : memref<40x128xf32, #tpu.memory_space<vmem>>, vector<1x16xf32>,
        %get3A_433 = vector.shape_cast %get3A_432 : vector<1x16xf32> to vector<16xf32>
        %get3A_434 = arith.index_cast %scan3A_429 : i32 to index
        %get3A_435 = arith.constant 0 : index
        %get3A_436 = tpu.vector_load %arg16[%get3A_434, %get3A_435] {strides = array<i32>} : memref<40x128xf32, #tpu.memory_space<vmem>>, vector<1x16xf32>,
        %get3A_437 = vector.shape_cast %get3A_436 : vector<1x16xf32> to vector<16xf32>
        %add3A_438 = arith.addf %get3A_433, %get3A_437 : vector<16xf32>
        %max3A = arith.constant 0.000000e+00 : f32
        %max3A_439 = vector.broadcast %max3A : f32 to vector<16xf32>
        %max3A_440 = arith.maximumf %add3A_438, %max3A_439 : vector<16xf32>
        %swap3A_441 = arith.index_cast %scan3A_429 : i32 to index
        %swap3A_442 = arith.constant 0 : index
        %swap3A_443 = tpu.vector_load %arg18[%swap3A_441, %swap3A_442] {strides = array<i32>} : memref<40x128xf32, #tpu.memory_space<vmem>>, vector<1x16xf32>,
        %swap3A_444 = vector.shape_cast %swap3A_443 : vector<1x16xf32> to vector<16xf32>
        %swap3A_445 = vector.shape_cast %max3A_440 : vector<16xf32> to vector<1x16xf32>
        tpu.vector_store %arg18[%swap3A_441, %swap3A_442], %swap3A_445 {strides = array<i32>} : memref<40x128xf32, #tpu.memory_space<vmem>>, vector<1x16xf32>,
        %get3A_446 = arith.index_cast %scan3A_429 : i32 to index
        %get3A_447 = arith.constant 16 : index
        %get3A_448 = tpu.vector_load %arg14[%get3A_446, %get3A_447] {strides = array<i32>} : memref<40x128xf32, #tpu.memory_space<vmem>>, vector<1x16xf32>,
        %get3A_449 = vector.shape_cast %get3A_448 : vector<1x16xf32> to vector<16xf32>
        %get3A_450 = arith.index_cast %scan3A_429 : i32 to index
        %get3A_451 = arith.constant 16 : index
        %get3A_452 = tpu.vector_load %arg16[%get3A_450, %get3A_451] {strides = array<i32>} : memref<40x128xf32, #tpu.memory_space<vmem>>, vector<1x16xf32>,
        %get3A_453 = vector.shape_cast %get3A_452 : vector<1x16xf32> to vector<16xf32>
        %add3A_454 = arith.addf %get3A_449, %get3A_453 : vector<16xf32>
        %max3A_455 = arith.constant 0.000000e+00 : f32
        %max3A_456 = vector.broadcast %max3A_455 : f32 to vector<16xf32>
        %max3A_457 = arith.maximumf %add3A_454, %max3A_456 : vector<16xf32>
        %swap3A_458 = arith.index_cast %scan3A_429 : i32 to index
        %swap3A_459 = arith.constant 16 : index
        %swap3A_460 = tpu.vector_load %arg18[%swap3A_458, %swap3A_459] {strides = array<i32>} : memref<40x128xf32, #tpu.memory_space<vmem>>, vector<1x16xf32>,
        %swap3A_461 = vector.shape_cast %swap3A_460 : vector<1x16xf32> to vector<16xf32>
        %swap3A_462 = vector.shape_cast %max3A_457 : vector<16xf32> to vector<1x16xf32>
        tpu.vector_store %arg18[%swap3A_458, %swap3A_459], %swap3A_462 {strides = array<i32>} : memref<40x128xf32, #tpu.memory_space<vmem>>, vector<1x16xf32>,
        %get3A_463 = arith.index_cast %scan3A_429 : i32 to index
        %get3A_464 = arith.constant 32 : index
        %get3A_465 = tpu.vector_load %arg14[%get3A_463, %get3A_464] {strides = array<i32>} : memref<40x128xf32, #tpu.memory_space<vmem>>, vector<1x16xf32>,
        %get3A_466 = vector.shape_cast %get3A_465 : vector<1x16xf32> to vector<16xf32>
        %get3A_467 = arith.index_cast %scan3A_429 : i32 to index
        %get3A_468 = arith.constant 32 : index
        %get3A_469 = tpu.vector_load %arg16[%get3A_467, %get3A_468] {strides = array<i32>} : memref<40x128xf32, #tpu.memory_space<vmem>>, vector<1x16xf32>,
        %get3A_470 = vector.shape_cast %get3A_469 : vector<1x16xf32> to vector<16xf32>
        %add3A_471 = arith.addf %get3A_466, %get3A_470 : vector<16xf32>
        %max3A_472 = arith.constant 0.000000e+00 : f32
        %max3A_473 = vector.broadcast %max3A_472 : f32 to vector<16xf32>
        %max3A_474 = arith.maximumf %add3A_471, %max3A_473 : vector<16xf32>
        %swap3A_475 = arith.index_cast %scan3A_429 : i32 to index
        %swap3A_476 = arith.constant 32 : index
        %swap3A_477 = tpu.vector_load %arg18[%swap3A_475, %swap3A_476] {strides = array<i32>} : memref<40x128xf32, #tpu.memory_space<vmem>>, vector<1x16xf32>,
        %swap3A_478 = vector.shape_cast %swap3A_477 : vector<1x16xf32> to vector<16xf32>
        %swap3A_479 = vector.shape_cast %max3A_474 : vector<16xf32> to vector<1x16xf32>
        tpu.vector_store %arg18[%swap3A_475, %swap3A_476], %swap3A_479 {strides = array<i32>} : memref<40x128xf32, #tpu.memory_space<vmem>>, vector<1x16xf32>,
        %get3A_480 = arith.index_cast %scan3A_429 : i32 to index
        %get3A_481 = arith.constant 48 : index
        %get3A_482 = tpu.vector_load %arg14[%get3A_480, %get3A_481] {strides = array<i32>} : memref<40x128xf32, #tpu.memory_space<vmem>>, vector<1x16xf32>,
        %get3A_483 = vector.shape_cast %get3A_482 : vector<1x16xf32> to vector<16xf32>
        %get3A_484 = arith.index_cast %scan3A_429 : i32 to index
        %get3A_485 = arith.constant 48 : index
        %get3A_486 = tpu.vector_load %arg16[%get3A_484, %get3A_485] {strides = array<i32>} : memref<40x128xf32, #tpu.memory_space<vmem>>, vector<1x16xf32>,
        %get3A_487 = vector.shape_cast %get3A_486 : vector<1x16xf32> to vector<16xf32>
        %add3A_488 = arith.addf %get3A_483, %get3A_487 : vector<16xf32>
        %max3A_489 = arith.constant 0.000000e+00 : f32
        %max3A_490 = vector.broadcast %max3A_489 : f32 to vector<16xf32>
        %max3A_491 = arith.maximumf %add3A_488, %max3A_490 : vector<16xf32>
        %swap3A_492 = arith.index_cast %scan3A_429 : i32 to index
        %swap3A_493 = arith.constant 48 : index
        %swap3A_494 = tpu.vector_load %arg18[%swap3A_492, %swap3A_493] {strides = array<i32>} : memref<40x128xf32, #tpu.memory_space<vmem>>, vector<1x16xf32>,
        %swap3A_495 = vector.shape_cast %swap3A_494 : vector<1x16xf32> to vector<16xf32>
        %swap3A_496 = vector.shape_cast %max3A_491 : vector<16xf32> to vector<1x16xf32>
        tpu.vector_store %arg18[%swap3A_492, %swap3A_493], %swap3A_496 {strides = array<i32>} : memref<40x128xf32, #tpu.memory_space<vmem>>, vector<1x16xf32>,
        %get3A_497 = arith.index_cast %scan3A_429 : i32 to index
        %get3A_498 = arith.constant 64 : index
        %get3A_499 = tpu.vector_load %arg14[%get3A_497, %get3A_498] {strides = array<i32>} : memref<40x128xf32, #tpu.memory_space<vmem>>, vector<1x16xf32>,
        %get3A_500 = vector.shape_cast %get3A_499 : vector<1x16xf32> to vector<16xf32>
        %get3A_501 = arith.index_cast %scan3A_429 : i32 to index
        %get3A_502 = arith.constant 64 : index
        %get3A_503 = tpu.vector_load %arg16[%get3A_501, %get3A_502] {strides = array<i32>} : memref<40x128xf32, #tpu.memory_space<vmem>>, vector<1x16xf32>,
        %get3A_504 = vector.shape_cast %get3A_503 : vector<1x16xf32> to vector<16xf32>
        %add3A_505 = arith.addf %get3A_500, %get3A_504 : vector<16xf32>
        %max3A_506 = arith.constant 0.000000e+00 : f32
        %max3A_507 = vector.broadcast %max3A_506 : f32 to vector<16xf32>
        %max3A_508 = arith.maximumf %add3A_505, %max3A_507 : vector<16xf32>
        %swap3A_509 = arith.index_cast %scan3A_429 : i32 to index
        %swap3A_510 = arith.constant 64 : index
        %swap3A_511 = tpu.vector_load %arg18[%swap3A_509, %swap3A_510] {strides = array<i32>} : memref<40x128xf32, #tpu.memory_space<vmem>>, vector<1x16xf32>,
        %swap3A_512 = vector.shape_cast %swap3A_511 : vector<1x16xf32> to vector<16xf32>
        %swap3A_513 = vector.shape_cast %max3A_508 : vector<16xf32> to vector<1x16xf32>
        tpu.vector_store %arg18[%swap3A_509, %swap3A_510], %swap3A_513 {strides = array<i32>} : memref<40x128xf32, #tpu.memory_space<vmem>>, vector<1x16xf32>,
        %get3A_514 = arith.index_cast %scan3A_429 : i32 to index
        %get3A_515 = arith.constant 80 : index
        %get3A_516 = tpu.vector_load %arg14[%get3A_514, %get3A_515] {strides = array<i32>} : memref<40x128xf32, #tpu.memory_space<vmem>>, vector<1x16xf32>,
        %get3A_517 = vector.shape_cast %get3A_516 : vector<1x16xf32> to vector<16xf32>
        %get3A_518 = arith.index_cast %scan3A_429 : i32 to index
        %get3A_519 = arith.constant 80 : index
        %get3A_520 = tpu.vector_load %arg16[%get3A_518, %get3A_519] {strides = array<i32>} : memref<40x128xf32, #tpu.memory_space<vmem>>, vector<1x16xf32>,
        %get3A_521 = vector.shape_cast %get3A_520 : vector<1x16xf32> to vector<16xf32>
        %add3A_522 = arith.addf %get3A_517, %get3A_521 : vector<16xf32>
        %max3A_523 = arith.constant 0.000000e+00 : f32
        %max3A_524 = vector.broadcast %max3A_523 : f32 to vector<16xf32>
        %max3A_525 = arith.maximumf %add3A_522, %max3A_524 : vector<16xf32>
        %swap3A_526 = arith.index_cast %scan3A_429 : i32 to index
        %swap3A_527 = arith.constant 80 : index
        %swap3A_528 = tpu.vector_load %arg18[%swap3A_526, %swap3A_527] {strides = array<i32>} : memref<40x128xf32, #tpu.memory_space<vmem>>, vector<1x16xf32>,
        %swap3A_529 = vector.shape_cast %swap3A_528 : vector<1x16xf32> to vector<16xf32>
        %swap3A_530 = vector.shape_cast %max3A_525 : vector<16xf32> to vector<1x16xf32>
        tpu.vector_store %arg18[%swap3A_526, %swap3A_527], %swap3A_530 {strides = array<i32>} : memref<40x128xf32, #tpu.memory_space<vmem>>, vector<1x16xf32>,
        %get3A_531 = arith.index_cast %scan3A_429 : i32 to index
        %get3A_532 = arith.constant 96 : index
        %get3A_533 = tpu.vector_load %arg14[%get3A_531, %get3A_532] {strides = array<i32>} : memref<40x128xf32, #tpu.memory_space<vmem>>, vector<1x16xf32>,
        %get3A_534 = vector.shape_cast %get3A_533 : vector<1x16xf32> to vector<16xf32>
        %get3A_535 = arith.index_cast %scan3A_429 : i32 to index
        %get3A_536 = arith.constant 96 : index
        %get3A_537 = tpu.vector_load %arg16[%get3A_535, %get3A_536] {strides = array<i32>} : memref<40x128xf32, #tpu.memory_space<vmem>>, vector<1x16xf32>,
        %get3A_538 = vector.shape_cast %get3A_537 : vector<1x16xf32> to vector<16xf32>
        %add3A_539 = arith.addf %get3A_534, %get3A_538 : vector<16xf32>
        %max3A_540 = arith.constant 0.000000e+00 : f32
        %max3A_541 = vector.broadcast %max3A_540 : f32 to vector<16xf32>
        %max3A_542 = arith.maximumf %add3A_539, %max3A_541 : vector<16xf32>
        %swap3A_543 = arith.index_cast %scan3A_429 : i32 to index
        %swap3A_544 = arith.constant 96 : index
        %swap3A_545 = tpu.vector_load %arg18[%swap3A_543, %swap3A_544] {strides = array<i32>} : memref<40x128xf32, #tpu.memory_space<vmem>>, vector<1x16xf32>,
        %swap3A_546 = vector.shape_cast %swap3A_545 : vector<1x16xf32> to vector<16xf32>
        %swap3A_547 = vector.shape_cast %max3A_542 : vector<16xf32> to vector<1x16xf32>
        tpu.vector_store %arg18[%swap3A_543, %swap3A_544], %swap3A_547 {strides = array<i32>} : memref<40x128xf32, #tpu.memory_space<vmem>>, vector<1x16xf32>,
        %get3A_548 = arith.index_cast %scan3A_429 : i32 to index
        %get3A_549 = arith.constant 112 : index
        %get3A_550 = tpu.vector_load %arg14[%get3A_548, %get3A_549] {strides = array<i32>} : memref<40x128xf32, #tpu.memory_space<vmem>>, vector<1x16xf32>,
        %get3A_551 = vector.shape_cast %get3A_550 : vector<1x16xf32> to vector<16xf32>
        %get3A_552 = arith.index_cast %scan3A_429 : i32 to index
        %get3A_553 = arith.constant 112 : index
        %get3A_554 = tpu.vector_load %arg16[%get3A_552, %get3A_553] {strides = array<i32>} : memref<40x128xf32, #tpu.memory_space<vmem>>, vector<1x16xf32>,
        %get3A_555 = vector.shape_cast %get3A_554 : vector<1x16xf32> to vector<16xf32>
        %add3A_556 = arith.addf %get3A_551, %get3A_555 : vector<16xf32>
        %max3A_557 = arith.constant 0.000000e+00 : f32
        %max3A_558 = vector.broadcast %max3A_557 : f32 to vector<16xf32>
        %max3A_559 = arith.maximumf %add3A_556, %max3A_558 : vector<16xf32>
        %swap3A_560 = arith.index_cast %scan3A_429 : i32 to index
        %swap3A_561 = arith.constant 112 : index
        %swap3A_562 = tpu.vector_load %arg18[%swap3A_560, %swap3A_561] {strides = array<i32>} : memref<40x128xf32, #tpu.memory_space<vmem>>, vector<1x16xf32>,
        %swap3A_563 = vector.shape_cast %swap3A_562 : vector<1x16xf32> to vector<16xf32>
        %swap3A_564 = vector.shape_cast %max3A_559 : vector<16xf32> to vector<1x16xf32>
        tpu.vector_store %arg18[%swap3A_560, %swap3A_561], %swap3A_564 {strides = array<i32>} : memref<40x128xf32, #tpu.memory_space<vmem>>, vector<1x16xf32>,
        %scan3A_565 = arith.constant 1 : i32
        %scan3A_566 = arith.addi %scan3A_429, %scan3A_565 : i32
        %get3A_567 = arith.index_cast %scan3A_566 : i32 to index
        %get3A_568 = arith.constant 0 : index
        %get3A_569 = tpu.vector_load %arg14[%get3A_567, %get3A_568] {strides = array<i32>} : memref<40x128xf32, #tpu.memory_space<vmem>>, vector<1x16xf32>,
        %get3A_570 = vector.shape_cast %get3A_569 : vector<1x16xf32> to vector<16xf32>
        %get3A_571 = arith.index_cast %scan3A_566 : i32 to index
        %get3A_572 = arith.constant 0 : index
        %get3A_573 = tpu.vector_load %arg16[%get3A_571, %get3A_572] {strides = array<i32>} : memref<40x128xf32, #tpu.memory_space<vmem>>, vector<1x16xf32>,
        %get3A_574 = vector.shape_cast %get3A_573 : vector<1x16xf32> to vector<16xf32>
        %add3A_575 = arith.addf %get3A_570, %get3A_574 : vector<16xf32>
        %max3A_576 = arith.constant 0.000000e+00 : f32
        %max3A_577 = vector.broadcast %max3A_576 : f32 to vector<16xf32>
        %max3A_578 = arith.maximumf %add3A_575, %max3A_577 : vector<16xf32>
        %swap3A_579 = arith.index_cast %scan3A_566 : i32 to index
        %swap3A_580 = arith.constant 0 : index
        %swap3A_581 = tpu.vector_load %arg18[%swap3A_579, %swap3A_580] {strides = array<i32>} : memref<40x128xf32, #tpu.memory_space<vmem>>, vector<1x16xf32>,
        %swap3A_582 = vector.shape_cast %swap3A_581 : vector<1x16xf32> to vector<16xf32>
        %swap3A_583 = vector.shape_cast %max3A_578 : vector<16xf32> to vector<1x16xf32>
        tpu.vector_store %arg18[%swap3A_579, %swap3A_580], %swap3A_583 {strides = array<i32>} : memref<40x128xf32, #tpu.memory_space<vmem>>, vector<1x16xf32>,
        %get3A_584 = arith.index_cast %scan3A_566 : i32 to index
        %get3A_585 = arith.constant 16 : index
        %get3A_586 = tpu.vector_load %arg14[%get3A_584, %get3A_585] {strides = array<i32>} : memref<40x128xf32, #tpu.memory_space<vmem>>, vector<1x16xf32>,
        %get3A_587 = vector.shape_cast %get3A_586 : vector<1x16xf32> to vector<16xf32>
        %get3A_588 = arith.index_cast %scan3A_566 : i32 to index
        %get3A_589 = arith.constant 16 : index
        %get3A_590 = tpu.vector_load %arg16[%get3A_588, %get3A_589] {strides = array<i32>} : memref<40x128xf32, #tpu.memory_space<vmem>>, vector<1x16xf32>,
        %get3A_591 = vector.shape_cast %get3A_590 : vector<1x16xf32> to vector<16xf32>
        %add3A_592 = arith.addf %get3A_587, %get3A_591 : vector<16xf32>
        %max3A_593 = arith.constant 0.000000e+00 : f32
        %max3A_594 = vector.broadcast %max3A_593 : f32 to vector<16xf32>
        %max3A_595 = arith.maximumf %add3A_592, %max3A_594 : vector<16xf32>
        %swap3A_596 = arith.index_cast %scan3A_566 : i32 to index
        %swap3A_597 = arith.constant 16 : index
        %swap3A_598 = tpu.vector_load %arg18[%swap3A_596, %swap3A_597] {strides = array<i32>} : memref<40x128xf32, #tpu.memory_space<vmem>>, vector<1x16xf32>,
        %swap3A_599 = vector.shape_cast %swap3A_598 : vector<1x16xf32> to vector<16xf32>
        %swap3A_600 = vector.shape_cast %max3A_595 : vector<16xf32> to vector<1x16xf32>
        tpu.vector_store %arg18[%swap3A_596, %swap3A_597], %swap3A_600 {strides = array<i32>} : memref<40x128xf32, #tpu.memory_space<vmem>>, vector<1x16xf32>,
        %get3A_601 = arith.index_cast %scan3A_566 : i32 to index
        %get3A_602 = arith.constant 32 : index
        %get3A_603 = tpu.vector_load %arg14[%get3A_601, %get3A_602] {strides = array<i32>} : memref<40x128xf32, #tpu.memory_space<vmem>>, vector<1x16xf32>,
        %get3A_604 = vector.shape_cast %get3A_603 : vector<1x16xf32> to vector<16xf32>
        %get3A_605 = arith.index_cast %scan3A_566 : i32 to index
        %get3A_606 = arith.constant 32 : index
        %get3A_607 = tpu.vector_load %arg16[%get3A_605, %get3A_606] {strides = array<i32>} : memref<40x128xf32, #tpu.memory_space<vmem>>, vector<1x16xf32>,
        %get3A_608 = vector.shape_cast %get3A_607 : vector<1x16xf32> to vector<16xf32>
        %add3A_609 = arith.addf %get3A_604, %get3A_608 : vector<16xf32>
        %max3A_610 = arith.constant 0.000000e+00 : f32
        %max3A_611 = vector.broadcast %max3A_610 : f32 to vector<16xf32>
        %max3A_612 = arith.maximumf %add3A_609, %max3A_611 : vector<16xf32>
        %swap3A_613 = arith.index_cast %scan3A_566 : i32 to index
        %swap3A_614 = arith.constant 32 : index
        %swap3A_615 = tpu.vector_load %arg18[%swap3A_613, %swap3A_614] {strides = array<i32>} : memref<40x128xf32, #tpu.memory_space<vmem>>, vector<1x16xf32>,
        %swap3A_616 = vector.shape_cast %swap3A_615 : vector<1x16xf32> to vector<16xf32>
        %swap3A_617 = vector.shape_cast %max3A_612 : vector<16xf32> to vector<1x16xf32>
        tpu.vector_store %arg18[%swap3A_613, %swap3A_614], %swap3A_617 {strides = array<i32>} : memref<40x128xf32, #tpu.memory_space<vmem>>, vector<1x16xf32>,
        %get3A_618 = arith.index_cast %scan3A_566 : i32 to index
        %get3A_619 = arith.constant 48 : index
        %get3A_620 = tpu.vector_load %arg14[%get3A_618, %get3A_619] {strides = array<i32>} : memref<40x128xf32, #tpu.memory_space<vmem>>, vector<1x16xf32>,
        %get3A_621 = vector.shape_cast %get3A_620 : vector<1x16xf32> to vector<16xf32>
        %get3A_622 = arith.index_cast %scan3A_566 : i32 to index
        %get3A_623 = arith.constant 48 : index
        %get3A_624 = tpu.vector_load %arg16[%get3A_622, %get3A_623] {strides = array<i32>} : memref<40x128xf32, #tpu.memory_space<vmem>>, vector<1x16xf32>,
        %get3A_625 = vector.shape_cast %get3A_624 : vector<1x16xf32> to vector<16xf32>
        %add3A_626 = arith.addf %get3A_621, %get3A_625 : vector<16xf32>
        %max3A_627 = arith.constant 0.000000e+00 : f32
        %max3A_628 = vector.broadcast %max3A_627 : f32 to vector<16xf32>
        %max3A_629 = arith.maximumf %add3A_626, %max3A_628 : vector<16xf32>
        %swap3A_630 = arith.index_cast %scan3A_566 : i32 to index
        %swap3A_631 = arith.constant 48 : index
        %swap3A_632 = tpu.vector_load %arg18[%swap3A_630, %swap3A_631] {strides = array<i32>} : memref<40x128xf32, #tpu.memory_space<vmem>>, vector<1x16xf32>,
        %swap3A_633 = vector.shape_cast %swap3A_632 : vector<1x16xf32> to vector<16xf32>
        %swap3A_634 = vector.shape_cast %max3A_629 : vector<16xf32> to vector<1x16xf32>
        tpu.vector_store %arg18[%swap3A_630, %swap3A_631], %swap3A_634 {strides = array<i32>} : memref<40x128xf32, #tpu.memory_space<vmem>>, vector<1x16xf32>,
        %get3A_635 = arith.index_cast %scan3A_566 : i32 to index
        %get3A_636 = arith.constant 64 : index
        %get3A_637 = tpu.vector_load %arg14[%get3A_635, %get3A_636] {strides = array<i32>} : memref<40x128xf32, #tpu.memory_space<vmem>>, vector<1x16xf32>,
        %get3A_638 = vector.shape_cast %get3A_637 : vector<1x16xf32> to vector<16xf32>
        %get3A_639 = arith.index_cast %scan3A_566 : i32 to index
        %get3A_640 = arith.constant 64 : index
        %get3A_641 = tpu.vector_load %arg16[%get3A_639, %get3A_640] {strides = array<i32>} : memref<40x128xf32, #tpu.memory_space<vmem>>, vector<1x16xf32>,
        %get3A_642 = vector.shape_cast %get3A_641 : vector<1x16xf32> to vector<16xf32>
        %add3A_643 = arith.addf %get3A_638, %get3A_642 : vector<16xf32>
        %max3A_644 = arith.constant 0.000000e+00 : f32
        %max3A_645 = vector.broadcast %max3A_644 : f32 to vector<16xf32>
        %max3A_646 = arith.maximumf %add3A_643, %max3A_645 : vector<16xf32>
        %swap3A_647 = arith.index_cast %scan3A_566 : i32 to index
        %swap3A_648 = arith.constant 64 : index
        %swap3A_649 = tpu.vector_load %arg18[%swap3A_647, %swap3A_648] {strides = array<i32>} : memref<40x128xf32, #tpu.memory_space<vmem>>, vector<1x16xf32>,
        %swap3A_650 = vector.shape_cast %swap3A_649 : vector<1x16xf32> to vector<16xf32>
        %swap3A_651 = vector.shape_cast %max3A_646 : vector<16xf32> to vector<1x16xf32>
        tpu.vector_store %arg18[%swap3A_647, %swap3A_648], %swap3A_651 {strides = array<i32>} : memref<40x128xf32, #tpu.memory_space<vmem>>, vector<1x16xf32>,
        %get3A_652 = arith.index_cast %scan3A_566 : i32 to index
        %get3A_653 = arith.constant 80 : index
        %get3A_654 = tpu.vector_load %arg14[%get3A_652, %get3A_653] {strides = array<i32>} : memref<40x128xf32, #tpu.memory_space<vmem>>, vector<1x16xf32>,
        %get3A_655 = vector.shape_cast %get3A_654 : vector<1x16xf32> to vector<16xf32>
        %get3A_656 = arith.index_cast %scan3A_566 : i32 to index
        %get3A_657 = arith.constant 80 : index
        %get3A_658 = tpu.vector_load %arg16[%get3A_656, %get3A_657] {strides = array<i32>} : memref<40x128xf32, #tpu.memory_space<vmem>>, vector<1x16xf32>,
        %get3A_659 = vector.shape_cast %get3A_658 : vector<1x16xf32> to vector<16xf32>
        %add3A_660 = arith.addf %get3A_655, %get3A_659 : vector<16xf32>
        %max3A_661 = arith.constant 0.000000e+00 : f32
        %max3A_662 = vector.broadcast %max3A_661 : f32 to vector<16xf32>
        %max3A_663 = arith.maximumf %add3A_660, %max3A_662 : vector<16xf32>
        %swap3A_664 = arith.index_cast %scan3A_566 : i32 to index
        %swap3A_665 = arith.constant 80 : index
        %swap3A_666 = tpu.vector_load %arg18[%swap3A_664, %swap3A_665] {strides = array<i32>} : memref<40x128xf32, #tpu.memory_space<vmem>>, vector<1x16xf32>,
        %swap3A_667 = vector.shape_cast %swap3A_666 : vector<1x16xf32> to vector<16xf32>
        %swap3A_668 = vector.shape_cast %max3A_663 : vector<16xf32> to vector<1x16xf32>
        tpu.vector_store %arg18[%swap3A_664, %swap3A_665], %swap3A_668 {strides = array<i32>} : memref<40x128xf32, #tpu.memory_space<vmem>>, vector<1x16xf32>,
        %get3A_669 = arith.index_cast %scan3A_566 : i32 to index
        %get3A_670 = arith.constant 96 : index
        %get3A_671 = tpu.vector_load %arg14[%get3A_669, %get3A_670] {strides = array<i32>} : memref<40x128xf32, #tpu.memory_space<vmem>>, vector<1x16xf32>,
        %get3A_672 = vector.shape_cast %get3A_671 : vector<1x16xf32> to vector<16xf32>
        %get3A_673 = arith.index_cast %scan3A_566 : i32 to index
        %get3A_674 = arith.constant 96 : index
        %get3A_675 = tpu.vector_load %arg16[%get3A_673, %get3A_674] {strides = array<i32>} : memref<40x128xf32, #tpu.memory_space<vmem>>, vector<1x16xf32>,
        %get3A_676 = vector.shape_cast %get3A_675 : vector<1x16xf32> to vector<16xf32>
        %add3A_677 = arith.addf %get3A_672, %get3A_676 : vector<16xf32>
        %max3A_678 = arith.constant 0.000000e+00 : f32
        %max3A_679 = vector.broadcast %max3A_678 : f32 to vector<16xf32>
        %max3A_680 = arith.maximumf %add3A_677, %max3A_679 : vector<16xf32>
        %swap3A_681 = arith.index_cast %scan3A_566 : i32 to index
        %swap3A_682 = arith.constant 96 : index
        %swap3A_683 = tpu.vector_load %arg18[%swap3A_681, %swap3A_682] {strides = array<i32>} : memref<40x128xf32, #tpu.memory_space<vmem>>, vector<1x16xf32>,
        %swap3A_684 = vector.shape_cast %swap3A_683 : vector<1x16xf32> to vector<16xf32>
        %swap3A_685 = vector.shape_cast %max3A_680 : vector<16xf32> to vector<1x16xf32>
        tpu.vector_store %arg18[%swap3A_681, %swap3A_682], %swap3A_685 {strides = array<i32>} : memref<40x128xf32, #tpu.memory_space<vmem>>, vector<1x16xf32>,
        %get3A_686 = arith.index_cast %scan3A_566 : i32 to index
        %get3A_687 = arith.constant 112 : index
        %get3A_688 = tpu.vector_load %arg14[%get3A_686, %get3A_687] {strides = array<i32>} : memref<40x128xf32, #tpu.memory_space<vmem>>, vector<1x16xf32>,
        %get3A_689 = vector.shape_cast %get3A_688 : vector<1x16xf32> to vector<16xf32>
        %get3A_690 = arith.index_cast %scan3A_566 : i32 to index
        %get3A_691 = arith.constant 112 : index
        %get3A_692 = tpu.vector_load %arg16[%get3A_690, %get3A_691] {strides = array<i32>} : memref<40x128xf32, #tpu.memory_space<vmem>>, vector<1x16xf32>,
        %get3A_693 = vector.shape_cast %get3A_692 : vector<1x16xf32> to vector<16xf32>
        %add3A_694 = arith.addf %get3A_689, %get3A_693 : vector<16xf32>
        %max3A_695 = arith.constant 0.000000e+00 : f32
        %max3A_696 = vector.broadcast %max3A_695 : f32 to vector<16xf32>
        %max3A_697 = arith.maximumf %add3A_694, %max3A_696 : vector<16xf32>
        %swap3A_698 = arith.index_cast %scan3A_566 : i32 to index
        %swap3A_699 = arith.constant 112 : index
        %swap3A_700 = tpu.vector_load %arg18[%swap3A_698, %swap3A_699] {strides = array<i32>} : memref<40x128xf32, #tpu.memory_space<vmem>>, vector<1x16xf32>,
        %swap3A_701 = vector.shape_cast %swap3A_700 : vector<1x16xf32> to vector<16xf32>
        %swap3A_702 = vector.shape_cast %max3A_697 : vector<16xf32> to vector<1x16xf32>
        tpu.vector_store %arg18[%swap3A_698, %swap3A_699], %swap3A_702 {strides = array<i32>} : memref<40x128xf32, #tpu.memory_space<vmem>>, vector<1x16xf32>,
        %scan3A_703 = arith.constant 2 : i32
        %scan3A_704 = arith.addi %scan3A_429, %scan3A_703 : i32
        %get3A_705 = arith.index_cast %scan3A_704 : i32 to index
        %get3A_706 = arith.constant 0 : index
        %get3A_707 = tpu.vector_load %arg14[%get3A_705, %get3A_706] {strides = array<i32>} : memref<40x128xf32, #tpu.memory_space<vmem>>, vector<1x16xf32>,
        %get3A_708 = vector.shape_cast %get3A_707 : vector<1x16xf32> to vector<16xf32>
        %get3A_709 = arith.index_cast %scan3A_704 : i32 to index
        %get3A_710 = arith.constant 0 : index
        %get3A_711 = tpu.vector_load %arg16[%get3A_709, %get3A_710] {strides = array<i32>} : memref<40x128xf32, #tpu.memory_space<vmem>>, vector<1x16xf32>,
        %get3A_712 = vector.shape_cast %get3A_711 : vector<1x16xf32> to vector<16xf32>
        %add3A_713 = arith.addf %get3A_708, %get3A_712 : vector<16xf32>
        %max3A_714 = arith.constant 0.000000e+00 : f32
        %max3A_715 = vector.broadcast %max3A_714 : f32 to vector<16xf32>
        %max3A_716 = arith.maximumf %add3A_713, %max3A_715 : vector<16xf32>
        %swap3A_717 = arith.index_cast %scan3A_704 : i32 to index
        %swap3A_718 = arith.constant 0 : index
        %swap3A_719 = tpu.vector_load %arg18[%swap3A_717, %swap3A_718] {strides = array<i32>} : memref<40x128xf32, #tpu.memory_space<vmem>>, vector<1x16xf32>,
        %swap3A_720 = vector.shape_cast %swap3A_719 : vector<1x16xf32> to vector<16xf32>
        %swap3A_721 = vector.shape_cast %max3A_716 : vector<16xf32> to vector<1x16xf32>
        tpu.vector_store %arg18[%swap3A_717, %swap3A_718], %swap3A_721 {strides = array<i32>} : memref<40x128xf32, #tpu.memory_space<vmem>>, vector<1x16xf32>,
        %get3A_722 = arith.index_cast %scan3A_704 : i32 to index
        %get3A_723 = arith.constant 16 : index
        %get3A_724 = tpu.vector_load %arg14[%get3A_722, %get3A_723] {strides = array<i32>} : memref<40x128xf32, #tpu.memory_space<vmem>>, vector<1x16xf32>,
        %get3A_725 = vector.shape_cast %get3A_724 : vector<1x16xf32> to vector<16xf32>
        %get3A_726 = arith.index_cast %scan3A_704 : i32 to index
        %get3A_727 = arith.constant 16 : index
        %get3A_728 = tpu.vector_load %arg16[%get3A_726, %get3A_727] {strides = array<i32>} : memref<40x128xf32, #tpu.memory_space<vmem>>, vector<1x16xf32>,
        %get3A_729 = vector.shape_cast %get3A_728 : vector<1x16xf32> to vector<16xf32>
        %add3A_730 = arith.addf %get3A_725, %get3A_729 : vector<16xf32>
        %max3A_731 = arith.constant 0.000000e+00 : f32
        %max3A_732 = vector.broadcast %max3A_731 : f32 to vector<16xf32>
        %max3A_733 = arith.maximumf %add3A_730, %max3A_732 : vector<16xf32>
        %swap3A_734 = arith.index_cast %scan3A_704 : i32 to index
        %swap3A_735 = arith.constant 16 : index
        %swap3A_736 = tpu.vector_load %arg18[%swap3A_734, %swap3A_735] {strides = array<i32>} : memref<40x128xf32, #tpu.memory_space<vmem>>, vector<1x16xf32>,
        %swap3A_737 = vector.shape_cast %swap3A_736 : vector<1x16xf32> to vector<16xf32>
        %swap3A_738 = vector.shape_cast %max3A_733 : vector<16xf32> to vector<1x16xf32>
        tpu.vector_store %arg18[%swap3A_734, %swap3A_735], %swap3A_738 {strides = array<i32>} : memref<40x128xf32, #tpu.memory_space<vmem>>, vector<1x16xf32>,
        %get3A_739 = arith.index_cast %scan3A_704 : i32 to index
        %get3A_740 = arith.constant 32 : index
        %get3A_741 = tpu.vector_load %arg14[%get3A_739, %get3A_740] {strides = array<i32>} : memref<40x128xf32, #tpu.memory_space<vmem>>, vector<1x16xf32>,
        %get3A_742 = vector.shape_cast %get3A_741 : vector<1x16xf32> to vector<16xf32>
        %get3A_743 = arith.index_cast %scan3A_704 : i32 to index
        %get3A_744 = arith.constant 32 : index
        %get3A_745 = tpu.vector_load %arg16[%get3A_743, %get3A_744] {strides = array<i32>} : memref<40x128xf32, #tpu.memory_space<vmem>>, vector<1x16xf32>,
        %get3A_746 = vector.shape_cast %get3A_745 : vector<1x16xf32> to vector<16xf32>
        %add3A_747 = arith.addf %get3A_742, %get3A_746 : vector<16xf32>
        %max3A_748 = arith.constant 0.000000e+00 : f32
        %max3A_749 = vector.broadcast %max3A_748 : f32 to vector<16xf32>
        %max3A_750 = arith.maximumf %add3A_747, %max3A_749 : vector<16xf32>
        %swap3A_751 = arith.index_cast %scan3A_704 : i32 to index
        %swap3A_752 = arith.constant 32 : index
        %swap3A_753 = tpu.vector_load %arg18[%swap3A_751, %swap3A_752] {strides = array<i32>} : memref<40x128xf32, #tpu.memory_space<vmem>>, vector<1x16xf32>,
        %swap3A_754 = vector.shape_cast %swap3A_753 : vector<1x16xf32> to vector<16xf32>
        %swap3A_755 = vector.shape_cast %max3A_750 : vector<16xf32> to vector<1x16xf32>
        tpu.vector_store %arg18[%swap3A_751, %swap3A_752], %swap3A_755 {strides = array<i32>} : memref<40x128xf32, #tpu.memory_space<vmem>>, vector<1x16xf32>,
        %get3A_756 = arith.index_cast %scan3A_704 : i32 to index
        %get3A_757 = arith.constant 48 : index
        %get3A_758 = tpu.vector_load %arg14[%get3A_756, %get3A_757] {strides = array<i32>} : memref<40x128xf32, #tpu.memory_space<vmem>>, vector<1x16xf32>,
        %get3A_759 = vector.shape_cast %get3A_758 : vector<1x16xf32> to vector<16xf32>
        %get3A_760 = arith.index_cast %scan3A_704 : i32 to index
        %get3A_761 = arith.constant 48 : index
        %get3A_762 = tpu.vector_load %arg16[%get3A_760, %get3A_761] {strides = array<i32>} : memref<40x128xf32, #tpu.memory_space<vmem>>, vector<1x16xf32>,
        %get3A_763 = vector.shape_cast %get3A_762 : vector<1x16xf32> to vector<16xf32>
        %add3A_764 = arith.addf %get3A_759, %get3A_763 : vector<16xf32>
        %max3A_765 = arith.constant 0.000000e+00 : f32
        %max3A_766 = vector.broadcast %max3A_765 : f32 to vector<16xf32>
        %max3A_767 = arith.maximumf %add3A_764, %max3A_766 : vector<16xf32>
        %swap3A_768 = arith.index_cast %scan3A_704 : i32 to index
        %swap3A_769 = arith.constant 48 : index
        %swap3A_770 = tpu.vector_load %arg18[%swap3A_768, %swap3A_769] {strides = array<i32>} : memref<40x128xf32, #tpu.memory_space<vmem>>, vector<1x16xf32>,
        %swap3A_771 = vector.shape_cast %swap3A_770 : vector<1x16xf32> to vector<16xf32>
        %swap3A_772 = vector.shape_cast %max3A_767 : vector<16xf32> to vector<1x16xf32>
        tpu.vector_store %arg18[%swap3A_768, %swap3A_769], %swap3A_772 {strides = array<i32>} : memref<40x128xf32, #tpu.memory_space<vmem>>, vector<1x16xf32>,
        %get3A_773 = arith.index_cast %scan3A_704 : i32 to index
        %get3A_774 = arith.constant 64 : index
        %get3A_775 = tpu.vector_load %arg14[%get3A_773, %get3A_774] {strides = array<i32>} : memref<40x128xf32, #tpu.memory_space<vmem>>, vector<1x16xf32>,
        %get3A_776 = vector.shape_cast %get3A_775 : vector<1x16xf32> to vector<16xf32>
        %get3A_777 = arith.index_cast %scan3A_704 : i32 to index
        %get3A_778 = arith.constant 64 : index
        %get3A_779 = tpu.vector_load %arg16[%get3A_777, %get3A_778] {strides = array<i32>} : memref<40x128xf32, #tpu.memory_space<vmem>>, vector<1x16xf32>,
        %get3A_780 = vector.shape_cast %get3A_779 : vector<1x16xf32> to vector<16xf32>
        %add3A_781 = arith.addf %get3A_776, %get3A_780 : vector<16xf32>
        %max3A_782 = arith.constant 0.000000e+00 : f32
        %max3A_783 = vector.broadcast %max3A_782 : f32 to vector<16xf32>
        %max3A_784 = arith.maximumf %add3A_781, %max3A_783 : vector<16xf32>
        %swap3A_785 = arith.index_cast %scan3A_704 : i32 to index
        %swap3A_786 = arith.constant 64 : index
        %swap3A_787 = tpu.vector_load %arg18[%swap3A_785, %swap3A_786] {strides = array<i32>} : memref<40x128xf32, #tpu.memory_space<vmem>>, vector<1x16xf32>,
        %swap3A_788 = vector.shape_cast %swap3A_787 : vector<1x16xf32> to vector<16xf32>
        %swap3A_789 = vector.shape_cast %max3A_784 : vector<16xf32> to vector<1x16xf32>
        tpu.vector_store %arg18[%swap3A_785, %swap3A_786], %swap3A_789 {strides = array<i32>} : memref<40x128xf32, #tpu.memory_space<vmem>>, vector<1x16xf32>,
        %get3A_790 = arith.index_cast %scan3A_704 : i32 to index
        %get3A_791 = arith.constant 80 : index
        %get3A_792 = tpu.vector_load %arg14[%get3A_790, %get3A_791] {strides = array<i32>} : memref<40x128xf32, #tpu.memory_space<vmem>>, vector<1x16xf32>,
        %get3A_793 = vector.shape_cast %get3A_792 : vector<1x16xf32> to vector<16xf32>
        %get3A_794 = arith.index_cast %scan3A_704 : i32 to index
        %get3A_795 = arith.constant 80 : index
        %get3A_796 = tpu.vector_load %arg16[%get3A_794, %get3A_795] {strides = array<i32>} : memref<40x128xf32, #tpu.memory_space<vmem>>, vector<1x16xf32>,
        %get3A_797 = vector.shape_cast %get3A_796 : vector<1x16xf32> to vector<16xf32>
        %add3A_798 = arith.addf %get3A_793, %get3A_797 : vector<16xf32>
        %max3A_799 = arith.constant 0.000000e+00 : f32
        %max3A_800 = vector.broadcast %max3A_799 : f32 to vector<16xf32>
        %max3A_801 = arith.maximumf %add3A_798, %max3A_800 : vector<16xf32>
        %swap3A_802 = arith.index_cast %scan3A_704 : i32 to index
        %swap3A_803 = arith.constant 80 : index
        %swap3A_804 = tpu.vector_load %arg18[%swap3A_802, %swap3A_803] {strides = array<i32>} : memref<40x128xf32, #tpu.memory_space<vmem>>, vector<1x16xf32>,
        %swap3A_805 = vector.shape_cast %swap3A_804 : vector<1x16xf32> to vector<16xf32>
        %swap3A_806 = vector.shape_cast %max3A_801 : vector<16xf32> to vector<1x16xf32>
        tpu.vector_store %arg18[%swap3A_802, %swap3A_803], %swap3A_806 {strides = array<i32>} : memref<40x128xf32, #tpu.memory_space<vmem>>, vector<1x16xf32>,
        %get3A_807 = arith.index_cast %scan3A_704 : i32 to index
        %get3A_808 = arith.constant 96 : index
        %get3A_809 = tpu.vector_load %arg14[%get3A_807, %get3A_808] {strides = array<i32>} : memref<40x128xf32, #tpu.memory_space<vmem>>, vector<1x16xf32>,
        %get3A_810 = vector.shape_cast %get3A_809 : vector<1x16xf32> to vector<16xf32>
        %get3A_811 = arith.index_cast %scan3A_704 : i32 to index
        %get3A_812 = arith.constant 96 : index
        %get3A_813 = tpu.vector_load %arg16[%get3A_811, %get3A_812] {strides = array<i32>} : memref<40x128xf32, #tpu.memory_space<vmem>>, vector<1x16xf32>,
        %get3A_814 = vector.shape_cast %get3A_813 : vector<1x16xf32> to vector<16xf32>
        %add3A_815 = arith.addf %get3A_810, %get3A_814 : vector<16xf32>
        %max3A_816 = arith.constant 0.000000e+00 : f32
        %max3A_817 = vector.broadcast %max3A_816 : f32 to vector<16xf32>
        %max3A_818 = arith.maximumf %add3A_815, %max3A_817 : vector<16xf32>
        %swap3A_819 = arith.index_cast %scan3A_704 : i32 to index
        %swap3A_820 = arith.constant 96 : index
        %swap3A_821 = tpu.vector_load %arg18[%swap3A_819, %swap3A_820] {strides = array<i32>} : memref<40x128xf32, #tpu.memory_space<vmem>>, vector<1x16xf32>,
        %swap3A_822 = vector.shape_cast %swap3A_821 : vector<1x16xf32> to vector<16xf32>
        %swap3A_823 = vector.shape_cast %max3A_818 : vector<16xf32> to vector<1x16xf32>
        tpu.vector_store %arg18[%swap3A_819, %swap3A_820], %swap3A_823 {strides = array<i32>} : memref<40x128xf32, #tpu.memory_space<vmem>>, vector<1x16xf32>,
        %get3A_824 = arith.index_cast %scan3A_704 : i32 to index
        %get3A_825 = arith.constant 112 : index
        %get3A_826 = tpu.vector_load %arg14[%get3A_824, %get3A_825] {strides = array<i32>} : memref<40x128xf32, #tpu.memory_space<vmem>>, vector<1x16xf32>,
        %get3A_827 = vector.shape_cast %get3A_826 : vector<1x16xf32> to vector<16xf32>
        %get3A_828 = arith.index_cast %scan3A_704 : i32 to index
        %get3A_829 = arith.constant 112 : index
        %get3A_830 = tpu.vector_load %arg16[%get3A_828, %get3A_829] {strides = array<i32>} : memref<40x128xf32, #tpu.memory_space<vmem>>, vector<1x16xf32>,
        %get3A_831 = vector.shape_cast %get3A_830 : vector<1x16xf32> to vector<16xf32>
        %add3A_832 = arith.addf %get3A_827, %get3A_831 : vector<16xf32>
        %max3A_833 = arith.constant 0.000000e+00 : f32
        %max3A_834 = vector.broadcast %max3A_833 : f32 to vector<16xf32>
        %max3A_835 = arith.maximumf %add3A_832, %max3A_834 : vector<16xf32>
        %swap3A_836 = arith.index_cast %scan3A_704 : i32 to index
        %swap3A_837 = arith.constant 112 : index
        %swap3A_838 = tpu.vector_load %arg18[%swap3A_836, %swap3A_837] {strides = array<i32>} : memref<40x128xf32, #tpu.memory_space<vmem>>, vector<1x16xf32>,
        %swap3A_839 = vector.shape_cast %swap3A_838 : vector<1x16xf32> to vector<16xf32>
        %swap3A_840 = vector.shape_cast %max3A_835 : vector<16xf32> to vector<1x16xf32>
        tpu.vector_store %arg18[%swap3A_836, %swap3A_837], %swap3A_840 {strides = array<i32>} : memref<40x128xf32, #tpu.memory_space<vmem>>, vector<1x16xf32>,
        %scan3A_841 = arith.constant 3 : i32
        %scan3A_842 = arith.addi %scan3A_429, %scan3A_841 : i32
        %get3A_843 = arith.index_cast %scan3A_842 : i32 to index
        %get3A_844 = arith.constant 0 : index
        %get3A_845 = tpu.vector_load %arg14[%get3A_843, %get3A_844] {strides = array<i32>} : memref<40x128xf32, #tpu.memory_space<vmem>>, vector<1x16xf32>,
        %get3A_846 = vector.shape_cast %get3A_845 : vector<1x16xf32> to vector<16xf32>
        %get3A_847 = arith.index_cast %scan3A_842 : i32 to index
        %get3A_848 = arith.constant 0 : index
        %get3A_849 = tpu.vector_load %arg16[%get3A_847, %get3A_848] {strides = array<i32>} : memref<40x128xf32, #tpu.memory_space<vmem>>, vector<1x16xf32>,
        %get3A_850 = vector.shape_cast %get3A_849 : vector<1x16xf32> to vector<16xf32>
        %add3A_851 = arith.addf %get3A_846, %get3A_850 : vector<16xf32>
        %max3A_852 = arith.constant 0.000000e+00 : f32
        %max3A_853 = vector.broadcast %max3A_852 : f32 to vector<16xf32>
        %max3A_854 = arith.maximumf %add3A_851, %max3A_853 : vector<16xf32>
        %swap3A_855 = arith.index_cast %scan3A_842 : i32 to index
        %swap3A_856 = arith.constant 0 : index
        %swap3A_857 = tpu.vector_load %arg18[%swap3A_855, %swap3A_856] {strides = array<i32>} : memref<40x128xf32, #tpu.memory_space<vmem>>, vector<1x16xf32>,
        %swap3A_858 = vector.shape_cast %swap3A_857 : vector<1x16xf32> to vector<16xf32>
        %swap3A_859 = vector.shape_cast %max3A_854 : vector<16xf32> to vector<1x16xf32>
        tpu.vector_store %arg18[%swap3A_855, %swap3A_856], %swap3A_859 {strides = array<i32>} : memref<40x128xf32, #tpu.memory_space<vmem>>, vector<1x16xf32>,
        %get3A_860 = arith.index_cast %scan3A_842 : i32 to index
        %get3A_861 = arith.constant 16 : index
        %get3A_862 = tpu.vector_load %arg14[%get3A_860, %get3A_861] {strides = array<i32>} : memref<40x128xf32, #tpu.memory_space<vmem>>, vector<1x16xf32>,
        %get3A_863 = vector.shape_cast %get3A_862 : vector<1x16xf32> to vector<16xf32>
        %get3A_864 = arith.index_cast %scan3A_842 : i32 to index
        %get3A_865 = arith.constant 16 : index
        %get3A_866 = tpu.vector_load %arg16[%get3A_864, %get3A_865] {strides = array<i32>} : memref<40x128xf32, #tpu.memory_space<vmem>>, vector<1x16xf32>,
        %get3A_867 = vector.shape_cast %get3A_866 : vector<1x16xf32> to vector<16xf32>
        %add3A_868 = arith.addf %get3A_863, %get3A_867 : vector<16xf32>
        %max3A_869 = arith.constant 0.000000e+00 : f32
        %max3A_870 = vector.broadcast %max3A_869 : f32 to vector<16xf32>
        %max3A_871 = arith.maximumf %add3A_868, %max3A_870 : vector<16xf32>
        %swap3A_872 = arith.index_cast %scan3A_842 : i32 to index
        %swap3A_873 = arith.constant 16 : index
        %swap3A_874 = tpu.vector_load %arg18[%swap3A_872, %swap3A_873] {strides = array<i32>} : memref<40x128xf32, #tpu.memory_space<vmem>>, vector<1x16xf32>,
        %swap3A_875 = vector.shape_cast %swap3A_874 : vector<1x16xf32> to vector<16xf32>
        %swap3A_876 = vector.shape_cast %max3A_871 : vector<16xf32> to vector<1x16xf32>
        tpu.vector_store %arg18[%swap3A_872, %swap3A_873], %swap3A_876 {strides = array<i32>} : memref<40x128xf32, #tpu.memory_space<vmem>>, vector<1x16xf32>,
        %get3A_877 = arith.index_cast %scan3A_842 : i32 to index
        %get3A_878 = arith.constant 32 : index
        %get3A_879 = tpu.vector_load %arg14[%get3A_877, %get3A_878] {strides = array<i32>} : memref<40x128xf32, #tpu.memory_space<vmem>>, vector<1x16xf32>,
        %get3A_880 = vector.shape_cast %get3A_879 : vector<1x16xf32> to vector<16xf32>
        %get3A_881 = arith.index_cast %scan3A_842 : i32 to index
        %get3A_882 = arith.constant 32 : index
        %get3A_883 = tpu.vector_load %arg16[%get3A_881, %get3A_882] {strides = array<i32>} : memref<40x128xf32, #tpu.memory_space<vmem>>, vector<1x16xf32>,
        %get3A_884 = vector.shape_cast %get3A_883 : vector<1x16xf32> to vector<16xf32>
        %add3A_885 = arith.addf %get3A_880, %get3A_884 : vector<16xf32>
        %max3A_886 = arith.constant 0.000000e+00 : f32
        %max3A_887 = vector.broadcast %max3A_886 : f32 to vector<16xf32>
        %max3A_888 = arith.maximumf %add3A_885, %max3A_887 : vector<16xf32>
        %swap3A_889 = arith.index_cast %scan3A_842 : i32 to index
        %swap3A_890 = arith.constant 32 : index
        %swap3A_891 = tpu.vector_load %arg18[%swap3A_889, %swap3A_890] {strides = array<i32>} : memref<40x128xf32, #tpu.memory_space<vmem>>, vector<1x16xf32>,
        %swap3A_892 = vector.shape_cast %swap3A_891 : vector<1x16xf32> to vector<16xf32>
        %swap3A_893 = vector.shape_cast %max3A_888 : vector<16xf32> to vector<1x16xf32>
        tpu.vector_store %arg18[%swap3A_889, %swap3A_890], %swap3A_893 {strides = array<i32>} : memref<40x128xf32, #tpu.memory_space<vmem>>, vector<1x16xf32>,
        %get3A_894 = arith.index_cast %scan3A_842 : i32 to index
        %get3A_895 = arith.constant 48 : index
        %get3A_896 = tpu.vector_load %arg14[%get3A_894, %get3A_895] {strides = array<i32>} : memref<40x128xf32, #tpu.memory_space<vmem>>, vector<1x16xf32>,
        %get3A_897 = vector.shape_cast %get3A_896 : vector<1x16xf32> to vector<16xf32>
        %get3A_898 = arith.index_cast %scan3A_842 : i32 to index
        %get3A_899 = arith.constant 48 : index
        %get3A_900 = tpu.vector_load %arg16[%get3A_898, %get3A_899] {strides = array<i32>} : memref<40x128xf32, #tpu.memory_space<vmem>>, vector<1x16xf32>,
        %get3A_901 = vector.shape_cast %get3A_900 : vector<1x16xf32> to vector<16xf32>
        %add3A_902 = arith.addf %get3A_897, %get3A_901 : vector<16xf32>
        %max3A_903 = arith.constant 0.000000e+00 : f32
        %max3A_904 = vector.broadcast %max3A_903 : f32 to vector<16xf32>
        %max3A_905 = arith.maximumf %add3A_902, %max3A_904 : vector<16xf32>
        %swap3A_906 = arith.index_cast %scan3A_842 : i32 to index
        %swap3A_907 = arith.constant 48 : index
        %swap3A_908 = tpu.vector_load %arg18[%swap3A_906, %swap3A_907] {strides = array<i32>} : memref<40x128xf32, #tpu.memory_space<vmem>>, vector<1x16xf32>,
        %swap3A_909 = vector.shape_cast %swap3A_908 : vector<1x16xf32> to vector<16xf32>
        %swap3A_910 = vector.shape_cast %max3A_905 : vector<16xf32> to vector<1x16xf32>
        tpu.vector_store %arg18[%swap3A_906, %swap3A_907], %swap3A_910 {strides = array<i32>} : memref<40x128xf32, #tpu.memory_space<vmem>>, vector<1x16xf32>,
        %get3A_911 = arith.index_cast %scan3A_842 : i32 to index
        %get3A_912 = arith.constant 64 : index
        %get3A_913 = tpu.vector_load %arg14[%get3A_911, %get3A_912] {strides = array<i32>} : memref<40x128xf32, #tpu.memory_space<vmem>>, vector<1x16xf32>,
        %get3A_914 = vector.shape_cast %get3A_913 : vector<1x16xf32> to vector<16xf32>
        %get3A_915 = arith.index_cast %scan3A_842 : i32 to index
        %get3A_916 = arith.constant 64 : index
        %get3A_917 = tpu.vector_load %arg16[%get3A_915, %get3A_916] {strides = array<i32>} : memref<40x128xf32, #tpu.memory_space<vmem>>, vector<1x16xf32>,
        %get3A_918 = vector.shape_cast %get3A_917 : vector<1x16xf32> to vector<16xf32>
        %add3A_919 = arith.addf %get3A_914, %get3A_918 : vector<16xf32>
        %max3A_920 = arith.constant 0.000000e+00 : f32
        %max3A_921 = vector.broadcast %max3A_920 : f32 to vector<16xf32>
        %max3A_922 = arith.maximumf %add3A_919, %max3A_921 : vector<16xf32>
        %swap3A_923 = arith.index_cast %scan3A_842 : i32 to index
        %swap3A_924 = arith.constant 64 : index
        %swap3A_925 = tpu.vector_load %arg18[%swap3A_923, %swap3A_924] {strides = array<i32>} : memref<40x128xf32, #tpu.memory_space<vmem>>, vector<1x16xf32>,
        %swap3A_926 = vector.shape_cast %swap3A_925 : vector<1x16xf32> to vector<16xf32>
        %swap3A_927 = vector.shape_cast %max3A_922 : vector<16xf32> to vector<1x16xf32>
        tpu.vector_store %arg18[%swap3A_923, %swap3A_924], %swap3A_927 {strides = array<i32>} : memref<40x128xf32, #tpu.memory_space<vmem>>, vector<1x16xf32>,
        %get3A_928 = arith.index_cast %scan3A_842 : i32 to index
        %get3A_929 = arith.constant 80 : index
        %get3A_930 = tpu.vector_load %arg14[%get3A_928, %get3A_929] {strides = array<i32>} : memref<40x128xf32, #tpu.memory_space<vmem>>, vector<1x16xf32>,
        %get3A_931 = vector.shape_cast %get3A_930 : vector<1x16xf32> to vector<16xf32>
        %get3A_932 = arith.index_cast %scan3A_842 : i32 to index
        %get3A_933 = arith.constant 80 : index
        %get3A_934 = tpu.vector_load %arg16[%get3A_932, %get3A_933] {strides = array<i32>} : memref<40x128xf32, #tpu.memory_space<vmem>>, vector<1x16xf32>,
        %get3A_935 = vector.shape_cast %get3A_934 : vector<1x16xf32> to vector<16xf32>
        %add3A_936 = arith.addf %get3A_931, %get3A_935 : vector<16xf32>
        %max3A_937 = arith.constant 0.000000e+00 : f32
        %max3A_938 = vector.broadcast %max3A_937 : f32 to vector<16xf32>
        %max3A_939 = arith.maximumf %add3A_936, %max3A_938 : vector<16xf32>
        %swap3A_940 = arith.index_cast %scan3A_842 : i32 to index
        %swap3A_941 = arith.constant 80 : index
        %swap3A_942 = tpu.vector_load %arg18[%swap3A_940, %swap3A_941] {strides = array<i32>} : memref<40x128xf32, #tpu.memory_space<vmem>>, vector<1x16xf32>,
        %swap3A_943 = vector.shape_cast %swap3A_942 : vector<1x16xf32> to vector<16xf32>
        %swap3A_944 = vector.shape_cast %max3A_939 : vector<16xf32> to vector<1x16xf32>
        tpu.vector_store %arg18[%swap3A_940, %swap3A_941], %swap3A_944 {strides = array<i32>} : memref<40x128xf32, #tpu.memory_space<vmem>>, vector<1x16xf32>,
        %get3A_945 = arith.index_cast %scan3A_842 : i32 to index
        %get3A_946 = arith.constant 96 : index
        %get3A_947 = tpu.vector_load %arg14[%get3A_945, %get3A_946] {strides = array<i32>} : memref<40x128xf32, #tpu.memory_space<vmem>>, vector<1x16xf32>,
        %get3A_948 = vector.shape_cast %get3A_947 : vector<1x16xf32> to vector<16xf32>
        %get3A_949 = arith.index_cast %scan3A_842 : i32 to index
        %get3A_950 = arith.constant 96 : index
        %get3A_951 = tpu.vector_load %arg16[%get3A_949, %get3A_950] {strides = array<i32>} : memref<40x128xf32, #tpu.memory_space<vmem>>, vector<1x16xf32>,
        %get3A_952 = vector.shape_cast %get3A_951 : vector<1x16xf32> to vector<16xf32>
        %add3A_953 = arith.addf %get3A_948, %get3A_952 : vector<16xf32>
        %max3A_954 = arith.constant 0.000000e+00 : f32
        %max3A_955 = vector.broadcast %max3A_954 : f32 to vector<16xf32>
        %max3A_956 = arith.maximumf %add3A_953, %max3A_955 : vector<16xf32>
        %swap3A_957 = arith.index_cast %scan3A_842 : i32 to index
        %swap3A_958 = arith.constant 96 : index
        %swap3A_959 = tpu.vector_load %arg18[%swap3A_957, %swap3A_958] {strides = array<i32>} : memref<40x128xf32, #tpu.memory_space<vmem>>, vector<1x16xf32>,
        %swap3A_960 = vector.shape_cast %swap3A_959 : vector<1x16xf32> to vector<16xf32>
        %swap3A_961 = vector.shape_cast %max3A_956 : vector<16xf32> to vector<1x16xf32>
        tpu.vector_store %arg18[%swap3A_957, %swap3A_958], %swap3A_961 {strides = array<i32>} : memref<40x128xf32, #tpu.memory_space<vmem>>, vector<1x16xf32>,
        %get3A_962 = arith.index_cast %scan3A_842 : i32 to index
        %get3A_963 = arith.constant 112 : index
        %get3A_964 = tpu.vector_load %arg14[%get3A_962, %get3A_963] {strides = array<i32>} : memref<40x128xf32, #tpu.memory_space<vmem>>, vector<1x16xf32>,
        %get3A_965 = vector.shape_cast %get3A_964 : vector<1x16xf32> to vector<16xf32>
        %get3A_966 = arith.index_cast %scan3A_842 : i32 to index
        %get3A_967 = arith.constant 112 : index
        %get3A_968 = tpu.vector_load %arg16[%get3A_966, %get3A_967] {strides = array<i32>} : memref<40x128xf32, #tpu.memory_space<vmem>>, vector<1x16xf32>,
        %get3A_969 = vector.shape_cast %get3A_968 : vector<1x16xf32> to vector<16xf32>
        %add3A_970 = arith.addf %get3A_965, %get3A_969 : vector<16xf32>
        %max3A_971 = arith.constant 0.000000e+00 : f32
        %max3A_972 = vector.broadcast %max3A_971 : f32 to vector<16xf32>
        %max3A_973 = arith.maximumf %add3A_970, %max3A_972 : vector<16xf32>
        %swap3A_974 = arith.index_cast %scan3A_842 : i32 to index
        %swap3A_975 = arith.constant 112 : index
        %swap3A_976 = tpu.vector_load %arg18[%swap3A_974, %swap3A_975] {strides = array<i32>} : memref<40x128xf32, #tpu.memory_space<vmem>>, vector<1x16xf32>,
        %swap3A_977 = vector.shape_cast %swap3A_976 : vector<1x16xf32> to vector<16xf32>
        %swap3A_978 = vector.shape_cast %max3A_973 : vector<16xf32> to vector<1x16xf32>
        tpu.vector_store %arg18[%swap3A_974, %swap3A_975], %swap3A_978 {strides = array<i32>} : memref<40x128xf32, #tpu.memory_space<vmem>>, vector<1x16xf32>,
      }
      %scan3A_329 = arith.constant 40 : i32
      %dma_start3A_330 = arith.constant 0 : i32
      %dma_start3A_331 = arith.constant 0 : i32
      %dma_start3A_332 = tpu.memref_slice %arg8[%dma_start3A_330, %dma_start3A_331] : memref<10112x128xf32, #tpu.memory_space<vmem_shared>> -> memref<10112x128xf32, #tpu.memory_space<vmem_shared>>
      tpu.enqueue_indirect_dma source(%arg18 : memref<40x128xf32, #tpu.memory_space<vmem>>) target(%dma_start3A_332 : memref<10112x128xf32, #tpu.memory_space<vmem_shared>>) offsets(%arg12 : memref<40xi32, #tpu.memory_space<vmem>>) semaphore(%arg26 : memref<!tpu.dma_semaphore, #tpu.memory_space<semaphore_mem>>) {add = true}
      %add3A_333 = arith.constant 2 : i32
      %add3A_334 = arith.addi %mul3A_280, %add3A_333 : i32
      %add3A_335 = arith.addi %mul3A_6, %mul3A_4 : i32
      %mul3A_336 = arith.constant 40 : i32
      %mul3A_337 = arith.muli %add3A_334, %mul3A_336 : i32
      %add3A_338 = arith.addi %add3A_335, %mul3A_337 : i32
      %dma_start3A_339 = arith.constant 0 : i32
      %dma_start3A_340 = tpu.memref_slice %arg5[%add3A_338, %dma_start3A_339] : memref<320000x128xf32, #tpu.memory_space<hbm>> -> memref<40x128xf32, #tpu.memory_space<hbm>>
      %dma_start3A_341 = arith.constant 0 : i32
      %dma_start3A_342 = tpu.memref_slice %arg5[%add3A_338, %dma_start3A_341] : memref<320000x128xf32, #tpu.memory_space<hbm>> -> memref<40x128xf32, #tpu.memory_space<hbm>>
      tpu.enqueue_dma source(%dma_start3A_342 : memref<40x128xf32, #tpu.memory_space<hbm>>) target(%arg14 : memref<40x128xf32, #tpu.memory_space<vmem>>) target_semaphore(%arg20 : memref<!tpu.dma_semaphore, #tpu.memory_space<semaphore_mem>>)
      %mul3A_343 = arith.constant 40 : i32
      %mul3A_344 = arith.muli %add3A_334, %mul3A_343 : i32
      %dma_start3A_345 = tpu.memref_slice %arg9[%mul3A_344] : memref<10000xi32, #tpu.memory_space<vmem>> -> memref<40xi32, #tpu.memory_space<vmem>>
      %dma_start3A_346 = arith.constant 0 : i32
      %dma_start3A_347 = arith.constant 0 : i32
      %dma_start3A_348 = tpu.memref_slice %arg2[%dma_start3A_346, %dma_start3A_347] : memref<20000x128xf32, #tpu.memory_space<hbm>> -> memref<20000x128xf32, #tpu.memory_space<hbm>>
      tpu.enqueue_indirect_dma source(%dma_start3A_348 : memref<20000x128xf32, #tpu.memory_space<hbm>>) target(%arg16 : memref<40x128xf32, #tpu.memory_space<vmem>>) offsets(%dma_start3A_345 : memref<40xi32, #tpu.memory_space<vmem>>) semaphore(%arg22 : memref<!tpu.dma_semaphore, #tpu.memory_space<semaphore_mem>>)
      %mul3A_349 = arith.constant 40 : i32
      %mul3A_350 = arith.muli %add3A_334, %mul3A_349 : i32
      %add3A_351 = arith.addi %mul3A_4, %mul3A_350 : i32
      %dma_start3A_352 = tpu.memref_slice %arg4[%add3A_351] : memref<160000xi32, #tpu.memory_space<hbm>> -> memref<40xi32, #tpu.memory_space<hbm>>
      %dma_start3A_353 = tpu.memref_slice %arg4[%add3A_351] : memref<160000xi32, #tpu.memory_space<hbm>> -> memref<40xi32, #tpu.memory_space<hbm>>
      tpu.enqueue_dma source(%dma_start3A_353 : memref<40xi32, #tpu.memory_space<hbm>>) target(%arg10 : memref<40xi32, #tpu.memory_space<vmem>>) target_semaphore(%arg24 : memref<!tpu.dma_semaphore, #tpu.memory_space<semaphore_mem>>)
      %add3A_354 = arith.constant 1 : i32
      %add3A_355 = arith.addi %mul3A_280, %add3A_354 : i32
      %add3A_356 = arith.addi %mul3A_6, %mul3A_4 : i32
      %mul3A_357 = arith.constant 40 : i32
      %mul3A_358 = arith.muli %add3A_355, %mul3A_357 : i32
      %add3A_359 = arith.addi %add3A_356, %mul3A_358 : i32
      %dma_wait3A_360 = arith.constant 0 : i32
      %dma_wait3A_361 = tpu.memref_slice %arg5[%add3A_359, %dma_wait3A_360] : memref<320000x128xf32, #tpu.memory_space<hbm>> -> memref<40x128xf32, #tpu.memory_space<hbm>>
      %dma_wait3A_362 = arith.constant 0 : i32
      %dma_wait3A_363 = tpu.memref_slice %arg5[%add3A_359, %dma_wait3A_362] : memref<320000x128xf32, #tpu.memory_space<hbm>> -> memref<40x128xf32, #tpu.memory_space<hbm>>
      tpu.wait_dma2 semaphore(%arg21 : memref<!tpu.dma_semaphore, #tpu.memory_space<semaphore_mem>>) src(%dma_wait3A_363 : memref<40x128xf32, #tpu.memory_space<hbm>>) dst(%arg15 : memref<40x128xf32, #tpu.memory_space<vmem>>)
      %mul3A_364 = arith.constant 40 : i32
      %mul3A_365 = arith.muli %add3A_355, %mul3A_364 : i32
      %dma_wait3A_366 = tpu.memref_slice %arg9[%mul3A_365] : memref<10000xi32, #tpu.memory_space<vmem>> -> memref<40xi32, #tpu.memory_space<vmem>>
      %dma_wait3A_367 = arith.constant 0 : i32
      %dma_wait3A_368 = arith.constant 0 : i32
      %dma_wait3A_369 = tpu.memref_slice %arg2[%dma_wait3A_367, %dma_wait3A_368] : memref<20000x128xf32, #tpu.memory_space<hbm>> -> memref<20000x128xf32, #tpu.memory_space<hbm>>
      tpu.wait_indirect_dma semaphore(%arg23 : memref<!tpu.dma_semaphore, #tpu.memory_space<semaphore_mem>>) src(%dma_wait3A_369 : memref<20000x128xf32, #tpu.memory_space<hbm>>) dst(%arg17 : memref<40x128xf32, #tpu.memory_space<vmem>>)
      %mul3A_370 = arith.constant 40 : i32
      %mul3A_371 = arith.muli %add3A_355, %mul3A_370 : i32
      %add3A_372 = arith.addi %mul3A_4, %mul3A_371 : i32
      %dma_wait3A_373 = tpu.memref_slice %arg4[%add3A_372] : memref<160000xi32, #tpu.memory_space<hbm>> -> memref<40xi32, #tpu.memory_space<hbm>>
      %dma_wait3A_374 = tpu.memref_slice %arg4[%add3A_372] : memref<160000xi32, #tpu.memory_space<hbm>> -> memref<40xi32, #tpu.memory_space<hbm>>
      tpu.wait_dma2 semaphore(%arg25 : memref<!tpu.dma_semaphore, #tpu.memory_space<semaphore_mem>>) src(%dma_wait3A_374 : memref<40xi32, #tpu.memory_space<hbm>>) dst(%arg11 : memref<40xi32, #tpu.memory_space<vmem>>)
      %dma_wait3A_375 = arith.constant 0 : i32
      %dma_wait3A_376 = arith.constant 0 : i32
      %dma_wait3A_377 = tpu.memref_slice %arg8[%dma_wait3A_375, %dma_wait3A_376] : memref<10112x128xf32, #tpu.memory_space<vmem_shared>> -> memref<10112x128xf32, #tpu.memory_space<vmem_shared>>
      tpu.wait_indirect_dma semaphore(%arg27 : memref<!tpu.dma_semaphore, #tpu.memory_space<semaphore_mem>>) src(%arg19 : memref<40x128xf32, #tpu.memory_space<vmem>>) dst(%dma_wait3A_377 : memref<10112x128xf32, #tpu.memory_space<vmem_shared>>)
      %get3A_378 = arith.constant 0 : index
      %get3A_379 = tpu.vector_load %arg11[%get3A_378] {strides = array<i32>} : memref<40xi32, #tpu.memory_space<vmem>>, vector<16xi32>,
      %get3A_380 = vector.shape_cast %get3A_379 : vector<16xi32> to vector<16xi32>
      %swap3A_381 = arith.constant 0 : index
      %swap3A_382 = tpu.vector_load %arg13[%swap3A_381] {strides = array<i32>} : memref<40xi32, #tpu.memory_space<vmem>>, vector<16xi32>,
      %swap3A_383 = vector.shape_cast %swap3A_382 : vector<16xi32> to vector<16xi32>
      %swap3A_384 = vector.shape_cast %get3A_380 : vector<16xi32> to vector<16xi32>
      tpu.vector_store %arg13[%swap3A_381], %swap3A_384 {strides = array<i32>} : memref<40xi32, #tpu.memory_space<vmem>>, vector<16xi32>,
      %get3A_385 = arith.constant 16 : index
      %get3A_386 = tpu.vector_load %arg11[%get3A_385] {strides = array<i32>} : memref<40xi32, #tpu.memory_space<vmem>>, vector<16xi32>,
      %get3A_387 = vector.shape_cast %get3A_386 : vector<16xi32> to vector<16xi32>
      %swap3A_388 = arith.constant 16 : index
      %swap3A_389 = tpu.vector_load %arg13[%swap3A_388] {strides = array<i32>} : memref<40xi32, #tpu.memory_space<vmem>>, vector<16xi32>,
      %swap3A_390 = vector.shape_cast %swap3A_389 : vector<16xi32> to vector<16xi32>
      %swap3A_391 = vector.shape_cast %get3A_387 : vector<16xi32> to vector<16xi32>
      tpu.vector_store %arg13[%swap3A_388], %swap3A_391 {strides = array<i32>} : memref<40xi32, #tpu.memory_space<vmem>>, vector<16xi32>,
      %get3A_392 = arith.constant 24 : index
      %get3A_393 = tpu.vector_load %arg11[%get3A_392] {strides = array<i32>} : memref<40xi32, #tpu.memory_space<vmem>>, vector<16xi32>,
      %get3A_394 = vector.shape_cast %get3A_393 : vector<16xi32> to vector<16xi32>
      %swap3A_395 = arith.constant 24 : index
      %swap3A_396 = tpu.vector_load %arg13[%swap3A_395] {strides = array<i32>} : memref<40xi32, #tpu.memory_space<vmem>>, vector<16xi32>,
      %swap3A_397 = vector.shape_cast %swap3A_396 : vector<16xi32> to vector<16xi32>
      %swap3A_398 = vector.shape_cast %get3A_394 : vector<16xi32> to vector<16xi32>
      tpu.vector_store %arg13[%swap3A_395], %swap3A_398 {strides = array<i32>} : memref<40xi32, #tpu.memory_space<vmem>>, vector<16xi32>,
      %scan3A_399 = arith.constant 0 : i32
      %scan3A_400 = arith.constant 0 : i32
      %scan3A_401 = arith.constant 40 : i32
      %scan3A_402 = arith.addi %scan3A_400, %scan3A_401 : i32
      %scan3A_403 = arith.constant 4 : i32
      scf.for %scan3A_429 = %scan3A_400 to %scan3A_402 step %scan3A_403  : i32 {
        %get3A_430 = arith.index_cast %scan3A_429 : i32 to index
        %get3A_431 = arith.constant 0 : index
        %get3A_432 = tpu.vector_load %arg15[%get3A_430, %get3A_431] {strides = array<i32>} : memref<40x128xf32, #tpu.memory_space<vmem>>, vector<1x16xf32>,
        %get3A_433 = vector.shape_cast %get3A_432 : vector<1x16xf32> to vector<16xf32>
        %get3A_434 = arith.index_cast %scan3A_429 : i32 to index
        %get3A_435 = arith.constant 0 : index
        %get3A_436 = tpu.vector_load %arg17[%get3A_434, %get3A_435] {strides = array<i32>} : memref<40x128xf32, #tpu.memory_space<vmem>>, vector<1x16xf32>,
        %get3A_437 = vector.shape_cast %get3A_436 : vector<1x16xf32> to vector<16xf32>
        %add3A_438 = arith.addf %get3A_433, %get3A_437 : vector<16xf32>
        %max3A = arith.constant 0.000000e+00 : f32
        %max3A_439 = vector.broadcast %max3A : f32 to vector<16xf32>
        %max3A_440 = arith.maximumf %add3A_438, %max3A_439 : vector<16xf32>
        %swap3A_441 = arith.index_cast %scan3A_429 : i32 to index
        %swap3A_442 = arith.constant 0 : index
        %swap3A_443 = tpu.vector_load %arg19[%swap3A_441, %swap3A_442] {strides = array<i32>} : memref<40x128xf32, #tpu.memory_space<vmem>>, vector<1x16xf32>,
        %swap3A_444 = vector.shape_cast %swap3A_443 : vector<1x16xf32> to vector<16xf32>
        %swap3A_445 = vector.shape_cast %max3A_440 : vector<16xf32> to vector<1x16xf32>
        tpu.vector_store %arg19[%swap3A_441, %swap3A_442], %swap3A_445 {strides = array<i32>} : memref<40x128xf32, #tpu.memory_space<vmem>>, vector<1x16xf32>,
        %get3A_446 = arith.index_cast %scan3A_429 : i32 to index
        %get3A_447 = arith.constant 16 : index
        %get3A_448 = tpu.vector_load %arg15[%get3A_446, %get3A_447] {strides = array<i32>} : memref<40x128xf32, #tpu.memory_space<vmem>>, vector<1x16xf32>,
        %get3A_449 = vector.shape_cast %get3A_448 : vector<1x16xf32> to vector<16xf32>
        %get3A_450 = arith.index_cast %scan3A_429 : i32 to index
        %get3A_451 = arith.constant 16 : index
        %get3A_452 = tpu.vector_load %arg17[%get3A_450, %get3A_451] {strides = array<i32>} : memref<40x128xf32, #tpu.memory_space<vmem>>, vector<1x16xf32>,
        %get3A_453 = vector.shape_cast %get3A_452 : vector<1x16xf32> to vector<16xf32>
        %add3A_454 = arith.addf %get3A_449, %get3A_453 : vector<16xf32>
        %max3A_455 = arith.constant 0.000000e+00 : f32
        %max3A_456 = vector.broadcast %max3A_455 : f32 to vector<16xf32>
        %max3A_457 = arith.maximumf %add3A_454, %max3A_456 : vector<16xf32>
        %swap3A_458 = arith.index_cast %scan3A_429 : i32 to index
        %swap3A_459 = arith.constant 16 : index
        %swap3A_460 = tpu.vector_load %arg19[%swap3A_458, %swap3A_459] {strides = array<i32>} : memref<40x128xf32, #tpu.memory_space<vmem>>, vector<1x16xf32>,
        %swap3A_461 = vector.shape_cast %swap3A_460 : vector<1x16xf32> to vector<16xf32>
        %swap3A_462 = vector.shape_cast %max3A_457 : vector<16xf32> to vector<1x16xf32>
        tpu.vector_store %arg19[%swap3A_458, %swap3A_459], %swap3A_462 {strides = array<i32>} : memref<40x128xf32, #tpu.memory_space<vmem>>, vector<1x16xf32>,
        %get3A_463 = arith.index_cast %scan3A_429 : i32 to index
        %get3A_464 = arith.constant 32 : index
        %get3A_465 = tpu.vector_load %arg15[%get3A_463, %get3A_464] {strides = array<i32>} : memref<40x128xf32, #tpu.memory_space<vmem>>, vector<1x16xf32>,
        %get3A_466 = vector.shape_cast %get3A_465 : vector<1x16xf32> to vector<16xf32>
        %get3A_467 = arith.index_cast %scan3A_429 : i32 to index
        %get3A_468 = arith.constant 32 : index
        %get3A_469 = tpu.vector_load %arg17[%get3A_467, %get3A_468] {strides = array<i32>} : memref<40x128xf32, #tpu.memory_space<vmem>>, vector<1x16xf32>,
        %get3A_470 = vector.shape_cast %get3A_469 : vector<1x16xf32> to vector<16xf32>
        %add3A_471 = arith.addf %get3A_466, %get3A_470 : vector<16xf32>
        %max3A_472 = arith.constant 0.000000e+00 : f32
        %max3A_473 = vector.broadcast %max3A_472 : f32 to vector<16xf32>
        %max3A_474 = arith.maximumf %add3A_471, %max3A_473 : vector<16xf32>
        %swap3A_475 = arith.index_cast %scan3A_429 : i32 to index
        %swap3A_476 = arith.constant 32 : index
        %swap3A_477 = tpu.vector_load %arg19[%swap3A_475, %swap3A_476] {strides = array<i32>} : memref<40x128xf32, #tpu.memory_space<vmem>>, vector<1x16xf32>,
        %swap3A_478 = vector.shape_cast %swap3A_477 : vector<1x16xf32> to vector<16xf32>
        %swap3A_479 = vector.shape_cast %max3A_474 : vector<16xf32> to vector<1x16xf32>
        tpu.vector_store %arg19[%swap3A_475, %swap3A_476], %swap3A_479 {strides = array<i32>} : memref<40x128xf32, #tpu.memory_space<vmem>>, vector<1x16xf32>,
        %get3A_480 = arith.index_cast %scan3A_429 : i32 to index
        %get3A_481 = arith.constant 48 : index
        %get3A_482 = tpu.vector_load %arg15[%get3A_480, %get3A_481] {strides = array<i32>} : memref<40x128xf32, #tpu.memory_space<vmem>>, vector<1x16xf32>,
        %get3A_483 = vector.shape_cast %get3A_482 : vector<1x16xf32> to vector<16xf32>
        %get3A_484 = arith.index_cast %scan3A_429 : i32 to index
        %get3A_485 = arith.constant 48 : index
        %get3A_486 = tpu.vector_load %arg17[%get3A_484, %get3A_485] {strides = array<i32>} : memref<40x128xf32, #tpu.memory_space<vmem>>, vector<1x16xf32>,
        %get3A_487 = vector.shape_cast %get3A_486 : vector<1x16xf32> to vector<16xf32>
        %add3A_488 = arith.addf %get3A_483, %get3A_487 : vector<16xf32>
        %max3A_489 = arith.constant 0.000000e+00 : f32
        %max3A_490 = vector.broadcast %max3A_489 : f32 to vector<16xf32>
        %max3A_491 = arith.maximumf %add3A_488, %max3A_490 : vector<16xf32>
        %swap3A_492 = arith.index_cast %scan3A_429 : i32 to index
        %swap3A_493 = arith.constant 48 : index
        %swap3A_494 = tpu.vector_load %arg19[%swap3A_492, %swap3A_493] {strides = array<i32>} : memref<40x128xf32, #tpu.memory_space<vmem>>, vector<1x16xf32>,
        %swap3A_495 = vector.shape_cast %swap3A_494 : vector<1x16xf32> to vector<16xf32>
        %swap3A_496 = vector.shape_cast %max3A_491 : vector<16xf32> to vector<1x16xf32>
        tpu.vector_store %arg19[%swap3A_492, %swap3A_493], %swap3A_496 {strides = array<i32>} : memref<40x128xf32, #tpu.memory_space<vmem>>, vector<1x16xf32>,
        %get3A_497 = arith.index_cast %scan3A_429 : i32 to index
        %get3A_498 = arith.constant 64 : index
        %get3A_499 = tpu.vector_load %arg15[%get3A_497, %get3A_498] {strides = array<i32>} : memref<40x128xf32, #tpu.memory_space<vmem>>, vector<1x16xf32>,
        %get3A_500 = vector.shape_cast %get3A_499 : vector<1x16xf32> to vector<16xf32>
        %get3A_501 = arith.index_cast %scan3A_429 : i32 to index
        %get3A_502 = arith.constant 64 : index
        %get3A_503 = tpu.vector_load %arg17[%get3A_501, %get3A_502] {strides = array<i32>} : memref<40x128xf32, #tpu.memory_space<vmem>>, vector<1x16xf32>,
        %get3A_504 = vector.shape_cast %get3A_503 : vector<1x16xf32> to vector<16xf32>
        %add3A_505 = arith.addf %get3A_500, %get3A_504 : vector<16xf32>
        %max3A_506 = arith.constant 0.000000e+00 : f32
        %max3A_507 = vector.broadcast %max3A_506 : f32 to vector<16xf32>
        %max3A_508 = arith.maximumf %add3A_505, %max3A_507 : vector<16xf32>
        %swap3A_509 = arith.index_cast %scan3A_429 : i32 to index
        %swap3A_510 = arith.constant 64 : index
        %swap3A_511 = tpu.vector_load %arg19[%swap3A_509, %swap3A_510] {strides = array<i32>} : memref<40x128xf32, #tpu.memory_space<vmem>>, vector<1x16xf32>,
        %swap3A_512 = vector.shape_cast %swap3A_511 : vector<1x16xf32> to vector<16xf32>
        %swap3A_513 = vector.shape_cast %max3A_508 : vector<16xf32> to vector<1x16xf32>
        tpu.vector_store %arg19[%swap3A_509, %swap3A_510], %swap3A_513 {strides = array<i32>} : memref<40x128xf32, #tpu.memory_space<vmem>>, vector<1x16xf32>,
        %get3A_514 = arith.index_cast %scan3A_429 : i32 to index
        %get3A_515 = arith.constant 80 : index
        %get3A_516 = tpu.vector_load %arg15[%get3A_514, %get3A_515] {strides = array<i32>} : memref<40x128xf32, #tpu.memory_space<vmem>>, vector<1x16xf32>,
        %get3A_517 = vector.shape_cast %get3A_516 : vector<1x16xf32> to vector<16xf32>
        %get3A_518 = arith.index_cast %scan3A_429 : i32 to index
        %get3A_519 = arith.constant 80 : index
        %get3A_520 = tpu.vector_load %arg17[%get3A_518, %get3A_519] {strides = array<i32>} : memref<40x128xf32, #tpu.memory_space<vmem>>, vector<1x16xf32>,
        %get3A_521 = vector.shape_cast %get3A_520 : vector<1x16xf32> to vector<16xf32>
        %add3A_522 = arith.addf %get3A_517, %get3A_521 : vector<16xf32>
        %max3A_523 = arith.constant 0.000000e+00 : f32
        %max3A_524 = vector.broadcast %max3A_523 : f32 to vector<16xf32>
        %max3A_525 = arith.maximumf %add3A_522, %max3A_524 : vector<16xf32>
        %swap3A_526 = arith.index_cast %scan3A_429 : i32 to index
        %swap3A_527 = arith.constant 80 : index
        %swap3A_528 = tpu.vector_load %arg19[%swap3A_526, %swap3A_527] {strides = array<i32>} : memref<40x128xf32, #tpu.memory_space<vmem>>, vector<1x16xf32>,
        %swap3A_529 = vector.shape_cast %swap3A_528 : vector<1x16xf32> to vector<16xf32>
        %swap3A_530 = vector.shape_cast %max3A_525 : vector<16xf32> to vector<1x16xf32>
        tpu.vector_store %arg19[%swap3A_526, %swap3A_527], %swap3A_530 {strides = array<i32>} : memref<40x128xf32, #tpu.memory_space<vmem>>, vector<1x16xf32>,
        %get3A_531 = arith.index_cast %scan3A_429 : i32 to index
        %get3A_532 = arith.constant 96 : index
        %get3A_533 = tpu.vector_load %arg15[%get3A_531, %get3A_532] {strides = array<i32>} : memref<40x128xf32, #tpu.memory_space<vmem>>, vector<1x16xf32>,
        %get3A_534 = vector.shape_cast %get3A_533 : vector<1x16xf32> to vector<16xf32>
        %get3A_535 = arith.index_cast %scan3A_429 : i32 to index
        %get3A_536 = arith.constant 96 : index
        %get3A_537 = tpu.vector_load %arg17[%get3A_535, %get3A_536] {strides = array<i32>} : memref<40x128xf32, #tpu.memory_space<vmem>>, vector<1x16xf32>,
        %get3A_538 = vector.shape_cast %get3A_537 : vector<1x16xf32> to vector<16xf32>
        %add3A_539 = arith.addf %get3A_534, %get3A_538 : vector<16xf32>
        %max3A_540 = arith.constant 0.000000e+00 : f32
        %max3A_541 = vector.broadcast %max3A_540 : f32 to vector<16xf32>
        %max3A_542 = arith.maximumf %add3A_539, %max3A_541 : vector<16xf32>
        %swap3A_543 = arith.index_cast %scan3A_429 : i32 to index
        %swap3A_544 = arith.constant 96 : index
        %swap3A_545 = tpu.vector_load %arg19[%swap3A_543, %swap3A_544] {strides = array<i32>} : memref<40x128xf32, #tpu.memory_space<vmem>>, vector<1x16xf32>,
        %swap3A_546 = vector.shape_cast %swap3A_545 : vector<1x16xf32> to vector<16xf32>
        %swap3A_547 = vector.shape_cast %max3A_542 : vector<16xf32> to vector<1x16xf32>
        tpu.vector_store %arg19[%swap3A_543, %swap3A_544], %swap3A_547 {strides = array<i32>} : memref<40x128xf32, #tpu.memory_space<vmem>>, vector<1x16xf32>,
        %get3A_548 = arith.index_cast %scan3A_429 : i32 to index
        %get3A_549 = arith.constant 112 : index
        %get3A_550 = tpu.vector_load %arg15[%get3A_548, %get3A_549] {strides = array<i32>} : memref<40x128xf32, #tpu.memory_space<vmem>>, vector<1x16xf32>,
        %get3A_551 = vector.shape_cast %get3A_550 : vector<1x16xf32> to vector<16xf32>
        %get3A_552 = arith.index_cast %scan3A_429 : i32 to index
        %get3A_553 = arith.constant 112 : index
        %get3A_554 = tpu.vector_load %arg17[%get3A_552, %get3A_553] {strides = array<i32>} : memref<40x128xf32, #tpu.memory_space<vmem>>, vector<1x16xf32>,
        %get3A_555 = vector.shape_cast %get3A_554 : vector<1x16xf32> to vector<16xf32>
        %add3A_556 = arith.addf %get3A_551, %get3A_555 : vector<16xf32>
        %max3A_557 = arith.constant 0.000000e+00 : f32
        %max3A_558 = vector.broadcast %max3A_557 : f32 to vector<16xf32>
        %max3A_559 = arith.maximumf %add3A_556, %max3A_558 : vector<16xf32>
        %swap3A_560 = arith.index_cast %scan3A_429 : i32 to index
        %swap3A_561 = arith.constant 112 : index
        %swap3A_562 = tpu.vector_load %arg19[%swap3A_560, %swap3A_561] {strides = array<i32>} : memref<40x128xf32, #tpu.memory_space<vmem>>, vector<1x16xf32>,
        %swap3A_563 = vector.shape_cast %swap3A_562 : vector<1x16xf32> to vector<16xf32>
        %swap3A_564 = vector.shape_cast %max3A_559 : vector<16xf32> to vector<1x16xf32>
        tpu.vector_store %arg19[%swap3A_560, %swap3A_561], %swap3A_564 {strides = array<i32>} : memref<40x128xf32, #tpu.memory_space<vmem>>, vector<1x16xf32>,
        %scan3A_565 = arith.constant 1 : i32
        %scan3A_566 = arith.addi %scan3A_429, %scan3A_565 : i32
        %get3A_567 = arith.index_cast %scan3A_566 : i32 to index
        %get3A_568 = arith.constant 0 : index
        %get3A_569 = tpu.vector_load %arg15[%get3A_567, %get3A_568] {strides = array<i32>} : memref<40x128xf32, #tpu.memory_space<vmem>>, vector<1x16xf32>,
        %get3A_570 = vector.shape_cast %get3A_569 : vector<1x16xf32> to vector<16xf32>
        %get3A_571 = arith.index_cast %scan3A_566 : i32 to index
        %get3A_572 = arith.constant 0 : index
        %get3A_573 = tpu.vector_load %arg17[%get3A_571, %get3A_572] {strides = array<i32>} : memref<40x128xf32, #tpu.memory_space<vmem>>, vector<1x16xf32>,
        %get3A_574 = vector.shape_cast %get3A_573 : vector<1x16xf32> to vector<16xf32>
        %add3A_575 = arith.addf %get3A_570, %get3A_574 : vector<16xf32>
        %max3A_576 = arith.constant 0.000000e+00 : f32
        %max3A_577 = vector.broadcast %max3A_576 : f32 to vector<16xf32>
        %max3A_578 = arith.maximumf %add3A_575, %max3A_577 : vector<16xf32>
        %swap3A_579 = arith.index_cast %scan3A_566 : i32 to index
        %swap3A_580 = arith.constant 0 : index
        %swap3A_581 = tpu.vector_load %arg19[%swap3A_579, %swap3A_580] {strides = array<i32>} : memref<40x128xf32, #tpu.memory_space<vmem>>, vector<1x16xf32>,
        %swap3A_582 = vector.shape_cast %swap3A_581 : vector<1x16xf32> to vector<16xf32>
        %swap3A_583 = vector.shape_cast %max3A_578 : vector<16xf32> to vector<1x16xf32>
        tpu.vector_store %arg19[%swap3A_579, %swap3A_580], %swap3A_583 {strides = array<i32>} : memref<40x128xf32, #tpu.memory_space<vmem>>, vector<1x16xf32>,
        %get3A_584 = arith.index_cast %scan3A_566 : i32 to index
        %get3A_585 = arith.constant 16 : index
        %get3A_586 = tpu.vector_load %arg15[%get3A_584, %get3A_585] {strides = array<i32>} : memref<40x128xf32, #tpu.memory_space<vmem>>, vector<1x16xf32>,
        %get3A_587 = vector.shape_cast %get3A_586 : vector<1x16xf32> to vector<16xf32>
        %get3A_588 = arith.index_cast %scan3A_566 : i32 to index
        %get3A_589 = arith.constant 16 : index
        %get3A_590 = tpu.vector_load %arg17[%get3A_588, %get3A_589] {strides = array<i32>} : memref<40x128xf32, #tpu.memory_space<vmem>>, vector<1x16xf32>,
        %get3A_591 = vector.shape_cast %get3A_590 : vector<1x16xf32> to vector<16xf32>
        %add3A_592 = arith.addf %get3A_587, %get3A_591 : vector<16xf32>
        %max3A_593 = arith.constant 0.000000e+00 : f32
        %max3A_594 = vector.broadcast %max3A_593 : f32 to vector<16xf32>
        %max3A_595 = arith.maximumf %add3A_592, %max3A_594 : vector<16xf32>
        %swap3A_596 = arith.index_cast %scan3A_566 : i32 to index
        %swap3A_597 = arith.constant 16 : index
        %swap3A_598 = tpu.vector_load %arg19[%swap3A_596, %swap3A_597] {strides = array<i32>} : memref<40x128xf32, #tpu.memory_space<vmem>>, vector<1x16xf32>,
        %swap3A_599 = vector.shape_cast %swap3A_598 : vector<1x16xf32> to vector<16xf32>
        %swap3A_600 = vector.shape_cast %max3A_595 : vector<16xf32> to vector<1x16xf32>
        tpu.vector_store %arg19[%swap3A_596, %swap3A_597], %swap3A_600 {strides = array<i32>} : memref<40x128xf32, #tpu.memory_space<vmem>>, vector<1x16xf32>,
        %get3A_601 = arith.index_cast %scan3A_566 : i32 to index
        %get3A_602 = arith.constant 32 : index
        %get3A_603 = tpu.vector_load %arg15[%get3A_601, %get3A_602] {strides = array<i32>} : memref<40x128xf32, #tpu.memory_space<vmem>>, vector<1x16xf32>,
        %get3A_604 = vector.shape_cast %get3A_603 : vector<1x16xf32> to vector<16xf32>
        %get3A_605 = arith.index_cast %scan3A_566 : i32 to index
        %get3A_606 = arith.constant 32 : index
        %get3A_607 = tpu.vector_load %arg17[%get3A_605, %get3A_606] {strides = array<i32>} : memref<40x128xf32, #tpu.memory_space<vmem>>, vector<1x16xf32>,
        %get3A_608 = vector.shape_cast %get3A_607 : vector<1x16xf32> to vector<16xf32>
        %add3A_609 = arith.addf %get3A_604, %get3A_608 : vector<16xf32>
        %max3A_610 = arith.constant 0.000000e+00 : f32
        %max3A_611 = vector.broadcast %max3A_610 : f32 to vector<16xf32>
        %max3A_612 = arith.maximumf %add3A_609, %max3A_611 : vector<16xf32>
        %swap3A_613 = arith.index_cast %scan3A_566 : i32 to index
        %swap3A_614 = arith.constant 32 : index
        %swap3A_615 = tpu.vector_load %arg19[%swap3A_613, %swap3A_614] {strides = array<i32>} : memref<40x128xf32, #tpu.memory_space<vmem>>, vector<1x16xf32>,
        %swap3A_616 = vector.shape_cast %swap3A_615 : vector<1x16xf32> to vector<16xf32>
        %swap3A_617 = vector.shape_cast %max3A_612 : vector<16xf32> to vector<1x16xf32>
        tpu.vector_store %arg19[%swap3A_613, %swap3A_614], %swap3A_617 {strides = array<i32>} : memref<40x128xf32, #tpu.memory_space<vmem>>, vector<1x16xf32>,
        %get3A_618 = arith.index_cast %scan3A_566 : i32 to index
        %get3A_619 = arith.constant 48 : index
        %get3A_620 = tpu.vector_load %arg15[%get3A_618, %get3A_619] {strides = array<i32>} : memref<40x128xf32, #tpu.memory_space<vmem>>, vector<1x16xf32>,
        %get3A_621 = vector.shape_cast %get3A_620 : vector<1x16xf32> to vector<16xf32>
        %get3A_622 = arith.index_cast %scan3A_566 : i32 to index
        %get3A_623 = arith.constant 48 : index
        %get3A_624 = tpu.vector_load %arg17[%get3A_622, %get3A_623] {strides = array<i32>} : memref<40x128xf32, #tpu.memory_space<vmem>>, vector<1x16xf32>,
        %get3A_625 = vector.shape_cast %get3A_624 : vector<1x16xf32> to vector<16xf32>
        %add3A_626 = arith.addf %get3A_621, %get3A_625 : vector<16xf32>
        %max3A_627 = arith.constant 0.000000e+00 : f32
        %max3A_628 = vector.broadcast %max3A_627 : f32 to vector<16xf32>
        %max3A_629 = arith.maximumf %add3A_626, %max3A_628 : vector<16xf32>
        %swap3A_630 = arith.index_cast %scan3A_566 : i32 to index
        %swap3A_631 = arith.constant 48 : index
        %swap3A_632 = tpu.vector_load %arg19[%swap3A_630, %swap3A_631] {strides = array<i32>} : memref<40x128xf32, #tpu.memory_space<vmem>>, vector<1x16xf32>,
        %swap3A_633 = vector.shape_cast %swap3A_632 : vector<1x16xf32> to vector<16xf32>
        %swap3A_634 = vector.shape_cast %max3A_629 : vector<16xf32> to vector<1x16xf32>
        tpu.vector_store %arg19[%swap3A_630, %swap3A_631], %swap3A_634 {strides = array<i32>} : memref<40x128xf32, #tpu.memory_space<vmem>>, vector<1x16xf32>,
        %get3A_635 = arith.index_cast %scan3A_566 : i32 to index
        %get3A_636 = arith.constant 64 : index
        %get3A_637 = tpu.vector_load %arg15[%get3A_635, %get3A_636] {strides = array<i32>} : memref<40x128xf32, #tpu.memory_space<vmem>>, vector<1x16xf32>,
        %get3A_638 = vector.shape_cast %get3A_637 : vector<1x16xf32> to vector<16xf32>
        %get3A_639 = arith.index_cast %scan3A_566 : i32 to index
        %get3A_640 = arith.constant 64 : index
        %get3A_641 = tpu.vector_load %arg17[%get3A_639, %get3A_640] {strides = array<i32>} : memref<40x128xf32, #tpu.memory_space<vmem>>, vector<1x16xf32>,
        %get3A_642 = vector.shape_cast %get3A_641 : vector<1x16xf32> to vector<16xf32>
        %add3A_643 = arith.addf %get3A_638, %get3A_642 : vector<16xf32>
        %max3A_644 = arith.constant 0.000000e+00 : f32
        %max3A_645 = vector.broadcast %max3A_644 : f32 to vector<16xf32>
        %max3A_646 = arith.maximumf %add3A_643, %max3A_645 : vector<16xf32>
        %swap3A_647 = arith.index_cast %scan3A_566 : i32 to index
        %swap3A_648 = arith.constant 64 : index
        %swap3A_649 = tpu.vector_load %arg19[%swap3A_647, %swap3A_648] {strides = array<i32>} : memref<40x128xf32, #tpu.memory_space<vmem>>, vector<1x16xf32>,
        %swap3A_650 = vector.shape_cast %swap3A_649 : vector<1x16xf32> to vector<16xf32>
        %swap3A_651 = vector.shape_cast %max3A_646 : vector<16xf32> to vector<1x16xf32>
        tpu.vector_store %arg19[%swap3A_647, %swap3A_648], %swap3A_651 {strides = array<i32>} : memref<40x128xf32, #tpu.memory_space<vmem>>, vector<1x16xf32>,
        %get3A_652 = arith.index_cast %scan3A_566 : i32 to index
        %get3A_653 = arith.constant 80 : index
        %get3A_654 = tpu.vector_load %arg15[%get3A_652, %get3A_653] {strides = array<i32>} : memref<40x128xf32, #tpu.memory_space<vmem>>, vector<1x16xf32>,
        %get3A_655 = vector.shape_cast %get3A_654 : vector<1x16xf32> to vector<16xf32>
        %get3A_656 = arith.index_cast %scan3A_566 : i32 to index
        %get3A_657 = arith.constant 80 : index
        %get3A_658 = tpu.vector_load %arg17[%get3A_656, %get3A_657] {strides = array<i32>} : memref<40x128xf32, #tpu.memory_space<vmem>>, vector<1x16xf32>,
        %get3A_659 = vector.shape_cast %get3A_658 : vector<1x16xf32> to vector<16xf32>
        %add3A_660 = arith.addf %get3A_655, %get3A_659 : vector<16xf32>
        %max3A_661 = arith.constant 0.000000e+00 : f32
        %max3A_662 = vector.broadcast %max3A_661 : f32 to vector<16xf32>
        %max3A_663 = arith.maximumf %add3A_660, %max3A_662 : vector<16xf32>
        %swap3A_664 = arith.index_cast %scan3A_566 : i32 to index
        %swap3A_665 = arith.constant 80 : index
        %swap3A_666 = tpu.vector_load %arg19[%swap3A_664, %swap3A_665] {strides = array<i32>} : memref<40x128xf32, #tpu.memory_space<vmem>>, vector<1x16xf32>,
        %swap3A_667 = vector.shape_cast %swap3A_666 : vector<1x16xf32> to vector<16xf32>
        %swap3A_668 = vector.shape_cast %max3A_663 : vector<16xf32> to vector<1x16xf32>
        tpu.vector_store %arg19[%swap3A_664, %swap3A_665], %swap3A_668 {strides = array<i32>} : memref<40x128xf32, #tpu.memory_space<vmem>>, vector<1x16xf32>,
        %get3A_669 = arith.index_cast %scan3A_566 : i32 to index
        %get3A_670 = arith.constant 96 : index
        %get3A_671 = tpu.vector_load %arg15[%get3A_669, %get3A_670] {strides = array<i32>} : memref<40x128xf32, #tpu.memory_space<vmem>>, vector<1x16xf32>,
        %get3A_672 = vector.shape_cast %get3A_671 : vector<1x16xf32> to vector<16xf32>
        %get3A_673 = arith.index_cast %scan3A_566 : i32 to index
        %get3A_674 = arith.constant 96 : index
        %get3A_675 = tpu.vector_load %arg17[%get3A_673, %get3A_674] {strides = array<i32>} : memref<40x128xf32, #tpu.memory_space<vmem>>, vector<1x16xf32>,
        %get3A_676 = vector.shape_cast %get3A_675 : vector<1x16xf32> to vector<16xf32>
        %add3A_677 = arith.addf %get3A_672, %get3A_676 : vector<16xf32>
        %max3A_678 = arith.constant 0.000000e+00 : f32
        %max3A_679 = vector.broadcast %max3A_678 : f32 to vector<16xf32>
        %max3A_680 = arith.maximumf %add3A_677, %max3A_679 : vector<16xf32>
        %swap3A_681 = arith.index_cast %scan3A_566 : i32 to index
        %swap3A_682 = arith.constant 96 : index
        %swap3A_683 = tpu.vector_load %arg19[%swap3A_681, %swap3A_682] {strides = array<i32>} : memref<40x128xf32, #tpu.memory_space<vmem>>, vector<1x16xf32>,
        %swap3A_684 = vector.shape_cast %swap3A_683 : vector<1x16xf32> to vector<16xf32>
        %swap3A_685 = vector.shape_cast %max3A_680 : vector<16xf32> to vector<1x16xf32>
        tpu.vector_store %arg19[%swap3A_681, %swap3A_682], %swap3A_685 {strides = array<i32>} : memref<40x128xf32, #tpu.memory_space<vmem>>, vector<1x16xf32>,
        %get3A_686 = arith.index_cast %scan3A_566 : i32 to index
        %get3A_687 = arith.constant 112 : index
        %get3A_688 = tpu.vector_load %arg15[%get3A_686, %get3A_687] {strides = array<i32>} : memref<40x128xf32, #tpu.memory_space<vmem>>, vector<1x16xf32>,
        %get3A_689 = vector.shape_cast %get3A_688 : vector<1x16xf32> to vector<16xf32>
        %get3A_690 = arith.index_cast %scan3A_566 : i32 to index
        %get3A_691 = arith.constant 112 : index
        %get3A_692 = tpu.vector_load %arg17[%get3A_690, %get3A_691] {strides = array<i32>} : memref<40x128xf32, #tpu.memory_space<vmem>>, vector<1x16xf32>,
        %get3A_693 = vector.shape_cast %get3A_692 : vector<1x16xf32> to vector<16xf32>
        %add3A_694 = arith.addf %get3A_689, %get3A_693 : vector<16xf32>
        %max3A_695 = arith.constant 0.000000e+00 : f32
        %max3A_696 = vector.broadcast %max3A_695 : f32 to vector<16xf32>
        %max3A_697 = arith.maximumf %add3A_694, %max3A_696 : vector<16xf32>
        %swap3A_698 = arith.index_cast %scan3A_566 : i32 to index
        %swap3A_699 = arith.constant 112 : index
        %swap3A_700 = tpu.vector_load %arg19[%swap3A_698, %swap3A_699] {strides = array<i32>} : memref<40x128xf32, #tpu.memory_space<vmem>>, vector<1x16xf32>,
        %swap3A_701 = vector.shape_cast %swap3A_700 : vector<1x16xf32> to vector<16xf32>
        %swap3A_702 = vector.shape_cast %max3A_697 : vector<16xf32> to vector<1x16xf32>
        tpu.vector_store %arg19[%swap3A_698, %swap3A_699], %swap3A_702 {strides = array<i32>} : memref<40x128xf32, #tpu.memory_space<vmem>>, vector<1x16xf32>,
        %scan3A_703 = arith.constant 2 : i32
        %scan3A_704 = arith.addi %scan3A_429, %scan3A_703 : i32
        %get3A_705 = arith.index_cast %scan3A_704 : i32 to index
        %get3A_706 = arith.constant 0 : index
        %get3A_707 = tpu.vector_load %arg15[%get3A_705, %get3A_706] {strides = array<i32>} : memref<40x128xf32, #tpu.memory_space<vmem>>, vector<1x16xf32>,
        %get3A_708 = vector.shape_cast %get3A_707 : vector<1x16xf32> to vector<16xf32>
        %get3A_709 = arith.index_cast %scan3A_704 : i32 to index
        %get3A_710 = arith.constant 0 : index
        %get3A_711 = tpu.vector_load %arg17[%get3A_709, %get3A_710] {strides = array<i32>} : memref<40x128xf32, #tpu.memory_space<vmem>>, vector<1x16xf32>,
        %get3A_712 = vector.shape_cast %get3A_711 : vector<1x16xf32> to vector<16xf32>
        %add3A_713 = arith.addf %get3A_708, %get3A_712 : vector<16xf32>
        %max3A_714 = arith.constant 0.000000e+00 : f32
        %max3A_715 = vector.broadcast %max3A_714 : f32 to vector<16xf32>
        %max3A_716 = arith.maximumf %add3A_713, %max3A_715 : vector<16xf32>
        %swap3A_717 = arith.index_cast %scan3A_704 : i32 to index
        %swap3A_718 = arith.constant 0 : index
        %swap3A_719 = tpu.vector_load %arg19[%swap3A_717, %swap3A_718] {strides = array<i32>} : memref<40x128xf32, #tpu.memory_space<vmem>>, vector<1x16xf32>,
        %swap3A_720 = vector.shape_cast %swap3A_719 : vector<1x16xf32> to vector<16xf32>
        %swap3A_721 = vector.shape_cast %max3A_716 : vector<16xf32> to vector<1x16xf32>
        tpu.vector_store %arg19[%swap3A_717, %swap3A_718], %swap3A_721 {strides = array<i32>} : memref<40x128xf32, #tpu.memory_space<vmem>>, vector<1x16xf32>,
        %get3A_722 = arith.index_cast %scan3A_704 : i32 to index
        %get3A_723 = arith.constant 16 : index
        %get3A_724 = tpu.vector_load %arg15[%get3A_722, %get3A_723] {strides = array<i32>} : memref<40x128xf32, #tpu.memory_space<vmem>>, vector<1x16xf32>,
        %get3A_725 = vector.shape_cast %get3A_724 : vector<1x16xf32> to vector<16xf32>
        %get3A_726 = arith.index_cast %scan3A_704 : i32 to index
        %get3A_727 = arith.constant 16 : index
        %get3A_728 = tpu.vector_load %arg17[%get3A_726, %get3A_727] {strides = array<i32>} : memref<40x128xf32, #tpu.memory_space<vmem>>, vector<1x16xf32>,
        %get3A_729 = vector.shape_cast %get3A_728 : vector<1x16xf32> to vector<16xf32>
        %add3A_730 = arith.addf %get3A_725, %get3A_729 : vector<16xf32>
        %max3A_731 = arith.constant 0.000000e+00 : f32
        %max3A_732 = vector.broadcast %max3A_731 : f32 to vector<16xf32>
        %max3A_733 = arith.maximumf %add3A_730, %max3A_732 : vector<16xf32>
        %swap3A_734 = arith.index_cast %scan3A_704 : i32 to index
        %swap3A_735 = arith.constant 16 : index
        %swap3A_736 = tpu.vector_load %arg19[%swap3A_734, %swap3A_735] {strides = array<i32>} : memref<40x128xf32, #tpu.memory_space<vmem>>, vector<1x16xf32>,
        %swap3A_737 = vector.shape_cast %swap3A_736 : vector<1x16xf32> to vector<16xf32>
        %swap3A_738 = vector.shape_cast %max3A_733 : vector<16xf32> to vector<1x16xf32>
        tpu.vector_store %arg19[%swap3A_734, %swap3A_735], %swap3A_738 {strides = array<i32>} : memref<40x128xf32, #tpu.memory_space<vmem>>, vector<1x16xf32>,
        %get3A_739 = arith.index_cast %scan3A_704 : i32 to index
        %get3A_740 = arith.constant 32 : index
        %get3A_741 = tpu.vector_load %arg15[%get3A_739, %get3A_740] {strides = array<i32>} : memref<40x128xf32, #tpu.memory_space<vmem>>, vector<1x16xf32>,
        %get3A_742 = vector.shape_cast %get3A_741 : vector<1x16xf32> to vector<16xf32>
        %get3A_743 = arith.index_cast %scan3A_704 : i32 to index
        %get3A_744 = arith.constant 32 : index
        %get3A_745 = tpu.vector_load %arg17[%get3A_743, %get3A_744] {strides = array<i32>} : memref<40x128xf32, #tpu.memory_space<vmem>>, vector<1x16xf32>,
        %get3A_746 = vector.shape_cast %get3A_745 : vector<1x16xf32> to vector<16xf32>
        %add3A_747 = arith.addf %get3A_742, %get3A_746 : vector<16xf32>
        %max3A_748 = arith.constant 0.000000e+00 : f32
        %max3A_749 = vector.broadcast %max3A_748 : f32 to vector<16xf32>
        %max3A_750 = arith.maximumf %add3A_747, %max3A_749 : vector<16xf32>
        %swap3A_751 = arith.index_cast %scan3A_704 : i32 to index
        %swap3A_752 = arith.constant 32 : index
        %swap3A_753 = tpu.vector_load %arg19[%swap3A_751, %swap3A_752] {strides = array<i32>} : memref<40x128xf32, #tpu.memory_space<vmem>>, vector<1x16xf32>,
        %swap3A_754 = vector.shape_cast %swap3A_753 : vector<1x16xf32> to vector<16xf32>
        %swap3A_755 = vector.shape_cast %max3A_750 : vector<16xf32> to vector<1x16xf32>
        tpu.vector_store %arg19[%swap3A_751, %swap3A_752], %swap3A_755 {strides = array<i32>} : memref<40x128xf32, #tpu.memory_space<vmem>>, vector<1x16xf32>,
        %get3A_756 = arith.index_cast %scan3A_704 : i32 to index
        %get3A_757 = arith.constant 48 : index
        %get3A_758 = tpu.vector_load %arg15[%get3A_756, %get3A_757] {strides = array<i32>} : memref<40x128xf32, #tpu.memory_space<vmem>>, vector<1x16xf32>,
        %get3A_759 = vector.shape_cast %get3A_758 : vector<1x16xf32> to vector<16xf32>
        %get3A_760 = arith.index_cast %scan3A_704 : i32 to index
        %get3A_761 = arith.constant 48 : index
        %get3A_762 = tpu.vector_load %arg17[%get3A_760, %get3A_761] {strides = array<i32>} : memref<40x128xf32, #tpu.memory_space<vmem>>, vector<1x16xf32>,
        %get3A_763 = vector.shape_cast %get3A_762 : vector<1x16xf32> to vector<16xf32>
        %add3A_764 = arith.addf %get3A_759, %get3A_763 : vector<16xf32>
        %max3A_765 = arith.constant 0.000000e+00 : f32
        %max3A_766 = vector.broadcast %max3A_765 : f32 to vector<16xf32>
        %max3A_767 = arith.maximumf %add3A_764, %max3A_766 : vector<16xf32>
        %swap3A_768 = arith.index_cast %scan3A_704 : i32 to index
        %swap3A_769 = arith.constant 48 : index
        %swap3A_770 = tpu.vector_load %arg19[%swap3A_768, %swap3A_769] {strides = array<i32>} : memref<40x128xf32, #tpu.memory_space<vmem>>, vector<1x16xf32>,
        %swap3A_771 = vector.shape_cast %swap3A_770 : vector<1x16xf32> to vector<16xf32>
        %swap3A_772 = vector.shape_cast %max3A_767 : vector<16xf32> to vector<1x16xf32>
        tpu.vector_store %arg19[%swap3A_768, %swap3A_769], %swap3A_772 {strides = array<i32>} : memref<40x128xf32, #tpu.memory_space<vmem>>, vector<1x16xf32>,
        %get3A_773 = arith.index_cast %scan3A_704 : i32 to index
        %get3A_774 = arith.constant 64 : index
        %get3A_775 = tpu.vector_load %arg15[%get3A_773, %get3A_774] {strides = array<i32>} : memref<40x128xf32, #tpu.memory_space<vmem>>, vector<1x16xf32>,
        %get3A_776 = vector.shape_cast %get3A_775 : vector<1x16xf32> to vector<16xf32>
        %get3A_777 = arith.index_cast %scan3A_704 : i32 to index
        %get3A_778 = arith.constant 64 : index
        %get3A_779 = tpu.vector_load %arg17[%get3A_777, %get3A_778] {strides = array<i32>} : memref<40x128xf32, #tpu.memory_space<vmem>>, vector<1x16xf32>,
        %get3A_780 = vector.shape_cast %get3A_779 : vector<1x16xf32> to vector<16xf32>
        %add3A_781 = arith.addf %get3A_776, %get3A_780 : vector<16xf32>
        %max3A_782 = arith.constant 0.000000e+00 : f32
        %max3A_783 = vector.broadcast %max3A_782 : f32 to vector<16xf32>
        %max3A_784 = arith.maximumf %add3A_781, %max3A_783 : vector<16xf32>
        %swap3A_785 = arith.index_cast %scan3A_704 : i32 to index
        %swap3A_786 = arith.constant 64 : index
        %swap3A_787 = tpu.vector_load %arg19[%swap3A_785, %swap3A_786] {strides = array<i32>} : memref<40x128xf32, #tpu.memory_space<vmem>>, vector<1x16xf32>,
        %swap3A_788 = vector.shape_cast %swap3A_787 : vector<1x16xf32> to vector<16xf32>
        %swap3A_789 = vector.shape_cast %max3A_784 : vector<16xf32> to vector<1x16xf32>
        tpu.vector_store %arg19[%swap3A_785, %swap3A_786], %swap3A_789 {strides = array<i32>} : memref<40x128xf32, #tpu.memory_space<vmem>>, vector<1x16xf32>,
        %get3A_790 = arith.index_cast %scan3A_704 : i32 to index
        %get3A_791 = arith.constant 80 : index
        %get3A_792 = tpu.vector_load %arg15[%get3A_790, %get3A_791] {strides = array<i32>} : memref<40x128xf32, #tpu.memory_space<vmem>>, vector<1x16xf32>,
        %get3A_793 = vector.shape_cast %get3A_792 : vector<1x16xf32> to vector<16xf32>
        %get3A_794 = arith.index_cast %scan3A_704 : i32 to index
        %get3A_795 = arith.constant 80 : index
        %get3A_796 = tpu.vector_load %arg17[%get3A_794, %get3A_795] {strides = array<i32>} : memref<40x128xf32, #tpu.memory_space<vmem>>, vector<1x16xf32>,
        %get3A_797 = vector.shape_cast %get3A_796 : vector<1x16xf32> to vector<16xf32>
        %add3A_798 = arith.addf %get3A_793, %get3A_797 : vector<16xf32>
        %max3A_799 = arith.constant 0.000000e+00 : f32
        %max3A_800 = vector.broadcast %max3A_799 : f32 to vector<16xf32>
        %max3A_801 = arith.maximumf %add3A_798, %max3A_800 : vector<16xf32>
        %swap3A_802 = arith.index_cast %scan3A_704 : i32 to index
        %swap3A_803 = arith.constant 80 : index
        %swap3A_804 = tpu.vector_load %arg19[%swap3A_802, %swap3A_803] {strides = array<i32>} : memref<40x128xf32, #tpu.memory_space<vmem>>, vector<1x16xf32>,
        %swap3A_805 = vector.shape_cast %swap3A_804 : vector<1x16xf32> to vector<16xf32>
        %swap3A_806 = vector.shape_cast %max3A_801 : vector<16xf32> to vector<1x16xf32>
        tpu.vector_store %arg19[%swap3A_802, %swap3A_803], %swap3A_806 {strides = array<i32>} : memref<40x128xf32, #tpu.memory_space<vmem>>, vector<1x16xf32>,
        %get3A_807 = arith.index_cast %scan3A_704 : i32 to index
        %get3A_808 = arith.constant 96 : index
        %get3A_809 = tpu.vector_load %arg15[%get3A_807, %get3A_808] {strides = array<i32>} : memref<40x128xf32, #tpu.memory_space<vmem>>, vector<1x16xf32>,
        %get3A_810 = vector.shape_cast %get3A_809 : vector<1x16xf32> to vector<16xf32>
        %get3A_811 = arith.index_cast %scan3A_704 : i32 to index
        %get3A_812 = arith.constant 96 : index
        %get3A_813 = tpu.vector_load %arg17[%get3A_811, %get3A_812] {strides = array<i32>} : memref<40x128xf32, #tpu.memory_space<vmem>>, vector<1x16xf32>,
        %get3A_814 = vector.shape_cast %get3A_813 : vector<1x16xf32> to vector<16xf32>
        %add3A_815 = arith.addf %get3A_810, %get3A_814 : vector<16xf32>
        %max3A_816 = arith.constant 0.000000e+00 : f32
        %max3A_817 = vector.broadcast %max3A_816 : f32 to vector<16xf32>
        %max3A_818 = arith.maximumf %add3A_815, %max3A_817 : vector<16xf32>
        %swap3A_819 = arith.index_cast %scan3A_704 : i32 to index
        %swap3A_820 = arith.constant 96 : index
        %swap3A_821 = tpu.vector_load %arg19[%swap3A_819, %swap3A_820] {strides = array<i32>} : memref<40x128xf32, #tpu.memory_space<vmem>>, vector<1x16xf32>,
        %swap3A_822 = vector.shape_cast %swap3A_821 : vector<1x16xf32> to vector<16xf32>
        %swap3A_823 = vector.shape_cast %max3A_818 : vector<16xf32> to vector<1x16xf32>
        tpu.vector_store %arg19[%swap3A_819, %swap3A_820], %swap3A_823 {strides = array<i32>} : memref<40x128xf32, #tpu.memory_space<vmem>>, vector<1x16xf32>,
        %get3A_824 = arith.index_cast %scan3A_704 : i32 to index
        %get3A_825 = arith.constant 112 : index
        %get3A_826 = tpu.vector_load %arg15[%get3A_824, %get3A_825] {strides = array<i32>} : memref<40x128xf32, #tpu.memory_space<vmem>>, vector<1x16xf32>,
        %get3A_827 = vector.shape_cast %get3A_826 : vector<1x16xf32> to vector<16xf32>
        %get3A_828 = arith.index_cast %scan3A_704 : i32 to index
        %get3A_829 = arith.constant 112 : index
        %get3A_830 = tpu.vector_load %arg17[%get3A_828, %get3A_829] {strides = array<i32>} : memref<40x128xf32, #tpu.memory_space<vmem>>, vector<1x16xf32>,
        %get3A_831 = vector.shape_cast %get3A_830 : vector<1x16xf32> to vector<16xf32>
        %add3A_832 = arith.addf %get3A_827, %get3A_831 : vector<16xf32>
        %max3A_833 = arith.constant 0.000000e+00 : f32
        %max3A_834 = vector.broadcast %max3A_833 : f32 to vector<16xf32>
        %max3A_835 = arith.maximumf %add3A_832, %max3A_834 : vector<16xf32>
        %swap3A_836 = arith.index_cast %scan3A_704 : i32 to index
        %swap3A_837 = arith.constant 112 : index
        %swap3A_838 = tpu.vector_load %arg19[%swap3A_836, %swap3A_837] {strides = array<i32>} : memref<40x128xf32, #tpu.memory_space<vmem>>, vector<1x16xf32>,
        %swap3A_839 = vector.shape_cast %swap3A_838 : vector<1x16xf32> to vector<16xf32>
        %swap3A_840 = vector.shape_cast %max3A_835 : vector<16xf32> to vector<1x16xf32>
        tpu.vector_store %arg19[%swap3A_836, %swap3A_837], %swap3A_840 {strides = array<i32>} : memref<40x128xf32, #tpu.memory_space<vmem>>, vector<1x16xf32>,
        %scan3A_841 = arith.constant 3 : i32
        %scan3A_842 = arith.addi %scan3A_429, %scan3A_841 : i32
        %get3A_843 = arith.index_cast %scan3A_842 : i32 to index
        %get3A_844 = arith.constant 0 : index
        %get3A_845 = tpu.vector_load %arg15[%get3A_843, %get3A_844] {strides = array<i32>} : memref<40x128xf32, #tpu.memory_space<vmem>>, vector<1x16xf32>,
        %get3A_846 = vector.shape_cast %get3A_845 : vector<1x16xf32> to vector<16xf32>
        %get3A_847 = arith.index_cast %scan3A_842 : i32 to index
        %get3A_848 = arith.constant 0 : index
        %get3A_849 = tpu.vector_load %arg17[%get3A_847, %get3A_848] {strides = array<i32>} : memref<40x128xf32, #tpu.memory_space<vmem>>, vector<1x16xf32>,
        %get3A_850 = vector.shape_cast %get3A_849 : vector<1x16xf32> to vector<16xf32>
        %add3A_851 = arith.addf %get3A_846, %get3A_850 : vector<16xf32>
        %max3A_852 = arith.constant 0.000000e+00 : f32
        %max3A_853 = vector.broadcast %max3A_852 : f32 to vector<16xf32>
        %max3A_854 = arith.maximumf %add3A_851, %max3A_853 : vector<16xf32>
        %swap3A_855 = arith.index_cast %scan3A_842 : i32 to index
        %swap3A_856 = arith.constant 0 : index
        %swap3A_857 = tpu.vector_load %arg19[%swap3A_855, %swap3A_856] {strides = array<i32>} : memref<40x128xf32, #tpu.memory_space<vmem>>, vector<1x16xf32>,
        %swap3A_858 = vector.shape_cast %swap3A_857 : vector<1x16xf32> to vector<16xf32>
        %swap3A_859 = vector.shape_cast %max3A_854 : vector<16xf32> to vector<1x16xf32>
        tpu.vector_store %arg19[%swap3A_855, %swap3A_856], %swap3A_859 {strides = array<i32>} : memref<40x128xf32, #tpu.memory_space<vmem>>, vector<1x16xf32>,
        %get3A_860 = arith.index_cast %scan3A_842 : i32 to index
        %get3A_861 = arith.constant 16 : index
        %get3A_862 = tpu.vector_load %arg15[%get3A_860, %get3A_861] {strides = array<i32>} : memref<40x128xf32, #tpu.memory_space<vmem>>, vector<1x16xf32>,
        %get3A_863 = vector.shape_cast %get3A_862 : vector<1x16xf32> to vector<16xf32>
        %get3A_864 = arith.index_cast %scan3A_842 : i32 to index
        %get3A_865 = arith.constant 16 : index
        %get3A_866 = tpu.vector_load %arg17[%get3A_864, %get3A_865] {strides = array<i32>} : memref<40x128xf32, #tpu.memory_space<vmem>>, vector<1x16xf32>,
        %get3A_867 = vector.shape_cast %get3A_866 : vector<1x16xf32> to vector<16xf32>
        %add3A_868 = arith.addf %get3A_863, %get3A_867 : vector<16xf32>
        %max3A_869 = arith.constant 0.000000e+00 : f32
        %max3A_870 = vector.broadcast %max3A_869 : f32 to vector<16xf32>
        %max3A_871 = arith.maximumf %add3A_868, %max3A_870 : vector<16xf32>
        %swap3A_872 = arith.index_cast %scan3A_842 : i32 to index
        %swap3A_873 = arith.constant 16 : index
        %swap3A_874 = tpu.vector_load %arg19[%swap3A_872, %swap3A_873] {strides = array<i32>} : memref<40x128xf32, #tpu.memory_space<vmem>>, vector<1x16xf32>,
        %swap3A_875 = vector.shape_cast %swap3A_874 : vector<1x16xf32> to vector<16xf32>
        %swap3A_876 = vector.shape_cast %max3A_871 : vector<16xf32> to vector<1x16xf32>
        tpu.vector_store %arg19[%swap3A_872, %swap3A_873], %swap3A_876 {strides = array<i32>} : memref<40x128xf32, #tpu.memory_space<vmem>>, vector<1x16xf32>,
        %get3A_877 = arith.index_cast %scan3A_842 : i32 to index
        %get3A_878 = arith.constant 32 : index
        %get3A_879 = tpu.vector_load %arg15[%get3A_877, %get3A_878] {strides = array<i32>} : memref<40x128xf32, #tpu.memory_space<vmem>>, vector<1x16xf32>,
        %get3A_880 = vector.shape_cast %get3A_879 : vector<1x16xf32> to vector<16xf32>
        %get3A_881 = arith.index_cast %scan3A_842 : i32 to index
        %get3A_882 = arith.constant 32 : index
        %get3A_883 = tpu.vector_load %arg17[%get3A_881, %get3A_882] {strides = array<i32>} : memref<40x128xf32, #tpu.memory_space<vmem>>, vector<1x16xf32>,
        %get3A_884 = vector.shape_cast %get3A_883 : vector<1x16xf32> to vector<16xf32>
        %add3A_885 = arith.addf %get3A_880, %get3A_884 : vector<16xf32>
        %max3A_886 = arith.constant 0.000000e+00 : f32
        %max3A_887 = vector.broadcast %max3A_886 : f32 to vector<16xf32>
        %max3A_888 = arith.maximumf %add3A_885, %max3A_887 : vector<16xf32>
        %swap3A_889 = arith.index_cast %scan3A_842 : i32 to index
        %swap3A_890 = arith.constant 32 : index
        %swap3A_891 = tpu.vector_load %arg19[%swap3A_889, %swap3A_890] {strides = array<i32>} : memref<40x128xf32, #tpu.memory_space<vmem>>, vector<1x16xf32>,
        %swap3A_892 = vector.shape_cast %swap3A_891 : vector<1x16xf32> to vector<16xf32>
        %swap3A_893 = vector.shape_cast %max3A_888 : vector<16xf32> to vector<1x16xf32>
        tpu.vector_store %arg19[%swap3A_889, %swap3A_890], %swap3A_893 {strides = array<i32>} : memref<40x128xf32, #tpu.memory_space<vmem>>, vector<1x16xf32>,
        %get3A_894 = arith.index_cast %scan3A_842 : i32 to index
        %get3A_895 = arith.constant 48 : index
        %get3A_896 = tpu.vector_load %arg15[%get3A_894, %get3A_895] {strides = array<i32>} : memref<40x128xf32, #tpu.memory_space<vmem>>, vector<1x16xf32>,
        %get3A_897 = vector.shape_cast %get3A_896 : vector<1x16xf32> to vector<16xf32>
        %get3A_898 = arith.index_cast %scan3A_842 : i32 to index
        %get3A_899 = arith.constant 48 : index
        %get3A_900 = tpu.vector_load %arg17[%get3A_898, %get3A_899] {strides = array<i32>} : memref<40x128xf32, #tpu.memory_space<vmem>>, vector<1x16xf32>,
        %get3A_901 = vector.shape_cast %get3A_900 : vector<1x16xf32> to vector<16xf32>
        %add3A_902 = arith.addf %get3A_897, %get3A_901 : vector<16xf32>
        %max3A_903 = arith.constant 0.000000e+00 : f32
        %max3A_904 = vector.broadcast %max3A_903 : f32 to vector<16xf32>
        %max3A_905 = arith.maximumf %add3A_902, %max3A_904 : vector<16xf32>
        %swap3A_906 = arith.index_cast %scan3A_842 : i32 to index
        %swap3A_907 = arith.constant 48 : index
        %swap3A_908 = tpu.vector_load %arg19[%swap3A_906, %swap3A_907] {strides = array<i32>} : memref<40x128xf32, #tpu.memory_space<vmem>>, vector<1x16xf32>,
        %swap3A_909 = vector.shape_cast %swap3A_908 : vector<1x16xf32> to vector<16xf32>
        %swap3A_910 = vector.shape_cast %max3A_905 : vector<16xf32> to vector<1x16xf32>
        tpu.vector_store %arg19[%swap3A_906, %swap3A_907], %swap3A_910 {strides = array<i32>} : memref<40x128xf32, #tpu.memory_space<vmem>>, vector<1x16xf32>,
        %get3A_911 = arith.index_cast %scan3A_842 : i32 to index
        %get3A_912 = arith.constant 64 : index
        %get3A_913 = tpu.vector_load %arg15[%get3A_911, %get3A_912] {strides = array<i32>} : memref<40x128xf32, #tpu.memory_space<vmem>>, vector<1x16xf32>,
        %get3A_914 = vector.shape_cast %get3A_913 : vector<1x16xf32> to vector<16xf32>
        %get3A_915 = arith.index_cast %scan3A_842 : i32 to index
        %get3A_916 = arith.constant 64 : index
        %get3A_917 = tpu.vector_load %arg17[%get3A_915, %get3A_916] {strides = array<i32>} : memref<40x128xf32, #tpu.memory_space<vmem>>, vector<1x16xf32>,
        %get3A_918 = vector.shape_cast %get3A_917 : vector<1x16xf32> to vector<16xf32>
        %add3A_919 = arith.addf %get3A_914, %get3A_918 : vector<16xf32>
        %max3A_920 = arith.constant 0.000000e+00 : f32
        %max3A_921 = vector.broadcast %max3A_920 : f32 to vector<16xf32>
        %max3A_922 = arith.maximumf %add3A_919, %max3A_921 : vector<16xf32>
        %swap3A_923 = arith.index_cast %scan3A_842 : i32 to index
        %swap3A_924 = arith.constant 64 : index
        %swap3A_925 = tpu.vector_load %arg19[%swap3A_923, %swap3A_924] {strides = array<i32>} : memref<40x128xf32, #tpu.memory_space<vmem>>, vector<1x16xf32>,
        %swap3A_926 = vector.shape_cast %swap3A_925 : vector<1x16xf32> to vector<16xf32>
        %swap3A_927 = vector.shape_cast %max3A_922 : vector<16xf32> to vector<1x16xf32>
        tpu.vector_store %arg19[%swap3A_923, %swap3A_924], %swap3A_927 {strides = array<i32>} : memref<40x128xf32, #tpu.memory_space<vmem>>, vector<1x16xf32>,
        %get3A_928 = arith.index_cast %scan3A_842 : i32 to index
        %get3A_929 = arith.constant 80 : index
        %get3A_930 = tpu.vector_load %arg15[%get3A_928, %get3A_929] {strides = array<i32>} : memref<40x128xf32, #tpu.memory_space<vmem>>, vector<1x16xf32>,
        %get3A_931 = vector.shape_cast %get3A_930 : vector<1x16xf32> to vector<16xf32>
        %get3A_932 = arith.index_cast %scan3A_842 : i32 to index
        %get3A_933 = arith.constant 80 : index
        %get3A_934 = tpu.vector_load %arg17[%get3A_932, %get3A_933] {strides = array<i32>} : memref<40x128xf32, #tpu.memory_space<vmem>>, vector<1x16xf32>,
        %get3A_935 = vector.shape_cast %get3A_934 : vector<1x16xf32> to vector<16xf32>
        %add3A_936 = arith.addf %get3A_931, %get3A_935 : vector<16xf32>
        %max3A_937 = arith.constant 0.000000e+00 : f32
        %max3A_938 = vector.broadcast %max3A_937 : f32 to vector<16xf32>
        %max3A_939 = arith.maximumf %add3A_936, %max3A_938 : vector<16xf32>
        %swap3A_940 = arith.index_cast %scan3A_842 : i32 to index
        %swap3A_941 = arith.constant 80 : index
        %swap3A_942 = tpu.vector_load %arg19[%swap3A_940, %swap3A_941] {strides = array<i32>} : memref<40x128xf32, #tpu.memory_space<vmem>>, vector<1x16xf32>,
        %swap3A_943 = vector.shape_cast %swap3A_942 : vector<1x16xf32> to vector<16xf32>
        %swap3A_944 = vector.shape_cast %max3A_939 : vector<16xf32> to vector<1x16xf32>
        tpu.vector_store %arg19[%swap3A_940, %swap3A_941], %swap3A_944 {strides = array<i32>} : memref<40x128xf32, #tpu.memory_space<vmem>>, vector<1x16xf32>,
        %get3A_945 = arith.index_cast %scan3A_842 : i32 to index
        %get3A_946 = arith.constant 96 : index
        %get3A_947 = tpu.vector_load %arg15[%get3A_945, %get3A_946] {strides = array<i32>} : memref<40x128xf32, #tpu.memory_space<vmem>>, vector<1x16xf32>,
        %get3A_948 = vector.shape_cast %get3A_947 : vector<1x16xf32> to vector<16xf32>
        %get3A_949 = arith.index_cast %scan3A_842 : i32 to index
        %get3A_950 = arith.constant 96 : index
        %get3A_951 = tpu.vector_load %arg17[%get3A_949, %get3A_950] {strides = array<i32>} : memref<40x128xf32, #tpu.memory_space<vmem>>, vector<1x16xf32>,
        %get3A_952 = vector.shape_cast %get3A_951 : vector<1x16xf32> to vector<16xf32>
        %add3A_953 = arith.addf %get3A_948, %get3A_952 : vector<16xf32>
        %max3A_954 = arith.constant 0.000000e+00 : f32
        %max3A_955 = vector.broadcast %max3A_954 : f32 to vector<16xf32>
        %max3A_956 = arith.maximumf %add3A_953, %max3A_955 : vector<16xf32>
        %swap3A_957 = arith.index_cast %scan3A_842 : i32 to index
        %swap3A_958 = arith.constant 96 : index
        %swap3A_959 = tpu.vector_load %arg19[%swap3A_957, %swap3A_958] {strides = array<i32>} : memref<40x128xf32, #tpu.memory_space<vmem>>, vector<1x16xf32>,
        %swap3A_960 = vector.shape_cast %swap3A_959 : vector<1x16xf32> to vector<16xf32>
        %swap3A_961 = vector.shape_cast %max3A_956 : vector<16xf32> to vector<1x16xf32>
        tpu.vector_store %arg19[%swap3A_957, %swap3A_958], %swap3A_961 {strides = array<i32>} : memref<40x128xf32, #tpu.memory_space<vmem>>, vector<1x16xf32>,
        %get3A_962 = arith.index_cast %scan3A_842 : i32 to index
        %get3A_963 = arith.constant 112 : index
        %get3A_964 = tpu.vector_load %arg15[%get3A_962, %get3A_963] {strides = array<i32>} : memref<40x128xf32, #tpu.memory_space<vmem>>, vector<1x16xf32>,
        %get3A_965 = vector.shape_cast %get3A_964 : vector<1x16xf32> to vector<16xf32>
        %get3A_966 = arith.index_cast %scan3A_842 : i32 to index
        %get3A_967 = arith.constant 112 : index
        %get3A_968 = tpu.vector_load %arg17[%get3A_966, %get3A_967] {strides = array<i32>} : memref<40x128xf32, #tpu.memory_space<vmem>>, vector<1x16xf32>,
        %get3A_969 = vector.shape_cast %get3A_968 : vector<1x16xf32> to vector<16xf32>
        %add3A_970 = arith.addf %get3A_965, %get3A_969 : vector<16xf32>
        %max3A_971 = arith.constant 0.000000e+00 : f32
        %max3A_972 = vector.broadcast %max3A_971 : f32 to vector<16xf32>
        %max3A_973 = arith.maximumf %add3A_970, %max3A_972 : vector<16xf32>
        %swap3A_974 = arith.index_cast %scan3A_842 : i32 to index
        %swap3A_975 = arith.constant 112 : index
        %swap3A_976 = tpu.vector_load %arg19[%swap3A_974, %swap3A_975] {strides = array<i32>} : memref<40x128xf32, #tpu.memory_space<vmem>>, vector<1x16xf32>,
        %swap3A_977 = vector.shape_cast %swap3A_976 : vector<1x16xf32> to vector<16xf32>
        %swap3A_978 = vector.shape_cast %max3A_973 : vector<16xf32> to vector<1x16xf32>
        tpu.vector_store %arg19[%swap3A_974, %swap3A_975], %swap3A_978 {strides = array<i32>} : memref<40x128xf32, #tpu.memory_space<vmem>>, vector<1x16xf32>,
      }
      %scan3A_404 = arith.constant 40 : i32
      %dma_start3A_405 = arith.constant 0 : i32
      %dma_start3A_406 = arith.constant 0 : i32
      %dma_start3A_407 = tpu.memref_slice %arg8[%dma_start3A_405, %dma_start3A_406] : memref<10112x128xf32, #tpu.memory_space<vmem_shared>> -> memref<10112x128xf32, #tpu.memory_space<vmem_shared>>
      tpu.enqueue_indirect_dma source(%arg19 : memref<40x128xf32, #tpu.memory_space<vmem>>) target(%dma_start3A_407 : memref<10112x128xf32, #tpu.memory_space<vmem_shared>>) offsets(%arg13 : memref<40xi32, #tpu.memory_space<vmem>>) semaphore(%arg27 : memref<!tpu.dma_semaphore, #tpu.memory_space<semaphore_mem>>) {add = true}
      %add3A_408 = arith.constant 3 : i32
      %add3A_409 = arith.addi %mul3A_280, %add3A_408 : i32
      %add3A_410 = arith.addi %mul3A_6, %mul3A_4 : i32
      %mul3A_411 = arith.constant 40 : i32
      %mul3A_412 = arith.muli %add3A_409, %mul3A_411 : i32
      %add3A_413 = arith.addi %add3A_410, %mul3A_412 : i32
      %dma_start3A_414 = arith.constant 0 : i32
      %dma_start3A_415 = tpu.memref_slice %arg5[%add3A_413, %dma_start3A_414] : memref<320000x128xf32, #tpu.memory_space<hbm>> -> memref<40x128xf32, #tpu.memory_space<hbm>>
      %dma_start3A_416 = arith.constant 0 : i32
      %dma_start3A_417 = tpu.memref_slice %arg5[%add3A_413, %dma_start3A_416] : memref<320000x128xf32, #tpu.memory_space<hbm>> -> memref<40x128xf32, #tpu.memory_space<hbm>>
      tpu.enqueue_dma source(%dma_start3A_417 : memref<40x128xf32, #tpu.memory_space<hbm>>) target(%arg15 : memref<40x128xf32, #tpu.memory_space<vmem>>) target_semaphore(%arg21 : memref<!tpu.dma_semaphore, #tpu.memory_space<semaphore_mem>>)
      %mul3A_418 = arith.constant 40 : i32
      %mul3A_419 = arith.muli %add3A_409, %mul3A_418 : i32
      %dma_start3A_420 = tpu.memref_slice %arg9[%mul3A_419] : memref<10000xi32, #tpu.memory_space<vmem>> -> memref<40xi32, #tpu.memory_space<vmem>>
      %dma_start3A_421 = arith.constant 0 : i32
      %dma_start3A_422 = arith.constant 0 : i32
      %dma_start3A_423 = tpu.memref_slice %arg2[%dma_start3A_421, %dma_start3A_422] : memref<20000x128xf32, #tpu.memory_space<hbm>> -> memref<20000x128xf32, #tpu.memory_space<hbm>>
      tpu.enqueue_indirect_dma source(%dma_start3A_423 : memref<20000x128xf32, #tpu.memory_space<hbm>>) target(%arg17 : memref<40x128xf32, #tpu.memory_space<vmem>>) offsets(%dma_start3A_420 : memref<40xi32, #tpu.memory_space<vmem>>) semaphore(%arg23 : memref<!tpu.dma_semaphore, #tpu.memory_space<semaphore_mem>>)
      %mul3A_424 = arith.constant 40 : i32
      %mul3A_425 = arith.muli %add3A_409, %mul3A_424 : i32
      %add3A_426 = arith.addi %mul3A_4, %mul3A_425 : i32
      %dma_start3A_427 = tpu.memref_slice %arg4[%add3A_426] : memref<160000xi32, #tpu.memory_space<hbm>> -> memref<40xi32, #tpu.memory_space<hbm>>
      %dma_start3A_428 = tpu.memref_slice %arg4[%add3A_426] : memref<160000xi32, #tpu.memory_space<hbm>> -> memref<40xi32, #tpu.memory_space<hbm>>
      tpu.enqueue_dma source(%dma_start3A_428 : memref<40xi32, #tpu.memory_space<hbm>>) target(%arg11 : memref<40xi32, #tpu.memory_space<vmem>>) target_semaphore(%arg25 : memref<!tpu.dma_semaphore, #tpu.memory_space<semaphore_mem>>)
    }
    %scan3A_163 = arith.constant 123 : i32
    %add3A_164 = arith.addi %mul3A_6, %mul3A_4 : i32
    %add3A_165 = arith.constant 9920 : i32
    %add3A_166 = arith.addi %add3A_164, %add3A_165 : i32
    %dma_wait3A_167 = arith.constant 0 : i32
    %dma_wait3A_168 = tpu.memref_slice %arg5[%add3A_166, %dma_wait3A_167] : memref<320000x128xf32, #tpu.memory_space<hbm>> -> memref<40x128xf32, #tpu.memory_space<hbm>>
    %dma_wait3A_169 = arith.constant 0 : i32
    %dma_wait3A_170 = tpu.memref_slice %arg5[%add3A_166, %dma_wait3A_169] : memref<320000x128xf32, #tpu.memory_space<hbm>> -> memref<40x128xf32, #tpu.memory_space<hbm>>
    tpu.wait_dma2 semaphore(%arg20 : memref<!tpu.dma_semaphore, #tpu.memory_space<semaphore_mem>>) src(%dma_wait3A_170 : memref<40x128xf32, #tpu.memory_space<hbm>>) dst(%arg14 : memref<40x128xf32, #tpu.memory_space<vmem>>)
    %dma_wait3A_171 = arith.constant 9920 : i32
    %dma_wait3A_172 = tpu.memref_slice %arg9[%dma_wait3A_171] : memref<10000xi32, #tpu.memory_space<vmem>> -> memref<40xi32, #tpu.memory_space<vmem>>
    %dma_wait3A_173 = arith.constant 0 : i32
    %dma_wait3A_174 = arith.constant 0 : i32
    %dma_wait3A_175 = tpu.memref_slice %arg2[%dma_wait3A_173, %dma_wait3A_174] : memref<20000x128xf32, #tpu.memory_space<hbm>> -> memref<20000x128xf32, #tpu.memory_space<hbm>>
    tpu.wait_indirect_dma semaphore(%arg22 : memref<!tpu.dma_semaphore, #tpu.memory_space<semaphore_mem>>) src(%dma_wait3A_175 : memref<20000x128xf32, #tpu.memory_space<hbm>>) dst(%arg16 : memref<40x128xf32, #tpu.memory_space<vmem>>)
    %add3A_176 = arith.constant 9920 : i32
    %add3A_177 = arith.addi %mul3A_4, %add3A_176 : i32
    %dma_wait3A_178 = tpu.memref_slice %arg4[%add3A_177] : memref<160000xi32, #tpu.memory_space<hbm>> -> memref<40xi32, #tpu.memory_space<hbm>>
    %dma_wait3A_179 = tpu.memref_slice %arg4[%add3A_177] : memref<160000xi32, #tpu.memory_space<hbm>> -> memref<40xi32, #tpu.memory_space<hbm>>
    tpu.wait_dma2 semaphore(%arg24 : memref<!tpu.dma_semaphore, #tpu.memory_space<semaphore_mem>>) src(%dma_wait3A_179 : memref<40xi32, #tpu.memory_space<hbm>>) dst(%arg10 : memref<40xi32, #tpu.memory_space<vmem>>)
    %dma_wait3A_180 = arith.constant 0 : i32
    %dma_wait3A_181 = arith.constant 0 : i32
    %dma_wait3A_182 = tpu.memref_slice %arg8[%dma_wait3A_180, %dma_wait3A_181] : memref<10112x128xf32, #tpu.memory_space<vmem_shared>> -> memref<10112x128xf32, #tpu.memory_space<vmem_shared>>
    tpu.wait_indirect_dma semaphore(%arg26 : memref<!tpu.dma_semaphore, #tpu.memory_space<semaphore_mem>>) src(%arg18 : memref<40x128xf32, #tpu.memory_space<vmem>>) dst(%dma_wait3A_182 : memref<10112x128xf32, #tpu.memory_space<vmem_shared>>)
    %get3A_183 = arith.constant 0 : index
    %get3A_184 = tpu.vector_load %arg10[%get3A_183] {strides = array<i32>} : memref<40xi32, #tpu.memory_space<vmem>>, vector<16xi32>,
    %get3A_185 = vector.shape_cast %get3A_184 : vector<16xi32> to vector<16xi32>
    %swap3A_186 = arith.constant 0 : index
    %swap3A_187 = tpu.vector_load %arg12[%swap3A_186] {strides = array<i32>} : memref<40xi32, #tpu.memory_space<vmem>>, vector<16xi32>,
    %swap3A_188 = vector.shape_cast %swap3A_187 : vector<16xi32> to vector<16xi32>
    %swap3A_189 = vector.shape_cast %get3A_185 : vector<16xi32> to vector<16xi32>
    tpu.vector_store %arg12[%swap3A_186], %swap3A_189 {strides = array<i32>} : memref<40xi32, #tpu.memory_space<vmem>>, vector<16xi32>,
    %get3A_190 = arith.constant 16 : index
    %get3A_191 = tpu.vector_load %arg10[%get3A_190] {strides = array<i32>} : memref<40xi32, #tpu.memory_space<vmem>>, vector<16xi32>,
    %get3A_192 = vector.shape_cast %get3A_191 : vector<16xi32> to vector<16xi32>
    %swap3A_193 = arith.constant 16 : index
    %swap3A_194 = tpu.vector_load %arg12[%swap3A_193] {strides = array<i32>} : memref<40xi32, #tpu.memory_space<vmem>>, vector<16xi32>,
    %swap3A_195 = vector.shape_cast %swap3A_194 : vector<16xi32> to vector<16xi32>
    %swap3A_196 = vector.shape_cast %get3A_192 : vector<16xi32> to vector<16xi32>
    tpu.vector_store %arg12[%swap3A_193], %swap3A_196 {strides = array<i32>} : memref<40xi32, #tpu.memory_space<vmem>>, vector<16xi32>,
    %get3A_197 = arith.constant 24 : index
    %get3A_198 = tpu.vector_load %arg10[%get3A_197] {strides = array<i32>} : memref<40xi32, #tpu.memory_space<vmem>>, vector<16xi32>,
    %get3A_199 = vector.shape_cast %get3A_198 : vector<16xi32> to vector<16xi32>
    %swap3A_200 = arith.constant 24 : index
    %swap3A_201 = tpu.vector_load %arg12[%swap3A_200] {strides = array<i32>} : memref<40xi32, #tpu.memory_space<vmem>>, vector<16xi32>,
    %swap3A_202 = vector.shape_cast %swap3A_201 : vector<16xi32> to vector<16xi32>
    %swap3A_203 = vector.shape_cast %get3A_199 : vector<16xi32> to vector<16xi32>
    tpu.vector_store %arg12[%swap3A_200], %swap3A_203 {strides = array<i32>} : memref<40xi32, #tpu.memory_space<vmem>>, vector<16xi32>,
    %scan3A_204 = arith.constant 0 : i32
    %scan3A_205 = arith.constant 0 : i32
    %scan3A_206 = arith.constant 40 : i32
    %scan3A_207 = arith.addi %scan3A_205, %scan3A_206 : i32
    %scan3A_208 = arith.constant 4 : i32
    scf.for %scan3A_278 = %scan3A_205 to %scan3A_207 step %scan3A_208  : i32 {
      %get3A_279 = arith.index_cast %scan3A_278 : i32 to index
      %get3A_280 = arith.constant 0 : index
      %get3A_281 = tpu.vector_load %arg14[%get3A_279, %get3A_280] {strides = array<i32>} : memref<40x128xf32, #tpu.memory_space<vmem>>, vector<1x16xf32>,
      %get3A_282 = vector.shape_cast %get3A_281 : vector<1x16xf32> to vector<16xf32>
      %get3A_283 = arith.index_cast %scan3A_278 : i32 to index
      %get3A_284 = arith.constant 0 : index
      %get3A_285 = tpu.vector_load %arg16[%get3A_283, %get3A_284] {strides = array<i32>} : memref<40x128xf32, #tpu.memory_space<vmem>>, vector<1x16xf32>,
      %get3A_286 = vector.shape_cast %get3A_285 : vector<1x16xf32> to vector<16xf32>
      %add3A_287 = arith.addf %get3A_282, %get3A_286 : vector<16xf32>
      %max3A = arith.constant 0.000000e+00 : f32
      %max3A_288 = vector.broadcast %max3A : f32 to vector<16xf32>
      %max3A_289 = arith.maximumf %add3A_287, %max3A_288 : vector<16xf32>
      %swap3A_290 = arith.index_cast %scan3A_278 : i32 to index
      %swap3A_291 = arith.constant 0 : index
      %swap3A_292 = tpu.vector_load %arg18[%swap3A_290, %swap3A_291] {strides = array<i32>} : memref<40x128xf32, #tpu.memory_space<vmem>>, vector<1x16xf32>,
      %swap3A_293 = vector.shape_cast %swap3A_292 : vector<1x16xf32> to vector<16xf32>
      %swap3A_294 = vector.shape_cast %max3A_289 : vector<16xf32> to vector<1x16xf32>
      tpu.vector_store %arg18[%swap3A_290, %swap3A_291], %swap3A_294 {strides = array<i32>} : memref<40x128xf32, #tpu.memory_space<vmem>>, vector<1x16xf32>,
      %get3A_295 = arith.index_cast %scan3A_278 : i32 to index
      %get3A_296 = arith.constant 16 : index
      %get3A_297 = tpu.vector_load %arg14[%get3A_295, %get3A_296] {strides = array<i32>} : memref<40x128xf32, #tpu.memory_space<vmem>>, vector<1x16xf32>,
      %get3A_298 = vector.shape_cast %get3A_297 : vector<1x16xf32> to vector<16xf32>
      %get3A_299 = arith.index_cast %scan3A_278 : i32 to index
      %get3A_300 = arith.constant 16 : index
      %get3A_301 = tpu.vector_load %arg16[%get3A_299, %get3A_300] {strides = array<i32>} : memref<40x128xf32, #tpu.memory_space<vmem>>, vector<1x16xf32>,
      %get3A_302 = vector.shape_cast %get3A_301 : vector<1x16xf32> to vector<16xf32>
      %add3A_303 = arith.addf %get3A_298, %get3A_302 : vector<16xf32>
      %max3A_304 = arith.constant 0.000000e+00 : f32
      %max3A_305 = vector.broadcast %max3A_304 : f32 to vector<16xf32>
      %max3A_306 = arith.maximumf %add3A_303, %max3A_305 : vector<16xf32>
      %swap3A_307 = arith.index_cast %scan3A_278 : i32 to index
      %swap3A_308 = arith.constant 16 : index
      %swap3A_309 = tpu.vector_load %arg18[%swap3A_307, %swap3A_308] {strides = array<i32>} : memref<40x128xf32, #tpu.memory_space<vmem>>, vector<1x16xf32>,
      %swap3A_310 = vector.shape_cast %swap3A_309 : vector<1x16xf32> to vector<16xf32>
      %swap3A_311 = vector.shape_cast %max3A_306 : vector<16xf32> to vector<1x16xf32>
      tpu.vector_store %arg18[%swap3A_307, %swap3A_308], %swap3A_311 {strides = array<i32>} : memref<40x128xf32, #tpu.memory_space<vmem>>, vector<1x16xf32>,
      %get3A_312 = arith.index_cast %scan3A_278 : i32 to index
      %get3A_313 = arith.constant 32 : index
      %get3A_314 = tpu.vector_load %arg14[%get3A_312, %get3A_313] {strides = array<i32>} : memref<40x128xf32, #tpu.memory_space<vmem>>, vector<1x16xf32>,
      %get3A_315 = vector.shape_cast %get3A_314 : vector<1x16xf32> to vector<16xf32>
      %get3A_316 = arith.index_cast %scan3A_278 : i32 to index
      %get3A_317 = arith.constant 32 : index
      %get3A_318 = tpu.vector_load %arg16[%get3A_316, %get3A_317] {strides = array<i32>} : memref<40x128xf32, #tpu.memory_space<vmem>>, vector<1x16xf32>,
      %get3A_319 = vector.shape_cast %get3A_318 : vector<1x16xf32> to vector<16xf32>
      %add3A_320 = arith.addf %get3A_315, %get3A_319 : vector<16xf32>
      %max3A_321 = arith.constant 0.000000e+00 : f32
      %max3A_322 = vector.broadcast %max3A_321 : f32 to vector<16xf32>
      %max3A_323 = arith.maximumf %add3A_320, %max3A_322 : vector<16xf32>
      %swap3A_324 = arith.index_cast %scan3A_278 : i32 to index
      %swap3A_325 = arith.constant 32 : index
      %swap3A_326 = tpu.vector_load %arg18[%swap3A_324, %swap3A_325] {strides = array<i32>} : memref<40x128xf32, #tpu.memory_space<vmem>>, vector<1x16xf32>,
      %swap3A_327 = vector.shape_cast %swap3A_326 : vector<1x16xf32> to vector<16xf32>
      %swap3A_328 = vector.shape_cast %max3A_323 : vector<16xf32> to vector<1x16xf32>
      tpu.vector_store %arg18[%swap3A_324, %swap3A_325], %swap3A_328 {strides = array<i32>} : memref<40x128xf32, #tpu.memory_space<vmem>>, vector<1x16xf32>,
      %get3A_329 = arith.index_cast %scan3A_278 : i32 to index
      %get3A_330 = arith.constant 48 : index
      %get3A_331 = tpu.vector_load %arg14[%get3A_329, %get3A_330] {strides = array<i32>} : memref<40x128xf32, #tpu.memory_space<vmem>>, vector<1x16xf32>,
      %get3A_332 = vector.shape_cast %get3A_331 : vector<1x16xf32> to vector<16xf32>
      %get3A_333 = arith.index_cast %scan3A_278 : i32 to index
      %get3A_334 = arith.constant 48 : index
      %get3A_335 = tpu.vector_load %arg16[%get3A_333, %get3A_334] {strides = array<i32>} : memref<40x128xf32, #tpu.memory_space<vmem>>, vector<1x16xf32>,
      %get3A_336 = vector.shape_cast %get3A_335 : vector<1x16xf32> to vector<16xf32>
      %add3A_337 = arith.addf %get3A_332, %get3A_336 : vector<16xf32>
      %max3A_338 = arith.constant 0.000000e+00 : f32
      %max3A_339 = vector.broadcast %max3A_338 : f32 to vector<16xf32>
      %max3A_340 = arith.maximumf %add3A_337, %max3A_339 : vector<16xf32>
      %swap3A_341 = arith.index_cast %scan3A_278 : i32 to index
      %swap3A_342 = arith.constant 48 : index
      %swap3A_343 = tpu.vector_load %arg18[%swap3A_341, %swap3A_342] {strides = array<i32>} : memref<40x128xf32, #tpu.memory_space<vmem>>, vector<1x16xf32>,
      %swap3A_344 = vector.shape_cast %swap3A_343 : vector<1x16xf32> to vector<16xf32>
      %swap3A_345 = vector.shape_cast %max3A_340 : vector<16xf32> to vector<1x16xf32>
      tpu.vector_store %arg18[%swap3A_341, %swap3A_342], %swap3A_345 {strides = array<i32>} : memref<40x128xf32, #tpu.memory_space<vmem>>, vector<1x16xf32>,
      %get3A_346 = arith.index_cast %scan3A_278 : i32 to index
      %get3A_347 = arith.constant 64 : index
      %get3A_348 = tpu.vector_load %arg14[%get3A_346, %get3A_347] {strides = array<i32>} : memref<40x128xf32, #tpu.memory_space<vmem>>, vector<1x16xf32>,
      %get3A_349 = vector.shape_cast %get3A_348 : vector<1x16xf32> to vector<16xf32>
      %get3A_350 = arith.index_cast %scan3A_278 : i32 to index
      %get3A_351 = arith.constant 64 : index
      %get3A_352 = tpu.vector_load %arg16[%get3A_350, %get3A_351] {strides = array<i32>} : memref<40x128xf32, #tpu.memory_space<vmem>>, vector<1x16xf32>,
      %get3A_353 = vector.shape_cast %get3A_352 : vector<1x16xf32> to vector<16xf32>
      %add3A_354 = arith.addf %get3A_349, %get3A_353 : vector<16xf32>
      %max3A_355 = arith.constant 0.000000e+00 : f32
      %max3A_356 = vector.broadcast %max3A_355 : f32 to vector<16xf32>
      %max3A_357 = arith.maximumf %add3A_354, %max3A_356 : vector<16xf32>
      %swap3A_358 = arith.index_cast %scan3A_278 : i32 to index
      %swap3A_359 = arith.constant 64 : index
      %swap3A_360 = tpu.vector_load %arg18[%swap3A_358, %swap3A_359] {strides = array<i32>} : memref<40x128xf32, #tpu.memory_space<vmem>>, vector<1x16xf32>,
      %swap3A_361 = vector.shape_cast %swap3A_360 : vector<1x16xf32> to vector<16xf32>
      %swap3A_362 = vector.shape_cast %max3A_357 : vector<16xf32> to vector<1x16xf32>
      tpu.vector_store %arg18[%swap3A_358, %swap3A_359], %swap3A_362 {strides = array<i32>} : memref<40x128xf32, #tpu.memory_space<vmem>>, vector<1x16xf32>,
      %get3A_363 = arith.index_cast %scan3A_278 : i32 to index
      %get3A_364 = arith.constant 80 : index
      %get3A_365 = tpu.vector_load %arg14[%get3A_363, %get3A_364] {strides = array<i32>} : memref<40x128xf32, #tpu.memory_space<vmem>>, vector<1x16xf32>,
      %get3A_366 = vector.shape_cast %get3A_365 : vector<1x16xf32> to vector<16xf32>
      %get3A_367 = arith.index_cast %scan3A_278 : i32 to index
      %get3A_368 = arith.constant 80 : index
      %get3A_369 = tpu.vector_load %arg16[%get3A_367, %get3A_368] {strides = array<i32>} : memref<40x128xf32, #tpu.memory_space<vmem>>, vector<1x16xf32>,
      %get3A_370 = vector.shape_cast %get3A_369 : vector<1x16xf32> to vector<16xf32>
      %add3A_371 = arith.addf %get3A_366, %get3A_370 : vector<16xf32>
      %max3A_372 = arith.constant 0.000000e+00 : f32
      %max3A_373 = vector.broadcast %max3A_372 : f32 to vector<16xf32>
      %max3A_374 = arith.maximumf %add3A_371, %max3A_373 : vector<16xf32>
      %swap3A_375 = arith.index_cast %scan3A_278 : i32 to index
      %swap3A_376 = arith.constant 80 : index
      %swap3A_377 = tpu.vector_load %arg18[%swap3A_375, %swap3A_376] {strides = array<i32>} : memref<40x128xf32, #tpu.memory_space<vmem>>, vector<1x16xf32>,
      %swap3A_378 = vector.shape_cast %swap3A_377 : vector<1x16xf32> to vector<16xf32>
      %swap3A_379 = vector.shape_cast %max3A_374 : vector<16xf32> to vector<1x16xf32>
      tpu.vector_store %arg18[%swap3A_375, %swap3A_376], %swap3A_379 {strides = array<i32>} : memref<40x128xf32, #tpu.memory_space<vmem>>, vector<1x16xf32>,
      %get3A_380 = arith.index_cast %scan3A_278 : i32 to index
      %get3A_381 = arith.constant 96 : index
      %get3A_382 = tpu.vector_load %arg14[%get3A_380, %get3A_381] {strides = array<i32>} : memref<40x128xf32, #tpu.memory_space<vmem>>, vector<1x16xf32>,
      %get3A_383 = vector.shape_cast %get3A_382 : vector<1x16xf32> to vector<16xf32>
      %get3A_384 = arith.index_cast %scan3A_278 : i32 to index
      %get3A_385 = arith.constant 96 : index
      %get3A_386 = tpu.vector_load %arg16[%get3A_384, %get3A_385] {strides = array<i32>} : memref<40x128xf32, #tpu.memory_space<vmem>>, vector<1x16xf32>,
      %get3A_387 = vector.shape_cast %get3A_386 : vector<1x16xf32> to vector<16xf32>
      %add3A_388 = arith.addf %get3A_383, %get3A_387 : vector<16xf32>
      %max3A_389 = arith.constant 0.000000e+00 : f32
      %max3A_390 = vector.broadcast %max3A_389 : f32 to vector<16xf32>
      %max3A_391 = arith.maximumf %add3A_388, %max3A_390 : vector<16xf32>
      %swap3A_392 = arith.index_cast %scan3A_278 : i32 to index
      %swap3A_393 = arith.constant 96 : index
      %swap3A_394 = tpu.vector_load %arg18[%swap3A_392, %swap3A_393] {strides = array<i32>} : memref<40x128xf32, #tpu.memory_space<vmem>>, vector<1x16xf32>,
      %swap3A_395 = vector.shape_cast %swap3A_394 : vector<1x16xf32> to vector<16xf32>
      %swap3A_396 = vector.shape_cast %max3A_391 : vector<16xf32> to vector<1x16xf32>
      tpu.vector_store %arg18[%swap3A_392, %swap3A_393], %swap3A_396 {strides = array<i32>} : memref<40x128xf32, #tpu.memory_space<vmem>>, vector<1x16xf32>,
      %get3A_397 = arith.index_cast %scan3A_278 : i32 to index
      %get3A_398 = arith.constant 112 : index
      %get3A_399 = tpu.vector_load %arg14[%get3A_397, %get3A_398] {strides = array<i32>} : memref<40x128xf32, #tpu.memory_space<vmem>>, vector<1x16xf32>,
      %get3A_400 = vector.shape_cast %get3A_399 : vector<1x16xf32> to vector<16xf32>
      %get3A_401 = arith.index_cast %scan3A_278 : i32 to index
      %get3A_402 = arith.constant 112 : index
      %get3A_403 = tpu.vector_load %arg16[%get3A_401, %get3A_402] {strides = array<i32>} : memref<40x128xf32, #tpu.memory_space<vmem>>, vector<1x16xf32>,
      %get3A_404 = vector.shape_cast %get3A_403 : vector<1x16xf32> to vector<16xf32>
      %add3A_405 = arith.addf %get3A_400, %get3A_404 : vector<16xf32>
      %max3A_406 = arith.constant 0.000000e+00 : f32
      %max3A_407 = vector.broadcast %max3A_406 : f32 to vector<16xf32>
      %max3A_408 = arith.maximumf %add3A_405, %max3A_407 : vector<16xf32>
      %swap3A_409 = arith.index_cast %scan3A_278 : i32 to index
      %swap3A_410 = arith.constant 112 : index
      %swap3A_411 = tpu.vector_load %arg18[%swap3A_409, %swap3A_410] {strides = array<i32>} : memref<40x128xf32, #tpu.memory_space<vmem>>, vector<1x16xf32>,
      %swap3A_412 = vector.shape_cast %swap3A_411 : vector<1x16xf32> to vector<16xf32>
      %swap3A_413 = vector.shape_cast %max3A_408 : vector<16xf32> to vector<1x16xf32>
      tpu.vector_store %arg18[%swap3A_409, %swap3A_410], %swap3A_413 {strides = array<i32>} : memref<40x128xf32, #tpu.memory_space<vmem>>, vector<1x16xf32>,
      %scan3A_414 = arith.constant 1 : i32
      %scan3A_415 = arith.addi %scan3A_278, %scan3A_414 : i32
      %get3A_416 = arith.index_cast %scan3A_415 : i32 to index
      %get3A_417 = arith.constant 0 : index
      %get3A_418 = tpu.vector_load %arg14[%get3A_416, %get3A_417] {strides = array<i32>} : memref<40x128xf32, #tpu.memory_space<vmem>>, vector<1x16xf32>,
      %get3A_419 = vector.shape_cast %get3A_418 : vector<1x16xf32> to vector<16xf32>
      %get3A_420 = arith.index_cast %scan3A_415 : i32 to index
      %get3A_421 = arith.constant 0 : index
      %get3A_422 = tpu.vector_load %arg16[%get3A_420, %get3A_421] {strides = array<i32>} : memref<40x128xf32, #tpu.memory_space<vmem>>, vector<1x16xf32>,
      %get3A_423 = vector.shape_cast %get3A_422 : vector<1x16xf32> to vector<16xf32>
      %add3A_424 = arith.addf %get3A_419, %get3A_423 : vector<16xf32>
      %max3A_425 = arith.constant 0.000000e+00 : f32
      %max3A_426 = vector.broadcast %max3A_425 : f32 to vector<16xf32>
      %max3A_427 = arith.maximumf %add3A_424, %max3A_426 : vector<16xf32>
      %swap3A_428 = arith.index_cast %scan3A_415 : i32 to index
      %swap3A_429 = arith.constant 0 : index
      %swap3A_430 = tpu.vector_load %arg18[%swap3A_428, %swap3A_429] {strides = array<i32>} : memref<40x128xf32, #tpu.memory_space<vmem>>, vector<1x16xf32>,
      %swap3A_431 = vector.shape_cast %swap3A_430 : vector<1x16xf32> to vector<16xf32>
      %swap3A_432 = vector.shape_cast %max3A_427 : vector<16xf32> to vector<1x16xf32>
      tpu.vector_store %arg18[%swap3A_428, %swap3A_429], %swap3A_432 {strides = array<i32>} : memref<40x128xf32, #tpu.memory_space<vmem>>, vector<1x16xf32>,
      %get3A_433 = arith.index_cast %scan3A_415 : i32 to index
      %get3A_434 = arith.constant 16 : index
      %get3A_435 = tpu.vector_load %arg14[%get3A_433, %get3A_434] {strides = array<i32>} : memref<40x128xf32, #tpu.memory_space<vmem>>, vector<1x16xf32>,
      %get3A_436 = vector.shape_cast %get3A_435 : vector<1x16xf32> to vector<16xf32>
      %get3A_437 = arith.index_cast %scan3A_415 : i32 to index
      %get3A_438 = arith.constant 16 : index
      %get3A_439 = tpu.vector_load %arg16[%get3A_437, %get3A_438] {strides = array<i32>} : memref<40x128xf32, #tpu.memory_space<vmem>>, vector<1x16xf32>,
      %get3A_440 = vector.shape_cast %get3A_439 : vector<1x16xf32> to vector<16xf32>
      %add3A_441 = arith.addf %get3A_436, %get3A_440 : vector<16xf32>
      %max3A_442 = arith.constant 0.000000e+00 : f32
      %max3A_443 = vector.broadcast %max3A_442 : f32 to vector<16xf32>
      %max3A_444 = arith.maximumf %add3A_441, %max3A_443 : vector<16xf32>
      %swap3A_445 = arith.index_cast %scan3A_415 : i32 to index
      %swap3A_446 = arith.constant 16 : index
      %swap3A_447 = tpu.vector_load %arg18[%swap3A_445, %swap3A_446] {strides = array<i32>} : memref<40x128xf32, #tpu.memory_space<vmem>>, vector<1x16xf32>,
      %swap3A_448 = vector.shape_cast %swap3A_447 : vector<1x16xf32> to vector<16xf32>
      %swap3A_449 = vector.shape_cast %max3A_444 : vector<16xf32> to vector<1x16xf32>
      tpu.vector_store %arg18[%swap3A_445, %swap3A_446], %swap3A_449 {strides = array<i32>} : memref<40x128xf32, #tpu.memory_space<vmem>>, vector<1x16xf32>,
      %get3A_450 = arith.index_cast %scan3A_415 : i32 to index
      %get3A_451 = arith.constant 32 : index
      %get3A_452 = tpu.vector_load %arg14[%get3A_450, %get3A_451] {strides = array<i32>} : memref<40x128xf32, #tpu.memory_space<vmem>>, vector<1x16xf32>,
      %get3A_453 = vector.shape_cast %get3A_452 : vector<1x16xf32> to vector<16xf32>
      %get3A_454 = arith.index_cast %scan3A_415 : i32 to index
      %get3A_455 = arith.constant 32 : index
      %get3A_456 = tpu.vector_load %arg16[%get3A_454, %get3A_455] {strides = array<i32>} : memref<40x128xf32, #tpu.memory_space<vmem>>, vector<1x16xf32>,
      %get3A_457 = vector.shape_cast %get3A_456 : vector<1x16xf32> to vector<16xf32>
      %add3A_458 = arith.addf %get3A_453, %get3A_457 : vector<16xf32>
      %max3A_459 = arith.constant 0.000000e+00 : f32
      %max3A_460 = vector.broadcast %max3A_459 : f32 to vector<16xf32>
      %max3A_461 = arith.maximumf %add3A_458, %max3A_460 : vector<16xf32>
      %swap3A_462 = arith.index_cast %scan3A_415 : i32 to index
      %swap3A_463 = arith.constant 32 : index
      %swap3A_464 = tpu.vector_load %arg18[%swap3A_462, %swap3A_463] {strides = array<i32>} : memref<40x128xf32, #tpu.memory_space<vmem>>, vector<1x16xf32>,
      %swap3A_465 = vector.shape_cast %swap3A_464 : vector<1x16xf32> to vector<16xf32>
      %swap3A_466 = vector.shape_cast %max3A_461 : vector<16xf32> to vector<1x16xf32>
      tpu.vector_store %arg18[%swap3A_462, %swap3A_463], %swap3A_466 {strides = array<i32>} : memref<40x128xf32, #tpu.memory_space<vmem>>, vector<1x16xf32>,
      %get3A_467 = arith.index_cast %scan3A_415 : i32 to index
      %get3A_468 = arith.constant 48 : index
      %get3A_469 = tpu.vector_load %arg14[%get3A_467, %get3A_468] {strides = array<i32>} : memref<40x128xf32, #tpu.memory_space<vmem>>, vector<1x16xf32>,
      %get3A_470 = vector.shape_cast %get3A_469 : vector<1x16xf32> to vector<16xf32>
      %get3A_471 = arith.index_cast %scan3A_415 : i32 to index
      %get3A_472 = arith.constant 48 : index
      %get3A_473 = tpu.vector_load %arg16[%get3A_471, %get3A_472] {strides = array<i32>} : memref<40x128xf32, #tpu.memory_space<vmem>>, vector<1x16xf32>,
      %get3A_474 = vector.shape_cast %get3A_473 : vector<1x16xf32> to vector<16xf32>
      %add3A_475 = arith.addf %get3A_470, %get3A_474 : vector<16xf32>
      %max3A_476 = arith.constant 0.000000e+00 : f32
      %max3A_477 = vector.broadcast %max3A_476 : f32 to vector<16xf32>
      %max3A_478 = arith.maximumf %add3A_475, %max3A_477 : vector<16xf32>
      %swap3A_479 = arith.index_cast %scan3A_415 : i32 to index
      %swap3A_480 = arith.constant 48 : index
      %swap3A_481 = tpu.vector_load %arg18[%swap3A_479, %swap3A_480] {strides = array<i32>} : memref<40x128xf32, #tpu.memory_space<vmem>>, vector<1x16xf32>,
      %swap3A_482 = vector.shape_cast %swap3A_481 : vector<1x16xf32> to vector<16xf32>
      %swap3A_483 = vector.shape_cast %max3A_478 : vector<16xf32> to vector<1x16xf32>
      tpu.vector_store %arg18[%swap3A_479, %swap3A_480], %swap3A_483 {strides = array<i32>} : memref<40x128xf32, #tpu.memory_space<vmem>>, vector<1x16xf32>,
      %get3A_484 = arith.index_cast %scan3A_415 : i32 to index
      %get3A_485 = arith.constant 64 : index
      %get3A_486 = tpu.vector_load %arg14[%get3A_484, %get3A_485] {strides = array<i32>} : memref<40x128xf32, #tpu.memory_space<vmem>>, vector<1x16xf32>,
      %get3A_487 = vector.shape_cast %get3A_486 : vector<1x16xf32> to vector<16xf32>
      %get3A_488 = arith.index_cast %scan3A_415 : i32 to index
      %get3A_489 = arith.constant 64 : index
      %get3A_490 = tpu.vector_load %arg16[%get3A_488, %get3A_489] {strides = array<i32>} : memref<40x128xf32, #tpu.memory_space<vmem>>, vector<1x16xf32>,
      %get3A_491 = vector.shape_cast %get3A_490 : vector<1x16xf32> to vector<16xf32>
      %add3A_492 = arith.addf %get3A_487, %get3A_491 : vector<16xf32>
      %max3A_493 = arith.constant 0.000000e+00 : f32
      %max3A_494 = vector.broadcast %max3A_493 : f32 to vector<16xf32>
      %max3A_495 = arith.maximumf %add3A_492, %max3A_494 : vector<16xf32>
      %swap3A_496 = arith.index_cast %scan3A_415 : i32 to index
      %swap3A_497 = arith.constant 64 : index
      %swap3A_498 = tpu.vector_load %arg18[%swap3A_496, %swap3A_497] {strides = array<i32>} : memref<40x128xf32, #tpu.memory_space<vmem>>, vector<1x16xf32>,
      %swap3A_499 = vector.shape_cast %swap3A_498 : vector<1x16xf32> to vector<16xf32>
      %swap3A_500 = vector.shape_cast %max3A_495 : vector<16xf32> to vector<1x16xf32>
      tpu.vector_store %arg18[%swap3A_496, %swap3A_497], %swap3A_500 {strides = array<i32>} : memref<40x128xf32, #tpu.memory_space<vmem>>, vector<1x16xf32>,
      %get3A_501 = arith.index_cast %scan3A_415 : i32 to index
      %get3A_502 = arith.constant 80 : index
      %get3A_503 = tpu.vector_load %arg14[%get3A_501, %get3A_502] {strides = array<i32>} : memref<40x128xf32, #tpu.memory_space<vmem>>, vector<1x16xf32>,
      %get3A_504 = vector.shape_cast %get3A_503 : vector<1x16xf32> to vector<16xf32>
      %get3A_505 = arith.index_cast %scan3A_415 : i32 to index
      %get3A_506 = arith.constant 80 : index
      %get3A_507 = tpu.vector_load %arg16[%get3A_505, %get3A_506] {strides = array<i32>} : memref<40x128xf32, #tpu.memory_space<vmem>>, vector<1x16xf32>,
      %get3A_508 = vector.shape_cast %get3A_507 : vector<1x16xf32> to vector<16xf32>
      %add3A_509 = arith.addf %get3A_504, %get3A_508 : vector<16xf32>
      %max3A_510 = arith.constant 0.000000e+00 : f32
      %max3A_511 = vector.broadcast %max3A_510 : f32 to vector<16xf32>
      %max3A_512 = arith.maximumf %add3A_509, %max3A_511 : vector<16xf32>
      %swap3A_513 = arith.index_cast %scan3A_415 : i32 to index
      %swap3A_514 = arith.constant 80 : index
      %swap3A_515 = tpu.vector_load %arg18[%swap3A_513, %swap3A_514] {strides = array<i32>} : memref<40x128xf32, #tpu.memory_space<vmem>>, vector<1x16xf32>,
      %swap3A_516 = vector.shape_cast %swap3A_515 : vector<1x16xf32> to vector<16xf32>
      %swap3A_517 = vector.shape_cast %max3A_512 : vector<16xf32> to vector<1x16xf32>
      tpu.vector_store %arg18[%swap3A_513, %swap3A_514], %swap3A_517 {strides = array<i32>} : memref<40x128xf32, #tpu.memory_space<vmem>>, vector<1x16xf32>,
      %get3A_518 = arith.index_cast %scan3A_415 : i32 to index
      %get3A_519 = arith.constant 96 : index
      %get3A_520 = tpu.vector_load %arg14[%get3A_518, %get3A_519] {strides = array<i32>} : memref<40x128xf32, #tpu.memory_space<vmem>>, vector<1x16xf32>,
      %get3A_521 = vector.shape_cast %get3A_520 : vector<1x16xf32> to vector<16xf32>
      %get3A_522 = arith.index_cast %scan3A_415 : i32 to index
      %get3A_523 = arith.constant 96 : index
      %get3A_524 = tpu.vector_load %arg16[%get3A_522, %get3A_523] {strides = array<i32>} : memref<40x128xf32, #tpu.memory_space<vmem>>, vector<1x16xf32>,
      %get3A_525 = vector.shape_cast %get3A_524 : vector<1x16xf32> to vector<16xf32>
      %add3A_526 = arith.addf %get3A_521, %get3A_525 : vector<16xf32>
      %max3A_527 = arith.constant 0.000000e+00 : f32
      %max3A_528 = vector.broadcast %max3A_527 : f32 to vector<16xf32>
      %max3A_529 = arith.maximumf %add3A_526, %max3A_528 : vector<16xf32>
      %swap3A_530 = arith.index_cast %scan3A_415 : i32 to index
      %swap3A_531 = arith.constant 96 : index
      %swap3A_532 = tpu.vector_load %arg18[%swap3A_530, %swap3A_531] {strides = array<i32>} : memref<40x128xf32, #tpu.memory_space<vmem>>, vector<1x16xf32>,
      %swap3A_533 = vector.shape_cast %swap3A_532 : vector<1x16xf32> to vector<16xf32>
      %swap3A_534 = vector.shape_cast %max3A_529 : vector<16xf32> to vector<1x16xf32>
      tpu.vector_store %arg18[%swap3A_530, %swap3A_531], %swap3A_534 {strides = array<i32>} : memref<40x128xf32, #tpu.memory_space<vmem>>, vector<1x16xf32>,
      %get3A_535 = arith.index_cast %scan3A_415 : i32 to index
      %get3A_536 = arith.constant 112 : index
      %get3A_537 = tpu.vector_load %arg14[%get3A_535, %get3A_536] {strides = array<i32>} : memref<40x128xf32, #tpu.memory_space<vmem>>, vector<1x16xf32>,
      %get3A_538 = vector.shape_cast %get3A_537 : vector<1x16xf32> to vector<16xf32>
      %get3A_539 = arith.index_cast %scan3A_415 : i32 to index
      %get3A_540 = arith.constant 112 : index
      %get3A_541 = tpu.vector_load %arg16[%get3A_539, %get3A_540] {strides = array<i32>} : memref<40x128xf32, #tpu.memory_space<vmem>>, vector<1x16xf32>,
      %get3A_542 = vector.shape_cast %get3A_541 : vector<1x16xf32> to vector<16xf32>
      %add3A_543 = arith.addf %get3A_538, %get3A_542 : vector<16xf32>
      %max3A_544 = arith.constant 0.000000e+00 : f32
      %max3A_545 = vector.broadcast %max3A_544 : f32 to vector<16xf32>
      %max3A_546 = arith.maximumf %add3A_543, %max3A_545 : vector<16xf32>
      %swap3A_547 = arith.index_cast %scan3A_415 : i32 to index
      %swap3A_548 = arith.constant 112 : index
      %swap3A_549 = tpu.vector_load %arg18[%swap3A_547, %swap3A_548] {strides = array<i32>} : memref<40x128xf32, #tpu.memory_space<vmem>>, vector<1x16xf32>,
      %swap3A_550 = vector.shape_cast %swap3A_549 : vector<1x16xf32> to vector<16xf32>
      %swap3A_551 = vector.shape_cast %max3A_546 : vector<16xf32> to vector<1x16xf32>
      tpu.vector_store %arg18[%swap3A_547, %swap3A_548], %swap3A_551 {strides = array<i32>} : memref<40x128xf32, #tpu.memory_space<vmem>>, vector<1x16xf32>,
      %scan3A_552 = arith.constant 2 : i32
      %scan3A_553 = arith.addi %scan3A_278, %scan3A_552 : i32
      %get3A_554 = arith.index_cast %scan3A_553 : i32 to index
      %get3A_555 = arith.constant 0 : index
      %get3A_556 = tpu.vector_load %arg14[%get3A_554, %get3A_555] {strides = array<i32>} : memref<40x128xf32, #tpu.memory_space<vmem>>, vector<1x16xf32>,
      %get3A_557 = vector.shape_cast %get3A_556 : vector<1x16xf32> to vector<16xf32>
      %get3A_558 = arith.index_cast %scan3A_553 : i32 to index
      %get3A_559 = arith.constant 0 : index
      %get3A_560 = tpu.vector_load %arg16[%get3A_558, %get3A_559] {strides = array<i32>} : memref<40x128xf32, #tpu.memory_space<vmem>>, vector<1x16xf32>,
      %get3A_561 = vector.shape_cast %get3A_560 : vector<1x16xf32> to vector<16xf32>
      %add3A_562 = arith.addf %get3A_557, %get3A_561 : vector<16xf32>
      %max3A_563 = arith.constant 0.000000e+00 : f32
      %max3A_564 = vector.broadcast %max3A_563 : f32 to vector<16xf32>
      %max3A_565 = arith.maximumf %add3A_562, %max3A_564 : vector<16xf32>
      %swap3A_566 = arith.index_cast %scan3A_553 : i32 to index
      %swap3A_567 = arith.constant 0 : index
      %swap3A_568 = tpu.vector_load %arg18[%swap3A_566, %swap3A_567] {strides = array<i32>} : memref<40x128xf32, #tpu.memory_space<vmem>>, vector<1x16xf32>,
      %swap3A_569 = vector.shape_cast %swap3A_568 : vector<1x16xf32> to vector<16xf32>
      %swap3A_570 = vector.shape_cast %max3A_565 : vector<16xf32> to vector<1x16xf32>
      tpu.vector_store %arg18[%swap3A_566, %swap3A_567], %swap3A_570 {strides = array<i32>} : memref<40x128xf32, #tpu.memory_space<vmem>>, vector<1x16xf32>,
      %get3A_571 = arith.index_cast %scan3A_553 : i32 to index
      %get3A_572 = arith.constant 16 : index
      %get3A_573 = tpu.vector_load %arg14[%get3A_571, %get3A_572] {strides = array<i32>} : memref<40x128xf32, #tpu.memory_space<vmem>>, vector<1x16xf32>,
      %get3A_574 = vector.shape_cast %get3A_573 : vector<1x16xf32> to vector<16xf32>
      %get3A_575 = arith.index_cast %scan3A_553 : i32 to index
      %get3A_576 = arith.constant 16 : index
      %get3A_577 = tpu.vector_load %arg16[%get3A_575, %get3A_576] {strides = array<i32>} : memref<40x128xf32, #tpu.memory_space<vmem>>, vector<1x16xf32>,
      %get3A_578 = vector.shape_cast %get3A_577 : vector<1x16xf32> to vector<16xf32>
      %add3A_579 = arith.addf %get3A_574, %get3A_578 : vector<16xf32>
      %max3A_580 = arith.constant 0.000000e+00 : f32
      %max3A_581 = vector.broadcast %max3A_580 : f32 to vector<16xf32>
      %max3A_582 = arith.maximumf %add3A_579, %max3A_581 : vector<16xf32>
      %swap3A_583 = arith.index_cast %scan3A_553 : i32 to index
      %swap3A_584 = arith.constant 16 : index
      %swap3A_585 = tpu.vector_load %arg18[%swap3A_583, %swap3A_584] {strides = array<i32>} : memref<40x128xf32, #tpu.memory_space<vmem>>, vector<1x16xf32>,
      %swap3A_586 = vector.shape_cast %swap3A_585 : vector<1x16xf32> to vector<16xf32>
      %swap3A_587 = vector.shape_cast %max3A_582 : vector<16xf32> to vector<1x16xf32>
      tpu.vector_store %arg18[%swap3A_583, %swap3A_584], %swap3A_587 {strides = array<i32>} : memref<40x128xf32, #tpu.memory_space<vmem>>, vector<1x16xf32>,
      %get3A_588 = arith.index_cast %scan3A_553 : i32 to index
      %get3A_589 = arith.constant 32 : index
      %get3A_590 = tpu.vector_load %arg14[%get3A_588, %get3A_589] {strides = array<i32>} : memref<40x128xf32, #tpu.memory_space<vmem>>, vector<1x16xf32>,
      %get3A_591 = vector.shape_cast %get3A_590 : vector<1x16xf32> to vector<16xf32>
      %get3A_592 = arith.index_cast %scan3A_553 : i32 to index
      %get3A_593 = arith.constant 32 : index
      %get3A_594 = tpu.vector_load %arg16[%get3A_592, %get3A_593] {strides = array<i32>} : memref<40x128xf32, #tpu.memory_space<vmem>>, vector<1x16xf32>,
      %get3A_595 = vector.shape_cast %get3A_594 : vector<1x16xf32> to vector<16xf32>
      %add3A_596 = arith.addf %get3A_591, %get3A_595 : vector<16xf32>
      %max3A_597 = arith.constant 0.000000e+00 : f32
      %max3A_598 = vector.broadcast %max3A_597 : f32 to vector<16xf32>
      %max3A_599 = arith.maximumf %add3A_596, %max3A_598 : vector<16xf32>
      %swap3A_600 = arith.index_cast %scan3A_553 : i32 to index
      %swap3A_601 = arith.constant 32 : index
      %swap3A_602 = tpu.vector_load %arg18[%swap3A_600, %swap3A_601] {strides = array<i32>} : memref<40x128xf32, #tpu.memory_space<vmem>>, vector<1x16xf32>,
      %swap3A_603 = vector.shape_cast %swap3A_602 : vector<1x16xf32> to vector<16xf32>
      %swap3A_604 = vector.shape_cast %max3A_599 : vector<16xf32> to vector<1x16xf32>
      tpu.vector_store %arg18[%swap3A_600, %swap3A_601], %swap3A_604 {strides = array<i32>} : memref<40x128xf32, #tpu.memory_space<vmem>>, vector<1x16xf32>,
      %get3A_605 = arith.index_cast %scan3A_553 : i32 to index
      %get3A_606 = arith.constant 48 : index
      %get3A_607 = tpu.vector_load %arg14[%get3A_605, %get3A_606] {strides = array<i32>} : memref<40x128xf32, #tpu.memory_space<vmem>>, vector<1x16xf32>,
      %get3A_608 = vector.shape_cast %get3A_607 : vector<1x16xf32> to vector<16xf32>
      %get3A_609 = arith.index_cast %scan3A_553 : i32 to index
      %get3A_610 = arith.constant 48 : index
      %get3A_611 = tpu.vector_load %arg16[%get3A_609, %get3A_610] {strides = array<i32>} : memref<40x128xf32, #tpu.memory_space<vmem>>, vector<1x16xf32>,
      %get3A_612 = vector.shape_cast %get3A_611 : vector<1x16xf32> to vector<16xf32>
      %add3A_613 = arith.addf %get3A_608, %get3A_612 : vector<16xf32>
      %max3A_614 = arith.constant 0.000000e+00 : f32
      %max3A_615 = vector.broadcast %max3A_614 : f32 to vector<16xf32>
      %max3A_616 = arith.maximumf %add3A_613, %max3A_615 : vector<16xf32>
      %swap3A_617 = arith.index_cast %scan3A_553 : i32 to index
      %swap3A_618 = arith.constant 48 : index
      %swap3A_619 = tpu.vector_load %arg18[%swap3A_617, %swap3A_618] {strides = array<i32>} : memref<40x128xf32, #tpu.memory_space<vmem>>, vector<1x16xf32>,
      %swap3A_620 = vector.shape_cast %swap3A_619 : vector<1x16xf32> to vector<16xf32>
      %swap3A_621 = vector.shape_cast %max3A_616 : vector<16xf32> to vector<1x16xf32>
      tpu.vector_store %arg18[%swap3A_617, %swap3A_618], %swap3A_621 {strides = array<i32>} : memref<40x128xf32, #tpu.memory_space<vmem>>, vector<1x16xf32>,
      %get3A_622 = arith.index_cast %scan3A_553 : i32 to index
      %get3A_623 = arith.constant 64 : index
      %get3A_624 = tpu.vector_load %arg14[%get3A_622, %get3A_623] {strides = array<i32>} : memref<40x128xf32, #tpu.memory_space<vmem>>, vector<1x16xf32>,
      %get3A_625 = vector.shape_cast %get3A_624 : vector<1x16xf32> to vector<16xf32>
      %get3A_626 = arith.index_cast %scan3A_553 : i32 to index
      %get3A_627 = arith.constant 64 : index
      %get3A_628 = tpu.vector_load %arg16[%get3A_626, %get3A_627] {strides = array<i32>} : memref<40x128xf32, #tpu.memory_space<vmem>>, vector<1x16xf32>,
      %get3A_629 = vector.shape_cast %get3A_628 : vector<1x16xf32> to vector<16xf32>
      %add3A_630 = arith.addf %get3A_625, %get3A_629 : vector<16xf32>
      %max3A_631 = arith.constant 0.000000e+00 : f32
      %max3A_632 = vector.broadcast %max3A_631 : f32 to vector<16xf32>
      %max3A_633 = arith.maximumf %add3A_630, %max3A_632 : vector<16xf32>
      %swap3A_634 = arith.index_cast %scan3A_553 : i32 to index
      %swap3A_635 = arith.constant 64 : index
      %swap3A_636 = tpu.vector_load %arg18[%swap3A_634, %swap3A_635] {strides = array<i32>} : memref<40x128xf32, #tpu.memory_space<vmem>>, vector<1x16xf32>,
      %swap3A_637 = vector.shape_cast %swap3A_636 : vector<1x16xf32> to vector<16xf32>
      %swap3A_638 = vector.shape_cast %max3A_633 : vector<16xf32> to vector<1x16xf32>
      tpu.vector_store %arg18[%swap3A_634, %swap3A_635], %swap3A_638 {strides = array<i32>} : memref<40x128xf32, #tpu.memory_space<vmem>>, vector<1x16xf32>,
      %get3A_639 = arith.index_cast %scan3A_553 : i32 to index
      %get3A_640 = arith.constant 80 : index
      %get3A_641 = tpu.vector_load %arg14[%get3A_639, %get3A_640] {strides = array<i32>} : memref<40x128xf32, #tpu.memory_space<vmem>>, vector<1x16xf32>,
      %get3A_642 = vector.shape_cast %get3A_641 : vector<1x16xf32> to vector<16xf32>
      %get3A_643 = arith.index_cast %scan3A_553 : i32 to index
      %get3A_644 = arith.constant 80 : index
      %get3A_645 = tpu.vector_load %arg16[%get3A_643, %get3A_644] {strides = array<i32>} : memref<40x128xf32, #tpu.memory_space<vmem>>, vector<1x16xf32>,
      %get3A_646 = vector.shape_cast %get3A_645 : vector<1x16xf32> to vector<16xf32>
      %add3A_647 = arith.addf %get3A_642, %get3A_646 : vector<16xf32>
      %max3A_648 = arith.constant 0.000000e+00 : f32
      %max3A_649 = vector.broadcast %max3A_648 : f32 to vector<16xf32>
      %max3A_650 = arith.maximumf %add3A_647, %max3A_649 : vector<16xf32>
      %swap3A_651 = arith.index_cast %scan3A_553 : i32 to index
      %swap3A_652 = arith.constant 80 : index
      %swap3A_653 = tpu.vector_load %arg18[%swap3A_651, %swap3A_652] {strides = array<i32>} : memref<40x128xf32, #tpu.memory_space<vmem>>, vector<1x16xf32>,
      %swap3A_654 = vector.shape_cast %swap3A_653 : vector<1x16xf32> to vector<16xf32>
      %swap3A_655 = vector.shape_cast %max3A_650 : vector<16xf32> to vector<1x16xf32>
      tpu.vector_store %arg18[%swap3A_651, %swap3A_652], %swap3A_655 {strides = array<i32>} : memref<40x128xf32, #tpu.memory_space<vmem>>, vector<1x16xf32>,
      %get3A_656 = arith.index_cast %scan3A_553 : i32 to index
      %get3A_657 = arith.constant 96 : index
      %get3A_658 = tpu.vector_load %arg14[%get3A_656, %get3A_657] {strides = array<i32>} : memref<40x128xf32, #tpu.memory_space<vmem>>, vector<1x16xf32>,
      %get3A_659 = vector.shape_cast %get3A_658 : vector<1x16xf32> to vector<16xf32>
      %get3A_660 = arith.index_cast %scan3A_553 : i32 to index
      %get3A_661 = arith.constant 96 : index
      %get3A_662 = tpu.vector_load %arg16[%get3A_660, %get3A_661] {strides = array<i32>} : memref<40x128xf32, #tpu.memory_space<vmem>>, vector<1x16xf32>,
      %get3A_663 = vector.shape_cast %get3A_662 : vector<1x16xf32> to vector<16xf32>
      %add3A_664 = arith.addf %get3A_659, %get3A_663 : vector<16xf32>
      %max3A_665 = arith.constant 0.000000e+00 : f32
      %max3A_666 = vector.broadcast %max3A_665 : f32 to vector<16xf32>
      %max3A_667 = arith.maximumf %add3A_664, %max3A_666 : vector<16xf32>
      %swap3A_668 = arith.index_cast %scan3A_553 : i32 to index
      %swap3A_669 = arith.constant 96 : index
      %swap3A_670 = tpu.vector_load %arg18[%swap3A_668, %swap3A_669] {strides = array<i32>} : memref<40x128xf32, #tpu.memory_space<vmem>>, vector<1x16xf32>,
      %swap3A_671 = vector.shape_cast %swap3A_670 : vector<1x16xf32> to vector<16xf32>
      %swap3A_672 = vector.shape_cast %max3A_667 : vector<16xf32> to vector<1x16xf32>
      tpu.vector_store %arg18[%swap3A_668, %swap3A_669], %swap3A_672 {strides = array<i32>} : memref<40x128xf32, #tpu.memory_space<vmem>>, vector<1x16xf32>,
      %get3A_673 = arith.index_cast %scan3A_553 : i32 to index
      %get3A_674 = arith.constant 112 : index
      %get3A_675 = tpu.vector_load %arg14[%get3A_673, %get3A_674] {strides = array<i32>} : memref<40x128xf32, #tpu.memory_space<vmem>>, vector<1x16xf32>,
      %get3A_676 = vector.shape_cast %get3A_675 : vector<1x16xf32> to vector<16xf32>
      %get3A_677 = arith.index_cast %scan3A_553 : i32 to index
      %get3A_678 = arith.constant 112 : index
      %get3A_679 = tpu.vector_load %arg16[%get3A_677, %get3A_678] {strides = array<i32>} : memref<40x128xf32, #tpu.memory_space<vmem>>, vector<1x16xf32>,
      %get3A_680 = vector.shape_cast %get3A_679 : vector<1x16xf32> to vector<16xf32>
      %add3A_681 = arith.addf %get3A_676, %get3A_680 : vector<16xf32>
      %max3A_682 = arith.constant 0.000000e+00 : f32
      %max3A_683 = vector.broadcast %max3A_682 : f32 to vector<16xf32>
      %max3A_684 = arith.maximumf %add3A_681, %max3A_683 : vector<16xf32>
      %swap3A_685 = arith.index_cast %scan3A_553 : i32 to index
      %swap3A_686 = arith.constant 112 : index
      %swap3A_687 = tpu.vector_load %arg18[%swap3A_685, %swap3A_686] {strides = array<i32>} : memref<40x128xf32, #tpu.memory_space<vmem>>, vector<1x16xf32>,
      %swap3A_688 = vector.shape_cast %swap3A_687 : vector<1x16xf32> to vector<16xf32>
      %swap3A_689 = vector.shape_cast %max3A_684 : vector<16xf32> to vector<1x16xf32>
      tpu.vector_store %arg18[%swap3A_685, %swap3A_686], %swap3A_689 {strides = array<i32>} : memref<40x128xf32, #tpu.memory_space<vmem>>, vector<1x16xf32>,
      %scan3A_690 = arith.constant 3 : i32
      %scan3A_691 = arith.addi %scan3A_278, %scan3A_690 : i32
      %get3A_692 = arith.index_cast %scan3A_691 : i32 to index
      %get3A_693 = arith.constant 0 : index
      %get3A_694 = tpu.vector_load %arg14[%get3A_692, %get3A_693] {strides = array<i32>} : memref<40x128xf32, #tpu.memory_space<vmem>>, vector<1x16xf32>,
      %get3A_695 = vector.shape_cast %get3A_694 : vector<1x16xf32> to vector<16xf32>
      %get3A_696 = arith.index_cast %scan3A_691 : i32 to index
      %get3A_697 = arith.constant 0 : index
      %get3A_698 = tpu.vector_load %arg16[%get3A_696, %get3A_697] {strides = array<i32>} : memref<40x128xf32, #tpu.memory_space<vmem>>, vector<1x16xf32>,
      %get3A_699 = vector.shape_cast %get3A_698 : vector<1x16xf32> to vector<16xf32>
      %add3A_700 = arith.addf %get3A_695, %get3A_699 : vector<16xf32>
      %max3A_701 = arith.constant 0.000000e+00 : f32
      %max3A_702 = vector.broadcast %max3A_701 : f32 to vector<16xf32>
      %max3A_703 = arith.maximumf %add3A_700, %max3A_702 : vector<16xf32>
      %swap3A_704 = arith.index_cast %scan3A_691 : i32 to index
      %swap3A_705 = arith.constant 0 : index
      %swap3A_706 = tpu.vector_load %arg18[%swap3A_704, %swap3A_705] {strides = array<i32>} : memref<40x128xf32, #tpu.memory_space<vmem>>, vector<1x16xf32>,
      %swap3A_707 = vector.shape_cast %swap3A_706 : vector<1x16xf32> to vector<16xf32>
      %swap3A_708 = vector.shape_cast %max3A_703 : vector<16xf32> to vector<1x16xf32>
      tpu.vector_store %arg18[%swap3A_704, %swap3A_705], %swap3A_708 {strides = array<i32>} : memref<40x128xf32, #tpu.memory_space<vmem>>, vector<1x16xf32>,
      %get3A_709 = arith.index_cast %scan3A_691 : i32 to index
      %get3A_710 = arith.constant 16 : index
      %get3A_711 = tpu.vector_load %arg14[%get3A_709, %get3A_710] {strides = array<i32>} : memref<40x128xf32, #tpu.memory_space<vmem>>, vector<1x16xf32>,
      %get3A_712 = vector.shape_cast %get3A_711 : vector<1x16xf32> to vector<16xf32>
      %get3A_713 = arith.index_cast %scan3A_691 : i32 to index
      %get3A_714 = arith.constant 16 : index
      %get3A_715 = tpu.vector_load %arg16[%get3A_713, %get3A_714] {strides = array<i32>} : memref<40x128xf32, #tpu.memory_space<vmem>>, vector<1x16xf32>,
      %get3A_716 = vector.shape_cast %get3A_715 : vector<1x16xf32> to vector<16xf32>
      %add3A_717 = arith.addf %get3A_712, %get3A_716 : vector<16xf32>
      %max3A_718 = arith.constant 0.000000e+00 : f32
      %max3A_719 = vector.broadcast %max3A_718 : f32 to vector<16xf32>
      %max3A_720 = arith.maximumf %add3A_717, %max3A_719 : vector<16xf32>
      %swap3A_721 = arith.index_cast %scan3A_691 : i32 to index
      %swap3A_722 = arith.constant 16 : index
      %swap3A_723 = tpu.vector_load %arg18[%swap3A_721, %swap3A_722] {strides = array<i32>} : memref<40x128xf32, #tpu.memory_space<vmem>>, vector<1x16xf32>,
      %swap3A_724 = vector.shape_cast %swap3A_723 : vector<1x16xf32> to vector<16xf32>
      %swap3A_725 = vector.shape_cast %max3A_720 : vector<16xf32> to vector<1x16xf32>
      tpu.vector_store %arg18[%swap3A_721, %swap3A_722], %swap3A_725 {strides = array<i32>} : memref<40x128xf32, #tpu.memory_space<vmem>>, vector<1x16xf32>,
      %get3A_726 = arith.index_cast %scan3A_691 : i32 to index
      %get3A_727 = arith.constant 32 : index
      %get3A_728 = tpu.vector_load %arg14[%get3A_726, %get3A_727] {strides = array<i32>} : memref<40x128xf32, #tpu.memory_space<vmem>>, vector<1x16xf32>,
      %get3A_729 = vector.shape_cast %get3A_728 : vector<1x16xf32> to vector<16xf32>
      %get3A_730 = arith.index_cast %scan3A_691 : i32 to index
      %get3A_731 = arith.constant 32 : index
      %get3A_732 = tpu.vector_load %arg16[%get3A_730, %get3A_731] {strides = array<i32>} : memref<40x128xf32, #tpu.memory_space<vmem>>, vector<1x16xf32>,
      %get3A_733 = vector.shape_cast %get3A_732 : vector<1x16xf32> to vector<16xf32>
      %add3A_734 = arith.addf %get3A_729, %get3A_733 : vector<16xf32>
      %max3A_735 = arith.constant 0.000000e+00 : f32
      %max3A_736 = vector.broadcast %max3A_735 : f32 to vector<16xf32>
      %max3A_737 = arith.maximumf %add3A_734, %max3A_736 : vector<16xf32>
      %swap3A_738 = arith.index_cast %scan3A_691 : i32 to index
      %swap3A_739 = arith.constant 32 : index
      %swap3A_740 = tpu.vector_load %arg18[%swap3A_738, %swap3A_739] {strides = array<i32>} : memref<40x128xf32, #tpu.memory_space<vmem>>, vector<1x16xf32>,
      %swap3A_741 = vector.shape_cast %swap3A_740 : vector<1x16xf32> to vector<16xf32>
      %swap3A_742 = vector.shape_cast %max3A_737 : vector<16xf32> to vector<1x16xf32>
      tpu.vector_store %arg18[%swap3A_738, %swap3A_739], %swap3A_742 {strides = array<i32>} : memref<40x128xf32, #tpu.memory_space<vmem>>, vector<1x16xf32>,
      %get3A_743 = arith.index_cast %scan3A_691 : i32 to index
      %get3A_744 = arith.constant 48 : index
      %get3A_745 = tpu.vector_load %arg14[%get3A_743, %get3A_744] {strides = array<i32>} : memref<40x128xf32, #tpu.memory_space<vmem>>, vector<1x16xf32>,
      %get3A_746 = vector.shape_cast %get3A_745 : vector<1x16xf32> to vector<16xf32>
      %get3A_747 = arith.index_cast %scan3A_691 : i32 to index
      %get3A_748 = arith.constant 48 : index
      %get3A_749 = tpu.vector_load %arg16[%get3A_747, %get3A_748] {strides = array<i32>} : memref<40x128xf32, #tpu.memory_space<vmem>>, vector<1x16xf32>,
      %get3A_750 = vector.shape_cast %get3A_749 : vector<1x16xf32> to vector<16xf32>
      %add3A_751 = arith.addf %get3A_746, %get3A_750 : vector<16xf32>
      %max3A_752 = arith.constant 0.000000e+00 : f32
      %max3A_753 = vector.broadcast %max3A_752 : f32 to vector<16xf32>
      %max3A_754 = arith.maximumf %add3A_751, %max3A_753 : vector<16xf32>
      %swap3A_755 = arith.index_cast %scan3A_691 : i32 to index
      %swap3A_756 = arith.constant 48 : index
      %swap3A_757 = tpu.vector_load %arg18[%swap3A_755, %swap3A_756] {strides = array<i32>} : memref<40x128xf32, #tpu.memory_space<vmem>>, vector<1x16xf32>,
      %swap3A_758 = vector.shape_cast %swap3A_757 : vector<1x16xf32> to vector<16xf32>
      %swap3A_759 = vector.shape_cast %max3A_754 : vector<16xf32> to vector<1x16xf32>
      tpu.vector_store %arg18[%swap3A_755, %swap3A_756], %swap3A_759 {strides = array<i32>} : memref<40x128xf32, #tpu.memory_space<vmem>>, vector<1x16xf32>,
      %get3A_760 = arith.index_cast %scan3A_691 : i32 to index
      %get3A_761 = arith.constant 64 : index
      %get3A_762 = tpu.vector_load %arg14[%get3A_760, %get3A_761] {strides = array<i32>} : memref<40x128xf32, #tpu.memory_space<vmem>>, vector<1x16xf32>,
      %get3A_763 = vector.shape_cast %get3A_762 : vector<1x16xf32> to vector<16xf32>
      %get3A_764 = arith.index_cast %scan3A_691 : i32 to index
      %get3A_765 = arith.constant 64 : index
      %get3A_766 = tpu.vector_load %arg16[%get3A_764, %get3A_765] {strides = array<i32>} : memref<40x128xf32, #tpu.memory_space<vmem>>, vector<1x16xf32>,
      %get3A_767 = vector.shape_cast %get3A_766 : vector<1x16xf32> to vector<16xf32>
      %add3A_768 = arith.addf %get3A_763, %get3A_767 : vector<16xf32>
      %max3A_769 = arith.constant 0.000000e+00 : f32
      %max3A_770 = vector.broadcast %max3A_769 : f32 to vector<16xf32>
      %max3A_771 = arith.maximumf %add3A_768, %max3A_770 : vector<16xf32>
      %swap3A_772 = arith.index_cast %scan3A_691 : i32 to index
      %swap3A_773 = arith.constant 64 : index
      %swap3A_774 = tpu.vector_load %arg18[%swap3A_772, %swap3A_773] {strides = array<i32>} : memref<40x128xf32, #tpu.memory_space<vmem>>, vector<1x16xf32>,
      %swap3A_775 = vector.shape_cast %swap3A_774 : vector<1x16xf32> to vector<16xf32>
      %swap3A_776 = vector.shape_cast %max3A_771 : vector<16xf32> to vector<1x16xf32>
      tpu.vector_store %arg18[%swap3A_772, %swap3A_773], %swap3A_776 {strides = array<i32>} : memref<40x128xf32, #tpu.memory_space<vmem>>, vector<1x16xf32>,
      %get3A_777 = arith.index_cast %scan3A_691 : i32 to index
      %get3A_778 = arith.constant 80 : index
      %get3A_779 = tpu.vector_load %arg14[%get3A_777, %get3A_778] {strides = array<i32>} : memref<40x128xf32, #tpu.memory_space<vmem>>, vector<1x16xf32>,
      %get3A_780 = vector.shape_cast %get3A_779 : vector<1x16xf32> to vector<16xf32>
      %get3A_781 = arith.index_cast %scan3A_691 : i32 to index
      %get3A_782 = arith.constant 80 : index
      %get3A_783 = tpu.vector_load %arg16[%get3A_781, %get3A_782] {strides = array<i32>} : memref<40x128xf32, #tpu.memory_space<vmem>>, vector<1x16xf32>,
      %get3A_784 = vector.shape_cast %get3A_783 : vector<1x16xf32> to vector<16xf32>
      %add3A_785 = arith.addf %get3A_780, %get3A_784 : vector<16xf32>
      %max3A_786 = arith.constant 0.000000e+00 : f32
      %max3A_787 = vector.broadcast %max3A_786 : f32 to vector<16xf32>
      %max3A_788 = arith.maximumf %add3A_785, %max3A_787 : vector<16xf32>
      %swap3A_789 = arith.index_cast %scan3A_691 : i32 to index
      %swap3A_790 = arith.constant 80 : index
      %swap3A_791 = tpu.vector_load %arg18[%swap3A_789, %swap3A_790] {strides = array<i32>} : memref<40x128xf32, #tpu.memory_space<vmem>>, vector<1x16xf32>,
      %swap3A_792 = vector.shape_cast %swap3A_791 : vector<1x16xf32> to vector<16xf32>
      %swap3A_793 = vector.shape_cast %max3A_788 : vector<16xf32> to vector<1x16xf32>
      tpu.vector_store %arg18[%swap3A_789, %swap3A_790], %swap3A_793 {strides = array<i32>} : memref<40x128xf32, #tpu.memory_space<vmem>>, vector<1x16xf32>,
      %get3A_794 = arith.index_cast %scan3A_691 : i32 to index
      %get3A_795 = arith.constant 96 : index
      %get3A_796 = tpu.vector_load %arg14[%get3A_794, %get3A_795] {strides = array<i32>} : memref<40x128xf32, #tpu.memory_space<vmem>>, vector<1x16xf32>,
      %get3A_797 = vector.shape_cast %get3A_796 : vector<1x16xf32> to vector<16xf32>
      %get3A_798 = arith.index_cast %scan3A_691 : i32 to index
      %get3A_799 = arith.constant 96 : index
      %get3A_800 = tpu.vector_load %arg16[%get3A_798, %get3A_799] {strides = array<i32>} : memref<40x128xf32, #tpu.memory_space<vmem>>, vector<1x16xf32>,
      %get3A_801 = vector.shape_cast %get3A_800 : vector<1x16xf32> to vector<16xf32>
      %add3A_802 = arith.addf %get3A_797, %get3A_801 : vector<16xf32>
      %max3A_803 = arith.constant 0.000000e+00 : f32
      %max3A_804 = vector.broadcast %max3A_803 : f32 to vector<16xf32>
      %max3A_805 = arith.maximumf %add3A_802, %max3A_804 : vector<16xf32>
      %swap3A_806 = arith.index_cast %scan3A_691 : i32 to index
      %swap3A_807 = arith.constant 96 : index
      %swap3A_808 = tpu.vector_load %arg18[%swap3A_806, %swap3A_807] {strides = array<i32>} : memref<40x128xf32, #tpu.memory_space<vmem>>, vector<1x16xf32>,
      %swap3A_809 = vector.shape_cast %swap3A_808 : vector<1x16xf32> to vector<16xf32>
      %swap3A_810 = vector.shape_cast %max3A_805 : vector<16xf32> to vector<1x16xf32>
      tpu.vector_store %arg18[%swap3A_806, %swap3A_807], %swap3A_810 {strides = array<i32>} : memref<40x128xf32, #tpu.memory_space<vmem>>, vector<1x16xf32>,
      %get3A_811 = arith.index_cast %scan3A_691 : i32 to index
      %get3A_812 = arith.constant 112 : index
      %get3A_813 = tpu.vector_load %arg14[%get3A_811, %get3A_812] {strides = array<i32>} : memref<40x128xf32, #tpu.memory_space<vmem>>, vector<1x16xf32>,
      %get3A_814 = vector.shape_cast %get3A_813 : vector<1x16xf32> to vector<16xf32>
      %get3A_815 = arith.index_cast %scan3A_691 : i32 to index
      %get3A_816 = arith.constant 112 : index
      %get3A_817 = tpu.vector_load %arg16[%get3A_815, %get3A_816] {strides = array<i32>} : memref<40x128xf32, #tpu.memory_space<vmem>>, vector<1x16xf32>,
      %get3A_818 = vector.shape_cast %get3A_817 : vector<1x16xf32> to vector<16xf32>
      %add3A_819 = arith.addf %get3A_814, %get3A_818 : vector<16xf32>
      %max3A_820 = arith.constant 0.000000e+00 : f32
      %max3A_821 = vector.broadcast %max3A_820 : f32 to vector<16xf32>
      %max3A_822 = arith.maximumf %add3A_819, %max3A_821 : vector<16xf32>
      %swap3A_823 = arith.index_cast %scan3A_691 : i32 to index
      %swap3A_824 = arith.constant 112 : index
      %swap3A_825 = tpu.vector_load %arg18[%swap3A_823, %swap3A_824] {strides = array<i32>} : memref<40x128xf32, #tpu.memory_space<vmem>>, vector<1x16xf32>,
      %swap3A_826 = vector.shape_cast %swap3A_825 : vector<1x16xf32> to vector<16xf32>
      %swap3A_827 = vector.shape_cast %max3A_822 : vector<16xf32> to vector<1x16xf32>
      tpu.vector_store %arg18[%swap3A_823, %swap3A_824], %swap3A_827 {strides = array<i32>} : memref<40x128xf32, #tpu.memory_space<vmem>>, vector<1x16xf32>,
    }
    %scan3A_209 = arith.constant 40 : i32
    %dma_start3A_210 = arith.constant 0 : i32
    %dma_start3A_211 = arith.constant 0 : i32
    %dma_start3A_212 = tpu.memref_slice %arg8[%dma_start3A_210, %dma_start3A_211] : memref<10112x128xf32, #tpu.memory_space<vmem_shared>> -> memref<10112x128xf32, #tpu.memory_space<vmem_shared>>
    tpu.enqueue_indirect_dma source(%arg18 : memref<40x128xf32, #tpu.memory_space<vmem>>) target(%dma_start3A_212 : memref<10112x128xf32, #tpu.memory_space<vmem_shared>>) offsets(%arg12 : memref<40xi32, #tpu.memory_space<vmem>>) semaphore(%arg26 : memref<!tpu.dma_semaphore, #tpu.memory_space<semaphore_mem>>) {add = true}
    %add3A_213 = arith.addi %mul3A_6, %mul3A_4 : i32
    %add3A_214 = arith.constant 9960 : i32
    %add3A_215 = arith.addi %add3A_213, %add3A_214 : i32
    %dma_wait3A_216 = arith.constant 0 : i32
    %dma_wait3A_217 = tpu.memref_slice %arg5[%add3A_215, %dma_wait3A_216] : memref<320000x128xf32, #tpu.memory_space<hbm>> -> memref<40x128xf32, #tpu.memory_space<hbm>>
    %dma_wait3A_218 = arith.constant 0 : i32
    %dma_wait3A_219 = tpu.memref_slice %arg5[%add3A_215, %dma_wait3A_218] : memref<320000x128xf32, #tpu.memory_space<hbm>> -> memref<40x128xf32, #tpu.memory_space<hbm>>
    tpu.wait_dma2 semaphore(%arg21 : memref<!tpu.dma_semaphore, #tpu.memory_space<semaphore_mem>>) src(%dma_wait3A_219 : memref<40x128xf32, #tpu.memory_space<hbm>>) dst(%arg15 : memref<40x128xf32, #tpu.memory_space<vmem>>)
    %dma_wait3A_220 = arith.constant 9960 : i32
    %dma_wait3A_221 = tpu.memref_slice %arg9[%dma_wait3A_220] : memref<10000xi32, #tpu.memory_space<vmem>> -> memref<40xi32, #tpu.memory_space<vmem>>
    %dma_wait3A_222 = arith.constant 0 : i32
    %dma_wait3A_223 = arith.constant 0 : i32
    %dma_wait3A_224 = tpu.memref_slice %arg2[%dma_wait3A_222, %dma_wait3A_223] : memref<20000x128xf32, #tpu.memory_space<hbm>> -> memref<20000x128xf32, #tpu.memory_space<hbm>>
    tpu.wait_indirect_dma semaphore(%arg23 : memref<!tpu.dma_semaphore, #tpu.memory_space<semaphore_mem>>) src(%dma_wait3A_224 : memref<20000x128xf32, #tpu.memory_space<hbm>>) dst(%arg17 : memref<40x128xf32, #tpu.memory_space<vmem>>)
    %add3A_225 = arith.constant 9960 : i32
    %add3A_226 = arith.addi %mul3A_4, %add3A_225 : i32
    %dma_wait3A_227 = tpu.memref_slice %arg4[%add3A_226] : memref<160000xi32, #tpu.memory_space<hbm>> -> memref<40xi32, #tpu.memory_space<hbm>>
    %dma_wait3A_228 = tpu.memref_slice %arg4[%add3A_226] : memref<160000xi32, #tpu.memory_space<hbm>> -> memref<40xi32, #tpu.memory_space<hbm>>
    tpu.wait_dma2 semaphore(%arg25 : memref<!tpu.dma_semaphore, #tpu.memory_space<semaphore_mem>>) src(%dma_wait3A_228 : memref<40xi32, #tpu.memory_space<hbm>>) dst(%arg11 : memref<40xi32, #tpu.memory_space<vmem>>)
    %dma_wait3A_229 = arith.constant 0 : i32
    %dma_wait3A_230 = arith.constant 0 : i32
    %dma_wait3A_231 = tpu.memref_slice %arg8[%dma_wait3A_229, %dma_wait3A_230] : memref<10112x128xf32, #tpu.memory_space<vmem_shared>> -> memref<10112x128xf32, #tpu.memory_space<vmem_shared>>
    tpu.wait_indirect_dma semaphore(%arg27 : memref<!tpu.dma_semaphore, #tpu.memory_space<semaphore_mem>>) src(%arg19 : memref<40x128xf32, #tpu.memory_space<vmem>>) dst(%dma_wait3A_231 : memref<10112x128xf32, #tpu.memory_space<vmem_shared>>)
    %get3A_232 = arith.constant 0 : index
    %get3A_233 = tpu.vector_load %arg11[%get3A_232] {strides = array<i32>} : memref<40xi32, #tpu.memory_space<vmem>>, vector<16xi32>,
    %get3A_234 = vector.shape_cast %get3A_233 : vector<16xi32> to vector<16xi32>
    %swap3A_235 = arith.constant 0 : index
    %swap3A_236 = tpu.vector_load %arg13[%swap3A_235] {strides = array<i32>} : memref<40xi32, #tpu.memory_space<vmem>>, vector<16xi32>,
    %swap3A_237 = vector.shape_cast %swap3A_236 : vector<16xi32> to vector<16xi32>
    %swap3A_238 = vector.shape_cast %get3A_234 : vector<16xi32> to vector<16xi32>
    tpu.vector_store %arg13[%swap3A_235], %swap3A_238 {strides = array<i32>} : memref<40xi32, #tpu.memory_space<vmem>>, vector<16xi32>,
    %get3A_239 = arith.constant 16 : index
    %get3A_240 = tpu.vector_load %arg11[%get3A_239] {strides = array<i32>} : memref<40xi32, #tpu.memory_space<vmem>>, vector<16xi32>,
    %get3A_241 = vector.shape_cast %get3A_240 : vector<16xi32> to vector<16xi32>
    %swap3A_242 = arith.constant 16 : index
    %swap3A_243 = tpu.vector_load %arg13[%swap3A_242] {strides = array<i32>} : memref<40xi32, #tpu.memory_space<vmem>>, vector<16xi32>,
    %swap3A_244 = vector.shape_cast %swap3A_243 : vector<16xi32> to vector<16xi32>
    %swap3A_245 = vector.shape_cast %get3A_241 : vector<16xi32> to vector<16xi32>
    tpu.vector_store %arg13[%swap3A_242], %swap3A_245 {strides = array<i32>} : memref<40xi32, #tpu.memory_space<vmem>>, vector<16xi32>,
    %get3A_246 = arith.constant 24 : index
    %get3A_247 = tpu.vector_load %arg11[%get3A_246] {strides = array<i32>} : memref<40xi32, #tpu.memory_space<vmem>>, vector<16xi32>,
    %get3A_248 = vector.shape_cast %get3A_247 : vector<16xi32> to vector<16xi32>
    %swap3A_249 = arith.constant 24 : index
    %swap3A_250 = tpu.vector_load %arg13[%swap3A_249] {strides = array<i32>} : memref<40xi32, #tpu.memory_space<vmem>>, vector<16xi32>,
    %swap3A_251 = vector.shape_cast %swap3A_250 : vector<16xi32> to vector<16xi32>
    %swap3A_252 = vector.shape_cast %get3A_248 : vector<16xi32> to vector<16xi32>
    tpu.vector_store %arg13[%swap3A_249], %swap3A_252 {strides = array<i32>} : memref<40xi32, #tpu.memory_space<vmem>>, vector<16xi32>,
    %scan3A_253 = arith.constant 0 : i32
    %scan3A_254 = arith.constant 0 : i32
    %scan3A_255 = arith.constant 40 : i32
    %scan3A_256 = arith.addi %scan3A_254, %scan3A_255 : i32
    %scan3A_257 = arith.constant 4 : i32
    scf.for %scan3A_278 = %scan3A_254 to %scan3A_256 step %scan3A_257  : i32 {
      %get3A_279 = arith.index_cast %scan3A_278 : i32 to index
      %get3A_280 = arith.constant 0 : index
      %get3A_281 = tpu.vector_load %arg15[%get3A_279, %get3A_280] {strides = array<i32>} : memref<40x128xf32, #tpu.memory_space<vmem>>, vector<1x16xf32>,
      %get3A_282 = vector.shape_cast %get3A_281 : vector<1x16xf32> to vector<16xf32>
      %get3A_283 = arith.index_cast %scan3A_278 : i32 to index
      %get3A_284 = arith.constant 0 : index
      %get3A_285 = tpu.vector_load %arg17[%get3A_283, %get3A_284] {strides = array<i32>} : memref<40x128xf32, #tpu.memory_space<vmem>>, vector<1x16xf32>,
      %get3A_286 = vector.shape_cast %get3A_285 : vector<1x16xf32> to vector<16xf32>
      %add3A_287 = arith.addf %get3A_282, %get3A_286 : vector<16xf32>
      %max3A = arith.constant 0.000000e+00 : f32
      %max3A_288 = vector.broadcast %max3A : f32 to vector<16xf32>
      %max3A_289 = arith.maximumf %add3A_287, %max3A_288 : vector<16xf32>
      %swap3A_290 = arith.index_cast %scan3A_278 : i32 to index
      %swap3A_291 = arith.constant 0 : index
      %swap3A_292 = tpu.vector_load %arg19[%swap3A_290, %swap3A_291] {strides = array<i32>} : memref<40x128xf32, #tpu.memory_space<vmem>>, vector<1x16xf32>,
      %swap3A_293 = vector.shape_cast %swap3A_292 : vector<1x16xf32> to vector<16xf32>
      %swap3A_294 = vector.shape_cast %max3A_289 : vector<16xf32> to vector<1x16xf32>
      tpu.vector_store %arg19[%swap3A_290, %swap3A_291], %swap3A_294 {strides = array<i32>} : memref<40x128xf32, #tpu.memory_space<vmem>>, vector<1x16xf32>,
      %get3A_295 = arith.index_cast %scan3A_278 : i32 to index
      %get3A_296 = arith.constant 16 : index
      %get3A_297 = tpu.vector_load %arg15[%get3A_295, %get3A_296] {strides = array<i32>} : memref<40x128xf32, #tpu.memory_space<vmem>>, vector<1x16xf32>,
      %get3A_298 = vector.shape_cast %get3A_297 : vector<1x16xf32> to vector<16xf32>
      %get3A_299 = arith.index_cast %scan3A_278 : i32 to index
      %get3A_300 = arith.constant 16 : index
      %get3A_301 = tpu.vector_load %arg17[%get3A_299, %get3A_300] {strides = array<i32>} : memref<40x128xf32, #tpu.memory_space<vmem>>, vector<1x16xf32>,
      %get3A_302 = vector.shape_cast %get3A_301 : vector<1x16xf32> to vector<16xf32>
      %add3A_303 = arith.addf %get3A_298, %get3A_302 : vector<16xf32>
      %max3A_304 = arith.constant 0.000000e+00 : f32
      %max3A_305 = vector.broadcast %max3A_304 : f32 to vector<16xf32>
      %max3A_306 = arith.maximumf %add3A_303, %max3A_305 : vector<16xf32>
      %swap3A_307 = arith.index_cast %scan3A_278 : i32 to index
      %swap3A_308 = arith.constant 16 : index
      %swap3A_309 = tpu.vector_load %arg19[%swap3A_307, %swap3A_308] {strides = array<i32>} : memref<40x128xf32, #tpu.memory_space<vmem>>, vector<1x16xf32>,
      %swap3A_310 = vector.shape_cast %swap3A_309 : vector<1x16xf32> to vector<16xf32>
      %swap3A_311 = vector.shape_cast %max3A_306 : vector<16xf32> to vector<1x16xf32>
      tpu.vector_store %arg19[%swap3A_307, %swap3A_308], %swap3A_311 {strides = array<i32>} : memref<40x128xf32, #tpu.memory_space<vmem>>, vector<1x16xf32>,
      %get3A_312 = arith.index_cast %scan3A_278 : i32 to index
      %get3A_313 = arith.constant 32 : index
      %get3A_314 = tpu.vector_load %arg15[%get3A_312, %get3A_313] {strides = array<i32>} : memref<40x128xf32, #tpu.memory_space<vmem>>, vector<1x16xf32>,
      %get3A_315 = vector.shape_cast %get3A_314 : vector<1x16xf32> to vector<16xf32>
      %get3A_316 = arith.index_cast %scan3A_278 : i32 to index
      %get3A_317 = arith.constant 32 : index
      %get3A_318 = tpu.vector_load %arg17[%get3A_316, %get3A_317] {strides = array<i32>} : memref<40x128xf32, #tpu.memory_space<vmem>>, vector<1x16xf32>,
      %get3A_319 = vector.shape_cast %get3A_318 : vector<1x16xf32> to vector<16xf32>
      %add3A_320 = arith.addf %get3A_315, %get3A_319 : vector<16xf32>
      %max3A_321 = arith.constant 0.000000e+00 : f32
      %max3A_322 = vector.broadcast %max3A_321 : f32 to vector<16xf32>
      %max3A_323 = arith.maximumf %add3A_320, %max3A_322 : vector<16xf32>
      %swap3A_324 = arith.index_cast %scan3A_278 : i32 to index
      %swap3A_325 = arith.constant 32 : index
      %swap3A_326 = tpu.vector_load %arg19[%swap3A_324, %swap3A_325] {strides = array<i32>} : memref<40x128xf32, #tpu.memory_space<vmem>>, vector<1x16xf32>,
      %swap3A_327 = vector.shape_cast %swap3A_326 : vector<1x16xf32> to vector<16xf32>
      %swap3A_328 = vector.shape_cast %max3A_323 : vector<16xf32> to vector<1x16xf32>
      tpu.vector_store %arg19[%swap3A_324, %swap3A_325], %swap3A_328 {strides = array<i32>} : memref<40x128xf32, #tpu.memory_space<vmem>>, vector<1x16xf32>,
      %get3A_329 = arith.index_cast %scan3A_278 : i32 to index
      %get3A_330 = arith.constant 48 : index
      %get3A_331 = tpu.vector_load %arg15[%get3A_329, %get3A_330] {strides = array<i32>} : memref<40x128xf32, #tpu.memory_space<vmem>>, vector<1x16xf32>,
      %get3A_332 = vector.shape_cast %get3A_331 : vector<1x16xf32> to vector<16xf32>
      %get3A_333 = arith.index_cast %scan3A_278 : i32 to index
      %get3A_334 = arith.constant 48 : index
      %get3A_335 = tpu.vector_load %arg17[%get3A_333, %get3A_334] {strides = array<i32>} : memref<40x128xf32, #tpu.memory_space<vmem>>, vector<1x16xf32>,
      %get3A_336 = vector.shape_cast %get3A_335 : vector<1x16xf32> to vector<16xf32>
      %add3A_337 = arith.addf %get3A_332, %get3A_336 : vector<16xf32>
      %max3A_338 = arith.constant 0.000000e+00 : f32
      %max3A_339 = vector.broadcast %max3A_338 : f32 to vector<16xf32>
      %max3A_340 = arith.maximumf %add3A_337, %max3A_339 : vector<16xf32>
      %swap3A_341 = arith.index_cast %scan3A_278 : i32 to index
      %swap3A_342 = arith.constant 48 : index
      %swap3A_343 = tpu.vector_load %arg19[%swap3A_341, %swap3A_342] {strides = array<i32>} : memref<40x128xf32, #tpu.memory_space<vmem>>, vector<1x16xf32>,
      %swap3A_344 = vector.shape_cast %swap3A_343 : vector<1x16xf32> to vector<16xf32>
      %swap3A_345 = vector.shape_cast %max3A_340 : vector<16xf32> to vector<1x16xf32>
      tpu.vector_store %arg19[%swap3A_341, %swap3A_342], %swap3A_345 {strides = array<i32>} : memref<40x128xf32, #tpu.memory_space<vmem>>, vector<1x16xf32>,
      %get3A_346 = arith.index_cast %scan3A_278 : i32 to index
      %get3A_347 = arith.constant 64 : index
      %get3A_348 = tpu.vector_load %arg15[%get3A_346, %get3A_347] {strides = array<i32>} : memref<40x128xf32, #tpu.memory_space<vmem>>, vector<1x16xf32>,
      %get3A_349 = vector.shape_cast %get3A_348 : vector<1x16xf32> to vector<16xf32>
      %get3A_350 = arith.index_cast %scan3A_278 : i32 to index
      %get3A_351 = arith.constant 64 : index
      %get3A_352 = tpu.vector_load %arg17[%get3A_350, %get3A_351] {strides = array<i32>} : memref<40x128xf32, #tpu.memory_space<vmem>>, vector<1x16xf32>,
      %get3A_353 = vector.shape_cast %get3A_352 : vector<1x16xf32> to vector<16xf32>
      %add3A_354 = arith.addf %get3A_349, %get3A_353 : vector<16xf32>
      %max3A_355 = arith.constant 0.000000e+00 : f32
      %max3A_356 = vector.broadcast %max3A_355 : f32 to vector<16xf32>
      %max3A_357 = arith.maximumf %add3A_354, %max3A_356 : vector<16xf32>
      %swap3A_358 = arith.index_cast %scan3A_278 : i32 to index
      %swap3A_359 = arith.constant 64 : index
      %swap3A_360 = tpu.vector_load %arg19[%swap3A_358, %swap3A_359] {strides = array<i32>} : memref<40x128xf32, #tpu.memory_space<vmem>>, vector<1x16xf32>,
      %swap3A_361 = vector.shape_cast %swap3A_360 : vector<1x16xf32> to vector<16xf32>
      %swap3A_362 = vector.shape_cast %max3A_357 : vector<16xf32> to vector<1x16xf32>
      tpu.vector_store %arg19[%swap3A_358, %swap3A_359], %swap3A_362 {strides = array<i32>} : memref<40x128xf32, #tpu.memory_space<vmem>>, vector<1x16xf32>,
      %get3A_363 = arith.index_cast %scan3A_278 : i32 to index
      %get3A_364 = arith.constant 80 : index
      %get3A_365 = tpu.vector_load %arg15[%get3A_363, %get3A_364] {strides = array<i32>} : memref<40x128xf32, #tpu.memory_space<vmem>>, vector<1x16xf32>,
      %get3A_366 = vector.shape_cast %get3A_365 : vector<1x16xf32> to vector<16xf32>
      %get3A_367 = arith.index_cast %scan3A_278 : i32 to index
      %get3A_368 = arith.constant 80 : index
      %get3A_369 = tpu.vector_load %arg17[%get3A_367, %get3A_368] {strides = array<i32>} : memref<40x128xf32, #tpu.memory_space<vmem>>, vector<1x16xf32>,
      %get3A_370 = vector.shape_cast %get3A_369 : vector<1x16xf32> to vector<16xf32>
      %add3A_371 = arith.addf %get3A_366, %get3A_370 : vector<16xf32>
      %max3A_372 = arith.constant 0.000000e+00 : f32
      %max3A_373 = vector.broadcast %max3A_372 : f32 to vector<16xf32>
      %max3A_374 = arith.maximumf %add3A_371, %max3A_373 : vector<16xf32>
      %swap3A_375 = arith.index_cast %scan3A_278 : i32 to index
      %swap3A_376 = arith.constant 80 : index
      %swap3A_377 = tpu.vector_load %arg19[%swap3A_375, %swap3A_376] {strides = array<i32>} : memref<40x128xf32, #tpu.memory_space<vmem>>, vector<1x16xf32>,
      %swap3A_378 = vector.shape_cast %swap3A_377 : vector<1x16xf32> to vector<16xf32>
      %swap3A_379 = vector.shape_cast %max3A_374 : vector<16xf32> to vector<1x16xf32>
      tpu.vector_store %arg19[%swap3A_375, %swap3A_376], %swap3A_379 {strides = array<i32>} : memref<40x128xf32, #tpu.memory_space<vmem>>, vector<1x16xf32>,
      %get3A_380 = arith.index_cast %scan3A_278 : i32 to index
      %get3A_381 = arith.constant 96 : index
      %get3A_382 = tpu.vector_load %arg15[%get3A_380, %get3A_381] {strides = array<i32>} : memref<40x128xf32, #tpu.memory_space<vmem>>, vector<1x16xf32>,
      %get3A_383 = vector.shape_cast %get3A_382 : vector<1x16xf32> to vector<16xf32>
      %get3A_384 = arith.index_cast %scan3A_278 : i32 to index
      %get3A_385 = arith.constant 96 : index
      %get3A_386 = tpu.vector_load %arg17[%get3A_384, %get3A_385] {strides = array<i32>} : memref<40x128xf32, #tpu.memory_space<vmem>>, vector<1x16xf32>,
      %get3A_387 = vector.shape_cast %get3A_386 : vector<1x16xf32> to vector<16xf32>
      %add3A_388 = arith.addf %get3A_383, %get3A_387 : vector<16xf32>
      %max3A_389 = arith.constant 0.000000e+00 : f32
      %max3A_390 = vector.broadcast %max3A_389 : f32 to vector<16xf32>
      %max3A_391 = arith.maximumf %add3A_388, %max3A_390 : vector<16xf32>
      %swap3A_392 = arith.index_cast %scan3A_278 : i32 to index
      %swap3A_393 = arith.constant 96 : index
      %swap3A_394 = tpu.vector_load %arg19[%swap3A_392, %swap3A_393] {strides = array<i32>} : memref<40x128xf32, #tpu.memory_space<vmem>>, vector<1x16xf32>,
      %swap3A_395 = vector.shape_cast %swap3A_394 : vector<1x16xf32> to vector<16xf32>
      %swap3A_396 = vector.shape_cast %max3A_391 : vector<16xf32> to vector<1x16xf32>
      tpu.vector_store %arg19[%swap3A_392, %swap3A_393], %swap3A_396 {strides = array<i32>} : memref<40x128xf32, #tpu.memory_space<vmem>>, vector<1x16xf32>,
      %get3A_397 = arith.index_cast %scan3A_278 : i32 to index
      %get3A_398 = arith.constant 112 : index
      %get3A_399 = tpu.vector_load %arg15[%get3A_397, %get3A_398] {strides = array<i32>} : memref<40x128xf32, #tpu.memory_space<vmem>>, vector<1x16xf32>,
      %get3A_400 = vector.shape_cast %get3A_399 : vector<1x16xf32> to vector<16xf32>
      %get3A_401 = arith.index_cast %scan3A_278 : i32 to index
      %get3A_402 = arith.constant 112 : index
      %get3A_403 = tpu.vector_load %arg17[%get3A_401, %get3A_402] {strides = array<i32>} : memref<40x128xf32, #tpu.memory_space<vmem>>, vector<1x16xf32>,
      %get3A_404 = vector.shape_cast %get3A_403 : vector<1x16xf32> to vector<16xf32>
      %add3A_405 = arith.addf %get3A_400, %get3A_404 : vector<16xf32>
      %max3A_406 = arith.constant 0.000000e+00 : f32
      %max3A_407 = vector.broadcast %max3A_406 : f32 to vector<16xf32>
      %max3A_408 = arith.maximumf %add3A_405, %max3A_407 : vector<16xf32>
      %swap3A_409 = arith.index_cast %scan3A_278 : i32 to index
      %swap3A_410 = arith.constant 112 : index
      %swap3A_411 = tpu.vector_load %arg19[%swap3A_409, %swap3A_410] {strides = array<i32>} : memref<40x128xf32, #tpu.memory_space<vmem>>, vector<1x16xf32>,
      %swap3A_412 = vector.shape_cast %swap3A_411 : vector<1x16xf32> to vector<16xf32>
      %swap3A_413 = vector.shape_cast %max3A_408 : vector<16xf32> to vector<1x16xf32>
      tpu.vector_store %arg19[%swap3A_409, %swap3A_410], %swap3A_413 {strides = array<i32>} : memref<40x128xf32, #tpu.memory_space<vmem>>, vector<1x16xf32>,
      %scan3A_414 = arith.constant 1 : i32
      %scan3A_415 = arith.addi %scan3A_278, %scan3A_414 : i32
      %get3A_416 = arith.index_cast %scan3A_415 : i32 to index
      %get3A_417 = arith.constant 0 : index
      %get3A_418 = tpu.vector_load %arg15[%get3A_416, %get3A_417] {strides = array<i32>} : memref<40x128xf32, #tpu.memory_space<vmem>>, vector<1x16xf32>,
      %get3A_419 = vector.shape_cast %get3A_418 : vector<1x16xf32> to vector<16xf32>
      %get3A_420 = arith.index_cast %scan3A_415 : i32 to index
      %get3A_421 = arith.constant 0 : index
      %get3A_422 = tpu.vector_load %arg17[%get3A_420, %get3A_421] {strides = array<i32>} : memref<40x128xf32, #tpu.memory_space<vmem>>, vector<1x16xf32>,
      %get3A_423 = vector.shape_cast %get3A_422 : vector<1x16xf32> to vector<16xf32>
      %add3A_424 = arith.addf %get3A_419, %get3A_423 : vector<16xf32>
      %max3A_425 = arith.constant 0.000000e+00 : f32
      %max3A_426 = vector.broadcast %max3A_425 : f32 to vector<16xf32>
      %max3A_427 = arith.maximumf %add3A_424, %max3A_426 : vector<16xf32>
      %swap3A_428 = arith.index_cast %scan3A_415 : i32 to index
      %swap3A_429 = arith.constant 0 : index
      %swap3A_430 = tpu.vector_load %arg19[%swap3A_428, %swap3A_429] {strides = array<i32>} : memref<40x128xf32, #tpu.memory_space<vmem>>, vector<1x16xf32>,
      %swap3A_431 = vector.shape_cast %swap3A_430 : vector<1x16xf32> to vector<16xf32>
      %swap3A_432 = vector.shape_cast %max3A_427 : vector<16xf32> to vector<1x16xf32>
      tpu.vector_store %arg19[%swap3A_428, %swap3A_429], %swap3A_432 {strides = array<i32>} : memref<40x128xf32, #tpu.memory_space<vmem>>, vector<1x16xf32>,
      %get3A_433 = arith.index_cast %scan3A_415 : i32 to index
      %get3A_434 = arith.constant 16 : index
      %get3A_435 = tpu.vector_load %arg15[%get3A_433, %get3A_434] {strides = array<i32>} : memref<40x128xf32, #tpu.memory_space<vmem>>, vector<1x16xf32>,
      %get3A_436 = vector.shape_cast %get3A_435 : vector<1x16xf32> to vector<16xf32>
      %get3A_437 = arith.index_cast %scan3A_415 : i32 to index
      %get3A_438 = arith.constant 16 : index
      %get3A_439 = tpu.vector_load %arg17[%get3A_437, %get3A_438] {strides = array<i32>} : memref<40x128xf32, #tpu.memory_space<vmem>>, vector<1x16xf32>,
      %get3A_440 = vector.shape_cast %get3A_439 : vector<1x16xf32> to vector<16xf32>
      %add3A_441 = arith.addf %get3A_436, %get3A_440 : vector<16xf32>
      %max3A_442 = arith.constant 0.000000e+00 : f32
      %max3A_443 = vector.broadcast %max3A_442 : f32 to vector<16xf32>
      %max3A_444 = arith.maximumf %add3A_441, %max3A_443 : vector<16xf32>
      %swap3A_445 = arith.index_cast %scan3A_415 : i32 to index
      %swap3A_446 = arith.constant 16 : index
      %swap3A_447 = tpu.vector_load %arg19[%swap3A_445, %swap3A_446] {strides = array<i32>} : memref<40x128xf32, #tpu.memory_space<vmem>>, vector<1x16xf32>,
      %swap3A_448 = vector.shape_cast %swap3A_447 : vector<1x16xf32> to vector<16xf32>
      %swap3A_449 = vector.shape_cast %max3A_444 : vector<16xf32> to vector<1x16xf32>
      tpu.vector_store %arg19[%swap3A_445, %swap3A_446], %swap3A_449 {strides = array<i32>} : memref<40x128xf32, #tpu.memory_space<vmem>>, vector<1x16xf32>,
      %get3A_450 = arith.index_cast %scan3A_415 : i32 to index
      %get3A_451 = arith.constant 32 : index
      %get3A_452 = tpu.vector_load %arg15[%get3A_450, %get3A_451] {strides = array<i32>} : memref<40x128xf32, #tpu.memory_space<vmem>>, vector<1x16xf32>,
      %get3A_453 = vector.shape_cast %get3A_452 : vector<1x16xf32> to vector<16xf32>
      %get3A_454 = arith.index_cast %scan3A_415 : i32 to index
      %get3A_455 = arith.constant 32 : index
      %get3A_456 = tpu.vector_load %arg17[%get3A_454, %get3A_455] {strides = array<i32>} : memref<40x128xf32, #tpu.memory_space<vmem>>, vector<1x16xf32>,
      %get3A_457 = vector.shape_cast %get3A_456 : vector<1x16xf32> to vector<16xf32>
      %add3A_458 = arith.addf %get3A_453, %get3A_457 : vector<16xf32>
      %max3A_459 = arith.constant 0.000000e+00 : f32
      %max3A_460 = vector.broadcast %max3A_459 : f32 to vector<16xf32>
      %max3A_461 = arith.maximumf %add3A_458, %max3A_460 : vector<16xf32>
      %swap3A_462 = arith.index_cast %scan3A_415 : i32 to index
      %swap3A_463 = arith.constant 32 : index
      %swap3A_464 = tpu.vector_load %arg19[%swap3A_462, %swap3A_463] {strides = array<i32>} : memref<40x128xf32, #tpu.memory_space<vmem>>, vector<1x16xf32>,
      %swap3A_465 = vector.shape_cast %swap3A_464 : vector<1x16xf32> to vector<16xf32>
      %swap3A_466 = vector.shape_cast %max3A_461 : vector<16xf32> to vector<1x16xf32>
      tpu.vector_store %arg19[%swap3A_462, %swap3A_463], %swap3A_466 {strides = array<i32>} : memref<40x128xf32, #tpu.memory_space<vmem>>, vector<1x16xf32>,
      %get3A_467 = arith.index_cast %scan3A_415 : i32 to index
      %get3A_468 = arith.constant 48 : index
      %get3A_469 = tpu.vector_load %arg15[%get3A_467, %get3A_468] {strides = array<i32>} : memref<40x128xf32, #tpu.memory_space<vmem>>, vector<1x16xf32>,
      %get3A_470 = vector.shape_cast %get3A_469 : vector<1x16xf32> to vector<16xf32>
      %get3A_471 = arith.index_cast %scan3A_415 : i32 to index
      %get3A_472 = arith.constant 48 : index
      %get3A_473 = tpu.vector_load %arg17[%get3A_471, %get3A_472] {strides = array<i32>} : memref<40x128xf32, #tpu.memory_space<vmem>>, vector<1x16xf32>,
      %get3A_474 = vector.shape_cast %get3A_473 : vector<1x16xf32> to vector<16xf32>
      %add3A_475 = arith.addf %get3A_470, %get3A_474 : vector<16xf32>
      %max3A_476 = arith.constant 0.000000e+00 : f32
      %max3A_477 = vector.broadcast %max3A_476 : f32 to vector<16xf32>
      %max3A_478 = arith.maximumf %add3A_475, %max3A_477 : vector<16xf32>
      %swap3A_479 = arith.index_cast %scan3A_415 : i32 to index
      %swap3A_480 = arith.constant 48 : index
      %swap3A_481 = tpu.vector_load %arg19[%swap3A_479, %swap3A_480] {strides = array<i32>} : memref<40x128xf32, #tpu.memory_space<vmem>>, vector<1x16xf32>,
      %swap3A_482 = vector.shape_cast %swap3A_481 : vector<1x16xf32> to vector<16xf32>
      %swap3A_483 = vector.shape_cast %max3A_478 : vector<16xf32> to vector<1x16xf32>
      tpu.vector_store %arg19[%swap3A_479, %swap3A_480], %swap3A_483 {strides = array<i32>} : memref<40x128xf32, #tpu.memory_space<vmem>>, vector<1x16xf32>,
      %get3A_484 = arith.index_cast %scan3A_415 : i32 to index
      %get3A_485 = arith.constant 64 : index
      %get3A_486 = tpu.vector_load %arg15[%get3A_484, %get3A_485] {strides = array<i32>} : memref<40x128xf32, #tpu.memory_space<vmem>>, vector<1x16xf32>,
      %get3A_487 = vector.shape_cast %get3A_486 : vector<1x16xf32> to vector<16xf32>
      %get3A_488 = arith.index_cast %scan3A_415 : i32 to index
      %get3A_489 = arith.constant 64 : index
      %get3A_490 = tpu.vector_load %arg17[%get3A_488, %get3A_489] {strides = array<i32>} : memref<40x128xf32, #tpu.memory_space<vmem>>, vector<1x16xf32>,
      %get3A_491 = vector.shape_cast %get3A_490 : vector<1x16xf32> to vector<16xf32>
      %add3A_492 = arith.addf %get3A_487, %get3A_491 : vector<16xf32>
      %max3A_493 = arith.constant 0.000000e+00 : f32
      %max3A_494 = vector.broadcast %max3A_493 : f32 to vector<16xf32>
      %max3A_495 = arith.maximumf %add3A_492, %max3A_494 : vector<16xf32>
      %swap3A_496 = arith.index_cast %scan3A_415 : i32 to index
      %swap3A_497 = arith.constant 64 : index
      %swap3A_498 = tpu.vector_load %arg19[%swap3A_496, %swap3A_497] {strides = array<i32>} : memref<40x128xf32, #tpu.memory_space<vmem>>, vector<1x16xf32>,
      %swap3A_499 = vector.shape_cast %swap3A_498 : vector<1x16xf32> to vector<16xf32>
      %swap3A_500 = vector.shape_cast %max3A_495 : vector<16xf32> to vector<1x16xf32>
      tpu.vector_store %arg19[%swap3A_496, %swap3A_497], %swap3A_500 {strides = array<i32>} : memref<40x128xf32, #tpu.memory_space<vmem>>, vector<1x16xf32>,
      %get3A_501 = arith.index_cast %scan3A_415 : i32 to index
      %get3A_502 = arith.constant 80 : index
      %get3A_503 = tpu.vector_load %arg15[%get3A_501, %get3A_502] {strides = array<i32>} : memref<40x128xf32, #tpu.memory_space<vmem>>, vector<1x16xf32>,
      %get3A_504 = vector.shape_cast %get3A_503 : vector<1x16xf32> to vector<16xf32>
      %get3A_505 = arith.index_cast %scan3A_415 : i32 to index
      %get3A_506 = arith.constant 80 : index
      %get3A_507 = tpu.vector_load %arg17[%get3A_505, %get3A_506] {strides = array<i32>} : memref<40x128xf32, #tpu.memory_space<vmem>>, vector<1x16xf32>,
      %get3A_508 = vector.shape_cast %get3A_507 : vector<1x16xf32> to vector<16xf32>
      %add3A_509 = arith.addf %get3A_504, %get3A_508 : vector<16xf32>
      %max3A_510 = arith.constant 0.000000e+00 : f32
      %max3A_511 = vector.broadcast %max3A_510 : f32 to vector<16xf32>
      %max3A_512 = arith.maximumf %add3A_509, %max3A_511 : vector<16xf32>
      %swap3A_513 = arith.index_cast %scan3A_415 : i32 to index
      %swap3A_514 = arith.constant 80 : index
      %swap3A_515 = tpu.vector_load %arg19[%swap3A_513, %swap3A_514] {strides = array<i32>} : memref<40x128xf32, #tpu.memory_space<vmem>>, vector<1x16xf32>,
      %swap3A_516 = vector.shape_cast %swap3A_515 : vector<1x16xf32> to vector<16xf32>
      %swap3A_517 = vector.shape_cast %max3A_512 : vector<16xf32> to vector<1x16xf32>
      tpu.vector_store %arg19[%swap3A_513, %swap3A_514], %swap3A_517 {strides = array<i32>} : memref<40x128xf32, #tpu.memory_space<vmem>>, vector<1x16xf32>,
      %get3A_518 = arith.index_cast %scan3A_415 : i32 to index
      %get3A_519 = arith.constant 96 : index
      %get3A_520 = tpu.vector_load %arg15[%get3A_518, %get3A_519] {strides = array<i32>} : memref<40x128xf32, #tpu.memory_space<vmem>>, vector<1x16xf32>,
      %get3A_521 = vector.shape_cast %get3A_520 : vector<1x16xf32> to vector<16xf32>
      %get3A_522 = arith.index_cast %scan3A_415 : i32 to index
      %get3A_523 = arith.constant 96 : index
      %get3A_524 = tpu.vector_load %arg17[%get3A_522, %get3A_523] {strides = array<i32>} : memref<40x128xf32, #tpu.memory_space<vmem>>, vector<1x16xf32>,
      %get3A_525 = vector.shape_cast %get3A_524 : vector<1x16xf32> to vector<16xf32>
      %add3A_526 = arith.addf %get3A_521, %get3A_525 : vector<16xf32>
      %max3A_527 = arith.constant 0.000000e+00 : f32
      %max3A_528 = vector.broadcast %max3A_527 : f32 to vector<16xf32>
      %max3A_529 = arith.maximumf %add3A_526, %max3A_528 : vector<16xf32>
      %swap3A_530 = arith.index_cast %scan3A_415 : i32 to index
      %swap3A_531 = arith.constant 96 : index
      %swap3A_532 = tpu.vector_load %arg19[%swap3A_530, %swap3A_531] {strides = array<i32>} : memref<40x128xf32, #tpu.memory_space<vmem>>, vector<1x16xf32>,
      %swap3A_533 = vector.shape_cast %swap3A_532 : vector<1x16xf32> to vector<16xf32>
      %swap3A_534 = vector.shape_cast %max3A_529 : vector<16xf32> to vector<1x16xf32>
      tpu.vector_store %arg19[%swap3A_530, %swap3A_531], %swap3A_534 {strides = array<i32>} : memref<40x128xf32, #tpu.memory_space<vmem>>, vector<1x16xf32>,
      %get3A_535 = arith.index_cast %scan3A_415 : i32 to index
      %get3A_536 = arith.constant 112 : index
      %get3A_537 = tpu.vector_load %arg15[%get3A_535, %get3A_536] {strides = array<i32>} : memref<40x128xf32, #tpu.memory_space<vmem>>, vector<1x16xf32>,
      %get3A_538 = vector.shape_cast %get3A_537 : vector<1x16xf32> to vector<16xf32>
      %get3A_539 = arith.index_cast %scan3A_415 : i32 to index
      %get3A_540 = arith.constant 112 : index
      %get3A_541 = tpu.vector_load %arg17[%get3A_539, %get3A_540] {strides = array<i32>} : memref<40x128xf32, #tpu.memory_space<vmem>>, vector<1x16xf32>,
      %get3A_542 = vector.shape_cast %get3A_541 : vector<1x16xf32> to vector<16xf32>
      %add3A_543 = arith.addf %get3A_538, %get3A_542 : vector<16xf32>
      %max3A_544 = arith.constant 0.000000e+00 : f32
      %max3A_545 = vector.broadcast %max3A_544 : f32 to vector<16xf32>
      %max3A_546 = arith.maximumf %add3A_543, %max3A_545 : vector<16xf32>
      %swap3A_547 = arith.index_cast %scan3A_415 : i32 to index
      %swap3A_548 = arith.constant 112 : index
      %swap3A_549 = tpu.vector_load %arg19[%swap3A_547, %swap3A_548] {strides = array<i32>} : memref<40x128xf32, #tpu.memory_space<vmem>>, vector<1x16xf32>,
      %swap3A_550 = vector.shape_cast %swap3A_549 : vector<1x16xf32> to vector<16xf32>
      %swap3A_551 = vector.shape_cast %max3A_546 : vector<16xf32> to vector<1x16xf32>
      tpu.vector_store %arg19[%swap3A_547, %swap3A_548], %swap3A_551 {strides = array<i32>} : memref<40x128xf32, #tpu.memory_space<vmem>>, vector<1x16xf32>,
      %scan3A_552 = arith.constant 2 : i32
      %scan3A_553 = arith.addi %scan3A_278, %scan3A_552 : i32
      %get3A_554 = arith.index_cast %scan3A_553 : i32 to index
      %get3A_555 = arith.constant 0 : index
      %get3A_556 = tpu.vector_load %arg15[%get3A_554, %get3A_555] {strides = array<i32>} : memref<40x128xf32, #tpu.memory_space<vmem>>, vector<1x16xf32>,
      %get3A_557 = vector.shape_cast %get3A_556 : vector<1x16xf32> to vector<16xf32>
      %get3A_558 = arith.index_cast %scan3A_553 : i32 to index
      %get3A_559 = arith.constant 0 : index
      %get3A_560 = tpu.vector_load %arg17[%get3A_558, %get3A_559] {strides = array<i32>} : memref<40x128xf32, #tpu.memory_space<vmem>>, vector<1x16xf32>,
      %get3A_561 = vector.shape_cast %get3A_560 : vector<1x16xf32> to vector<16xf32>
      %add3A_562 = arith.addf %get3A_557, %get3A_561 : vector<16xf32>
      %max3A_563 = arith.constant 0.000000e+00 : f32
      %max3A_564 = vector.broadcast %max3A_563 : f32 to vector<16xf32>
      %max3A_565 = arith.maximumf %add3A_562, %max3A_564 : vector<16xf32>
      %swap3A_566 = arith.index_cast %scan3A_553 : i32 to index
      %swap3A_567 = arith.constant 0 : index
      %swap3A_568 = tpu.vector_load %arg19[%swap3A_566, %swap3A_567] {strides = array<i32>} : memref<40x128xf32, #tpu.memory_space<vmem>>, vector<1x16xf32>,
      %swap3A_569 = vector.shape_cast %swap3A_568 : vector<1x16xf32> to vector<16xf32>
      %swap3A_570 = vector.shape_cast %max3A_565 : vector<16xf32> to vector<1x16xf32>
      tpu.vector_store %arg19[%swap3A_566, %swap3A_567], %swap3A_570 {strides = array<i32>} : memref<40x128xf32, #tpu.memory_space<vmem>>, vector<1x16xf32>,
      %get3A_571 = arith.index_cast %scan3A_553 : i32 to index
      %get3A_572 = arith.constant 16 : index
      %get3A_573 = tpu.vector_load %arg15[%get3A_571, %get3A_572] {strides = array<i32>} : memref<40x128xf32, #tpu.memory_space<vmem>>, vector<1x16xf32>,
      %get3A_574 = vector.shape_cast %get3A_573 : vector<1x16xf32> to vector<16xf32>
      %get3A_575 = arith.index_cast %scan3A_553 : i32 to index
      %get3A_576 = arith.constant 16 : index
      %get3A_577 = tpu.vector_load %arg17[%get3A_575, %get3A_576] {strides = array<i32>} : memref<40x128xf32, #tpu.memory_space<vmem>>, vector<1x16xf32>,
      %get3A_578 = vector.shape_cast %get3A_577 : vector<1x16xf32> to vector<16xf32>
      %add3A_579 = arith.addf %get3A_574, %get3A_578 : vector<16xf32>
      %max3A_580 = arith.constant 0.000000e+00 : f32
      %max3A_581 = vector.broadcast %max3A_580 : f32 to vector<16xf32>
      %max3A_582 = arith.maximumf %add3A_579, %max3A_581 : vector<16xf32>
      %swap3A_583 = arith.index_cast %scan3A_553 : i32 to index
      %swap3A_584 = arith.constant 16 : index
      %swap3A_585 = tpu.vector_load %arg19[%swap3A_583, %swap3A_584] {strides = array<i32>} : memref<40x128xf32, #tpu.memory_space<vmem>>, vector<1x16xf32>,
      %swap3A_586 = vector.shape_cast %swap3A_585 : vector<1x16xf32> to vector<16xf32>
      %swap3A_587 = vector.shape_cast %max3A_582 : vector<16xf32> to vector<1x16xf32>
      tpu.vector_store %arg19[%swap3A_583, %swap3A_584], %swap3A_587 {strides = array<i32>} : memref<40x128xf32, #tpu.memory_space<vmem>>, vector<1x16xf32>,
      %get3A_588 = arith.index_cast %scan3A_553 : i32 to index
      %get3A_589 = arith.constant 32 : index
      %get3A_590 = tpu.vector_load %arg15[%get3A_588, %get3A_589] {strides = array<i32>} : memref<40x128xf32, #tpu.memory_space<vmem>>, vector<1x16xf32>,
      %get3A_591 = vector.shape_cast %get3A_590 : vector<1x16xf32> to vector<16xf32>
      %get3A_592 = arith.index_cast %scan3A_553 : i32 to index
      %get3A_593 = arith.constant 32 : index
      %get3A_594 = tpu.vector_load %arg17[%get3A_592, %get3A_593] {strides = array<i32>} : memref<40x128xf32, #tpu.memory_space<vmem>>, vector<1x16xf32>,
      %get3A_595 = vector.shape_cast %get3A_594 : vector<1x16xf32> to vector<16xf32>
      %add3A_596 = arith.addf %get3A_591, %get3A_595 : vector<16xf32>
      %max3A_597 = arith.constant 0.000000e+00 : f32
      %max3A_598 = vector.broadcast %max3A_597 : f32 to vector<16xf32>
      %max3A_599 = arith.maximumf %add3A_596, %max3A_598 : vector<16xf32>
      %swap3A_600 = arith.index_cast %scan3A_553 : i32 to index
      %swap3A_601 = arith.constant 32 : index
      %swap3A_602 = tpu.vector_load %arg19[%swap3A_600, %swap3A_601] {strides = array<i32>} : memref<40x128xf32, #tpu.memory_space<vmem>>, vector<1x16xf32>,
      %swap3A_603 = vector.shape_cast %swap3A_602 : vector<1x16xf32> to vector<16xf32>
      %swap3A_604 = vector.shape_cast %max3A_599 : vector<16xf32> to vector<1x16xf32>
      tpu.vector_store %arg19[%swap3A_600, %swap3A_601], %swap3A_604 {strides = array<i32>} : memref<40x128xf32, #tpu.memory_space<vmem>>, vector<1x16xf32>,
      %get3A_605 = arith.index_cast %scan3A_553 : i32 to index
      %get3A_606 = arith.constant 48 : index
      %get3A_607 = tpu.vector_load %arg15[%get3A_605, %get3A_606] {strides = array<i32>} : memref<40x128xf32, #tpu.memory_space<vmem>>, vector<1x16xf32>,
      %get3A_608 = vector.shape_cast %get3A_607 : vector<1x16xf32> to vector<16xf32>
      %get3A_609 = arith.index_cast %scan3A_553 : i32 to index
      %get3A_610 = arith.constant 48 : index
      %get3A_611 = tpu.vector_load %arg17[%get3A_609, %get3A_610] {strides = array<i32>} : memref<40x128xf32, #tpu.memory_space<vmem>>, vector<1x16xf32>,
      %get3A_612 = vector.shape_cast %get3A_611 : vector<1x16xf32> to vector<16xf32>
      %add3A_613 = arith.addf %get3A_608, %get3A_612 : vector<16xf32>
      %max3A_614 = arith.constant 0.000000e+00 : f32
      %max3A_615 = vector.broadcast %max3A_614 : f32 to vector<16xf32>
      %max3A_616 = arith.maximumf %add3A_613, %max3A_615 : vector<16xf32>
      %swap3A_617 = arith.index_cast %scan3A_553 : i32 to index
      %swap3A_618 = arith.constant 48 : index
      %swap3A_619 = tpu.vector_load %arg19[%swap3A_617, %swap3A_618] {strides = array<i32>} : memref<40x128xf32, #tpu.memory_space<vmem>>, vector<1x16xf32>,
      %swap3A_620 = vector.shape_cast %swap3A_619 : vector<1x16xf32> to vector<16xf32>
      %swap3A_621 = vector.shape_cast %max3A_616 : vector<16xf32> to vector<1x16xf32>
      tpu.vector_store %arg19[%swap3A_617, %swap3A_618], %swap3A_621 {strides = array<i32>} : memref<40x128xf32, #tpu.memory_space<vmem>>, vector<1x16xf32>,
      %get3A_622 = arith.index_cast %scan3A_553 : i32 to index
      %get3A_623 = arith.constant 64 : index
      %get3A_624 = tpu.vector_load %arg15[%get3A_622, %get3A_623] {strides = array<i32>} : memref<40x128xf32, #tpu.memory_space<vmem>>, vector<1x16xf32>,
      %get3A_625 = vector.shape_cast %get3A_624 : vector<1x16xf32> to vector<16xf32>
      %get3A_626 = arith.index_cast %scan3A_553 : i32 to index
      %get3A_627 = arith.constant 64 : index
      %get3A_628 = tpu.vector_load %arg17[%get3A_626, %get3A_627] {strides = array<i32>} : memref<40x128xf32, #tpu.memory_space<vmem>>, vector<1x16xf32>,
      %get3A_629 = vector.shape_cast %get3A_628 : vector<1x16xf32> to vector<16xf32>
      %add3A_630 = arith.addf %get3A_625, %get3A_629 : vector<16xf32>
      %max3A_631 = arith.constant 0.000000e+00 : f32
      %max3A_632 = vector.broadcast %max3A_631 : f32 to vector<16xf32>
      %max3A_633 = arith.maximumf %add3A_630, %max3A_632 : vector<16xf32>
      %swap3A_634 = arith.index_cast %scan3A_553 : i32 to index
      %swap3A_635 = arith.constant 64 : index
      %swap3A_636 = tpu.vector_load %arg19[%swap3A_634, %swap3A_635] {strides = array<i32>} : memref<40x128xf32, #tpu.memory_space<vmem>>, vector<1x16xf32>,
      %swap3A_637 = vector.shape_cast %swap3A_636 : vector<1x16xf32> to vector<16xf32>
      %swap3A_638 = vector.shape_cast %max3A_633 : vector<16xf32> to vector<1x16xf32>
      tpu.vector_store %arg19[%swap3A_634, %swap3A_635], %swap3A_638 {strides = array<i32>} : memref<40x128xf32, #tpu.memory_space<vmem>>, vector<1x16xf32>,
      %get3A_639 = arith.index_cast %scan3A_553 : i32 to index
      %get3A_640 = arith.constant 80 : index
      %get3A_641 = tpu.vector_load %arg15[%get3A_639, %get3A_640] {strides = array<i32>} : memref<40x128xf32, #tpu.memory_space<vmem>>, vector<1x16xf32>,
      %get3A_642 = vector.shape_cast %get3A_641 : vector<1x16xf32> to vector<16xf32>
      %get3A_643 = arith.index_cast %scan3A_553 : i32 to index
      %get3A_644 = arith.constant 80 : index
      %get3A_645 = tpu.vector_load %arg17[%get3A_643, %get3A_644] {strides = array<i32>} : memref<40x128xf32, #tpu.memory_space<vmem>>, vector<1x16xf32>,
      %get3A_646 = vector.shape_cast %get3A_645 : vector<1x16xf32> to vector<16xf32>
      %add3A_647 = arith.addf %get3A_642, %get3A_646 : vector<16xf32>
      %max3A_648 = arith.constant 0.000000e+00 : f32
      %max3A_649 = vector.broadcast %max3A_648 : f32 to vector<16xf32>
      %max3A_650 = arith.maximumf %add3A_647, %max3A_649 : vector<16xf32>
      %swap3A_651 = arith.index_cast %scan3A_553 : i32 to index
      %swap3A_652 = arith.constant 80 : index
      %swap3A_653 = tpu.vector_load %arg19[%swap3A_651, %swap3A_652] {strides = array<i32>} : memref<40x128xf32, #tpu.memory_space<vmem>>, vector<1x16xf32>,
      %swap3A_654 = vector.shape_cast %swap3A_653 : vector<1x16xf32> to vector<16xf32>
      %swap3A_655 = vector.shape_cast %max3A_650 : vector<16xf32> to vector<1x16xf32>
      tpu.vector_store %arg19[%swap3A_651, %swap3A_652], %swap3A_655 {strides = array<i32>} : memref<40x128xf32, #tpu.memory_space<vmem>>, vector<1x16xf32>,
      %get3A_656 = arith.index_cast %scan3A_553 : i32 to index
      %get3A_657 = arith.constant 96 : index
      %get3A_658 = tpu.vector_load %arg15[%get3A_656, %get3A_657] {strides = array<i32>} : memref<40x128xf32, #tpu.memory_space<vmem>>, vector<1x16xf32>,
      %get3A_659 = vector.shape_cast %get3A_658 : vector<1x16xf32> to vector<16xf32>
      %get3A_660 = arith.index_cast %scan3A_553 : i32 to index
      %get3A_661 = arith.constant 96 : index
      %get3A_662 = tpu.vector_load %arg17[%get3A_660, %get3A_661] {strides = array<i32>} : memref<40x128xf32, #tpu.memory_space<vmem>>, vector<1x16xf32>,
      %get3A_663 = vector.shape_cast %get3A_662 : vector<1x16xf32> to vector<16xf32>
      %add3A_664 = arith.addf %get3A_659, %get3A_663 : vector<16xf32>
      %max3A_665 = arith.constant 0.000000e+00 : f32
      %max3A_666 = vector.broadcast %max3A_665 : f32 to vector<16xf32>
      %max3A_667 = arith.maximumf %add3A_664, %max3A_666 : vector<16xf32>
      %swap3A_668 = arith.index_cast %scan3A_553 : i32 to index
      %swap3A_669 = arith.constant 96 : index
      %swap3A_670 = tpu.vector_load %arg19[%swap3A_668, %swap3A_669] {strides = array<i32>} : memref<40x128xf32, #tpu.memory_space<vmem>>, vector<1x16xf32>,
      %swap3A_671 = vector.shape_cast %swap3A_670 : vector<1x16xf32> to vector<16xf32>
      %swap3A_672 = vector.shape_cast %max3A_667 : vector<16xf32> to vector<1x16xf32>
      tpu.vector_store %arg19[%swap3A_668, %swap3A_669], %swap3A_672 {strides = array<i32>} : memref<40x128xf32, #tpu.memory_space<vmem>>, vector<1x16xf32>,
      %get3A_673 = arith.index_cast %scan3A_553 : i32 to index
      %get3A_674 = arith.constant 112 : index
      %get3A_675 = tpu.vector_load %arg15[%get3A_673, %get3A_674] {strides = array<i32>} : memref<40x128xf32, #tpu.memory_space<vmem>>, vector<1x16xf32>,
      %get3A_676 = vector.shape_cast %get3A_675 : vector<1x16xf32> to vector<16xf32>
      %get3A_677 = arith.index_cast %scan3A_553 : i32 to index
      %get3A_678 = arith.constant 112 : index
      %get3A_679 = tpu.vector_load %arg17[%get3A_677, %get3A_678] {strides = array<i32>} : memref<40x128xf32, #tpu.memory_space<vmem>>, vector<1x16xf32>,
      %get3A_680 = vector.shape_cast %get3A_679 : vector<1x16xf32> to vector<16xf32>
      %add3A_681 = arith.addf %get3A_676, %get3A_680 : vector<16xf32>
      %max3A_682 = arith.constant 0.000000e+00 : f32
      %max3A_683 = vector.broadcast %max3A_682 : f32 to vector<16xf32>
      %max3A_684 = arith.maximumf %add3A_681, %max3A_683 : vector<16xf32>
      %swap3A_685 = arith.index_cast %scan3A_553 : i32 to index
      %swap3A_686 = arith.constant 112 : index
      %swap3A_687 = tpu.vector_load %arg19[%swap3A_685, %swap3A_686] {strides = array<i32>} : memref<40x128xf32, #tpu.memory_space<vmem>>, vector<1x16xf32>,
      %swap3A_688 = vector.shape_cast %swap3A_687 : vector<1x16xf32> to vector<16xf32>
      %swap3A_689 = vector.shape_cast %max3A_684 : vector<16xf32> to vector<1x16xf32>
      tpu.vector_store %arg19[%swap3A_685, %swap3A_686], %swap3A_689 {strides = array<i32>} : memref<40x128xf32, #tpu.memory_space<vmem>>, vector<1x16xf32>,
      %scan3A_690 = arith.constant 3 : i32
      %scan3A_691 = arith.addi %scan3A_278, %scan3A_690 : i32
      %get3A_692 = arith.index_cast %scan3A_691 : i32 to index
      %get3A_693 = arith.constant 0 : index
      %get3A_694 = tpu.vector_load %arg15[%get3A_692, %get3A_693] {strides = array<i32>} : memref<40x128xf32, #tpu.memory_space<vmem>>, vector<1x16xf32>,
      %get3A_695 = vector.shape_cast %get3A_694 : vector<1x16xf32> to vector<16xf32>
      %get3A_696 = arith.index_cast %scan3A_691 : i32 to index
      %get3A_697 = arith.constant 0 : index
      %get3A_698 = tpu.vector_load %arg17[%get3A_696, %get3A_697] {strides = array<i32>} : memref<40x128xf32, #tpu.memory_space<vmem>>, vector<1x16xf32>,
      %get3A_699 = vector.shape_cast %get3A_698 : vector<1x16xf32> to vector<16xf32>
      %add3A_700 = arith.addf %get3A_695, %get3A_699 : vector<16xf32>
      %max3A_701 = arith.constant 0.000000e+00 : f32
      %max3A_702 = vector.broadcast %max3A_701 : f32 to vector<16xf32>
      %max3A_703 = arith.maximumf %add3A_700, %max3A_702 : vector<16xf32>
      %swap3A_704 = arith.index_cast %scan3A_691 : i32 to index
      %swap3A_705 = arith.constant 0 : index
      %swap3A_706 = tpu.vector_load %arg19[%swap3A_704, %swap3A_705] {strides = array<i32>} : memref<40x128xf32, #tpu.memory_space<vmem>>, vector<1x16xf32>,
      %swap3A_707 = vector.shape_cast %swap3A_706 : vector<1x16xf32> to vector<16xf32>
      %swap3A_708 = vector.shape_cast %max3A_703 : vector<16xf32> to vector<1x16xf32>
      tpu.vector_store %arg19[%swap3A_704, %swap3A_705], %swap3A_708 {strides = array<i32>} : memref<40x128xf32, #tpu.memory_space<vmem>>, vector<1x16xf32>,
      %get3A_709 = arith.index_cast %scan3A_691 : i32 to index
      %get3A_710 = arith.constant 16 : index
      %get3A_711 = tpu.vector_load %arg15[%get3A_709, %get3A_710] {strides = array<i32>} : memref<40x128xf32, #tpu.memory_space<vmem>>, vector<1x16xf32>,
      %get3A_712 = vector.shape_cast %get3A_711 : vector<1x16xf32> to vector<16xf32>
      %get3A_713 = arith.index_cast %scan3A_691 : i32 to index
      %get3A_714 = arith.constant 16 : index
      %get3A_715 = tpu.vector_load %arg17[%get3A_713, %get3A_714] {strides = array<i32>} : memref<40x128xf32, #tpu.memory_space<vmem>>, vector<1x16xf32>,
      %get3A_716 = vector.shape_cast %get3A_715 : vector<1x16xf32> to vector<16xf32>
      %add3A_717 = arith.addf %get3A_712, %get3A_716 : vector<16xf32>
      %max3A_718 = arith.constant 0.000000e+00 : f32
      %max3A_719 = vector.broadcast %max3A_718 : f32 to vector<16xf32>
      %max3A_720 = arith.maximumf %add3A_717, %max3A_719 : vector<16xf32>
      %swap3A_721 = arith.index_cast %scan3A_691 : i32 to index
      %swap3A_722 = arith.constant 16 : index
      %swap3A_723 = tpu.vector_load %arg19[%swap3A_721, %swap3A_722] {strides = array<i32>} : memref<40x128xf32, #tpu.memory_space<vmem>>, vector<1x16xf32>,
      %swap3A_724 = vector.shape_cast %swap3A_723 : vector<1x16xf32> to vector<16xf32>
      %swap3A_725 = vector.shape_cast %max3A_720 : vector<16xf32> to vector<1x16xf32>
      tpu.vector_store %arg19[%swap3A_721, %swap3A_722], %swap3A_725 {strides = array<i32>} : memref<40x128xf32, #tpu.memory_space<vmem>>, vector<1x16xf32>,
      %get3A_726 = arith.index_cast %scan3A_691 : i32 to index
      %get3A_727 = arith.constant 32 : index
      %get3A_728 = tpu.vector_load %arg15[%get3A_726, %get3A_727] {strides = array<i32>} : memref<40x128xf32, #tpu.memory_space<vmem>>, vector<1x16xf32>,
      %get3A_729 = vector.shape_cast %get3A_728 : vector<1x16xf32> to vector<16xf32>
      %get3A_730 = arith.index_cast %scan3A_691 : i32 to index
      %get3A_731 = arith.constant 32 : index
      %get3A_732 = tpu.vector_load %arg17[%get3A_730, %get3A_731] {strides = array<i32>} : memref<40x128xf32, #tpu.memory_space<vmem>>, vector<1x16xf32>,
      %get3A_733 = vector.shape_cast %get3A_732 : vector<1x16xf32> to vector<16xf32>
      %add3A_734 = arith.addf %get3A_729, %get3A_733 : vector<16xf32>
      %max3A_735 = arith.constant 0.000000e+00 : f32
      %max3A_736 = vector.broadcast %max3A_735 : f32 to vector<16xf32>
      %max3A_737 = arith.maximumf %add3A_734, %max3A_736 : vector<16xf32>
      %swap3A_738 = arith.index_cast %scan3A_691 : i32 to index
      %swap3A_739 = arith.constant 32 : index
      %swap3A_740 = tpu.vector_load %arg19[%swap3A_738, %swap3A_739] {strides = array<i32>} : memref<40x128xf32, #tpu.memory_space<vmem>>, vector<1x16xf32>,
      %swap3A_741 = vector.shape_cast %swap3A_740 : vector<1x16xf32> to vector<16xf32>
      %swap3A_742 = vector.shape_cast %max3A_737 : vector<16xf32> to vector<1x16xf32>
      tpu.vector_store %arg19[%swap3A_738, %swap3A_739], %swap3A_742 {strides = array<i32>} : memref<40x128xf32, #tpu.memory_space<vmem>>, vector<1x16xf32>,
      %get3A_743 = arith.index_cast %scan3A_691 : i32 to index
      %get3A_744 = arith.constant 48 : index
      %get3A_745 = tpu.vector_load %arg15[%get3A_743, %get3A_744] {strides = array<i32>} : memref<40x128xf32, #tpu.memory_space<vmem>>, vector<1x16xf32>,
      %get3A_746 = vector.shape_cast %get3A_745 : vector<1x16xf32> to vector<16xf32>
      %get3A_747 = arith.index_cast %scan3A_691 : i32 to index
      %get3A_748 = arith.constant 48 : index
      %get3A_749 = tpu.vector_load %arg17[%get3A_747, %get3A_748] {strides = array<i32>} : memref<40x128xf32, #tpu.memory_space<vmem>>, vector<1x16xf32>,
      %get3A_750 = vector.shape_cast %get3A_749 : vector<1x16xf32> to vector<16xf32>
      %add3A_751 = arith.addf %get3A_746, %get3A_750 : vector<16xf32>
      %max3A_752 = arith.constant 0.000000e+00 : f32
      %max3A_753 = vector.broadcast %max3A_752 : f32 to vector<16xf32>
      %max3A_754 = arith.maximumf %add3A_751, %max3A_753 : vector<16xf32>
      %swap3A_755 = arith.index_cast %scan3A_691 : i32 to index
      %swap3A_756 = arith.constant 48 : index
      %swap3A_757 = tpu.vector_load %arg19[%swap3A_755, %swap3A_756] {strides = array<i32>} : memref<40x128xf32, #tpu.memory_space<vmem>>, vector<1x16xf32>,
      %swap3A_758 = vector.shape_cast %swap3A_757 : vector<1x16xf32> to vector<16xf32>
      %swap3A_759 = vector.shape_cast %max3A_754 : vector<16xf32> to vector<1x16xf32>
      tpu.vector_store %arg19[%swap3A_755, %swap3A_756], %swap3A_759 {strides = array<i32>} : memref<40x128xf32, #tpu.memory_space<vmem>>, vector<1x16xf32>,
      %get3A_760 = arith.index_cast %scan3A_691 : i32 to index
      %get3A_761 = arith.constant 64 : index
      %get3A_762 = tpu.vector_load %arg15[%get3A_760, %get3A_761] {strides = array<i32>} : memref<40x128xf32, #tpu.memory_space<vmem>>, vector<1x16xf32>,
      %get3A_763 = vector.shape_cast %get3A_762 : vector<1x16xf32> to vector<16xf32>
      %get3A_764 = arith.index_cast %scan3A_691 : i32 to index
      %get3A_765 = arith.constant 64 : index
      %get3A_766 = tpu.vector_load %arg17[%get3A_764, %get3A_765] {strides = array<i32>} : memref<40x128xf32, #tpu.memory_space<vmem>>, vector<1x16xf32>,
      %get3A_767 = vector.shape_cast %get3A_766 : vector<1x16xf32> to vector<16xf32>
      %add3A_768 = arith.addf %get3A_763, %get3A_767 : vector<16xf32>
      %max3A_769 = arith.constant 0.000000e+00 : f32
      %max3A_770 = vector.broadcast %max3A_769 : f32 to vector<16xf32>
      %max3A_771 = arith.maximumf %add3A_768, %max3A_770 : vector<16xf32>
      %swap3A_772 = arith.index_cast %scan3A_691 : i32 to index
      %swap3A_773 = arith.constant 64 : index
      %swap3A_774 = tpu.vector_load %arg19[%swap3A_772, %swap3A_773] {strides = array<i32>} : memref<40x128xf32, #tpu.memory_space<vmem>>, vector<1x16xf32>,
      %swap3A_775 = vector.shape_cast %swap3A_774 : vector<1x16xf32> to vector<16xf32>
      %swap3A_776 = vector.shape_cast %max3A_771 : vector<16xf32> to vector<1x16xf32>
      tpu.vector_store %arg19[%swap3A_772, %swap3A_773], %swap3A_776 {strides = array<i32>} : memref<40x128xf32, #tpu.memory_space<vmem>>, vector<1x16xf32>,
      %get3A_777 = arith.index_cast %scan3A_691 : i32 to index
      %get3A_778 = arith.constant 80 : index
      %get3A_779 = tpu.vector_load %arg15[%get3A_777, %get3A_778] {strides = array<i32>} : memref<40x128xf32, #tpu.memory_space<vmem>>, vector<1x16xf32>,
      %get3A_780 = vector.shape_cast %get3A_779 : vector<1x16xf32> to vector<16xf32>
      %get3A_781 = arith.index_cast %scan3A_691 : i32 to index
      %get3A_782 = arith.constant 80 : index
      %get3A_783 = tpu.vector_load %arg17[%get3A_781, %get3A_782] {strides = array<i32>} : memref<40x128xf32, #tpu.memory_space<vmem>>, vector<1x16xf32>,
      %get3A_784 = vector.shape_cast %get3A_783 : vector<1x16xf32> to vector<16xf32>
      %add3A_785 = arith.addf %get3A_780, %get3A_784 : vector<16xf32>
      %max3A_786 = arith.constant 0.000000e+00 : f32
      %max3A_787 = vector.broadcast %max3A_786 : f32 to vector<16xf32>
      %max3A_788 = arith.maximumf %add3A_785, %max3A_787 : vector<16xf32>
      %swap3A_789 = arith.index_cast %scan3A_691 : i32 to index
      %swap3A_790 = arith.constant 80 : index
      %swap3A_791 = tpu.vector_load %arg19[%swap3A_789, %swap3A_790] {strides = array<i32>} : memref<40x128xf32, #tpu.memory_space<vmem>>, vector<1x16xf32>,
      %swap3A_792 = vector.shape_cast %swap3A_791 : vector<1x16xf32> to vector<16xf32>
      %swap3A_793 = vector.shape_cast %max3A_788 : vector<16xf32> to vector<1x16xf32>
      tpu.vector_store %arg19[%swap3A_789, %swap3A_790], %swap3A_793 {strides = array<i32>} : memref<40x128xf32, #tpu.memory_space<vmem>>, vector<1x16xf32>,
      %get3A_794 = arith.index_cast %scan3A_691 : i32 to index
      %get3A_795 = arith.constant 96 : index
      %get3A_796 = tpu.vector_load %arg15[%get3A_794, %get3A_795] {strides = array<i32>} : memref<40x128xf32, #tpu.memory_space<vmem>>, vector<1x16xf32>,
      %get3A_797 = vector.shape_cast %get3A_796 : vector<1x16xf32> to vector<16xf32>
      %get3A_798 = arith.index_cast %scan3A_691 : i32 to index
      %get3A_799 = arith.constant 96 : index
      %get3A_800 = tpu.vector_load %arg17[%get3A_798, %get3A_799] {strides = array<i32>} : memref<40x128xf32, #tpu.memory_space<vmem>>, vector<1x16xf32>,
      %get3A_801 = vector.shape_cast %get3A_800 : vector<1x16xf32> to vector<16xf32>
      %add3A_802 = arith.addf %get3A_797, %get3A_801 : vector<16xf32>
      %max3A_803 = arith.constant 0.000000e+00 : f32
      %max3A_804 = vector.broadcast %max3A_803 : f32 to vector<16xf32>
      %max3A_805 = arith.maximumf %add3A_802, %max3A_804 : vector<16xf32>
      %swap3A_806 = arith.index_cast %scan3A_691 : i32 to index
      %swap3A_807 = arith.constant 96 : index
      %swap3A_808 = tpu.vector_load %arg19[%swap3A_806, %swap3A_807] {strides = array<i32>} : memref<40x128xf32, #tpu.memory_space<vmem>>, vector<1x16xf32>,
      %swap3A_809 = vector.shape_cast %swap3A_808 : vector<1x16xf32> to vector<16xf32>
      %swap3A_810 = vector.shape_cast %max3A_805 : vector<16xf32> to vector<1x16xf32>
      tpu.vector_store %arg19[%swap3A_806, %swap3A_807], %swap3A_810 {strides = array<i32>} : memref<40x128xf32, #tpu.memory_space<vmem>>, vector<1x16xf32>,
      %get3A_811 = arith.index_cast %scan3A_691 : i32 to index
      %get3A_812 = arith.constant 112 : index
      %get3A_813 = tpu.vector_load %arg15[%get3A_811, %get3A_812] {strides = array<i32>} : memref<40x128xf32, #tpu.memory_space<vmem>>, vector<1x16xf32>,
      %get3A_814 = vector.shape_cast %get3A_813 : vector<1x16xf32> to vector<16xf32>
      %get3A_815 = arith.index_cast %scan3A_691 : i32 to index
      %get3A_816 = arith.constant 112 : index
      %get3A_817 = tpu.vector_load %arg17[%get3A_815, %get3A_816] {strides = array<i32>} : memref<40x128xf32, #tpu.memory_space<vmem>>, vector<1x16xf32>,
      %get3A_818 = vector.shape_cast %get3A_817 : vector<1x16xf32> to vector<16xf32>
      %add3A_819 = arith.addf %get3A_814, %get3A_818 : vector<16xf32>
      %max3A_820 = arith.constant 0.000000e+00 : f32
      %max3A_821 = vector.broadcast %max3A_820 : f32 to vector<16xf32>
      %max3A_822 = arith.maximumf %add3A_819, %max3A_821 : vector<16xf32>
      %swap3A_823 = arith.index_cast %scan3A_691 : i32 to index
      %swap3A_824 = arith.constant 112 : index
      %swap3A_825 = tpu.vector_load %arg19[%swap3A_823, %swap3A_824] {strides = array<i32>} : memref<40x128xf32, #tpu.memory_space<vmem>>, vector<1x16xf32>,
      %swap3A_826 = vector.shape_cast %swap3A_825 : vector<1x16xf32> to vector<16xf32>
      %swap3A_827 = vector.shape_cast %max3A_822 : vector<16xf32> to vector<1x16xf32>
      tpu.vector_store %arg19[%swap3A_823, %swap3A_824], %swap3A_827 {strides = array<i32>} : memref<40x128xf32, #tpu.memory_space<vmem>>, vector<1x16xf32>,
    }
    %scan3A_258 = arith.constant 40 : i32
    %dma_start3A_259 = arith.constant 0 : i32
    %dma_start3A_260 = arith.constant 0 : i32
    %dma_start3A_261 = tpu.memref_slice %arg8[%dma_start3A_259, %dma_start3A_260] : memref<10112x128xf32, #tpu.memory_space<vmem_shared>> -> memref<10112x128xf32, #tpu.memory_space<vmem_shared>>
    tpu.enqueue_indirect_dma source(%arg19 : memref<40x128xf32, #tpu.memory_space<vmem>>) target(%dma_start3A_261 : memref<10112x128xf32, #tpu.memory_space<vmem_shared>>) offsets(%arg13 : memref<40xi32, #tpu.memory_space<vmem>>) semaphore(%arg27 : memref<!tpu.dma_semaphore, #tpu.memory_space<semaphore_mem>>) {add = true}
    %dma_wait3A_262 = arith.constant 0 : i32
    %dma_wait3A_263 = arith.constant 0 : i32
    %dma_wait3A_264 = tpu.memref_slice %arg8[%dma_wait3A_262, %dma_wait3A_263] : memref<10112x128xf32, #tpu.memory_space<vmem_shared>> -> memref<10112x128xf32, #tpu.memory_space<vmem_shared>>
    tpu.wait_indirect_dma semaphore(%arg26 : memref<!tpu.dma_semaphore, #tpu.memory_space<semaphore_mem>>) src(%arg18 : memref<40x128xf32, #tpu.memory_space<vmem>>) dst(%dma_wait3A_264 : memref<10112x128xf32, #tpu.memory_space<vmem_shared>>)
    %dma_wait3A_265 = arith.constant 0 : i32
    %dma_wait3A_266 = arith.constant 0 : i32
    %dma_wait3A_267 = tpu.memref_slice %arg8[%dma_wait3A_265, %dma_wait3A_266] : memref<10112x128xf32, #tpu.memory_space<vmem_shared>> -> memref<10112x128xf32, #tpu.memory_space<vmem_shared>>
    tpu.wait_indirect_dma semaphore(%arg27 : memref<!tpu.dma_semaphore, #tpu.memory_space<semaphore_mem>>) src(%arg19 : memref<40x128xf32, #tpu.memory_space<vmem>>) dst(%dma_wait3A_267 : memref<10112x128xf32, #tpu.memory_space<vmem_shared>>)
    %barrier3A_268 = arith.constant 0 : index
    tpu.barrier barrier_id(%barrier3A_268)
    %mul3A_269 = arith.constant 624 : i32
    %mul3A_270 = arith.muli %arg1, %mul3A_269 : i32
    %mul3A_271 = arith.constant 10000 : i32
    %mul3A_272 = arith.muli %arg0, %mul3A_271 : i32
    %mul3A_273 = arith.constant 624 : i32
    %mul3A_274 = arith.muli %arg1, %mul3A_273 : i32
    %add3A_275 = arith.addi %mul3A_272, %mul3A_274 : i32
    "tpu.region"() ({
      %run_scoped3A = tpu.sem_alloc : memref<!tpu.dma_semaphore, #tpu.memory_space<semaphore_mem>>
      %dma_start3A_278 = arith.constant 0 : i32
      %dma_start3A_279 = tpu.memref_slice %arg7[%add3A_275, %dma_start3A_278] : memref<20000x128xf32, #tpu.memory_space<hbm>> -> memref<624x128xf32, #tpu.memory_space<hbm>>
      %dma_start3A_280 = arith.constant 0 : i32
      %dma_start3A_281 = tpu.memref_slice %arg8[%mul3A_270, %dma_start3A_280] : memref<10112x128xf32, #tpu.memory_space<vmem_shared>> -> memref<624x128xf32, #tpu.memory_space<vmem_shared>>
      tpu.enqueue_dma source(%dma_start3A_281 : memref<624x128xf32, #tpu.memory_space<vmem_shared>>) target(%dma_start3A_279 : memref<624x128xf32, #tpu.memory_space<hbm>>) target_semaphore(%run_scoped3A : memref<!tpu.dma_semaphore, #tpu.memory_space<semaphore_mem>>)
      %dma_wait3A_282 = arith.constant 0 : i32
      %dma_wait3A_283 = tpu.memref_slice %arg7[%add3A_275, %dma_wait3A_282] : memref<20000x128xf32, #tpu.memory_space<hbm>> -> memref<624x128xf32, #tpu.memory_space<hbm>>
      %dma_wait3A_284 = arith.constant 0 : i32
      %dma_wait3A_285 = tpu.memref_slice %arg8[%mul3A_270, %dma_wait3A_284] : memref<10112x128xf32, #tpu.memory_space<vmem_shared>> -> memref<624x128xf32, #tpu.memory_space<vmem_shared>>
      tpu.wait_dma2 semaphore(%run_scoped3A : memref<!tpu.dma_semaphore, #tpu.memory_space<semaphore_mem>>) src(%dma_wait3A_285 : memref<624x128xf32, #tpu.memory_space<vmem_shared>>) dst(%dma_wait3A_283 : memref<624x128xf32, #tpu.memory_space<hbm>>)
      tpu.yield
    }) : () -> ()
    %eq3A = arith.constant 15 : i32
    %eq3A_276 = arith.cmpi eq, %arg1, %eq3A : i32
    %convert_element_type3A = arith.extui %eq3A_276 : i1 to i32
    %cond3A = arith.constant 0 : i32
    %cond3A_277 = arith.cmpi ne, %convert_element_type3A, %cond3A : i32
    scf.if %cond3A_277 {
      %mul3A_278 = arith.constant 10000 : i32
      %mul3A_279 = arith.muli %arg0, %mul3A_278 : i32
      %add3A_280 = arith.constant 9984 : i32
      %add3A_281 = arith.addi %mul3A_279, %add3A_280 : i32
      "tpu.region"() ({
        %run_scoped3A = tpu.sem_alloc : memref<!tpu.dma_semaphore, #tpu.memory_space<semaphore_mem>>
        %dma_start3A_282 = arith.constant 0 : i32
        %dma_start3A_283 = tpu.memref_slice %arg7[%add3A_281, %dma_start3A_282] : memref<20000x128xf32, #tpu.memory_space<hbm>> -> memref<16x128xf32, #tpu.memory_space<hbm>>
        %dma_start3A_284 = arith.constant 9984 : i32
        %dma_start3A_285 = arith.constant 0 : i32
        %dma_start3A_286 = tpu.memref_slice %arg8[%dma_start3A_284, %dma_start3A_285] : memref<10112x128xf32, #tpu.memory_space<vmem_shared>> -> memref<16x128xf32, #tpu.memory_space<vmem_shared>>
        tpu.enqueue_dma source(%dma_start3A_286 : memref<16x128xf32, #tpu.memory_space<vmem_shared>>) target(%dma_start3A_283 : memref<16x128xf32, #tpu.memory_space<hbm>>) target_semaphore(%run_scoped3A : memref<!tpu.dma_semaphore, #tpu.memory_space<semaphore_mem>>)
        %dma_wait3A_287 = arith.constant 0 : i32
        %dma_wait3A_288 = tpu.memref_slice %arg7[%add3A_281, %dma_wait3A_287] : memref<20000x128xf32, #tpu.memory_space<hbm>> -> memref<16x128xf32, #tpu.memory_space<hbm>>
        %dma_wait3A_289 = arith.constant 9984 : i32
        %dma_wait3A_290 = arith.constant 0 : i32
        %dma_wait3A_291 = tpu.memref_slice %arg8[%dma_wait3A_289, %dma_wait3A_290] : memref<10112x128xf32, #tpu.memory_space<vmem_shared>> -> memref<16x128xf32, #tpu.memory_space<vmem_shared>>
        tpu.wait_dma2 semaphore(%run_scoped3A : memref<!tpu.dma_semaphore, #tpu.memory_space<semaphore_mem>>) src(%dma_wait3A_291 : memref<16x128xf32, #tpu.memory_space<vmem_shared>>) dst(%dma_wait3A_288 : memref<16x128xf32, #tpu.memory_space<hbm>>)
        tpu.yield
      }) : () -> ()
    } else {
    }
    return
  }
}

module attributes {stable_mosaic.version = 14 : i64} {
  func.func @_split_mm_body(%arg0: i32, %arg1: i32, %arg2: memref<2000x256xf32, #tpu.memory_space<vmem>>, %arg3: memref<256x128xf32, #tpu.memory_space<vmem>>, %arg4: memref<1x128xf32, #tpu.memory_space<vmem>>, %arg5: memref<2000x128xf32, #tpu.memory_space<vmem>>) attributes {dimension_semantics = [#tpu.dimension_semantics<arbitrary>, #tpu.dimension_semantics<arbitrary>], iteration_bounds = array<i64: 5, 2>, scalar_prefetch = 0 : i64, scratch_operands = 0 : i64, tpu.core_type = #tpu.core_type<tc>, window_params = [{transform_indices = @transform_0, window_bounds = array<i64: 2000, 256>}, {transform_indices = @transform_1, window_bounds = array<i64: 256, 128>}, {transform_indices = @transform_2, window_bounds = array<i64: 1, 128>}, {transform_indices = @transform_3, window_bounds = array<i64: 2000, 128>}]} {
    %get3A = arith.constant 0 : index
    %get3A_0 = arith.constant 0 : index
    %get3A_1 = vector.load %arg2[%get3A, %get3A_0] : memref<2000x256xf32, #tpu.memory_space<vmem>>, vector<2000x256xf32>
    %get3A_2 = arith.constant 0 : index
    %get3A_3 = arith.constant 0 : index
    %get3A_4 = vector.load %arg3[%get3A_2, %get3A_3] : memref<256x128xf32, #tpu.memory_space<vmem>>, vector<256x128xf32>
    %dot_general3A = arith.constant dense<0.000000e+00> : vector<2000x128xf32>
    %dot_general3A_5 = tpu.matmul %get3A_1, %get3A_4, %dot_general3A {dimension_numbers = #tpu.dot_dimension_numbers<[1], [0], [0], [1], [0, 0, 1, 1], [], []>, transpose_lhs_hint = false} : vector<2000x256xf32>, vector<256x128xf32>, vector<2000x128xf32> -> vector<2000x128xf32>
    %get3A_6 = arith.constant 0 : index
    %get3A_7 = arith.constant 0 : index
    %get3A_8 = vector.load %arg4[%get3A_6, %get3A_7] : memref<1x128xf32, #tpu.memory_space<vmem>>, vector<1x128xf32>
    %add3A = vector.broadcast %get3A_8 : vector<1x128xf32> to vector<2000x128xf32>
    %add3A_9 = arith.addf %dot_general3A_5, %add3A : vector<2000x128xf32>
    %swap3A = arith.constant 0 : index
    %swap3A_10 = arith.constant 0 : index
    %swap3A_11 = vector.load %arg5[%swap3A, %swap3A_10] : memref<2000x128xf32, #tpu.memory_space<vmem>>, vector<2000x128xf32>
    tpu.vector_store %arg5[%swap3A, %swap3A_10], %add3A_9 {strides = array<i32>} : memref<2000x128xf32, #tpu.memory_space<vmem>>, vector<2000x128xf32>,
    return
  }
  func.func @transform_0(%arg0: i32, %arg1: i32) -> (i32, i32) {
    %c0_i32 = arith.constant 0 : i32
    %c0_i32_0 = arith.constant 0 : i32
    return %arg0, %c0_i32 : i32, i32
  }
  func.func @transform_1(%arg0: i32, %arg1: i32) -> (i32, i32) {
    %c0_i32 = arith.constant 0 : i32
    %c0_i32_0 = arith.constant 0 : i32
    return %c0_i32, %arg1 : i32, i32
  }
  func.func @transform_2(%arg0: i32, %arg1: i32) -> (i32, i32) {
    %c0_i32 = arith.constant 0 : i32
    %c0_i32_0 = arith.constant 0 : i32
    return %c0_i32, %arg1 : i32, i32
  }
  func.func @transform_3(%arg0: i32, %arg1: i32) -> (i32, i32) {
    %mul3A = arith.constant 5 : i32
    %mul3A_0 = arith.muli %arg1, %mul3A : i32
    %add3A = arith.addi %mul3A_0, %arg0 : i32
    %c0_i32 = arith.constant 0 : i32
    %c0_i32_1 = arith.constant 0 : i32
    return %add3A, %c0_i32 : i32, i32
  }
}

module attributes {stable_mosaic.version = 14 : i64} {
  func.func @_split_mm_body(%arg0: i32, %arg1: i32, %arg2: memref<1600x256xf32, #tpu.memory_space<vmem>>, %arg3: memref<256x128xf32, #tpu.memory_space<vmem>>, %arg4: memref<1x128xf32, #tpu.memory_space<vmem>>, %arg5: memref<1600x128xf32, #tpu.memory_space<vmem>>) attributes {dimension_semantics = [#tpu.dimension_semantics<arbitrary>, #tpu.dimension_semantics<arbitrary>], iteration_bounds = array<i64: 100, 2>, scalar_prefetch = 0 : i64, scratch_operands = 0 : i64, tpu.core_type = #tpu.core_type<tc>, window_params = [{transform_indices = @transform_0, window_bounds = array<i64: 1600, 256>}, {transform_indices = @transform_1, window_bounds = array<i64: 256, 128>}, {transform_indices = @transform_2, window_bounds = array<i64: 1, 128>}, {transform_indices = @transform_3, window_bounds = array<i64: 1600, 128>}]} {
    %get3A = arith.constant 0 : index
    %get3A_0 = arith.constant 0 : index
    %get3A_1 = vector.load %arg2[%get3A, %get3A_0] : memref<1600x256xf32, #tpu.memory_space<vmem>>, vector<1600x256xf32>
    %get3A_2 = arith.constant 0 : index
    %get3A_3 = arith.constant 0 : index
    %get3A_4 = vector.load %arg3[%get3A_2, %get3A_3] : memref<256x128xf32, #tpu.memory_space<vmem>>, vector<256x128xf32>
    %dot_general3A = arith.constant dense<0.000000e+00> : vector<1600x128xf32>
    %dot_general3A_5 = tpu.matmul %get3A_1, %get3A_4, %dot_general3A {dimension_numbers = #tpu.dot_dimension_numbers<[1], [0], [0], [1], [0, 0, 1, 1], [], []>, transpose_lhs_hint = false} : vector<1600x256xf32>, vector<256x128xf32>, vector<1600x128xf32> -> vector<1600x128xf32>
    %get3A_6 = arith.constant 0 : index
    %get3A_7 = arith.constant 0 : index
    %get3A_8 = vector.load %arg4[%get3A_6, %get3A_7] : memref<1x128xf32, #tpu.memory_space<vmem>>, vector<1x128xf32>
    %add3A = vector.broadcast %get3A_8 : vector<1x128xf32> to vector<1600x128xf32>
    %add3A_9 = arith.addf %dot_general3A_5, %add3A : vector<1600x128xf32>
    %swap3A = arith.constant 0 : index
    %swap3A_10 = arith.constant 0 : index
    %swap3A_11 = vector.load %arg5[%swap3A, %swap3A_10] : memref<1600x128xf32, #tpu.memory_space<vmem>>, vector<1600x128xf32>
    tpu.vector_store %arg5[%swap3A, %swap3A_10], %add3A_9 {strides = array<i32>} : memref<1600x128xf32, #tpu.memory_space<vmem>>, vector<1600x128xf32>,
    return
  }
  func.func @transform_0(%arg0: i32, %arg1: i32) -> (i32, i32) {
    %c0_i32 = arith.constant 0 : i32
    %c0_i32_0 = arith.constant 0 : i32
    return %arg0, %c0_i32 : i32, i32
  }
  func.func @transform_1(%arg0: i32, %arg1: i32) -> (i32, i32) {
    %c0_i32 = arith.constant 0 : i32
    %c0_i32_0 = arith.constant 0 : i32
    return %c0_i32, %arg1 : i32, i32
  }
  func.func @transform_2(%arg0: i32, %arg1: i32) -> (i32, i32) {
    %c0_i32 = arith.constant 0 : i32
    %c0_i32_0 = arith.constant 0 : i32
    return %c0_i32, %arg1 : i32, i32
  }
  func.func @transform_3(%arg0: i32, %arg1: i32) -> (i32, i32) {
    %mul3A = arith.constant 100 : i32
    %mul3A_0 = arith.muli %arg1, %mul3A : i32
    %add3A = arith.addi %mul3A_0, %arg0 : i32
    %c0_i32 = arith.constant 0 : i32
    %c0_i32_1 = arith.constant 0 : i32
    return %add3A, %c0_i32 : i32, i32
  }
}

module attributes {stable_mosaic.version = 14 : i64} {
  func.func @_cnt_body(%arg0: i32, %arg1: memref<1000x1xi32, #tpu.memory_space<vmem>>, %arg2: memref<128x128xf32, #tpu.memory_space<vmem>>) attributes {dimension_semantics = [#tpu.dimension_semantics<arbitrary>], iteration_bounds = array<i64: 160>, scalar_prefetch = 0 : i64, scratch_operands = 0 : i64, tpu.core_type = #tpu.core_type<tc>, window_params = [{transform_indices = @transform_0, window_bounds = array<i64: 1000, 1>}, {pipeline_mode = #tpu.pipeline_mode<synchronous>, transform_indices = @transform_1, window_bounds = array<i64: 128, 128>}]} {
    %eq3A = arith.constant 0 : i32
    %eq3A_0 = arith.cmpi eq, %arg0, %eq3A : i32
    %convert_element_type3A = arith.extui %eq3A_0 : i1 to i32
    %cond3A = arith.constant 0 : i32
    %cond3A_1 = arith.cmpi ne, %convert_element_type3A, %cond3A : i32
    scf.if %cond3A_1 {
      %broadcast_in_dim3A = arith.constant 0.000000e+00 : f32
      %broadcast_in_dim3A_24 = vector.broadcast %broadcast_in_dim3A : f32 to vector<128x128xf32>
      %swap3A_25 = arith.constant 0 : index
      %swap3A_26 = arith.constant 0 : index
      %swap3A_27 = vector.load %arg2[%swap3A_25, %swap3A_26] : memref<128x128xf32, #tpu.memory_space<vmem>>, vector<128x128xf32>
      tpu.vector_store %arg2[%swap3A_25, %swap3A_26], %broadcast_in_dim3A_24 {strides = array<i32>} : memref<128x128xf32, #tpu.memory_space<vmem>>, vector<128x128xf32>,
    } else {
    }
    %get3A = arith.constant 0 : index
    %get3A_2 = arith.constant 0 : index
    %get3A_3 = vector.load %arg1[%get3A, %get3A_2] : memref<1000x1xi32, #tpu.memory_space<vmem>>, vector<1000x1xi32>
    %shift_right_arithmetic3A = arith.constant 7 : i32
    %shift_right_arithmetic3A_4 = vector.broadcast %shift_right_arithmetic3A : i32 to vector<1000x1xi32>
    %shift_right_arithmetic3A_5 = arith.shrsi %get3A_3, %shift_right_arithmetic3A_4 : vector<1000x1xi32>
    %and3A = arith.constant 127 : i32
    %and3A_6 = vector.broadcast %and3A : i32 to vector<1000x1xi32>
    %and3A_7 = arith.andi %get3A_3, %and3A_6 : vector<1000x1xi32>
    %iota3A = tpu.iota {dimensions = array<i32: 1>} : vector<1x128xi32>
    %eq3A_8 = vector.broadcast %shift_right_arithmetic3A_5 : vector<1000x1xi32> to vector<1000x128xi32>
    %eq3A_9 = vector.broadcast %iota3A : vector<1x128xi32> to vector<1000x128xi32>
    %eq3A_10 = arith.cmpi eq, %eq3A_8, %eq3A_9 : vector<1000x128xi32>
    %convert_element_type3A_11 = arith.extui %eq3A_10 : vector<1000x128xi1> to vector<1000x128xi32>
    %convert_element_type3A_12 = arith.sitofp %convert_element_type3A_11 : vector<1000x128xi32> to vector<1000x128xf32>
    %eq3A_13 = vector.broadcast %and3A_7 : vector<1000x1xi32> to vector<1000x128xi32>
    %eq3A_14 = vector.broadcast %iota3A : vector<1x128xi32> to vector<1000x128xi32>
    %eq3A_15 = arith.cmpi eq, %eq3A_13, %eq3A_14 : vector<1000x128xi32>
    %convert_element_type3A_16 = arith.extui %eq3A_15 : vector<1000x128xi1> to vector<1000x128xi32>
    %convert_element_type3A_17 = arith.sitofp %convert_element_type3A_16 : vector<1000x128xi32> to vector<1000x128xf32>
    %get3A_18 = arith.constant 0 : index
    %get3A_19 = arith.constant 0 : index
    %get3A_20 = vector.load %arg2[%get3A_18, %get3A_19] : memref<128x128xf32, #tpu.memory_space<vmem>>, vector<128x128xf32>
    %dot_general3A = arith.constant dense<0.000000e+00> : vector<128x128xf32>
    %dot_general3A_21 = tpu.matmul %convert_element_type3A_12, %convert_element_type3A_17, %dot_general3A {dimension_numbers = #tpu.dot_dimension_numbers<[0], [0], [1], [1], [0, 1, 1, 1], [], []>, transpose_lhs_hint = false} : vector<1000x128xf32>, vector<1000x128xf32>, vector<128x128xf32> -> vector<128x128xf32>
    %add3A = arith.addf %get3A_20, %dot_general3A_21 : vector<128x128xf32>
    %swap3A = arith.constant 0 : index
    %swap3A_22 = arith.constant 0 : index
    %swap3A_23 = vector.load %arg2[%swap3A, %swap3A_22] : memref<128x128xf32, #tpu.memory_space<vmem>>, vector<128x128xf32>
    tpu.vector_store %arg2[%swap3A, %swap3A_22], %add3A {strides = array<i32>} : memref<128x128xf32, #tpu.memory_space<vmem>>, vector<128x128xf32>,
    return
  }
  func.func @transform_0(%arg0: i32) -> (i32, i32) {
    %c0_i32 = arith.constant 0 : i32
    %c0_i32_0 = arith.constant 0 : i32
    return %arg0, %c0_i32 : i32, i32
  }
  func.func @transform_1(%arg0: i32) -> (i32, i32) {
    %c0_i32 = arith.constant 0 : i32
    %c0_i32_0 = arith.constant 0 : i32
    %c0_i32_1 = arith.constant 0 : i32
    return %c0_i32, %c0_i32_0 : i32, i32
  }
}

module attributes {stable_mosaic.version = 14 : i64} {
  func.func @_upd_body(%arg0: i32, %arg1: memref<2000x256xf32, #tpu.memory_space<vmem>>, %arg2: memref<2000x128xf32, #tpu.memory_space<vmem>>, %arg3: memref<2000x128xf32, #tpu.memory_space<vmem>>, %arg4: memref<2000x1xf32, #tpu.memory_space<vmem>>, %arg5: memref<256x256xf32, #tpu.memory_space<vmem>>, %arg6: memref<256x256xf32, #tpu.memory_space<vmem>>, %arg7: memref<1x256xf32, #tpu.memory_space<vmem>>, %arg8: memref<2000x256xf32, #tpu.memory_space<vmem>>) attributes {dimension_semantics = [#tpu.dimension_semantics<arbitrary>], iteration_bounds = array<i64: 5>, scalar_prefetch = 0 : i64, scratch_operands = 0 : i64, tpu.core_type = #tpu.core_type<tc>, window_params = [{transform_indices = @transform_0, window_bounds = array<i64: 2000, 256>}, {transform_indices = @transform_1, window_bounds = array<i64: 2000, 128>}, {transform_indices = @transform_2, window_bounds = array<i64: 2000, 128>}, {transform_indices = @transform_3, window_bounds = array<i64: 2000, 1>}, {pipeline_mode = #tpu.pipeline_mode<synchronous>, transform_indices = @transform_4, window_bounds = array<i64: 256, 256>}, {pipeline_mode = #tpu.pipeline_mode<synchronous>, transform_indices = @transform_5, window_bounds = array<i64: 256, 256>}, {pipeline_mode = #tpu.pipeline_mode<synchronous>, transform_indices = @transform_6, window_bounds = array<i64: 1, 256>}, {transform_indices = @transform_7, window_bounds = array<i64: 2000, 256>}]} {
    %get3A = arith.constant 0 : index
    %get3A_0 = arith.constant 0 : index
    %get3A_1 = vector.load %arg4[%get3A, %get3A_0] : memref<2000x1xf32, #tpu.memory_space<vmem>>, vector<2000x1xf32>
    %max3A = arith.constant 1.000000e+00 : f32
    %max3A_2 = vector.broadcast %max3A : f32 to vector<2000x1xf32>
    %max3A_3 = arith.maximumf %get3A_1, %max3A_2 : vector<2000x1xf32>
    %get3A_4 = arith.constant 0 : index
    %get3A_5 = arith.constant 0 : index
    %get3A_6 = vector.load %arg2[%get3A_4, %get3A_5] : memref<2000x128xf32, #tpu.memory_space<vmem>>, vector<2000x128xf32>
    %get3A_7 = arith.constant 0 : index
    %get3A_8 = arith.constant 0 : index
    %get3A_9 = vector.load %arg3[%get3A_7, %get3A_8] : memref<2000x128xf32, #tpu.memory_space<vmem>>, vector<2000x128xf32>
    %concatenate3A = tpu.concatenate %get3A_6, %get3A_9 in 1 : vector<2000x128xf32>, vector<2000x128xf32> -> vector<2000x256xf32>
    %div3A = vector.broadcast %max3A_3 : vector<2000x1xf32> to vector<2000x256xf32>
    %div3A_10 = arith.divf %concatenate3A, %div3A : vector<2000x256xf32>
    %get3A_11 = arith.constant 0 : index
    %get3A_12 = arith.constant 0 : index
    %get3A_13 = vector.load %arg1[%get3A_11, %get3A_12] : memref<2000x256xf32, #tpu.memory_space<vmem>>, vector<2000x256xf32>
    %get3A_14 = arith.constant 0 : index
    %get3A_15 = arith.constant 0 : index
    %get3A_16 = vector.load %arg5[%get3A_14, %get3A_15] : memref<256x256xf32, #tpu.memory_space<vmem>>, vector<256x256xf32>
    %dot_general3A = arith.constant dense<0.000000e+00> : vector<2000x256xf32>
    %dot_general3A_17 = tpu.matmul %get3A_13, %get3A_16, %dot_general3A {dimension_numbers = #tpu.dot_dimension_numbers<[1], [0], [0], [1], [0, 0, 1, 1], [], []>, transpose_lhs_hint = false} : vector<2000x256xf32>, vector<256x256xf32>, vector<2000x256xf32> -> vector<2000x256xf32>
    %get3A_18 = arith.constant 0 : index
    %get3A_19 = arith.constant 0 : index
    %get3A_20 = vector.load %arg6[%get3A_18, %get3A_19] : memref<256x256xf32, #tpu.memory_space<vmem>>, vector<256x256xf32>
    %dot_general3A_21 = arith.constant dense<0.000000e+00> : vector<2000x256xf32>
    %dot_general3A_22 = tpu.matmul %div3A_10, %get3A_20, %dot_general3A_21 {dimension_numbers = #tpu.dot_dimension_numbers<[1], [0], [0], [1], [0, 0, 1, 1], [], []>, transpose_lhs_hint = false} : vector<2000x256xf32>, vector<256x256xf32>, vector<2000x256xf32> -> vector<2000x256xf32>
    %add3A = arith.addf %dot_general3A_17, %dot_general3A_22 : vector<2000x256xf32>
    %get3A_23 = arith.constant 0 : index
    %get3A_24 = arith.constant 0 : index
    %get3A_25 = vector.load %arg7[%get3A_23, %get3A_24] : memref<1x256xf32, #tpu.memory_space<vmem>>, vector<1x256xf32>
    %add3A_26 = vector.broadcast %get3A_25 : vector<1x256xf32> to vector<2000x256xf32>
    %add3A_27 = arith.addf %add3A, %add3A_26 : vector<2000x256xf32>
    %max3A_28 = arith.constant 0.000000e+00 : f32
    %max3A_29 = vector.broadcast %max3A_28 : f32 to vector<2000x256xf32>
    %max3A_30 = arith.maximumf %add3A_27, %max3A_29 : vector<2000x256xf32>
    %swap3A = arith.constant 0 : index
    %swap3A_31 = arith.constant 0 : index
    %swap3A_32 = vector.load %arg8[%swap3A, %swap3A_31] : memref<2000x256xf32, #tpu.memory_space<vmem>>, vector<2000x256xf32>
    tpu.vector_store %arg8[%swap3A, %swap3A_31], %max3A_30 {strides = array<i32>} : memref<2000x256xf32, #tpu.memory_space<vmem>>, vector<2000x256xf32>,
    return
  }
  func.func @transform_0(%arg0: i32) -> (i32, i32) {
    %c0_i32 = arith.constant 0 : i32
    %c0_i32_0 = arith.constant 0 : i32
    return %arg0, %c0_i32 : i32, i32
  }
  func.func @transform_1(%arg0: i32) -> (i32, i32) {
    %c0_i32 = arith.constant 0 : i32
    %c0_i32_0 = arith.constant 0 : i32
    return %arg0, %c0_i32 : i32, i32
  }
  func.func @transform_2(%arg0: i32) -> (i32, i32) {
    %add3A = arith.constant 5 : i32
    %add3A_0 = arith.addi %add3A, %arg0 : i32
    %c0_i32 = arith.constant 0 : i32
    %c0_i32_1 = arith.constant 0 : i32
    return %add3A_0, %c0_i32 : i32, i32
  }
  func.func @transform_3(%arg0: i32) -> (i32, i32) {
    %c0_i32 = arith.constant 0 : i32
    %c0_i32_0 = arith.constant 0 : i32
    return %arg0, %c0_i32 : i32, i32
  }
  func.func @transform_4(%arg0: i32) -> (i32, i32) {
    %c0_i32 = arith.constant 0 : i32
    %c0_i32_0 = arith.constant 0 : i32
    %c0_i32_1 = arith.constant 0 : i32
    return %c0_i32, %c0_i32_0 : i32, i32
  }
  func.func @transform_5(%arg0: i32) -> (i32, i32) {
    %c0_i32 = arith.constant 0 : i32
    %c0_i32_0 = arith.constant 0 : i32
    %c0_i32_1 = arith.constant 0 : i32
    return %c0_i32, %c0_i32_0 : i32, i32
  }
  func.func @transform_6(%arg0: i32) -> (i32, i32) {
    %c0_i32 = arith.constant 0 : i32
    %c0_i32_0 = arith.constant 0 : i32
    %c0_i32_1 = arith.constant 0 : i32
    return %c0_i32, %c0_i32_0 : i32, i32
  }
  func.func @transform_7(%arg0: i32) -> (i32, i32) {
    %c0_i32 = arith.constant 0 : i32
    %c0_i32_0 = arith.constant 0 : i32
    return %arg0, %c0_i32 : i32, i32
  }
}

</mosaic_0001>

<sc_bundles>
// kernel: kernel.7.cloned.1.call-start
scs
__scs_entry_jumppad:
0x0: {  	(pc) =	sbr.rel $0x88, $3  }
0x1: {  	(tag) =	ssettag $0x0;
	lr =	simm.s32 $0x1  }
0x2: {  	[smem:$0x3F99] =	sst lr;
	_ =	strace $0xD0000000  }
0x3: {  	_ = 	snop  }
0x4: {  	_ = 	snop  }
0x5: {  	_ = 	snop  }
0x6: {  	_ = 	snop  }
0x7: {  	_ = 	snop  }
__scs_overlays_trampoline_lowered:
0x8: {  	[smem:$0x3FA8] =	sst s0  }
0x9: {  	[smem:$0x3FA9] =	sst s1  }
0xa: {  	[smem:$0x3FAA] =	sst s2  }
0xb: {  	[smem:$0x3FAB] =	sst s3  }
0xc: {  	[smem:$0x3FAC] =	sst s4  }
0xd: {  	[smem:$0x3FAD] =	sst s5  }
0xe: {  	[smem:$0x3FAE] =	sst s6  }
0xf: {  	[smem:$0x3FAF] =	sst s7  }
0x10: {  	[smem:$0x3FB0] =	sst s8  }
0x11: {  	[smem:$0x3FB1] =	sst s9;
	s0 =	simm.s32 @!p0 $0x0  }
0x12: {  	s1 =	sld [smem:$0x3F97];
	s0 =	simm.s32 @p0 $0x1  }
0x13: {  	[smem:$0x3FB2] =	sst s0;
	s0 =	simm.s32 @!p1 $0x0  }
0x14: {  	s2 =	sld [smem:$0x3F96];
	s0 =	simm.s32 @p1 $0x1  }
0x15: {  	[smem:$0x3FB3] =	sst s0;
	s0 =	simm.s32 @!p2 $0x0  }
0x16: {  	s3 =	sld [smem:$0x3FDB];
	s0 =	simm.s32 @p2 $0x1  }
0x17: {  	s4 =	simm.s32 $0x1BF5;
	[smem:$0x3FB5] =	sst s0  }
0x18: {  	s0 =	sld [smem:$0x3F98];
	_ =	swait.ge [sflag:s4], $0x0  }
0x19: {  	s7 =	sld [smem:$0x3F99]  }
0x1a: {  	s8 =	sadd.s32 $0xFFFFE003, lr  }
0x1b: {  	s9 =	sadd.s32 $0xFFFFFEF7, lr;
	s5 =	simm.s32 $0xFFFFFFFF;
	p2 =	slt.u32 s8, $0xFFFFF086  }
0x1c: {  	p1 =	slt.u32 s9, $0xF7A;
	s5 =	simm.s32 @!p2 $0x0  }
0x1d: {  	s5 =	simm.s32 @p1 $0x1;
	p0 =	seq.s32 s7, s2  }
0x1e: {  	s7 =	smul.u32 @!p0 $0xF7A, s2;
	p2 =	seq.s32 @!p0 s5, $0x0  }
0x1f: {  	s9 =	smul.u32 $0xF7A, s1;
	s8 =	simm.s32 @!p0 $0x1BF5;
	p2 =	por !p2, p0  }
0x20: {  	[sflag:s8] =	ssyncset.s32 @!p0 $0xFFFFF086;
	s6 =	sadd.s32 @!p0 s3, s7;
	s7 =	simm.s32 @!p0 $0x108  }
0x21: {  	s3 =	sadd.s32 s3, s9;
	s6 =	sadd.s32 @!p0 $0x88, s6;
	s7 =	simm.s32 @p2 $0x1082  }
0x22: {  	[simem:s7], [sflag:s8] =	dma.local @!p0 [hbm:s6], $0xF7A  }
0x23: {  	s9 =	sor.u32 $0xD0000000, s2;
	s6 =	simm.s32 $0x108;
	_ =	swait.ge @!p0 [sflag:s8], $0x0  }
0x24: {  	s3 =	sadd.s32 $0x88, s3;
	s6 =	simm.s32 @!p1 $0x1082;
	[sflag:s4] =	ssyncset.s32 $0xFFFFF086  }
0x25: {  	[simem:s6], [sflag:s4] =	dma.local [hbm:s3], $0xF7A  }
0x26: {  	[smem:$0x3F99] =	sst s1;
	(tag) =	ssettag s2;
	_ =	strace s9  }
0x27: {  	s1 =	sld [smem:$0x3FA9]  }
0x28: {  	s2 =	sld [smem:$0x3FAA]  }
0x29: {  	s4 =	sld [smem:$0x3FAC]  }
0x2a: {  	p0 =	seq.s32 s5, $0x0;
	s5 =	sld [smem:$0x3FAD]  }
0x2b: {  	s6 =	sld [smem:$0x3FAE]  }
0x2c: {  	s7 =	sld [smem:$0x3FAF]  }
0x2d: {  	s3 =	simm.s32 $0x108;
	s8 =	sld [smem:$0x3FB0]  }
0x2e: {  	s3 =	simm.s32 @!p0 $0x1082;
	s9 =	sld [smem:$0x3FB1]  }
0x2f: {  	lr =	sadd.s32 s0, s3;
	s0 =	sld [smem:$0x3FA8]  }
0x30: {  	s3 =	sld [smem:$0x3FAB]  }
0x31: {  	[smem:$0x3FB4] =	sst s10  }
0x32: {  	s10 =	sld [smem:$0x3FB2];
	_ =	sdelay $0x3  }
0x33: {  	p0 =	seq.s32 s10, $0x1;
	s10 =	sld [smem:$0x3FB4];
	_ =	sdelay $0x3  }
0x34: {  	[smem:$0x3FB4] =	sst s10  }
0x35: {  	s10 =	sld [smem:$0x3FB3];
	_ =	sdelay $0x3  }
0x36: {  	p1 =	seq.s32 s10, $0x1;
	s10 =	sld [smem:$0x3FB4];
	_ =	sdelay $0x3  }
0x37: {  	[smem:$0x3FB4] =	sst s10  }
0x38: {  	s10 =	sld [smem:$0x3FB5]  }
0x39: {  	_ = 	snop;
	(pc) =	sbr.ind lr, $3  }
0x3a: {  	_ = 	snop  }
0x3b: {  	_ = 	snop  }
0x3c: {  	p2 =	seq.s32 s10, $0x1;
	s10 =	sld [smem:$0x3FB4]  }
0x3d: {  	_ =	shalt  }
0x3e: {  	_ =	shalt  }
0x3f: {  	_ =	shalt  }
0x40: {  	_ =	shalt  }
0x41: {  	_ =	shalt  }
0x42: {  	_ =	shalt  }
0x43: {  	_ =	shalt  }
0x44: {  	_ =	shalt  }
0x45: {  	_ =	shalt  }
0x46: {  	_ =	shalt  }
0x47: {  	_ =	shalt  }
0x48: {  	_ =	shalt  }
0x49: {  	_ =	shalt  }
0x4a: {  	_ =	shalt  }
0x4b: {  	_ =	shalt  }
0x4c: {  	_ =	shalt  }
0x4d: {  	_ =	shalt  }
0x4e: {  	_ =	shalt  }
0x4f: {  	_ =	shalt  }
0x50: {  	_ =	shalt  }
0x51: {  	_ =	shalt  }
0x52: {  	_ =	shalt  }
0x53: {  	_ =	shalt  }
0x54: {  	_ =	shalt  }
0x55: {  	_ =	shalt  }
0x56: {  	_ =	shalt  }
0x57: {  	_ =	shalt  }
0x58: {  	_ =	shalt  }
0x59: {  	_ =	shalt  }
0x5a: {  	_ =	shalt  }
0x5b: {  	_ =	shalt  }
0x5c: {  	_ =	shalt  }
0x5d: {  	_ =	shalt  }
0x5e: {  	_ =	shalt  }
0x5f: {  	_ =	shalt  }
0x60: {  	_ =	shalt  }
0x61: {  	_ =	shalt  }
0x62: {  	_ =	shalt  }
0x63: {  	_ =	shalt  }
0x64: {  	_ =	shalt  }
0x65: {  	_ =	shalt  }
0x66: {  	_ =	shalt  }
0x67: {  	_ =	shalt  }
0x68: {  	_ =	shalt  }
0x69: {  	_ =	shalt  }
0x6a: {  	_ =	shalt  }
0x6b: {  	_ =	shalt  }
0x6c: {  	_ =	shalt  }
0x6d: {  	_ =	shalt  }
0x6e: {  	_ =	shalt  }
0x6f: {  	_ =	shalt  }
0x70: {  	_ =	shalt  }
0x71: {  	_ =	shalt  }
0x72: {  	_ =	shalt  }
0x73: {  	_ =	shalt  }
0x74: {  	_ =	shalt  }
0x75: {  	_ =	shalt  }
0x76: {  	_ =	shalt  }
0x77: {  	_ =	shalt  }
0x78: {  	_ =	shalt  }
0x79: {  	_ =	shalt  }
0x7a: {  	_ =	shalt  }
0x7b: {  	_ =	shalt  }
0x7c: {  	_ =	shalt  }
0x7d: {  	_ =	shalt  }
0x7e: {  	_ =	shalt  }
0x7f: {  	_ =	shalt  }
0x80: {  	_ =	shalt  }
0x81: {  	_ =	shalt  }
0x82: {  	_ =	shalt  }
0x83: {  	_ =	shalt  }
0x84: {  	_ =	shalt  }
0x85: {  	_ =	shalt  }
0x86: {  	_ =	shalt  }
0x87: {  	_ =	shalt  }
.Lfunc_end0:
.L_simem_size_0:
called_computation_lowered:
.L_overlay_start_0:
0x88: {  	s2 =	sld [smem:$0x3FD9]  }
0x89: {  	s3 =	sld [smem:$0x3FFE];
	_ =	sdelay $0x1  }
0x8a: {  	s1 =	srdreg.scid  }
0x8b: {  	s0 =	sand.u32 $0x1, s1  }
0x8c: {  	s17 =	sshll.u32 s0, $0xA;
	s2 =	sadd.s32 s3, s2  }
0x8d: {  	s2 =	sadd.s32 s2, s17  }
0x8e: {  	[smem:$0x3FC0] =	sst s2  }
0x8f: {  	_ = 	snop  }
0x90: {  	s2 =	sld [smem:$0x3FD0];
	(tm) =	ssettm $0x1  }
0x91: {  	s18 =	sld [smem:$0x3FFB];
	_ =	sdelay $0x3  }
0x92: {  	_ =	strace s18  }
0x93: {  	s3 =	sld [smem:$0x3FFC];
	_ =	sdelay $0x3  }
0x94: {  	_ =	strace s3  }
0x95: {  	s3 =	sld [smem:$0x3FFD];
	_ =	sdelay $0x3  }
0x96: {  	_ =	strace s3  }
0x97: {  	_ =	strace $0x8FFFFFFF  }
0x98: {  	s19 =	sld [smem:$0x3FDB];
	_ =	sdelay $0x1  }
0x99: {  	s4 =	simm.s32 $_scs_section_size  }
0x9a: {  	s5 =	simm.s32 $_size__tile_overlayer_lowered;
	s6 =	simm.s32 $_tile_overlayer_lowered  }
0x9b: {  	s22 =	simm.s32 $0x1BFF;
	s21 =	sshll.u32 s6, $0x1;
	s3 =	sadd.s32 s4, s19  }
0x9c: {  	s7 =	simm.s32 $0x0;
	s20 =	sshll.u32 s5, $0x1;
	s5 =	sadd.s32 s21, s3  }
0x9d: {  	[timem:s7], [sflag:s22] =	dma.local [hbm:s5], s20  }
0x9e: {  	_ =	swait.ge [sflag:s22], s20  }
0x9f: {  	s4 =	ssub.s32 $0x0, s20;
	[sflag:s22] =	ssyncset.done $0x0  }
0xa0: {  	[sflag:s22] =	ssyncadd.s32 s4;
	_ =	sdelay $0x1  }
0xa1: {  	s23 =	simm.s32 $0x1B8B  }
0xa2: {  	_ =	swait.ge [sflag:s23], $0x1  }
0xa3: {  	[sflag:s23] =	ssyncset.done $0x0  }
0xa4: {  	s25 =	simm.s32 $0x1B8E;
	s24 =	sld [smem:$0x3FFE];
	[sflag:s23] =	ssyncadd.s32 $0xFFFFFFFF  }
0xa5: {  	s26 =	simm.s32 $execute0_lowered;
	[smem:$0x3FD2] =	sst s25  }
0xa6: {  	s5 =	sshll.u32 s26, $0x1;
	_ =	strace $0x80000046;
	[dreg:$0x1] =	wrdreg $0xFFFFFFFF  }
0xa7: {  	s28 =	simm.s32 $_size_execute0_lowered;
	s3 =	sadd.s32 s3, s5;
	[dreg:$0x0] =	wrdreg $0x0  }
0xa8: {  	s5 =	sshll.u32 s28, $0x1;
	[dreg:$0x2] =	wrdreg s3  }
0xa9: {  	[dreg:$0x3] =	wrdreg s5  }
0xaa: {  	[dreg:$0x4] =	wrdreg $0xC0  }
0xab: {  	_ =	task [dreg:s7], $0x5FFFF  }
0xac: {  	[dreg:$0x1] =	wrdreg $0xFFFFFFFF  }
0xad: {  	[dreg:$0x0] =	wrdreg $0x60  }
0xae: {  	[dreg:$0x2] =	wrdreg s2  }
0xaf: {  	[dreg:$0x3] =	wrdreg s24  }
0xb0: {  	[dreg:$0x4] =	wrdreg $0x0  }
0xb1: {  	[dreg:$0x5] =	wrdreg $0x9  }
0xb2: {  	_ =	task.clear_ibuf [dreg:s7], $0x6FFFF;
	_ =	strace $0x90000046  }
0xb3: {  	s29 =	simm.s32 $0x9;
	_ =	strace $0x80000048  }
0xb4: {  	_ =	swait.ge [sflag:s29], $0x1  }
0xb5: {  	[sflag:s29] =	ssyncadd.s32 $0xFFFFFFFF  }
0xb6: {  	_ =	strace $0x90000048  }
0xb7: {  	_ =	sfence  }
0xb8: {  	s30 =	sld [smem:$0x0];
	_ =	sdelay $0x2  }
0xb9: {  	s31 =	sshll.u32 s1, $0xD;
	s1 =	sshrl.u32 s1, $0x2  }
0xba: {  	s3 =	sand.u32 $0x4000, s31;
	s1 =	sadd.s32 s1, s30  }
0xbb: {  	s0 =	sor.u32 s3, s0;
	s1 =	sshll.u32 s1, $0x11  }
0xbc: {  	s0 =	sor.u32 s1, s0  }
0xbd: {  	s0 =	sadd.s32 $0x8F2B, s0  }
0xbe: {  	[sflag:s0] =	ssyncadd.remote.s32 $0x1  }
0xbf: {  	_ =	sfence.sel $0xFFFF  }
0xc0: {  	[dreg:$0x0] =	wrdreg $0xFFFFFFFF;
	(pc) =	sbr.abs _section_cstart, $3  }
0xc1: {  	[dreg:$0x1] =	wrdreg $0xFFFFFFFF  }
0xc2: {  	_ =	task.clear_ibuf [dreg:s7], $0x2FFFF;
	_ =	strace $0x9FFFFFFF  }
0xc3: {  	(tm) =	ssettm $0x7FFFFFFF  }
tec
execute0_lowered:
.L_overlay_start_1:
0x0: {  	(tag) =	ssettag $0x1  }
0x1: {  	s0 =	srdreg.scid;
	s2 =	rddreg [dreg:$0x0]  }
0x2: {  	s15 =	stileid.u32;
	s1 =	rddreg [dreg:$0x1]  }
0x3: {  	s4 =	rddreg [dreg:$0x2];
	s3 =	smul.u32 $0x2710, s15  }
0x4: {  	s5 =	simm.s32 $0x0;
	s30 =	simm.s32 $0x28;
	s11 =	smul.u32 $0x2780, s15  }
0x5: {  	s31 =	simm.s32 $0x18D80;
	s28 =	simm.s32 $0x1B580;
	s13 =	smul.u32 $0x4F000, s15  }
0x6: {  	s0 =	sand.u32 $0x1, s0;
	[smem:$0x7FF] =	sst s5;
	s19 =	smul.u32 $0x4E000, s15  }
0x7: {  	s8 =	sadd.s32 $0x15A00, s1;
	s25 =	sshll.u32 s15, $0x6;
	s20 =	smul.u32 $0x2700, s15  }
0x8: {  	p0 =	sne.s32 s15, $0xF;
	s15 =	simm.s32 $0x3;
	s9 =	smul.u32 $0x27100, s0  }
0x9: {  	_ =	strace $0x80000047;
	s12 =	ssub.s32 $0x2, s0;
	s25 =	sor.u32 $0x1C09, s25  }
0xa: {  	s0 =	smul.u32 $0x138800, s0;
	s11 =	sadd.s32 s11, s1;
	s14 =	sshrl.u32 s12, $0x1  }
0xb: {  	s13 =	sshrl.u32 s13, $0x2;
	s16 =	sshrl.u32 s3, $0x3;
	s17 =	sadd.s32 $0x28, s3  }
0xc: {  	s22 =	sadd.s32 $0x78, s3;
	[dreg:$0x5] =	wrdreg s25;
	s6 =	sadd.s32 s3, s9  }
0xd: {  	s12 =	ssub.s32 s12, s14;
	s13 =	sadd.s32 s13, s4;
	s11 =	sadd.s32 $0x4F7A00, s11  }
0xe: {  	s18 =	sshrl.u32 s17, $0x3;
	s9 =	sadd.s32 s20, s9;
	s0 =	sshrl.u32 s0, $0x3  }
0xf: {  	s20 =	simm.s32 $0x6;
	s7 =	sshrl.u32 s6, $0x3;
	[dreg:$0x4] =	wrdreg s11  }
0x10: {  	s26 =	sshll.u32 s6, $0x4;
	s11 =	sshrl.u32 s19, $0x2;
	s24 =	smax.u32 s12, $0x1  }
0x11: {  	s19 =	simm.s32 $0x4;
	s10 =	sadd.s32 s7, s1;
	s7 =	sadd.s32 $0x6C00, s1  }
0x12: {  	s1 =	sadd.s32 $0x51F200, s1;
	s29 =	sadd.s32 s8, s26;
	s23 =	sadd.s32 s11, s4  }
0x13: {  	[dreg:$0x11] =	wrdreg s24;
	s26 =	sshrl.u32 s13, $0x3;
	s13 =	simm.s32 $0x9  }
0x14: {  	s11 =	simm.s32 $0x16400;
	s24 =	simm.s32 $0x8;
	[dreg:$0x7] =	wrdreg s29  }
0x15: {  	s10 =	sadd.s32 $0xBC00, s10;
	s16 =	sadd.s32 s7, s16;
	[dreg:$0x12] =	wrdreg s26  }
0x16: {  	s17 =	sadd.s32 $0x280, s29;
	s21 =	sadd.s32 $0x500, s29;
	[dreg:$0x6] =	wrdreg s10  }
0x17: {  	s14 =	sadd.s32 $0x780, s29;
	s0 =	sadd.s32 s1, s0;
	[dreg:$0x9] =	wrdreg s17  }
0x18: {  	s1 =	sadd.s32 s1, s9;
	s29 =	sshrl.u32 s23, $0x3;
	[dreg:$0xb] =	wrdreg s21  }
0x19: {  	s9 =	simm.s32 $0x1A180;
	s23 =	simm.s32 $0x7;
	[dreg:$0x8] =	wrdreg s16  }
0x1a: {  	s26 =	simm.s32 $0x0;
	s10 =	sadd.s32 s7, s18;
	[dreg:$0xd] =	wrdreg s14  }
0x1b: {  	s16 =	sadd.s32 $0xA, s16;
	[dreg:$0xf] =	wrdreg s1;
	s1 =	sadd.s32 $0x138000, s4  }
0x1c: {  	s0 =	sadd.s32 $0x27000, s0;
	[dreg:$0x13] =	wrdreg s29;
	s14 =	simm.s32 $0x1  }
0x1d: {  	s17 =	simm.s32 $0x16480;
	s18 =	simm.s32 $0x2;
	[dreg:$0xa] =	wrdreg s10  }
0x1e: {  	s21 =	simm.s32 $0x16500;
	[dreg:$0xc] =	wrdreg s16;
	s10 =	sshrl.u32 s22, $0x3  }
0x1f: {  	[dreg:$0x10] =	wrdreg s0;
	s0 =	sshrl.u32 @!p0 s1, $0x3;
	s1 =	simm.s32 $0x16380  }
0x20: {  	s16 =	simm.s32 $0x5;
	s10 =	sadd.s32 s7, s10;
	[dreg:$0x14] =	wrdreg s0  }
0x21: {  	s22 =	simm.s32 $0x1C980;
	s0 =	simm.s32 $0x17980;
	[dreg:$0xe] =	wrdreg s10  }
.LBB2_1:
0x22: {  	s10 =	rddreg [dreg:$0x4]  }
0x23: {  	s12 =	rddreg [dreg:$0x12]  }
0x24: {  	[spmem:s12], [sflag:s25] =	dma.local [hbm:s10], $0x2780  }
0x25: {  	_ =	swait.ge [sflag:s13], $0x2780  }
0x26: {  	[sflag:s13] =	ssyncset.done $0x0  }
0x27: {  	s12 =	simm.s32 $0x13C00;
	s29 =	rddreg [dreg:$0x6];
	[sflag:s13] =	ssyncadd.s32 $0xFFFFD880  }
0x28: {  	[tilespmem:s12], [sflag:$0x9] =	stream.linear.gather [hbm4b:s29+s5], $0x2710, $0x38;
	[tilespmem:$0x1DD80] =	vst v63  }
0x29: {  	_ =	swait.ge [sflag:s13], $0x2710  }
0x2a: {  	[sflag:s13] =	ssyncset.done $0x0  }
0x2b: {  	[sflag:s13] =	ssyncadd.s32 $0xFFFFD8F0  }
0x2c: {  	[bflag:$0x0] =	sbarrier.arrive $0xFFFF  }
0x2d: {  	s29 =	simm.s32 $0x16580;
	s25 =	rddreg [dreg:$0x7]  }
0x2e: {  	[tilespmem:s29], [sflag:$0x1] =	stream.linear.gather [hbm4b:s25+s5], $0x1400, $0x38;
	[tilespmem:$0x1DD80] =	vst v63  }
0x2f: {  	_ = 	snop  }
0x30: {  	[tilespmem:s31], [sflag:$0x3] =	stream.indirect.gather [hbm4b:s2+s30], $0x80, s12, s30, $0xb8;
	[tilespmem:$0x1DD80] =	vst v63  }
0x31: {  	s12 =	rddreg [dreg:$0x8]  }
0x32: {  	[tilespmem:s1], [sflag:$0x5] =	stream.linear.gather [hbm4b:s12+s5], $0x28, $0x38;
	[tilespmem:$0x1DD80] =	vst v63  }
0x33: {  	s13 =	rddreg [dreg:$0x9]  }
0x34: {  	[tilespmem:s0], [sflag:$0x2] =	stream.linear.gather [hbm4b:s13+s5], $0x1400, $0x38;
	[tilespmem:$0x1DD80] =	vst v63  }
0x35: {  	s25 =	simm.s32 $0x13C28  }
0x36: {  	[tilespmem:s9], [sflag:$0x4] =	stream.indirect.gather [hbm4b:s2+s30], $0x80, s25, s30, $0xb8;
	[tilespmem:$0x1DD80] =	vst v63  }
0x37: {  	s29 =	rddreg [dreg:$0xa]  }
0x38: {  	[tilespmem:s11], [sflag:$0x6] =	stream.linear.gather [hbm4b:s29+s5], $0x28, $0x38;
	[tilespmem:$0x1DD80] =	vst v63  }
0x39: {  	_ =	swait.ge [sflag:s14], $0x1400  }
0x3a: {  	[sflag:s14] =	ssyncset.done $0x0  }
0x3b: {  	[sflag:s14] =	ssyncadd.s32 $0xFFFFEC00  }
0x3c: {  	_ =	swait.ge [sflag:s15], $0x1400  }
0x3d: {  	[sflag:s15] =	ssyncset.done $0x0  }
0x3e: {  	[sflag:s15] =	ssyncadd.s32 $0xFFFFEC00  }
0x3f: {  	_ =	swait.ge [sflag:s16], $0x28  }
0x40: {  	[sflag:s16] =	ssyncset.done $0x0  }
0x41: {  	[sflag:s16] =	ssyncadd.s32 $0xFFFFFFD8  }
0x42: {  	v0 =	vld [tilespmem:$0x16380]  }
0x43: {  	v1 =	vld [tilespmem:$0x16390]  }
0x44: {  	v2 =	vld [tilespmem:$0x16398];
	_ =	sdelay $0x2  }
0x45: {  	[tilespmem:$0x16480] =	vst v0  }
0x46: {  	s10 =	simm.s32 $0x16680;
	[tilespmem:$0x16490] =	vst v1  }
0x47: {  	s12 =	simm.s32 $0xFFFFFFFC;
	s13 =	simm.s32 $0x18E80;
	s25 =	simm.s32 $0x1B680;
	[tilespmem:$0x16498] =	vst v2  }
.LBB2_2:
0x48: {  	v0 =	vld [tilespmem:s10+$0xFFFFFF00]  }
0x49: {  	v1 =	vld [tilespmem:s13+$0xFFFFFF00];
	_ =	sdelay $0x4  }
0x4a: {  	v0 =	vadd.f32 v1, v0;
	_ =	sdelay $0x1  }
0x4b: {  	v0 =	vmax.f32 v0, $0.0e+00  }
0x4c: {  	[tilespmem:s25+$0xFFFFFF00] =	vst v0  }
0x4d: {  	v0 =	vld [tilespmem:s10+$0xFFFFFF10]  }
0x4e: {  	v33 =	vld [tilespmem:s13+$0xFFFFFF10];
	_ =	sdelay $0x4  }
0x4f: {  	v0 =	vadd.f32 v33, v0;
	_ =	sdelay $0x1  }
0x50: {  	v0 =	vmax.f32 v0, $0.0e+00  }
0x51: {  	[tilespmem:s25+$0xFFFFFF10] =	vst v0  }
0x52: {  	v0 =	vld [tilespmem:s10+$0xFFFFFF20]  }
0x53: {  	v34 =	vld [tilespmem:s13+$0xFFFFFF20];
	_ =	sdelay $0x4  }
0x54: {  	v0 =	vadd.f32 v34, v0;
	_ =	sdelay $0x1  }
0x55: {  	v0 =	vmax.f32 v0, $0.0e+00  }
0x56: {  	[tilespmem:s25+$0xFFFFFF20] =	vst v0  }
0x57: {  	v0 =	vld [tilespmem:s10+$0xFFFFFF30]  }
0x58: {  	v35 =	vld [tilespmem:s13+$0xFFFFFF30];
	_ =	sdelay $0x4  }
0x59: {  	v0 =	vadd.f32 v35, v0;
	_ =	sdelay $0x1  }
0x5a: {  	v0 =	vmax.f32 v0, $0.0e+00  }
0x5b: {  	[tilespmem:s25+$0xFFFFFF30] =	vst v0  }
0x5c: {  	v0 =	vld [tilespmem:s10+$0xFFFFFF40]  }
0x5d: {  	v36 =	vld [tilespmem:s13+$0xFFFFFF40];
	_ =	sdelay $0x4  }
0x5e: {  	v0 =	vadd.f32 v36, v0;
	_ =	sdelay $0x1  }
0x5f: {  	v0 =	vmax.f32 v0, $0.0e+00  }
0x60: {  	[tilespmem:s25+$0xFFFFFF40] =	vst v0  }
0x61: {  	v0 =	vld [tilespmem:s10+$0xFFFFFF50]  }
0x62: {  	v37 =	vld [tilespmem:s13+$0xFFFFFF50];
	_ =	sdelay $0x4  }
0x63: {  	v0 =	vadd.f32 v37, v0;
	_ =	sdelay $0x1  }
0x64: {  	v0 =	vmax.f32 v0, $0.0e+00  }
0x65: {  	[tilespmem:s25+$0xFFFFFF50] =	vst v0  }
0x66: {  	v0 =	vld [tilespmem:s10+$0xFFFFFF60]  }
0x67: {  	v38 =	vld [tilespmem:s13+$0xFFFFFF60];
	_ =	sdelay $0x4  }
0x68: {  	v0 =	vadd.f32 v38, v0;
	_ =	sdelay $0x1  }
0x69: {  	v0 =	vmax.f32 v0, $0.0e+00  }
0x6a: {  	[tilespmem:s25+$0xFFFFFF60] =	vst v0  }
0x6b: {  	v0 =	vld [tilespmem:s10+$0xFFFFFF70]  }
0x6c: {  	v39 =	vld [tilespmem:s13+$0xFFFFFF70];
	_ =	sdelay $0x4  }
0x6d: {  	v0 =	vadd.f32 v39, v0;
	_ =	sdelay $0x1  }
0x6e: {  	v0 =	vmax.f32 v0, $0.0e+00  }
0x6f: {  	[tilespmem:s25+$0xFFFFFF70] =	vst v0  }
0x70: {  	v0 =	vld [tilespmem:s10+$0xFFFFFF80]  }
0x71: {  	v40 =	vld [tilespmem:s13+$0xFFFFFF80];
	_ =	sdelay $0x4  }
0x72: {  	v0 =	vadd.f32 v40, v0;
	_ =	sdelay $0x1  }
0x73: {  	v0 =	vmax.f32 v0, $0.0e+00  }
0x74: {  	[tilespmem:s25+$0xFFFFFF80] =	vst v0  }
0x75: {  	v0 =	vld [tilespmem:s10+$0xFFFFFF90]  }
0x76: {  	v41 =	vld [tilespmem:s13+$0xFFFFFF90];
	_ =	sdelay $0x4  }
0x77: {  	v0 =	vadd.f32 v41, v0;
	_ =	sdelay $0x1  }
0x78: {  	v0 =	vmax.f32 v0, $0.0e+00  }
0x79: {  	[tilespmem:s25+$0xFFFFFF90] =	vst v0  }
0x7a: {  	v0 =	vld [tilespmem:s10+$0xFFFFFFA0]  }
0x7b: {  	v42 =	vld [tilespmem:s13+$0xFFFFFFA0];
	_ =	sdelay $0x4  }
0x7c: {  	v0 =	vadd.f32 v42, v0;
	_ =	sdelay $0x1  }
0x7d: {  	v0 =	vmax.f32 v0, $0.0e+00  }
0x7e: {  	[tilespmem:s25+$0xFFFFFFA0] =	vst v0  }
0x7f: {  	v0 =	vld [tilespmem:s10+$0xFFFFFFB0]  }
0x80: {  	v43 =	vld [tilespmem:s13+$0xFFFFFFB0];
	_ =	sdelay $0x4  }
0x81: {  	v0 =	vadd.f32 v43, v0;
	_ =	sdelay $0x1  }
0x82: {  	v0 =	vmax.f32 v0, $0.0e+00  }
0x83: {  	[tilespmem:s25+$0xFFFFFFB0] =	vst v0  }
0x84: {  	v0 =	vld [tilespmem:s10+$0xFFFFFFC0]  }
0x85: {  	v44 =	vld [tilespmem:s13+$0xFFFFFFC0];
	_ =	sdelay $0x4  }
0x86: {  	v0 =	vadd.f32 v44, v0;
	_ =	sdelay $0x1  }
0x87: {  	v0 =	vmax.f32 v0, $0.0e+00  }
0x88: {  	[tilespmem:s25+$0xFFFFFFC0] =	vst v0  }
0x89: {  	v0 =	vld [tilespmem:s10+$0xFFFFFFD0]  }
0x8a: {  	v45 =	vld [tilespmem:s13+$0xFFFFFFD0];
	_ =	sdelay $0x4  }
0x8b: {  	v0 =	vadd.f32 v45, v0;
	_ =	sdelay $0x1  }
0x8c: {  	v0 =	vmax.f32 v0, $0.0e+00  }
0x8d: {  	[tilespmem:s25+$0xFFFFFFD0] =	vst v0  }
0x8e: {  	v0 =	vld [tilespmem:s10+$0xFFFFFFE0]  }
0x8f: {  	v46 =	vld [tilespmem:s13+$0xFFFFFFE0];
	_ =	sdelay $0x4  }
0x90: {  	v0 =	vadd.f32 v46, v0;
	_ =	sdelay $0x1  }
0x91: {  	v0 =	vmax.f32 v0, $0.0e+00  }
0x92: {  	[tilespmem:s25+$0xFFFFFFE0] =	vst v0  }
0x93: {  	v0 =	vld [tilespmem:s10+$0xFFFFFFF0]  }
0x94: {  	v47 =	vld [tilespmem:s13+$0xFFFFFFF0];
	_ =	sdelay $0x4  }
0x95: {  	v0 =	vadd.f32 v47, v0;
	_ =	sdelay $0x1  }
0x96: {  	v0 =	vmax.f32 v0, $0.0e+00  }
0x97: {  	[tilespmem:s25+$0xFFFFFFF0] =	vst v0  }
0x98: {  	v0 =	vld [tilespmem:s10+$0x0]  }
0x99: {  	v48 =	vld [tilespmem:s13+$0x0];
	_ =	sdelay $0x4  }
0x9a: {  	v0 =	vadd.f32 v48, v0;
	_ =	sdelay $0x1  }
0x9b: {  	v0 =	vmax.f32 v0, $0.0e+00  }
0x9c: {  	[tilespmem:s25+$0x0] =	vst v0  }
0x9d: {  	v0 =	vld [tilespmem:s10+$0x10]  }
0x9e: {  	v49 =	vld [tilespmem:s13+$0x10];
	_ =	sdelay $0x4  }
0x9f: {  	v0 =	vadd.f32 v49, v0;
	_ =	sdelay $0x1  }
0xa0: {  	v0 =	vmax.f32 v0, $0.0e+00  }
0xa1: {  	[tilespmem:s25+$0x10] =	vst v0  }
0xa2: {  	v0 =	vld [tilespmem:s10+$0x20]  }
0xa3: {  	v50 =	vld [tilespmem:s13+$0x20];
	_ =	sdelay $0x4  }
0xa4: {  	v0 =	vadd.f32 v50, v0;
	_ =	sdelay $0x1  }
0xa5: {  	v0 =	vmax.f32 v0, $0.0e+00  }
0xa6: {  	[tilespmem:s25+$0x20] =	vst v0  }
0xa7: {  	v0 =	vld [tilespmem:s10+$0x30]  }
0xa8: {  	v51 =	vld [tilespmem:s13+$0x30];
	_ =	sdelay $0x4  }
0xa9: {  	v0 =	vadd.f32 v51, v0;
	_ =	sdelay $0x1  }
0xaa: {  	v0 =	vmax.f32 v0, $0.0e+00  }
0xab: {  	[tilespmem:s25+$0x30] =	vst v0  }
0xac: {  	v0 =	vld [tilespmem:s10+$0x40]  }
0xad: {  	v52 =	vld [tilespmem:s13+$0x40];
	_ =	sdelay $0x4  }
0xae: {  	v0 =	vadd.f32 v52, v0;
	_ =	sdelay $0x1  }
0xaf: {  	v0 =	vmax.f32 v0, $0.0e+00  }
0xb0: {  	[tilespmem:s25+$0x40] =	vst v0  }
0xb1: {  	v0 =	vld [tilespmem:s10+$0x50]  }
0xb2: {  	v53 =	vld [tilespmem:s13+$0x50];
	_ =	sdelay $0x4  }
0xb3: {  	v0 =	vadd.f32 v53, v0;
	_ =	sdelay $0x1  }
0xb4: {  	v0 =	vmax.f32 v0, $0.0e+00  }
0xb5: {  	[tilespmem:s25+$0x50] =	vst v0  }
0xb6: {  	v0 =	vld [tilespmem:s10+$0x60]  }
0xb7: {  	v54 =	vld [tilespmem:s13+$0x60];
	_ =	sdelay $0x4  }
0xb8: {  	v0 =	vadd.f32 v54, v0;
	_ =	sdelay $0x1  }
0xb9: {  	v0 =	vmax.f32 v0, $0.0e+00  }
0xba: {  	[tilespmem:s25+$0x60] =	vst v0  }
0xbb: {  	v0 =	vld [tilespmem:s10+$0x70]  }
0xbc: {  	v55 =	vld [tilespmem:s13+$0x70];
	_ =	sdelay $0x4  }
0xbd: {  	v0 =	vadd.f32 v55, v0;
	_ =	sdelay $0x1  }
0xbe: {  	v0 =	vmax.f32 v0, $0.0e+00  }
0xbf: {  	[tilespmem:s25+$0x70] =	vst v0  }
0xc0: {  	v0 =	vld [tilespmem:s10+$0x80]  }
0xc1: {  	v56 =	vld [tilespmem:s13+$0x80];
	_ =	sdelay $0x4  }
0xc2: {  	v0 =	vadd.f32 v56, v0;
	_ =	sdelay $0x1  }
0xc3: {  	v0 =	vmax.f32 v0, $0.0e+00  }
0xc4: {  	[tilespmem:s25+$0x80] =	vst v0  }
0xc5: {  	v0 =	vld [tilespmem:s10+$0x90]  }
0xc6: {  	v57 =	vld [tilespmem:s13+$0x90];
	_ =	sdelay $0x4  }
0xc7: {  	v0 =	vadd.f32 v57, v0;
	_ =	sdelay $0x1  }
0xc8: {  	v0 =	vmax.f32 v0, $0.0e+00  }
0xc9: {  	[tilespmem:s25+$0x90] =	vst v0  }
0xca: {  	v0 =	vld [tilespmem:s10+$0xA0]  }
0xcb: {  	v58 =	vld [tilespmem:s13+$0xA0];
	_ =	sdelay $0x4  }
0xcc: {  	v0 =	vadd.f32 v58, v0;
	_ =	sdelay $0x1  }
0xcd: {  	v0 =	vmax.f32 v0, $0.0e+00  }
0xce: {  	[tilespmem:s25+$0xA0] =	vst v0  }
0xcf: {  	v0 =	vld [tilespmem:s10+$0xB0]  }
0xd0: {  	v59 =	vld [tilespmem:s13+$0xB0];
	_ =	sdelay $0x4  }
0xd1: {  	v0 =	vadd.f32 v59, v0;
	_ =	sdelay $0x1  }
0xd2: {  	v0 =	vmax.f32 v0, $0.0e+00  }
0xd3: {  	[tilespmem:s25+$0xB0] =	vst v0  }
0xd4: {  	v0 =	vld [tilespmem:s10+$0xC0]  }
0xd5: {  	v60 =	vld [tilespmem:s13+$0xC0];
	_ =	sdelay $0x4  }
0xd6: {  	v0 =	vadd.f32 v60, v0;
	_ =	sdelay $0x1  }
0xd7: {  	v0 =	vmax.f32 v0, $0.0e+00  }
0xd8: {  	[tilespmem:s25+$0xC0] =	vst v0  }
0xd9: {  	v0 =	vld [tilespmem:s10+$0xD0]  }
0xda: {  	v61 =	vld [tilespmem:s13+$0xD0];
	_ =	sdelay $0x4  }
0xdb: {  	v0 =	vadd.f32 v61, v0;
	_ =	sdelay $0x1  }
0xdc: {  	v0 =	vmax.f32 v0, $0.0e+00  }
0xdd: {  	[tilespmem:s25+$0xD0] =	vst v0  }
0xde: {  	v0 =	vld [tilespmem:s10+$0xE0]  }
0xdf: {  	v62 =	vld [tilespmem:s13+$0xE0];
	_ =	sdelay $0x4  }
0xe0: {  	v0 =	vadd.f32 v62, v0;
	_ =	sdelay $0x1  }
0xe1: {  	v0 =	vmax.f32 v0, $0.0e+00  }
0xe2: {  	[tilespmem:s25+$0xE0] =	vst v0  }
0xe3: {  	v0 =	vld [tilespmem:s10+$0xF0]  }
0xe4: {  	v63 =	vld [tilespmem:s13+$0xF0];
	_ =	sdelay $0x1  }
0xe5: {  	s12 =	sadd.s32 $0x4, s12  }
0xe6: {  	p1 =	slt.u32 s12, $0x24  }
.Ltmp0:
0xe7: {  	_ = 	snop;
	(pc) =	sbr.rel @p1 .LBB2_2-.Ltmp0, $3  }
0xe8: {  	v0 =	vadd.f32 v63, v0;
	_ =	sdelay $0x1  }
0xe9: {  	v0 =	vmax.f32 v0, $0.0e+00  }
0xea: {  	s10 =	sadd.s32 $0x200, s10;
	s13 =	sadd.s32 $0x200, s13;
	[tilespmem:s25+$0xF0] =	vst v0;
	s25 =	sadd.s32 $0x200, s25  }
0xeb: {  	[spmem:s4] =	stream.indirect.scatter.add.f32 [tilespmem:s28], [sflag:$0x7], $0x80, s17, s30, $0xb8;
	[tilespmem:$0x1DD80] =	vst v63  }
0xec: {  	s10 =	rddreg [dreg:$0xb];
	s12 =	simm.s32 $0x16580  }
0xed: {  	[tilespmem:s12], [sflag:$0x1] =	stream.linear.gather [hbm4b:s10+s5], $0x1400, $0x38;
	[tilespmem:$0x1DD80] =	vst v63  }
0xee: {  	[dreg:$0x15] =	wrdreg s26;
	s26 =	simm.s32 $0x13C50  }
0xef: {  	[tilespmem:s31], [sflag:$0x3] =	stream.indirect.gather [hbm4b:s2+s30], $0x80, s26, s30, $0xb8;
	[tilespmem:$0x1DD80] =	vst v63  }
0xf0: {  	s29 =	rddreg [dreg:$0xc]  }
0xf1: {  	[tilespmem:s1], [sflag:$0x5] =	stream.linear.gather [hbm4b:s29+s5], $0x28, $0x38;
	[tilespmem:$0x1DD80] =	vst v63  }
0xf2: {  	_ =	swait.ge [sflag:s18], $0x1400  }
0xf3: {  	[sflag:s18] =	ssyncset.done $0x0  }
0xf4: {  	[sflag:s18] =	ssyncadd.s32 $0xFFFFEC00  }
0xf5: {  	_ =	swait.ge [sflag:s19], $0x1400  }
0xf6: {  	[sflag:s19] =	ssyncset.done $0x0  }
0xf7: {  	[sflag:s19] =	ssyncadd.s32 $0xFFFFEC00  }
0xf8: {  	_ =	swait.ge [sflag:s20], $0x28  }
0xf9: {  	[sflag:s20] =	ssyncset.done $0x0  }
0xfa: {  	[sflag:s20] =	ssyncadd.s32 $0xFFFFFFD8  }
0xfb: {  	v0 =	vld [tilespmem:$0x16400]  }
0xfc: {  	v1 =	vld [tilespmem:$0x16410]  }
0xfd: {  	v2 =	vld [tilespmem:$0x16418];
	_ =	sdelay $0x2  }
0xfe: {  	[tilespmem:$0x16500] =	vst v0  }
0xff: {  	s13 =	simm.s32 $0x1A280;
	[tilespmem:$0x16510] =	vst v1  }
0x100: {  	s25 =	simm.s32 $0x1CA80;
	s12 =	simm.s32 $0xFFFFFFFC;
	s10 =	simm.s32 $0x17A80;
	[tilespmem:$0x16518] =	vst v2  }
.LBB2_4:
0x101: {  	v0 =	vld [tilespmem:s10+$0xFFFFFF00]  }
0x102: {  	v1 =	vld [tilespmem:s13+$0xFFFFFF00];
	_ =	sdelay $0x4  }
0x103: {  	v0 =	vadd.f32 v1, v0;
	_ =	sdelay $0x1  }
0x104: {  	v0 =	vmax.f32 v0, $0.0e+00  }
0x105: {  	[tilespmem:s25+$0xFFFFFF00] =	vst v0  }
0x106: {  	v0 =	vld [tilespmem:s10+$0xFFFFFF10]  }
0x107: {  	v33 =	vld [tilespmem:s13+$0xFFFFFF10];
	_ =	sdelay $0x4  }
0x108: {  	v0 =	vadd.f32 v33, v0;
	_ =	sdelay $0x1  }
0x109: {  	v0 =	vmax.f32 v0, $0.0e+00  }
0x10a: {  	[tilespmem:s25+$0xFFFFFF10] =	vst v0  }
0x10b: {  	v0 =	vld [tilespmem:s10+$0xFFFFFF20]  }
0x10c: {  	v34 =	vld [tilespmem:s13+$0xFFFFFF20];
	_ =	sdelay $0x4  }
0x10d: {  	v0 =	vadd.f32 v34, v0;
	_ =	sdelay $0x1  }
0x10e: {  	v0 =	vmax.f32 v0, $0.0e+00  }
0x10f: {  	[tilespmem:s25+$0xFFFFFF20] =	vst v0  }
0x110: {  	v0 =	vld [tilespmem:s10+$0xFFFFFF30]  }
0x111: {  	v35 =	vld [tilespmem:s13+$0xFFFFFF30];
	_ =	sdelay $0x4  }
0x112: {  	v0 =	vadd.f32 v35, v0;
	_ =	sdelay $0x1  }
0x113: {  	v0 =	vmax.f32 v0, $0.0e+00  }
0x114: {  	[tilespmem:s25+$0xFFFFFF30] =	vst v0  }
0x115: {  	v0 =	vld [tilespmem:s10+$0xFFFFFF40]  }
0x116: {  	v36 =	vld [tilespmem:s13+$0xFFFFFF40];
	_ =	sdelay $0x4  }
0x117: {  	v0 =	vadd.f32 v36, v0;
	_ =	sdelay $0x1  }
0x118: {  	v0 =	vmax.f32 v0, $0.0e+00  }
0x119: {  	[tilespmem:s25+$0xFFFFFF40] =	vst v0  }
0x11a: {  	v0 =	vld [tilespmem:s10+$0xFFFFFF50]  }
0x11b: {  	v37 =	vld [tilespmem:s13+$0xFFFFFF50];
	_ =	sdelay $0x4  }
0x11c: {  	v0 =	vadd.f32 v37, v0;
	_ =	sdelay $0x1  }
0x11d: {  	v0 =	vmax.f32 v0, $0.0e+00  }
0x11e: {  	[tilespmem:s25+$0xFFFFFF50] =	vst v0  }
0x11f: {  	v0 =	vld [tilespmem:s10+$0xFFFFFF60]  }
0x120: {  	v38 =	vld [tilespmem:s13+$0xFFFFFF60];
	_ =	sdelay $0x4  }
0x121: {  	v0 =	vadd.f32 v38, v0;
	_ =	sdelay $0x1  }
0x122: {  	v0 =	vmax.f32 v0, $0.0e+00  }
0x123: {  	[tilespmem:s25+$0xFFFFFF60] =	vst v0  }
0x124: {  	v0 =	vld [tilespmem:s10+$0xFFFFFF70]  }
0x125: {  	v39 =	vld [tilespmem:s13+$0xFFFFFF70];
	_ =	sdelay $0x4  }
0x126: {  	v0 =	vadd.f32 v39, v0;
	_ =	sdelay $0x1  }
0x127: {  	v0 =	vmax.f32 v0, $0.0e+00  }
0x128: {  	[tilespmem:s25+$0xFFFFFF70] =	vst v0  }
0x129: {  	v0 =	vld [tilespmem:s10+$0xFFFFFF80]  }
0x12a: {  	v40 =	vld [tilespmem:s13+$0xFFFFFF80];
	_ =	sdelay $0x4  }
0x12b: {  	v0 =	vadd.f32 v40, v0;
	_ =	sdelay $0x1  }
0x12c: {  	v0 =	vmax.f32 v0, $0.0e+00  }
0x12d: {  	[tilespmem:s25+$0xFFFFFF80] =	vst v0  }
0x12e: {  	v0 =	vld [tilespmem:s10+$0xFFFFFF90]  }
0x12f: {  	v41 =	vld [tilespmem:s13+$0xFFFFFF90];
	_ =	sdelay $0x4  }
0x130: {  	v0 =	vadd.f32 v41, v0;
	_ =	sdelay $0x1  }
0x131: {  	v0 =	vmax.f32 v0, $0.0e+00  }
0x132: {  	[tilespmem:s25+$0xFFFFFF90] =	vst v0  }
0x133: {  	v0 =	vld [tilespmem:s10+$0xFFFFFFA0]  }
0x134: {  	v42 =	vld [tilespmem:s13+$0xFFFFFFA0];
	_ =	sdelay $0x4  }
0x135: {  	v0 =	vadd.f32 v42, v0;
	_ =	sdelay $0x1  }
0x136: {  	v0 =	vmax.f32 v0, $0.0e+00  }
0x137: {  	[tilespmem:s25+$0xFFFFFFA0] =	vst v0  }
0x138: {  	v0 =	vld [tilespmem:s10+$0xFFFFFFB0]  }
0x139: {  	v43 =	vld [tilespmem:s13+$0xFFFFFFB0];
	_ =	sdelay $0x4  }
0x13a: {  	v0 =	vadd.f32 v43, v0;
	_ =	sdelay $0x1  }
0x13b: {  	v0 =	vmax.f32 v0, $0.0e+00  }
0x13c: {  	[tilespmem:s25+$0xFFFFFFB0] =	vst v0  }
0x13d: {  	v0 =	vld [tilespmem:s10+$0xFFFFFFC0]  }
0x13e: {  	v44 =	vld [tilespmem:s13+$0xFFFFFFC0];
	_ =	sdelay $0x4  }
0x13f: {  	v0 =	vadd.f32 v44, v0;
	_ =	sdelay $0x1  }
0x140: {  	v0 =	vmax.f32 v0, $0.0e+00  }
0x141: {  	[tilespmem:s25+$0xFFFFFFC0] =	vst v0  }
0x142: {  	v0 =	vld [tilespmem:s10+$0xFFFFFFD0]  }
0x143: {  	v45 =	vld [tilespmem:s13+$0xFFFFFFD0];
	_ =	sdelay $0x4  }
0x144: {  	v0 =	vadd.f32 v45, v0;
	_ =	sdelay $0x1  }
0x145: {  	v0 =	vmax.f32 v0, $0.0e+00  }
0x146: {  	[tilespmem:s25+$0xFFFFFFD0] =	vst v0  }
0x147: {  	v0 =	vld [tilespmem:s10+$0xFFFFFFE0]  }
0x148: {  	v46 =	vld [tilespmem:s13+$0xFFFFFFE0];
	_ =	sdelay $0x4  }
0x149: {  	v0 =	vadd.f32 v46, v0;
	_ =	sdelay $0x1  }
0x14a: {  	v0 =	vmax.f32 v0, $0.0e+00  }
0x14b: {  	[tilespmem:s25+$0xFFFFFFE0] =	vst v0  }
0x14c: {  	v0 =	vld [tilespmem:s10+$0xFFFFFFF0]  }
0x14d: {  	v47 =	vld [tilespmem:s13+$0xFFFFFFF0];
	_ =	sdelay $0x4  }
0x14e: {  	v0 =	vadd.f32 v47, v0;
	_ =	sdelay $0x1  }
0x14f: {  	v0 =	vmax.f32 v0, $0.0e+00  }
0x150: {  	[tilespmem:s25+$0xFFFFFFF0] =	vst v0  }
0x151: {  	v0 =	vld [tilespmem:s10+$0x0]  }
0x152: {  	v48 =	vld [tilespmem:s13+$0x0];
	_ =	sdelay $0x4  }
0x153: {  	v0 =	vadd.f32 v48, v0;
	_ =	sdelay $0x1  }
0x154: {  	v0 =	vmax.f32 v0, $0.0e+00  }
0x155: {  	[tilespmem:s25+$0x0] =	vst v0  }
0x156: {  	v0 =	vld [tilespmem:s10+$0x10]  }
0x157: {  	v49 =	vld [tilespmem:s13+$0x10];
	_ =	sdelay $0x4  }
0x158: {  	v0 =	vadd.f32 v49, v0;
	_ =	sdelay $0x1  }
0x159: {  	v0 =	vmax.f32 v0, $0.0e+00  }
0x15a: {  	[tilespmem:s25+$0x10] =	vst v0  }
0x15b: {  	v0 =	vld [tilespmem:s10+$0x20]  }
0x15c: {  	v50 =	vld [tilespmem:s13+$0x20];
	_ =	sdelay $0x4  }
0x15d: {  	v0 =	vadd.f32 v50, v0;
	_ =	sdelay $0x1  }
0x15e: {  	v0 =	vmax.f32 v0, $0.0e+00  }
0x15f: {  	[tilespmem:s25+$0x20] =	vst v0  }
0x160: {  	v0 =	vld [tilespmem:s10+$0x30]  }
0x161: {  	v51 =	vld [tilespmem:s13+$0x30];
	_ =	sdelay $0x4  }
0x162: {  	v0 =	vadd.f32 v51, v0;
	_ =	sdelay $0x1  }
0x163: {  	v0 =	vmax.f32 v0, $0.0e+00  }
0x164: {  	[tilespmem:s25+$0x30] =	vst v0  }
0x165: {  	v0 =	vld [tilespmem:s10+$0x40]  }
0x166: {  	v52 =	vld [tilespmem:s13+$0x40];
	_ =	sdelay $0x4  }
0x167: {  	v0 =	vadd.f32 v52, v0;
	_ =	sdelay $0x1  }
0x168: {  	v0 =	vmax.f32 v0, $0.0e+00  }
0x169: {  	[tilespmem:s25+$0x40] =	vst v0  }
0x16a: {  	v0 =	vld [tilespmem:s10+$0x50]  }
0x16b: {  	v53 =	vld [tilespmem:s13+$0x50];
	_ =	sdelay $0x4  }
0x16c: {  	v0 =	vadd.f32 v53, v0;
	_ =	sdelay $0x1  }
0x16d: {  	v0 =	vmax.f32 v0, $0.0e+00  }
0x16e: {  	[tilespmem:s25+$0x50] =	vst v0  }
0x16f: {  	v0 =	vld [tilespmem:s10+$0x60]  }
0x170: {  	v54 =	vld [tilespmem:s13+$0x60];
	_ =	sdelay $0x4  }
0x171: {  	v0 =	vadd.f32 v54, v0;
	_ =	sdelay $0x1  }
0x172: {  	v0 =	vmax.f32 v0, $0.0e+00  }
0x173: {  	[tilespmem:s25+$0x60] =	vst v0  }
0x174: {  	v0 =	vld [tilespmem:s10+$0x70]  }
0x175: {  	v55 =	vld [tilespmem:s13+$0x70];
	_ =	sdelay $0x4  }
0x176: {  	v0 =	vadd.f32 v55, v0;
	_ =	sdelay $0x1  }
0x177: {  	v0 =	vmax.f32 v0, $0.0e+00  }
0x178: {  	[tilespmem:s25+$0x70] =	vst v0  }
0x179: {  	v0 =	vld [tilespmem:s10+$0x80]  }
0x17a: {  	v56 =	vld [tilespmem:s13+$0x80];
	_ =	sdelay $0x4  }
0x17b: {  	v0 =	vadd.f32 v56, v0;
	_ =	sdelay $0x1  }
0x17c: {  	v0 =	vmax.f32 v0, $0.0e+00  }
0x17d: {  	[tilespmem:s25+$0x80] =	vst v0  }
0x17e: {  	v0 =	vld [tilespmem:s10+$0x90]  }
0x17f: {  	v57 =	vld [tilespmem:s13+$0x90];
	_ =	sdelay $0x4  }
0x180: {  	v0 =	vadd.f32 v57, v0;
	_ =	sdelay $0x1  }
0x181: {  	v0 =	vmax.f32 v0, $0.0e+00  }
0x182: {  	[tilespmem:s25+$0x90] =	vst v0  }
0x183: {  	v0 =	vld [tilespmem:s10+$0xA0]  }
0x184: {  	v58 =	vld [tilespmem:s13+$0xA0];
	_ =	sdelay $0x4  }
0x185: {  	v0 =	vadd.f32 v58, v0;
	_ =	sdelay $0x1  }
0x186: {  	v0 =	vmax.f32 v0, $0.0e+00  }
0x187: {  	[tilespmem:s25+$0xA0] =	vst v0  }
0x188: {  	v0 =	vld [tilespmem:s10+$0xB0]  }
0x189: {  	v59 =	vld [tilespmem:s13+$0xB0];
	_ =	sdelay $0x4  }
0x18a: {  	v0 =	vadd.f32 v59, v0;
	_ =	sdelay $0x1  }
0x18b: {  	v0 =	vmax.f32 v0, $0.0e+00  }
0x18c: {  	[tilespmem:s25+$0xB0] =	vst v0  }
0x18d: {  	v0 =	vld [tilespmem:s10+$0xC0]  }
0x18e: {  	v60 =	vld [tilespmem:s13+$0xC0];
	_ =	sdelay $0x4  }
0x18f: {  	v0 =	vadd.f32 v60, v0;
	_ =	sdelay $0x1  }
0x190: {  	v0 =	vmax.f32 v0, $0.0e+00  }
0x191: {  	[tilespmem:s25+$0xC0] =	vst v0  }
0x192: {  	v0 =	vld [tilespmem:s10+$0xD0]  }
0x193: {  	v61 =	vld [tilespmem:s13+$0xD0];
	_ =	sdelay $0x4  }
0x194: {  	v0 =	vadd.f32 v61, v0;
	_ =	sdelay $0x1  }
0x195: {  	v0 =	vmax.f32 v0, $0.0e+00  }
0x196: {  	[tilespmem:s25+$0xD0] =	vst v0  }
0x197: {  	v0 =	vld [tilespmem:s10+$0xE0]  }
0x198: {  	v62 =	vld [tilespmem:s13+$0xE0];
	_ =	sdelay $0x4  }
0x199: {  	v0 =	vadd.f32 v62, v0;
	_ =	sdelay $0x1  }
0x19a: {  	v0 =	vmax.f32 v0, $0.0e+00  }
0x19b: {  	[tilespmem:s25+$0xE0] =	vst v0  }
0x19c: {  	v0 =	vld [tilespmem:s10+$0xF0]  }
0x19d: {  	v63 =	vld [tilespmem:s13+$0xF0];
	_ =	sdelay $0x1  }
0x19e: {  	s12 =	sadd.s32 $0x4, s12  }
0x19f: {  	p1 =	slt.u32 s12, $0x24  }
.Ltmp1:
0x1a0: {  	_ = 	snop;
	(pc) =	sbr.rel @p1 .LBB2_4-.Ltmp1, $3  }
0x1a1: {  	v0 =	vadd.f32 v63, v0;
	_ =	sdelay $0x1  }
0x1a2: {  	v0 =	vmax.f32 v0, $0.0e+00  }
0x1a3: {  	s10 =	sadd.s32 $0x200, s10;
	s13 =	sadd.s32 $0x200, s13;
	[tilespmem:s25+$0xF0] =	vst v0;
	s25 =	sadd.s32 $0x200, s25  }
0x1a4: {  	[spmem:s4] =	stream.indirect.scatter.add.f32 [tilespmem:s22], [sflag:$0x8], $0x80, s21, s30, $0xb8;
	[tilespmem:$0x1DD80] =	vst v63  }
0x1a5: {  	s10 =	rddreg [dreg:$0xd]  }
0x1a6: {  	[tilespmem:s0], [sflag:$0x2] =	stream.linear.gather [hbm4b:s10+s5], $0x1400, $0x38;
	[tilespmem:$0x1DD80] =	vst v63  }
0x1a7: {  	s26 =	simm.s32 $0x13C78  }
0x1a8: {  	[tilespmem:s9], [sflag:$0x4] =	stream.indirect.gather [hbm4b:s2+s30], $0x80, s26, s30, $0xb8;
	[tilespmem:$0x1DD80] =	vst v63  }
0x1a9: {  	s29 =	rddreg [dreg:$0xe];
	s13 =	simm.s32 $0x1  }
0x1aa: {  	[tilespmem:s11], [sflag:$0x6] =	stream.linear.gather [hbm4b:s29+s5], $0x28, $0x38;
	[tilespmem:$0x1DD80] =	vst v63  }
.LBB2_6:
0x1ab: {  	_ =	swait.ge [sflag:s14], $0x1400  }
0x1ac: {  	[sflag:s14] =	ssyncset.done $0x0  }
0x1ad: {  	[sflag:s14] =	ssyncadd.s32 $0xFFFFEC00  }
0x1ae: {  	_ =	swait.ge [sflag:s15], $0x1400  }
0x1af: {  	[sflag:s15] =	ssyncset.done $0x0  }
0x1b0: {  	[sflag:s15] =	ssyncadd.s32 $0xFFFFEC00  }
0x1b1: {  	_ =	swait.ge [sflag:s16], $0x28  }
0x1b2: {  	[sflag:s16] =	ssyncset.done $0x0  }
0x1b3: {  	[sflag:s16] =	ssyncadd.s32 $0xFFFFFFD8  }
0x1b4: {  	_ =	swait.ge [sflag:s23], $0x1400  }
0x1b5: {  	[sflag:s23] =	ssyncset.done $0x0  }
0x1b6: {  	[sflag:s23] =	ssyncadd.s32 $0xFFFFEC00  }
0x1b7: {  	v0 =	vld [tilespmem:$0x16380]  }
0x1b8: {  	v1 =	vld [tilespmem:$0x16390]  }
0x1b9: {  	v2 =	vld [tilespmem:$0x16398];
	_ =	sdelay $0x2  }
0x1ba: {  	[tilespmem:$0x16480] =	vst v0  }
0x1bb: {  	s12 =	simm.s32 $0xFFFFFFFC;
	[tilespmem:$0x16490] =	vst v1  }
0x1bc: {  	s10 =	simm.s32 $0x16680;
	s26 =	simm.s32 $0x18E80;
	s25 =	simm.s32 $0x1B680;
	[tilespmem:$0x16498] =	vst v2  }
.LBB2_7:
0x1bd: {  	v0 =	vld [tilespmem:s10+$0xFFFFFF00]  }
0x1be: {  	v1 =	vld [tilespmem:s26+$0xFFFFFF00];
	_ =	sdelay $0x4  }
0x1bf: {  	v0 =	vadd.f32 v1, v0;
	_ =	sdelay $0x1  }
0x1c0: {  	v0 =	vmax.f32 v0, $0.0e+00  }
0x1c1: {  	[tilespmem:s25+$0xFFFFFF00] =	vst v0  }
0x1c2: {  	v0 =	vld [tilespmem:s10+$0xFFFFFF10]  }
0x1c3: {  	v33 =	vld [tilespmem:s26+$0xFFFFFF10];
	_ =	sdelay $0x4  }
0x1c4: {  	v0 =	vadd.f32 v33, v0;
	_ =	sdelay $0x1  }
0x1c5: {  	v0 =	vmax.f32 v0, $0.0e+00  }
0x1c6: {  	[tilespmem:s25+$0xFFFFFF10] =	vst v0  }
0x1c7: {  	v0 =	vld [tilespmem:s10+$0xFFFFFF20]  }
0x1c8: {  	v34 =	vld [tilespmem:s26+$0xFFFFFF20];
	_ =	sdelay $0x4  }
0x1c9: {  	v0 =	vadd.f32 v34, v0;
	_ =	sdelay $0x1  }
0x1ca: {  	v0 =	vmax.f32 v0, $0.0e+00  }
0x1cb: {  	[tilespmem:s25+$0xFFFFFF20] =	vst v0  }
0x1cc: {  	v0 =	vld [tilespmem:s10+$0xFFFFFF30]  }
0x1cd: {  	v35 =	vld [tilespmem:s26+$0xFFFFFF30];
	_ =	sdelay $0x4  }
0x1ce: {  	v0 =	vadd.f32 v35, v0;
	_ =	sdelay $0x1  }
0x1cf: {  	v0 =	vmax.f32 v0, $0.0e+00  }
0x1d0: {  	[tilespmem:s25+$0xFFFFFF30] =	vst v0  }
0x1d1: {  	v0 =	vld [tilespmem:s10+$0xFFFFFF40]  }
0x1d2: {  	v36 =	vld [tilespmem:s26+$0xFFFFFF40];
	_ =	sdelay $0x4  }
0x1d3: {  	v0 =	vadd.f32 v36, v0;
	_ =	sdelay $0x1  }
0x1d4: {  	v0 =	vmax.f32 v0, $0.0e+00  }
0x1d5: {  	[tilespmem:s25+$0xFFFFFF40] =	vst v0  }
0x1d6: {  	v0 =	vld [tilespmem:s10+$0xFFFFFF50]  }
0x1d7: {  	v37 =	vld [tilespmem:s26+$0xFFFFFF50];
	_ =	sdelay $0x4  }
0x1d8: {  	v0 =	vadd.f32 v37, v0;
	_ =	sdelay $0x1  }
0x1d9: {  	v0 =	vmax.f32 v0, $0.0e+00  }
0x1da: {  	[tilespmem:s25+$0xFFFFFF50] =	vst v0  }
0x1db: {  	v0 =	vld [tilespmem:s10+$0xFFFFFF60]  }
0x1dc: {  	v38 =	vld [tilespmem:s26+$0xFFFFFF60];
	_ =	sdelay $0x4  }
0x1dd: {  	v0 =	vadd.f32 v38, v0;
	_ =	sdelay $0x1  }
0x1de: {  	v0 =	vmax.f32 v0, $0.0e+00  }
0x1df: {  	[tilespmem:s25+$0xFFFFFF60] =	vst v0  }
0x1e0: {  	v0 =	vld [tilespmem:s10+$0xFFFFFF70]  }
0x1e1: {  	v39 =	vld [tilespmem:s26+$0xFFFFFF70];
	_ =	sdelay $0x4  }
0x1e2: {  	v0 =	vadd.f32 v39, v0;
	_ =	sdelay $0x1  }
0x1e3: {  	v0 =	vmax.f32 v0, $0.0e+00  }
0x1e4: {  	[tilespmem:s25+$0xFFFFFF70] =	vst v0  }
0x1e5: {  	v0 =	vld [tilespmem:s10+$0xFFFFFF80]  }
0x1e6: {  	v40 =	vld [tilespmem:s26+$0xFFFFFF80];
	_ =	sdelay $0x4  }
0x1e7: {  	v0 =	vadd.f32 v40, v0;
	_ =	sdelay $0x1  }
0x1e8: {  	v0 =	vmax.f32 v0, $0.0e+00  }
0x1e9: {  	[tilespmem:s25+$0xFFFFFF80] =	vst v0  }
0x1ea: {  	v0 =	vld [tilespmem:s10+$0xFFFFFF90]  }
0x1eb: {  	v41 =	vld [tilespmem:s26+$0xFFFFFF90];
	_ =	sdelay $0x4  }
0x1ec: {  	v0 =	vadd.f32 v41, v0;
	_ =	sdelay $0x1  }
0x1ed: {  	v0 =	vmax.f32 v0, $0.0e+00  }
0x1ee: {  	[tilespmem:s25+$0xFFFFFF90] =	vst v0  }
0x1ef: {  	v0 =	vld [tilespmem:s10+$0xFFFFFFA0]  }
0x1f0: {  	v42 =	vld [tilespmem:s26+$0xFFFFFFA0];
	_ =	sdelay $0x4  }
0x1f1: {  	v0 =	vadd.f32 v42, v0;
	_ =	sdelay $0x1  }
0x1f2: {  	v0 =	vmax.f32 v0, $0.0e+00  }
0x1f3: {  	[tilespmem:s25+$0xFFFFFFA0] =	vst v0  }
0x1f4: {  	v0 =	vld [tilespmem:s10+$0xFFFFFFB0]  }
0x1f5: {  	v43 =	vld [tilespmem:s26+$0xFFFFFFB0];
	_ =	sdelay $0x4  }
0x1f6: {  	v0 =	vadd.f32 v43, v0;
	_ =	sdelay $0x1  }
0x1f7: {  	v0 =	vmax.f32 v0, $0.0e+00  }
0x1f8: {  	[tilespmem:s25+$0xFFFFFFB0] =	vst v0  }
0x1f9: {  	v0 =	vld [tilespmem:s10+$0xFFFFFFC0]  }
0x1fa: {  	v44 =	vld [tilespmem:s26+$0xFFFFFFC0];
	_ =	sdelay $0x4  }
0x1fb: {  	v0 =	vadd.f32 v44, v0;
	_ =	sdelay $0x1  }
0x1fc: {  	v0 =	vmax.f32 v0, $0.0e+00  }
0x1fd: {  	[tilespmem:s25+$0xFFFFFFC0] =	vst v0  }
0x1fe: {  	v0 =	vld [tilespmem:s10+$0xFFFFFFD0]  }
0x1ff: {  	v45 =	vld [tilespmem:s26+$0xFFFFFFD0];
	_ =	sdelay $0x4  }
0x200: {  	v0 =	vadd.f32 v45, v0;
	_ =	sdelay $0x1  }
0x201: {  	v0 =	vmax.f32 v0, $0.0e+00  }
0x202: {  	[tilespmem:s25+$0xFFFFFFD0] =	vst v0  }
0x203: {  	v0 =	vld [tilespmem:s10+$0xFFFFFFE0]  }
0x204: {  	v46 =	vld [tilespmem:s26+$0xFFFFFFE0];
	_ =	sdelay $0x4  }
0x205: {  	v0 =	vadd.f32 v46, v0;
	_ =	sdelay $0x1  }
0x206: {  	v0 =	vmax.f32 v0, $0.0e+00  }
0x207: {  	[tilespmem:s25+$0xFFFFFFE0] =	vst v0  }
0x208: {  	v0 =	vld [tilespmem:s10+$0xFFFFFFF0]  }
0x209: {  	v47 =	vld [tilespmem:s26+$0xFFFFFFF0];
	_ =	sdelay $0x4  }
0x20a: {  	v0 =	vadd.f32 v47, v0;
	_ =	sdelay $0x1  }
0x20b: {  	v0 =	vmax.f32 v0, $0.0e+00  }
0x20c: {  	[tilespmem:s25+$0xFFFFFFF0] =	vst v0  }
0x20d: {  	v0 =	vld [tilespmem:s10+$0x0]  }
0x20e: {  	v48 =	vld [tilespmem:s26+$0x0];
	_ =	sdelay $0x4  }
0x20f: {  	v0 =	vadd.f32 v48, v0;
	_ =	sdelay $0x1  }
0x210: {  	v0 =	vmax.f32 v0, $0.0e+00  }
0x211: {  	[tilespmem:s25+$0x0] =	vst v0  }
0x212: {  	v0 =	vld [tilespmem:s10+$0x10]  }
0x213: {  	v49 =	vld [tilespmem:s26+$0x10];
	_ =	sdelay $0x4  }
0x214: {  	v0 =	vadd.f32 v49, v0;
	_ =	sdelay $0x1  }
0x215: {  	v0 =	vmax.f32 v0, $0.0e+00  }
0x216: {  	[tilespmem:s25+$0x10] =	vst v0  }
0x217: {  	v0 =	vld [tilespmem:s10+$0x20]  }
0x218: {  	v50 =	vld [tilespmem:s26+$0x20];
	_ =	sdelay $0x4  }
0x219: {  	v0 =	vadd.f32 v50, v0;
	_ =	sdelay $0x1  }
0x21a: {  	v0 =	vmax.f32 v0, $0.0e+00  }
0x21b: {  	[tilespmem:s25+$0x20] =	vst v0  }
0x21c: {  	v0 =	vld [tilespmem:s10+$0x30]  }
0x21d: {  	v51 =	vld [tilespmem:s26+$0x30];
	_ =	sdelay $0x4  }
0x21e: {  	v0 =	vadd.f32 v51, v0;
	_ =	sdelay $0x1  }
0x21f: {  	v0 =	vmax.f32 v0, $0.0e+00  }
0x220: {  	[tilespmem:s25+$0x30] =	vst v0  }
0x221: {  	v0 =	vld [tilespmem:s10+$0x40]  }
0x222: {  	v52 =	vld [tilespmem:s26+$0x40];
	_ =	sdelay $0x4  }
0x223: {  	v0 =	vadd.f32 v52, v0;
	_ =	sdelay $0x1  }
0x224: {  	v0 =	vmax.f32 v0, $0.0e+00  }
0x225: {  	[tilespmem:s25+$0x40] =	vst v0  }
0x226: {  	v0 =	vld [tilespmem:s10+$0x50]  }
0x227: {  	v53 =	vld [tilespmem:s26+$0x50];
	_ =	sdelay $0x4  }
0x228: {  	v0 =	vadd.f32 v53, v0;
	_ =	sdelay $0x1  }
0x229: {  	v0 =	vmax.f32 v0, $0.0e+00  }
0x22a: {  	[tilespmem:s25+$0x50] =	vst v0  }
0x22b: {  	v0 =	vld [tilespmem:s10+$0x60]  }
0x22c: {  	v54 =	vld [tilespmem:s26+$0x60];
	_ =	sdelay $0x4  }
0x22d: {  	v0 =	vadd.f32 v54, v0;
	_ =	sdelay $0x1  }
0x22e: {  	v0 =	vmax.f32 v0, $0.0e+00  }
0x22f: {  	[tilespmem:s25+$0x60] =	vst v0  }
0x230: {  	v0 =	vld [tilespmem:s10+$0x70]  }
0x231: {  	v55 =	vld [tilespmem:s26+$0x70];
	_ =	sdelay $0x4  }
0x232: {  	v0 =	vadd.f32 v55, v0;
	_ =	sdelay $0x1  }
0x233: {  	v0 =	vmax.f32 v0, $0.0e+00  }
0x234: {  	[tilespmem:s25+$0x70] =	vst v0  }
0x235: {  	v0 =	vld [tilespmem:s10+$0x80]  }
0x236: {  	v56 =	vld [tilespmem:s26+$0x80];
	_ =	sdelay $0x4  }
0x237: {  	v0 =	vadd.f32 v56, v0;
	_ =	sdelay $0x1  }
0x238: {  	v0 =	vmax.f32 v0, $0.0e+00  }
0x239: {  	[tilespmem:s25+$0x80] =	vst v0  }
0x23a: {  	v0 =	vld [tilespmem:s10+$0x90]  }
0x23b: {  	v57 =	vld [tilespmem:s26+$0x90];
	_ =	sdelay $0x4  }
0x23c: {  	v0 =	vadd.f32 v57, v0;
	_ =	sdelay $0x1  }
0x23d: {  	v0 =	vmax.f32 v0, $0.0e+00  }
0x23e: {  	[tilespmem:s25+$0x90] =	vst v0  }
0x23f: {  	v0 =	vld [tilespmem:s10+$0xA0]  }
0x240: {  	v58 =	vld [tilespmem:s26+$0xA0];
	_ =	sdelay $0x4  }
0x241: {  	v0 =	vadd.f32 v58, v0;
	_ =	sdelay $0x1  }
0x242: {  	v0 =	vmax.f32 v0, $0.0e+00  }
0x243: {  	[tilespmem:s25+$0xA0] =	vst v0  }
0x244: {  	v0 =	vld [tilespmem:s10+$0xB0]  }
0x245: {  	v59 =	vld [tilespmem:s26+$0xB0];
	_ =	sdelay $0x4  }
0x246: {  	v0 =	vadd.f32 v59, v0;
	_ =	sdelay $0x1  }
0x247: {  	v0 =	vmax.f32 v0, $0.0e+00  }
0x248: {  	[tilespmem:s25+$0xB0] =	vst v0  }
0x249: {  	v0 =	vld [tilespmem:s10+$0xC0]  }
0x24a: {  	v60 =	vld [tilespmem:s26+$0xC0];
	_ =	sdelay $0x4  }
0x24b: {  	v0 =	vadd.f32 v60, v0;
	_ =	sdelay $0x1  }
0x24c: {  	v0 =	vmax.f32 v0, $0.0e+00  }
0x24d: {  	[tilespmem:s25+$0xC0] =	vst v0  }
0x24e: {  	v0 =	vld [tilespmem:s10+$0xD0]  }
0x24f: {  	v61 =	vld [tilespmem:s26+$0xD0];
	_ =	sdelay $0x4  }
0x250: {  	v0 =	vadd.f32 v61, v0;
	_ =	sdelay $0x1  }
0x251: {  	v0 =	vmax.f32 v0, $0.0e+00  }
0x252: {  	[tilespmem:s25+$0xD0] =	vst v0  }
0x253: {  	v0 =	vld [tilespmem:s10+$0xE0]  }
0x254: {  	v62 =	vld [tilespmem:s26+$0xE0];
	_ =	sdelay $0x4  }
0x255: {  	v0 =	vadd.f32 v62, v0;
	_ =	sdelay $0x1  }
0x256: {  	v0 =	vmax.f32 v0, $0.0e+00  }
0x257: {  	[tilespmem:s25+$0xE0] =	vst v0  }
0x258: {  	v0 =	vld [tilespmem:s10+$0xF0]  }
0x259: {  	v63 =	vld [tilespmem:s26+$0xF0];
	_ =	sdelay $0x1  }
0x25a: {  	s12 =	sadd.s32 $0x4, s12  }
0x25b: {  	p1 =	slt.u32 s12, $0x24  }
.Ltmp2:
0x25c: {  	_ = 	snop;
	(pc) =	sbr.rel @p1 .LBB2_7-.Ltmp2, $3  }
0x25d: {  	v0 =	vadd.f32 v63, v0;
	_ =	sdelay $0x1  }
0x25e: {  	v0 =	vmax.f32 v0, $0.0e+00  }
0x25f: {  	s10 =	sadd.s32 $0x200, s10;
	s26 =	sadd.s32 $0x200, s26;
	[tilespmem:s25+$0xF0] =	vst v0;
	s25 =	sadd.s32 $0x200, s25  }
0x260: {  	s12 =	smul.u32 $0x50, s13  }
0x261: {  	[spmem:s4] =	stream.indirect.scatter.add.f32 [tilespmem:s28], [sflag:$0x7], $0x80, s17, s30, $0xb8;
	[tilespmem:$0x1DD80] =	vst v63  }
0x262: {  	s10 =	sadd.s32 $0x50, s12  }
0x263: {  	s25 =	sadd.s32 s6, s10  }
0x264: {  	s25 =	sshll.u32 s25, $0x4  }
0x265: {  	s26 =	simm.s32 $0x16580;
	s10 =	sadd.s32 s3, s10;
	s25 =	sadd.s32 s8, s25  }
0x266: {  	[tilespmem:s26], [sflag:$0x1] =	stream.linear.gather [hbm4b:s25+s5], $0x1400, $0x38;
	[tilespmem:$0x1DD80] =	vst v63  }
0x267: {  	s10 =	sshrl.u32 s10, $0x3;
	s26 =	sadd.s32 $0x13C50, s12  }
0x268: {  	[tilespmem:s31], [sflag:$0x3] =	stream.indirect.gather [hbm4b:s2+s30], $0x80, s26, s30, $0xb8;
	[tilespmem:$0x1DD80] =	vst v63  }
0x269: {  	s10 =	sadd.s32 s7, s10  }
0x26a: {  	[tilespmem:s1], [sflag:$0x5] =	stream.linear.gather [hbm4b:s10+s5], $0x28, $0x38;
	[tilespmem:$0x1DD80] =	vst v63  }
0x26b: {  	_ =	swait.ge [sflag:s18], $0x1400  }
0x26c: {  	[sflag:s18] =	ssyncset.done $0x0  }
0x26d: {  	[sflag:s18] =	ssyncadd.s32 $0xFFFFEC00  }
0x26e: {  	_ =	swait.ge [sflag:s19], $0x1400  }
0x26f: {  	[sflag:s19] =	ssyncset.done $0x0  }
0x270: {  	[sflag:s19] =	ssyncadd.s32 $0xFFFFEC00  }
0x271: {  	_ =	swait.ge [sflag:s20], $0x28  }
0x272: {  	[sflag:s20] =	ssyncset.done $0x0  }
0x273: {  	[sflag:s20] =	ssyncadd.s32 $0xFFFFFFD8  }
0x274: {  	_ =	swait.ge [sflag:s24], $0x1400  }
0x275: {  	[sflag:s24] =	ssyncset.done $0x0  }
0x276: {  	[sflag:s24] =	ssyncadd.s32 $0xFFFFEC00  }
0x277: {  	v0 =	vld [tilespmem:$0x16400]  }
0x278: {  	v1 =	vld [tilespmem:$0x16410]  }
0x279: {  	v2 =	vld [tilespmem:$0x16418];
	_ =	sdelay $0x2  }
0x27a: {  	[tilespmem:$0x16500] =	vst v0  }
0x27b: {  	s29 =	simm.s32 $0x1CA80;
	[tilespmem:$0x16510] =	vst v1  }
0x27c: {  	s25 =	simm.s32 $0x1A280;
	s26 =	simm.s32 $0x17A80;
	s10 =	simm.s32 $0xFFFFFFFC;
	[tilespmem:$0x16518] =	vst v2  }
.LBB2_9:
0x27d: {  	v0 =	vld [tilespmem:s26+$0xFFFFFF00]  }
0x27e: {  	v1 =	vld [tilespmem:s25+$0xFFFFFF00];
	_ =	sdelay $0x4  }
0x27f: {  	v0 =	vadd.f32 v1, v0;
	_ =	sdelay $0x1  }
0x280: {  	v0 =	vmax.f32 v0, $0.0e+00  }
0x281: {  	[tilespmem:s29+$0xFFFFFF00] =	vst v0  }
0x282: {  	v0 =	vld [tilespmem:s26+$0xFFFFFF10]  }
0x283: {  	v33 =	vld [tilespmem:s25+$0xFFFFFF10];
	_ =	sdelay $0x4  }
0x284: {  	v0 =	vadd.f32 v33, v0;
	_ =	sdelay $0x1  }
0x285: {  	v0 =	vmax.f32 v0, $0.0e+00  }
0x286: {  	[tilespmem:s29+$0xFFFFFF10] =	vst v0  }
0x287: {  	v0 =	vld [tilespmem:s26+$0xFFFFFF20]  }
0x288: {  	v34 =	vld [tilespmem:s25+$0xFFFFFF20];
	_ =	sdelay $0x4  }
0x289: {  	v0 =	vadd.f32 v34, v0;
	_ =	sdelay $0x1  }
0x28a: {  	v0 =	vmax.f32 v0, $0.0e+00  }
0x28b: {  	[tilespmem:s29+$0xFFFFFF20] =	vst v0  }
0x28c: {  	v0 =	vld [tilespmem:s26+$0xFFFFFF30]  }
0x28d: {  	v35 =	vld [tilespmem:s25+$0xFFFFFF30];
	_ =	sdelay $0x4  }
0x28e: {  	v0 =	vadd.f32 v35, v0;
	_ =	sdelay $0x1  }
0x28f: {  	v0 =	vmax.f32 v0, $0.0e+00  }
0x290: {  	[tilespmem:s29+$0xFFFFFF30] =	vst v0  }
0x291: {  	v0 =	vld [tilespmem:s26+$0xFFFFFF40]  }
0x292: {  	v36 =	vld [tilespmem:s25+$0xFFFFFF40];
	_ =	sdelay $0x4  }
0x293: {  	v0 =	vadd.f32 v36, v0;
	_ =	sdelay $0x1  }
0x294: {  	v0 =	vmax.f32 v0, $0.0e+00  }
0x295: {  	[tilespmem:s29+$0xFFFFFF40] =	vst v0  }
0x296: {  	v0 =	vld [tilespmem:s26+$0xFFFFFF50]  }
0x297: {  	v37 =	vld [tilespmem:s25+$0xFFFFFF50];
	_ =	sdelay $0x4  }
0x298: {  	v0 =	vadd.f32 v37, v0;
	_ =	sdelay $0x1  }
0x299: {  	v0 =	vmax.f32 v0, $0.0e+00  }
0x29a: {  	[tilespmem:s29+$0xFFFFFF50] =	vst v0  }
0x29b: {  	v0 =	vld [tilespmem:s26+$0xFFFFFF60]  }
0x29c: {  	v38 =	vld [tilespmem:s25+$0xFFFFFF60];
	_ =	sdelay $0x4  }
0x29d: {  	v0 =	vadd.f32 v38, v0;
	_ =	sdelay $0x1  }
0x29e: {  	v0 =	vmax.f32 v0, $0.0e+00  }
0x29f: {  	[tilespmem:s29+$0xFFFFFF60] =	vst v0  }
0x2a0: {  	v0 =	vld [tilespmem:s26+$0xFFFFFF70]  }
0x2a1: {  	v39 =	vld [tilespmem:s25+$0xFFFFFF70];
	_ =	sdelay $0x4  }
0x2a2: {  	v0 =	vadd.f32 v39, v0;
	_ =	sdelay $0x1  }
0x2a3: {  	v0 =	vmax.f32 v0, $0.0e+00  }
0x2a4: {  	[tilespmem:s29+$0xFFFFFF70] =	vst v0  }
0x2a5: {  	v0 =	vld [tilespmem:s26+$0xFFFFFF80]  }
0x2a6: {  	v40 =	vld [tilespmem:s25+$0xFFFFFF80];
	_ =	sdelay $0x4  }
0x2a7: {  	v0 =	vadd.f32 v40, v0;
	_ =	sdelay $0x1  }
0x2a8: {  	v0 =	vmax.f32 v0, $0.0e+00  }
0x2a9: {  	[tilespmem:s29+$0xFFFFFF80] =	vst v0  }
0x2aa: {  	v0 =	vld [tilespmem:s26+$0xFFFFFF90]  }
0x2ab: {  	v41 =	vld [tilespmem:s25+$0xFFFFFF90];
	_ =	sdelay $0x4  }
0x2ac: {  	v0 =	vadd.f32 v41, v0;
	_ =	sdelay $0x1  }
0x2ad: {  	v0 =	vmax.f32 v0, $0.0e+00  }
0x2ae: {  	[tilespmem:s29+$0xFFFFFF90] =	vst v0  }
0x2af: {  	v0 =	vld [tilespmem:s26+$0xFFFFFFA0]  }
0x2b0: {  	v42 =	vld [tilespmem:s25+$0xFFFFFFA0];
	_ =	sdelay $0x4  }
0x2b1: {  	v0 =	vadd.f32 v42, v0;
	_ =	sdelay $0x1  }
0x2b2: {  	v0 =	vmax.f32 v0, $0.0e+00  }
0x2b3: {  	[tilespmem:s29+$0xFFFFFFA0] =	vst v0  }
0x2b4: {  	v0 =	vld [tilespmem:s26+$0xFFFFFFB0]  }
0x2b5: {  	v43 =	vld [tilespmem:s25+$0xFFFFFFB0];
	_ =	sdelay $0x4  }
0x2b6: {  	v0 =	vadd.f32 v43, v0;
	_ =	sdelay $0x1  }
0x2b7: {  	v0 =	vmax.f32 v0, $0.0e+00  }
0x2b8: {  	[tilespmem:s29+$0xFFFFFFB0] =	vst v0  }
0x2b9: {  	v0 =	vld [tilespmem:s26+$0xFFFFFFC0]  }
0x2ba: {  	v44 =	vld [tilespmem:s25+$0xFFFFFFC0];
	_ =	sdelay $0x4  }
0x2bb: {  	v0 =	vadd.f32 v44, v0;
	_ =	sdelay $0x1  }
0x2bc: {  	v0 =	vmax.f32 v0, $0.0e+00  }
0x2bd: {  	[tilespmem:s29+$0xFFFFFFC0] =	vst v0  }
0x2be: {  	v0 =	vld [tilespmem:s26+$0xFFFFFFD0]  }
0x2bf: {  	v45 =	vld [tilespmem:s25+$0xFFFFFFD0];
	_ =	sdelay $0x4  }
0x2c0: {  	v0 =	vadd.f32 v45, v0;
	_ =	sdelay $0x1  }
0x2c1: {  	v0 =	vmax.f32 v0, $0.0e+00  }
0x2c2: {  	[tilespmem:s29+$0xFFFFFFD0] =	vst v0  }
0x2c3: {  	v0 =	vld [tilespmem:s26+$0xFFFFFFE0]  }
0x2c4: {  	v46 =	vld [tilespmem:s25+$0xFFFFFFE0];
	_ =	sdelay $0x4  }
0x2c5: {  	v0 =	vadd.f32 v46, v0;
	_ =	sdelay $0x1  }
0x2c6: {  	v0 =	vmax.f32 v0, $0.0e+00  }
0x2c7: {  	[tilespmem:s29+$0xFFFFFFE0] =	vst v0  }
0x2c8: {  	v0 =	vld [tilespmem:s26+$0xFFFFFFF0]  }
0x2c9: {  	v47 =	vld [tilespmem:s25+$0xFFFFFFF0];
	_ =	sdelay $0x4  }
0x2ca: {  	v0 =	vadd.f32 v47, v0;
	_ =	sdelay $0x1  }
0x2cb: {  	v0 =	vmax.f32 v0, $0.0e+00  }
0x2cc: {  	[tilespmem:s29+$0xFFFFFFF0] =	vst v0  }
0x2cd: {  	v0 =	vld [tilespmem:s26+$0x0]  }
0x2ce: {  	v48 =	vld [tilespmem:s25+$0x0];
	_ =	sdelay $0x4  }
0x2cf: {  	v0 =	vadd.f32 v48, v0;
	_ =	sdelay $0x1  }
0x2d0: {  	v0 =	vmax.f32 v0, $0.0e+00  }
0x2d1: {  	[tilespmem:s29+$0x0] =	vst v0  }
0x2d2: {  	v0 =	vld [tilespmem:s26+$0x10]  }
0x2d3: {  	v49 =	vld [tilespmem:s25+$0x10];
	_ =	sdelay $0x4  }
0x2d4: {  	v0 =	vadd.f32 v49, v0;
	_ =	sdelay $0x1  }
0x2d5: {  	v0 =	vmax.f32 v0, $0.0e+00  }
0x2d6: {  	[tilespmem:s29+$0x10] =	vst v0  }
0x2d7: {  	v0 =	vld [tilespmem:s26+$0x20]  }
0x2d8: {  	v50 =	vld [tilespmem:s25+$0x20];
	_ =	sdelay $0x4  }
0x2d9: {  	v0 =	vadd.f32 v50, v0;
	_ =	sdelay $0x1  }
0x2da: {  	v0 =	vmax.f32 v0, $0.0e+00  }
0x2db: {  	[tilespmem:s29+$0x20] =	vst v0  }
0x2dc: {  	v0 =	vld [tilespmem:s26+$0x30]  }
0x2dd: {  	v51 =	vld [tilespmem:s25+$0x30];
	_ =	sdelay $0x4  }
0x2de: {  	v0 =	vadd.f32 v51, v0;
	_ =	sdelay $0x1  }
0x2df: {  	v0 =	vmax.f32 v0, $0.0e+00  }
0x2e0: {  	[tilespmem:s29+$0x30] =	vst v0  }
0x2e1: {  	v0 =	vld [tilespmem:s26+$0x40]  }
0x2e2: {  	v52 =	vld [tilespmem:s25+$0x40];
	_ =	sdelay $0x4  }
0x2e3: {  	v0 =	vadd.f32 v52, v0;
	_ =	sdelay $0x1  }
0x2e4: {  	v0 =	vmax.f32 v0, $0.0e+00  }
0x2e5: {  	[tilespmem:s29+$0x40] =	vst v0  }
0x2e6: {  	v0 =	vld [tilespmem:s26+$0x50]  }
0x2e7: {  	v53 =	vld [tilespmem:s25+$0x50];
	_ =	sdelay $0x4  }
0x2e8: {  	v0 =	vadd.f32 v53, v0;
	_ =	sdelay $0x1  }
0x2e9: {  	v0 =	vmax.f32 v0, $0.0e+00  }
0x2ea: {  	[tilespmem:s29+$0x50] =	vst v0  }
0x2eb: {  	v0 =	vld [tilespmem:s26+$0x60]  }
0x2ec: {  	v54 =	vld [tilespmem:s25+$0x60];
	_ =	sdelay $0x4  }
0x2ed: {  	v0 =	vadd.f32 v54, v0;
	_ =	sdelay $0x1  }
0x2ee: {  	v0 =	vmax.f32 v0, $0.0e+00  }
0x2ef: {  	[tilespmem:s29+$0x60] =	vst v0  }
0x2f0: {  	v0 =	vld [tilespmem:s26+$0x70]  }
0x2f1: {  	v55 =	vld [tilespmem:s25+$0x70];
	_ =	sdelay $0x4  }
0x2f2: {  	v0 =	vadd.f32 v55, v0;
	_ =	sdelay $0x1  }
0x2f3: {  	v0 =	vmax.f32 v0, $0.0e+00  }
0x2f4: {  	[tilespmem:s29+$0x70] =	vst v0  }
0x2f5: {  	v0 =	vld [tilespmem:s26+$0x80]  }
0x2f6: {  	v56 =	vld [tilespmem:s25+$0x80];
	_ =	sdelay $0x4  }
0x2f7: {  	v0 =	vadd.f32 v56, v0;
	_ =	sdelay $0x1  }
0x2f8: {  	v0 =	vmax.f32 v0, $0.0e+00  }
0x2f9: {  	[tilespmem:s29+$0x80] =	vst v0  }
0x2fa: {  	v0 =	vld [tilespmem:s26+$0x90]  }
0x2fb: {  	v57 =	vld [tilespmem:s25+$0x90];
	_ =	sdelay $0x4  }
0x2fc: {  	v0 =	vadd.f32 v57, v0;
	_ =	sdelay $0x1  }
0x2fd: {  	v0 =	vmax.f32 v0, $0.0e+00  }
0x2fe: {  	[tilespmem:s29+$0x90] =	vst v0  }
0x2ff: {  	v0 =	vld [tilespmem:s26+$0xA0]  }
0x300: {  	v58 =	vld [tilespmem:s25+$0xA0];
	_ =	sdelay $0x4  }
0x301: {  	v0 =	vadd.f32 v58, v0;
	_ =	sdelay $0x1  }
0x302: {  	v0 =	vmax.f32 v0, $0.0e+00  }
0x303: {  	[tilespmem:s29+$0xA0] =	vst v0  }
0x304: {  	v0 =	vld [tilespmem:s26+$0xB0]  }
0x305: {  	v59 =	vld [tilespmem:s25+$0xB0];
	_ =	sdelay $0x4  }
0x306: {  	v0 =	vadd.f32 v59, v0;
	_ =	sdelay $0x1  }
0x307: {  	v0 =	vmax.f32 v0, $0.0e+00  }
0x308: {  	[tilespmem:s29+$0xB0] =	vst v0  }
0x309: {  	v0 =	vld [tilespmem:s26+$0xC0]  }
0x30a: {  	v60 =	vld [tilespmem:s25+$0xC0];
	_ =	sdelay $0x4  }
0x30b: {  	v0 =	vadd.f32 v60, v0;
	_ =	sdelay $0x1  }
0x30c: {  	v0 =	vmax.f32 v0, $0.0e+00  }
0x30d: {  	[tilespmem:s29+$0xC0] =	vst v0  }
0x30e: {  	v0 =	vld [tilespmem:s26+$0xD0]  }
0x30f: {  	v61 =	vld [tilespmem:s25+$0xD0];
	_ =	sdelay $0x4  }
0x310: {  	v0 =	vadd.f32 v61, v0;
	_ =	sdelay $0x1  }
0x311: {  	v0 =	vmax.f32 v0, $0.0e+00  }
0x312: {  	[tilespmem:s29+$0xD0] =	vst v0  }
0x313: {  	v0 =	vld [tilespmem:s26+$0xE0]  }
0x314: {  	v62 =	vld [tilespmem:s25+$0xE0];
	_ =	sdelay $0x4  }
0x315: {  	v0 =	vadd.f32 v62, v0;
	_ =	sdelay $0x1  }
0x316: {  	v0 =	vmax.f32 v0, $0.0e+00  }
0x317: {  	[tilespmem:s29+$0xE0] =	vst v0  }
0x318: {  	v0 =	vld [tilespmem:s26+$0xF0]  }
0x319: {  	v63 =	vld [tilespmem:s25+$0xF0];
	_ =	sdelay $0x1  }
0x31a: {  	s10 =	sadd.s32 $0x4, s10  }
0x31b: {  	p1 =	slt.u32 s10, $0x24  }
.Ltmp3:
0x31c: {  	_ = 	snop;
	(pc) =	sbr.rel @p1 .LBB2_9-.Ltmp3, $3  }
0x31d: {  	v0 =	vadd.f32 v63, v0;
	_ =	sdelay $0x1  }
0x31e: {  	v0 =	vmax.f32 v0, $0.0e+00  }
0x31f: {  	s26 =	sadd.s32 $0x200, s26;
	s25 =	sadd.s32 $0x200, s25;
	[tilespmem:s29+$0xF0] =	vst v0;
	s29 =	sadd.s32 $0x200, s29  }
0x320: {  	[spmem:s4] =	stream.indirect.scatter.add.f32 [tilespmem:s22], [sflag:$0x8], $0x80, s21, s30, $0xb8;
	[tilespmem:$0x1DD80] =	vst v63  }
0x321: {  	s10 =	sadd.s32 $0x78, s12  }
0x322: {  	s25 =	sadd.s32 s6, s10  }
0x323: {  	s13 =	sadd.s32 $0x1, s13;
	s25 =	sshll.u32 s25, $0x4  }
0x324: {  	p1 =	sne.s32 s13, $0x7C;
	s25 =	sadd.s32 s8, s25  }
0x325: {  	[tilespmem:s0], [sflag:$0x2] =	stream.linear.gather [hbm4b:s25+s5], $0x1400, $0x38;
	[tilespmem:$0x1DD80] =	vst v63  }
.Ltmp4:
0x326: {  	s10 =	sadd.s32 s3, s10;
	(pc) =	sbr.rel @p1 .LBB2_6-.Ltmp4, $4  }
0x327: {  	s29 =	sadd.s32 $0x13C78, s12;
	s10 =	sshrl.u32 s10, $0x3  }
0x328: {  	[tilespmem:s9], [sflag:$0x4] =	stream.indirect.gather [hbm4b:s2+s30], $0x80, s29, s30, $0xb8;
	[tilespmem:$0x1DD80] =	vst v63  }
0x329: {  	s10 =	sadd.s32 s7, s10  }
0x32a: {  	[tilespmem:s11], [sflag:$0x6] =	stream.linear.gather [hbm4b:s10+s5], $0x28, $0x38;
	[tilespmem:$0x1DD80] =	vst v63  }
0x32b: {  	_ =	swait.ge [sflag:s14], $0x1400  }
0x32c: {  	[sflag:s14] =	ssyncset.done $0x0  }
0x32d: {  	[sflag:s14] =	ssyncadd.s32 $0xFFFFEC00  }
0x32e: {  	_ =	swait.ge [sflag:s15], $0x1400  }
0x32f: {  	[sflag:s15] =	ssyncset.done $0x0  }
0x330: {  	[sflag:s15] =	ssyncadd.s32 $0xFFFFEC00  }
0x331: {  	_ =	swait.ge [sflag:s16], $0x28  }
0x332: {  	[sflag:s16] =	ssyncset.done $0x0  }
0x333: {  	[sflag:s16] =	ssyncadd.s32 $0xFFFFFFD8  }
0x334: {  	_ =	swait.ge [sflag:s23], $0x1400  }
0x335: {  	[sflag:s23] =	ssyncset.done $0x0  }
0x336: {  	[sflag:s23] =	ssyncadd.s32 $0xFFFFEC00  }
0x337: {  	v0 =	vld [tilespmem:$0x16380]  }
0x338: {  	v1 =	vld [tilespmem:$0x16390]  }
0x339: {  	v2 =	vld [tilespmem:$0x16398];
	_ =	sdelay $0x2  }
0x33a: {  	[tilespmem:$0x16480] =	vst v0  }
0x33b: {  	s10 =	simm.s32 $0xFFFFFFFC;
	[tilespmem:$0x16490] =	vst v1  }
0x33c: {  	s12 =	simm.s32 $0x16680;
	s13 =	simm.s32 $0x18E80;
	s25 =	simm.s32 $0x1B680;
	[tilespmem:$0x16498] =	vst v2  }
.LBB2_12:
0x33d: {  	v0 =	vld [tilespmem:s12+$0xFFFFFF00]  }
0x33e: {  	v1 =	vld [tilespmem:s13+$0xFFFFFF00];
	_ =	sdelay $0x4  }
0x33f: {  	v0 =	vadd.f32 v1, v0;
	_ =	sdelay $0x1  }
0x340: {  	v0 =	vmax.f32 v0, $0.0e+00  }
0x341: {  	[tilespmem:s25+$0xFFFFFF00] =	vst v0  }
0x342: {  	v0 =	vld [tilespmem:s12+$0xFFFFFF10]  }
0x343: {  	v33 =	vld [tilespmem:s13+$0xFFFFFF10];
	_ =	sdelay $0x4  }
0x344: {  	v0 =	vadd.f32 v33, v0;
	_ =	sdelay $0x1  }
0x345: {  	v0 =	vmax.f32 v0, $0.0e+00  }
0x346: {  	[tilespmem:s25+$0xFFFFFF10] =	vst v0  }
0x347: {  	v0 =	vld [tilespmem:s12+$0xFFFFFF20]  }
0x348: {  	v34 =	vld [tilespmem:s13+$0xFFFFFF20];
	_ =	sdelay $0x4  }
0x349: {  	v0 =	vadd.f32 v34, v0;
	_ =	sdelay $0x1  }
0x34a: {  	v0 =	vmax.f32 v0, $0.0e+00  }
0x34b: {  	[tilespmem:s25+$0xFFFFFF20] =	vst v0  }
0x34c: {  	v0 =	vld [tilespmem:s12+$0xFFFFFF30]  }
0x34d: {  	v35 =	vld [tilespmem:s13+$0xFFFFFF30];
	_ =	sdelay $0x4  }
0x34e: {  	v0 =	vadd.f32 v35, v0;
	_ =	sdelay $0x1  }
0x34f: {  	v0 =	vmax.f32 v0, $0.0e+00  }
0x350: {  	[tilespmem:s25+$0xFFFFFF30] =	vst v0  }
0x351: {  	v0 =	vld [tilespmem:s12+$0xFFFFFF40]  }
0x352: {  	v36 =	vld [tilespmem:s13+$0xFFFFFF40];
	_ =	sdelay $0x4  }
0x353: {  	v0 =	vadd.f32 v36, v0;
	_ =	sdelay $0x1  }
0x354: {  	v0 =	vmax.f32 v0, $0.0e+00  }
0x355: {  	[tilespmem:s25+$0xFFFFFF40] =	vst v0  }
0x356: {  	v0 =	vld [tilespmem:s12+$0xFFFFFF50]  }
0x357: {  	v37 =	vld [tilespmem:s13+$0xFFFFFF50];
	_ =	sdelay $0x4  }
0x358: {  	v0 =	vadd.f32 v37, v0;
	_ =	sdelay $0x1  }
0x359: {  	v0 =	vmax.f32 v0, $0.0e+00  }
0x35a: {  	[tilespmem:s25+$0xFFFFFF50] =	vst v0  }
0x35b: {  	v0 =	vld [tilespmem:s12+$0xFFFFFF60]  }
0x35c: {  	v38 =	vld [tilespmem:s13+$0xFFFFFF60];
	_ =	sdelay $0x4  }
0x35d: {  	v0 =	vadd.f32 v38, v0;
	_ =	sdelay $0x1  }
0x35e: {  	v0 =	vmax.f32 v0, $0.0e+00  }
0x35f: {  	[tilespmem:s25+$0xFFFFFF60] =	vst v0  }
0x360: {  	v0 =	vld [tilespmem:s12+$0xFFFFFF70]  }
0x361: {  	v39 =	vld [tilespmem:s13+$0xFFFFFF70];
	_ =	sdelay $0x4  }
0x362: {  	v0 =	vadd.f32 v39, v0;
	_ =	sdelay $0x1  }
0x363: {  	v0 =	vmax.f32 v0, $0.0e+00  }
0x364: {  	[tilespmem:s25+$0xFFFFFF70] =	vst v0  }
0x365: {  	v0 =	vld [tilespmem:s12+$0xFFFFFF80]  }
0x366: {  	v40 =	vld [tilespmem:s13+$0xFFFFFF80];
	_ =	sdelay $0x4  }
0x367: {  	v0 =	vadd.f32 v40, v0;
	_ =	sdelay $0x1  }
0x368: {  	v0 =	vmax.f32 v0, $0.0e+00  }
0x369: {  	[tilespmem:s25+$0xFFFFFF80] =	vst v0  }
0x36a: {  	v0 =	vld [tilespmem:s12+$0xFFFFFF90]  }
0x36b: {  	v41 =	vld [tilespmem:s13+$0xFFFFFF90];
	_ =	sdelay $0x4  }
0x36c: {  	v0 =	vadd.f32 v41, v0;
	_ =	sdelay $0x1  }
0x36d: {  	v0 =	vmax.f32 v0, $0.0e+00  }
0x36e: {  	[tilespmem:s25+$0xFFFFFF90] =	vst v0  }
0x36f: {  	v0 =	vld [tilespmem:s12+$0xFFFFFFA0]  }
0x370: {  	v42 =	vld [tilespmem:s13+$0xFFFFFFA0];
	_ =	sdelay $0x4  }
0x371: {  	v0 =	vadd.f32 v42, v0;
	_ =	sdelay $0x1  }
0x372: {  	v0 =	vmax.f32 v0, $0.0e+00  }
0x373: {  	[tilespmem:s25+$0xFFFFFFA0] =	vst v0  }
0x374: {  	v0 =	vld [tilespmem:s12+$0xFFFFFFB0]  }
0x375: {  	v43 =	vld [tilespmem:s13+$0xFFFFFFB0];
	_ =	sdelay $0x4  }
0x376: {  	v0 =	vadd.f32 v43, v0;
	_ =	sdelay $0x1  }
0x377: {  	v0 =	vmax.f32 v0, $0.0e+00  }
0x378: {  	[tilespmem:s25+$0xFFFFFFB0] =	vst v0  }
0x379: {  	v0 =	vld [tilespmem:s12+$0xFFFFFFC0]  }
0x37a: {  	v44 =	vld [tilespmem:s13+$0xFFFFFFC0];
	_ =	sdelay $0x4  }
0x37b: {  	v0 =	vadd.f32 v44, v0;
	_ =	sdelay $0x1  }
0x37c: {  	v0 =	vmax.f32 v0, $0.0e+00  }
0x37d: {  	[tilespmem:s25+$0xFFFFFFC0] =	vst v0  }
0x37e: {  	v0 =	vld [tilespmem:s12+$0xFFFFFFD0]  }
0x37f: {  	v45 =	vld [tilespmem:s13+$0xFFFFFFD0];
	_ =	sdelay $0x4  }
0x380: {  	v0 =	vadd.f32 v45, v0;
	_ =	sdelay $0x1  }
0x381: {  	v0 =	vmax.f32 v0, $0.0e+00  }
0x382: {  	[tilespmem:s25+$0xFFFFFFD0] =	vst v0  }
0x383: {  	v0 =	vld [tilespmem:s12+$0xFFFFFFE0]  }
0x384: {  	v46 =	vld [tilespmem:s13+$0xFFFFFFE0];
	_ =	sdelay $0x4  }
0x385: {  	v0 =	vadd.f32 v46, v0;
	_ =	sdelay $0x1  }
0x386: {  	v0 =	vmax.f32 v0, $0.0e+00  }
0x387: {  	[tilespmem:s25+$0xFFFFFFE0] =	vst v0  }
0x388: {  	v0 =	vld [tilespmem:s12+$0xFFFFFFF0]  }
0x389: {  	v47 =	vld [tilespmem:s13+$0xFFFFFFF0];
	_ =	sdelay $0x4  }
0x38a: {  	v0 =	vadd.f32 v47, v0;
	_ =	sdelay $0x1  }
0x38b: {  	v0 =	vmax.f32 v0, $0.0e+00  }
0x38c: {  	[tilespmem:s25+$0xFFFFFFF0] =	vst v0  }
0x38d: {  	v0 =	vld [tilespmem:s12+$0x0]  }
0x38e: {  	v48 =	vld [tilespmem:s13+$0x0];
	_ =	sdelay $0x4  }
0x38f: {  	v0 =	vadd.f32 v48, v0;
	_ =	sdelay $0x1  }
0x390: {  	v0 =	vmax.f32 v0, $0.0e+00  }
0x391: {  	[tilespmem:s25+$0x0] =	vst v0  }
0x392: {  	v0 =	vld [tilespmem:s12+$0x10]  }
0x393: {  	v49 =	vld [tilespmem:s13+$0x10];
	_ =	sdelay $0x4  }
0x394: {  	v0 =	vadd.f32 v49, v0;
	_ =	sdelay $0x1  }
0x395: {  	v0 =	vmax.f32 v0, $0.0e+00  }
0x396: {  	[tilespmem:s25+$0x10] =	vst v0  }
0x397: {  	v0 =	vld [tilespmem:s12+$0x20]  }
0x398: {  	v50 =	vld [tilespmem:s13+$0x20];
	_ =	sdelay $0x4  }
0x399: {  	v0 =	vadd.f32 v50, v0;
	_ =	sdelay $0x1  }
0x39a: {  	v0 =	vmax.f32 v0, $0.0e+00  }
0x39b: {  	[tilespmem:s25+$0x20] =	vst v0  }
0x39c: {  	v0 =	vld [tilespmem:s12+$0x30]  }
0x39d: {  	v51 =	vld [tilespmem:s13+$0x30];
	_ =	sdelay $0x4  }
0x39e: {  	v0 =	vadd.f32 v51, v0;
	_ =	sdelay $0x1  }
0x39f: {  	v0 =	vmax.f32 v0, $0.0e+00  }
0x3a0: {  	[tilespmem:s25+$0x30] =	vst v0  }
0x3a1: {  	v0 =	vld [tilespmem:s12+$0x40]  }
0x3a2: {  	v52 =	vld [tilespmem:s13+$0x40];
	_ =	sdelay $0x4  }
0x3a3: {  	v0 =	vadd.f32 v52, v0;
	_ =	sdelay $0x1  }
0x3a4: {  	v0 =	vmax.f32 v0, $0.0e+00  }
0x3a5: {  	[tilespmem:s25+$0x40] =	vst v0  }
0x3a6: {  	v0 =	vld [tilespmem:s12+$0x50]  }
0x3a7: {  	v53 =	vld [tilespmem:s13+$0x50];
	_ =	sdelay $0x4  }
0x3a8: {  	v0 =	vadd.f32 v53, v0;
	_ =	sdelay $0x1  }
0x3a9: {  	v0 =	vmax.f32 v0, $0.0e+00  }
0x3aa: {  	[tilespmem:s25+$0x50] =	vst v0  }
0x3ab: {  	v0 =	vld [tilespmem:s12+$0x60]  }
0x3ac: {  	v54 =	vld [tilespmem:s13+$0x60];
	_ =	sdelay $0x4  }
0x3ad: {  	v0 =	vadd.f32 v54, v0;
	_ =	sdelay $0x1  }
0x3ae: {  	v0 =	vmax.f32 v0, $0.0e+00  }
0x3af: {  	[tilespmem:s25+$0x60] =	vst v0  }
0x3b0: {  	v0 =	vld [tilespmem:s12+$0x70]  }
0x3b1: {  	v55 =	vld [tilespmem:s13+$0x70];
	_ =	sdelay $0x4  }
0x3b2: {  	v0 =	vadd.f32 v55, v0;
	_ =	sdelay $0x1  }
0x3b3: {  	v0 =	vmax.f32 v0, $0.0e+00  }
0x3b4: {  	[tilespmem:s25+$0x70] =	vst v0  }
0x3b5: {  	v0 =	vld [tilespmem:s12+$0x80]  }
0x3b6: {  	v56 =	vld [tilespmem:s13+$0x80];
	_ =	sdelay $0x4  }
0x3b7: {  	v0 =	vadd.f32 v56, v0;
	_ =	sdelay $0x1  }
0x3b8: {  	v0 =	vmax.f32 v0, $0.0e+00  }
0x3b9: {  	[tilespmem:s25+$0x80] =	vst v0  }
0x3ba: {  	v0 =	vld [tilespmem:s12+$0x90]  }
0x3bb: {  	v57 =	vld [tilespmem:s13+$0x90];
	_ =	sdelay $0x4  }
0x3bc: {  	v0 =	vadd.f32 v57, v0;
	_ =	sdelay $0x1  }
0x3bd: {  	v0 =	vmax.f32 v0, $0.0e+00  }
0x3be: {  	[tilespmem:s25+$0x90] =	vst v0  }
0x3bf: {  	v0 =	vld [tilespmem:s12+$0xA0]  }
0x3c0: {  	v58 =	vld [tilespmem:s13+$0xA0];
	_ =	sdelay $0x4  }
0x3c1: {  	v0 =	vadd.f32 v58, v0;
	_ =	sdelay $0x1  }
0x3c2: {  	v0 =	vmax.f32 v0, $0.0e+00  }
0x3c3: {  	[tilespmem:s25+$0xA0] =	vst v0  }
0x3c4: {  	v0 =	vld [tilespmem:s12+$0xB0]  }
0x3c5: {  	v59 =	vld [tilespmem:s13+$0xB0];
	_ =	sdelay $0x4  }
0x3c6: {  	v0 =	vadd.f32 v59, v0;
	_ =	sdelay $0x1  }
0x3c7: {  	v0 =	vmax.f32 v0, $0.0e+00  }
0x3c8: {  	[tilespmem:s25+$0xB0] =	vst v0  }
0x3c9: {  	v0 =	vld [tilespmem:s12+$0xC0]  }
0x3ca: {  	v60 =	vld [tilespmem:s13+$0xC0];
	_ =	sdelay $0x4  }
0x3cb: {  	v0 =	vadd.f32 v60, v0;
	_ =	sdelay $0x1  }
0x3cc: {  	v0 =	vmax.f32 v0, $0.0e+00  }
0x3cd: {  	[tilespmem:s25+$0xC0] =	vst v0  }
0x3ce: {  	v0 =	vld [tilespmem:s12+$0xD0]  }
0x3cf: {  	v61 =	vld [tilespmem:s13+$0xD0];
	_ =	sdelay $0x4  }
0x3d0: {  	v0 =	vadd.f32 v61, v0;
	_ =	sdelay $0x1  }
0x3d1: {  	v0 =	vmax.f32 v0, $0.0e+00  }
0x3d2: {  	[tilespmem:s25+$0xD0] =	vst v0  }
0x3d3: {  	v0 =	vld [tilespmem:s12+$0xE0]  }
0x3d4: {  	v62 =	vld [tilespmem:s13+$0xE0];
	_ =	sdelay $0x4  }
0x3d5: {  	v0 =	vadd.f32 v62, v0;
	_ =	sdelay $0x1  }
0x3d6: {  	v0 =	vmax.f32 v0, $0.0e+00  }
0x3d7: {  	[tilespmem:s25+$0xE0] =	vst v0  }
0x3d8: {  	v0 =	vld [tilespmem:s12+$0xF0]  }
0x3d9: {  	v63 =	vld [tilespmem:s13+$0xF0];
	_ =	sdelay $0x1  }
0x3da: {  	s10 =	sadd.s32 $0x4, s10  }
0x3db: {  	p1 =	slt.u32 s10, $0x24  }
.Ltmp5:
0x3dc: {  	_ = 	snop;
	(pc) =	sbr.rel @p1 .LBB2_12-.Ltmp5, $3  }
0x3dd: {  	v0 =	vadd.f32 v63, v0;
	_ =	sdelay $0x1  }
0x3de: {  	v0 =	vmax.f32 v0, $0.0e+00  }
0x3df: {  	s12 =	sadd.s32 $0x200, s12;
	s13 =	sadd.s32 $0x200, s13;
	[tilespmem:s25+$0xF0] =	vst v0;
	s25 =	sadd.s32 $0x200, s25  }
0x3e0: {  	[spmem:s4] =	stream.indirect.scatter.add.f32 [tilespmem:s28], [sflag:$0x7], $0x80, s17, s30, $0xb8;
	[tilespmem:$0x1DD80] =	vst v63  }
0x3e1: {  	_ =	swait.ge [sflag:s18], $0x1400  }
0x3e2: {  	[sflag:s18] =	ssyncset.done $0x0  }
0x3e3: {  	[sflag:s18] =	ssyncadd.s32 $0xFFFFEC00  }
0x3e4: {  	_ =	swait.ge [sflag:s19], $0x1400  }
0x3e5: {  	[sflag:s19] =	ssyncset.done $0x0  }
0x3e6: {  	[sflag:s19] =	ssyncadd.s32 $0xFFFFEC00  }
0x3e7: {  	_ =	swait.ge [sflag:s20], $0x28  }
0x3e8: {  	[sflag:s20] =	ssyncset.done $0x0  }
0x3e9: {  	[sflag:s20] =	ssyncadd.s32 $0xFFFFFFD8  }
0x3ea: {  	_ =	swait.ge [sflag:s24], $0x1400  }
0x3eb: {  	[sflag:s24] =	ssyncset.done $0x0  }
0x3ec: {  	[sflag:s24] =	ssyncadd.s32 $0xFFFFEC00  }
0x3ed: {  	v0 =	vld [tilespmem:$0x16400]  }
0x3ee: {  	v1 =	vld [tilespmem:$0x16410]  }
0x3ef: {  	v2 =	vld [tilespmem:$0x16418];
	_ =	sdelay $0x2  }
0x3f0: {  	[tilespmem:$0x16500] =	vst v0  }
0x3f1: {  	s10 =	simm.s32 $0xFFFFFFFC;
	s12 =	simm.s32 $0x17A80;
	[tilespmem:$0x16510] =	vst v1  }
0x3f2: {  	s13 =	simm.s32 $0x1A280;
	s25 =	simm.s32 $0x1CA80;
	s26 =	rddreg [dreg:$0x15];
	[tilespmem:$0x16518] =	vst v2  }
.LBB2_14:
0x3f3: {  	v0 =	vld [tilespmem:s12+$0xFFFFFF00]  }
0x3f4: {  	v1 =	vld [tilespmem:s13+$0xFFFFFF00];
	_ =	sdelay $0x4  }
0x3f5: {  	v0 =	vadd.f32 v1, v0;
	_ =	sdelay $0x1  }
0x3f6: {  	v0 =	vmax.f32 v0, $0.0e+00  }
0x3f7: {  	[tilespmem:s25+$0xFFFFFF00] =	vst v0  }
0x3f8: {  	v0 =	vld [tilespmem:s12+$0xFFFFFF10]  }
0x3f9: {  	v33 =	vld [tilespmem:s13+$0xFFFFFF10];
	_ =	sdelay $0x4  }
0x3fa: {  	v0 =	vadd.f32 v33, v0;
	_ =	sdelay $0x1  }
0x3fb: {  	v0 =	vmax.f32 v0, $0.0e+00  }
0x3fc: {  	[tilespmem:s25+$0xFFFFFF10] =	vst v0  }
0x3fd: {  	v0 =	vld [tilespmem:s12+$0xFFFFFF20]  }
0x3fe: {  	v34 =	vld [tilespmem:s13+$0xFFFFFF20];
	_ =	sdelay $0x4  }
0x3ff: {  	v0 =	vadd.f32 v34, v0;
	_ =	sdelay $0x1  }
0x400: {  	v0 =	vmax.f32 v0, $0.0e+00  }
0x401: {  	[tilespmem:s25+$0xFFFFFF20] =	vst v0  }
0x402: {  	v0 =	vld [tilespmem:s12+$0xFFFFFF30]  }
0x403: {  	v35 =	vld [tilespmem:s13+$0xFFFFFF30];
	_ =	sdelay $0x4  }
0x404: {  	v0 =	vadd.f32 v35, v0;
	_ =	sdelay $0x1  }
0x405: {  	v0 =	vmax.f32 v0, $0.0e+00  }
0x406: {  	[tilespmem:s25+$0xFFFFFF30] =	vst v0  }
0x407: {  	v0 =	vld [tilespmem:s12+$0xFFFFFF40]  }
0x408: {  	v36 =	vld [tilespmem:s13+$0xFFFFFF40];
	_ =	sdelay $0x4  }
0x409: {  	v0 =	vadd.f32 v36, v0;
	_ =	sdelay $0x1  }
0x40a: {  	v0 =	vmax.f32 v0, $0.0e+00  }
0x40b: {  	[tilespmem:s25+$0xFFFFFF40] =	vst v0  }
0x40c: {  	v0 =	vld [tilespmem:s12+$0xFFFFFF50]  }
0x40d: {  	v37 =	vld [tilespmem:s13+$0xFFFFFF50];
	_ =	sdelay $0x4  }
0x40e: {  	v0 =	vadd.f32 v37, v0;
	_ =	sdelay $0x1  }
0x40f: {  	v0 =	vmax.f32 v0, $0.0e+00  }
0x410: {  	[tilespmem:s25+$0xFFFFFF50] =	vst v0  }
0x411: {  	v0 =	vld [tilespmem:s12+$0xFFFFFF60]  }
0x412: {  	v38 =	vld [tilespmem:s13+$0xFFFFFF60];
	_ =	sdelay $0x4  }
0x413: {  	v0 =	vadd.f32 v38, v0;
	_ =	sdelay $0x1  }
0x414: {  	v0 =	vmax.f32 v0, $0.0e+00  }
0x415: {  	[tilespmem:s25+$0xFFFFFF60] =	vst v0  }
0x416: {  	v0 =	vld [tilespmem:s12+$0xFFFFFF70]  }
0x417: {  	v39 =	vld [tilespmem:s13+$0xFFFFFF70];
	_ =	sdelay $0x4  }
0x418: {  	v0 =	vadd.f32 v39, v0;
	_ =	sdelay $0x1  }
0x419: {  	v0 =	vmax.f32 v0, $0.0e+00  }
0x41a: {  	[tilespmem:s25+$0xFFFFFF70] =	vst v0  }
0x41b: {  	v0 =	vld [tilespmem:s12+$0xFFFFFF80]  }
0x41c: {  	v40 =	vld [tilespmem:s13+$0xFFFFFF80];
	_ =	sdelay $0x4  }
0x41d: {  	v0 =	vadd.f32 v40, v0;
	_ =	sdelay $0x1  }
0x41e: {  	v0 =	vmax.f32 v0, $0.0e+00  }
0x41f: {  	[tilespmem:s25+$0xFFFFFF80] =	vst v0  }
0x420: {  	v0 =	vld [tilespmem:s12+$0xFFFFFF90]  }
0x421: {  	v41 =	vld [tilespmem:s13+$0xFFFFFF90];
	_ =	sdelay $0x4  }
0x422: {  	v0 =	vadd.f32 v41, v0;
	_ =	sdelay $0x1  }
0x423: {  	v0 =	vmax.f32 v0, $0.0e+00  }
0x424: {  	[tilespmem:s25+$0xFFFFFF90] =	vst v0  }
0x425: {  	v0 =	vld [tilespmem:s12+$0xFFFFFFA0]  }
0x426: {  	v42 =	vld [tilespmem:s13+$0xFFFFFFA0];
	_ =	sdelay $0x4  }
0x427: {  	v0 =	vadd.f32 v42, v0;
	_ =	sdelay $0x1  }
0x428: {  	v0 =	vmax.f32 v0, $0.0e+00  }
0x429: {  	[tilespmem:s25+$0xFFFFFFA0] =	vst v0  }
0x42a: {  	v0 =	vld [tilespmem:s12+$0xFFFFFFB0]  }
0x42b: {  	v43 =	vld [tilespmem:s13+$0xFFFFFFB0];
	_ =	sdelay $0x4  }
0x42c: {  	v0 =	vadd.f32 v43, v0;
	_ =	sdelay $0x1  }
0x42d: {  	v0 =	vmax.f32 v0, $0.0e+00  }
0x42e: {  	[tilespmem:s25+$0xFFFFFFB0] =	vst v0  }
0x42f: {  	v0 =	vld [tilespmem:s12+$0xFFFFFFC0]  }
0x430: {  	v44 =	vld [tilespmem:s13+$0xFFFFFFC0];
	_ =	sdelay $0x4  }
0x431: {  	v0 =	vadd.f32 v44, v0;
	_ =	sdelay $0x1  }
0x432: {  	v0 =	vmax.f32 v0, $0.0e+00  }
0x433: {  	[tilespmem:s25+$0xFFFFFFC0] =	vst v0  }
0x434: {  	v0 =	vld [tilespmem:s12+$0xFFFFFFD0]  }
0x435: {  	v45 =	vld [tilespmem:s13+$0xFFFFFFD0];
	_ =	sdelay $0x4  }
0x436: {  	v0 =	vadd.f32 v45, v0;
	_ =	sdelay $0x1  }
0x437: {  	v0 =	vmax.f32 v0, $0.0e+00  }
0x438: {  	[tilespmem:s25+$0xFFFFFFD0] =	vst v0  }
0x439: {  	v0 =	vld [tilespmem:s12+$0xFFFFFFE0]  }
0x43a: {  	v46 =	vld [tilespmem:s13+$0xFFFFFFE0];
	_ =	sdelay $0x4  }
0x43b: {  	v0 =	vadd.f32 v46, v0;
	_ =	sdelay $0x1  }
0x43c: {  	v0 =	vmax.f32 v0, $0.0e+00  }
0x43d: {  	[tilespmem:s25+$0xFFFFFFE0] =	vst v0  }
0x43e: {  	v0 =	vld [tilespmem:s12+$0xFFFFFFF0]  }
0x43f: {  	v47 =	vld [tilespmem:s13+$0xFFFFFFF0];
	_ =	sdelay $0x4  }
0x440: {  	v0 =	vadd.f32 v47, v0;
	_ =	sdelay $0x1  }
0x441: {  	v0 =	vmax.f32 v0, $0.0e+00  }
0x442: {  	[tilespmem:s25+$0xFFFFFFF0] =	vst v0  }
0x443: {  	v0 =	vld [tilespmem:s12+$0x0]  }
0x444: {  	v48 =	vld [tilespmem:s13+$0x0];
	_ =	sdelay $0x4  }
0x445: {  	v0 =	vadd.f32 v48, v0;
	_ =	sdelay $0x1  }
0x446: {  	v0 =	vmax.f32 v0, $0.0e+00  }
0x447: {  	[tilespmem:s25+$0x0] =	vst v0  }
0x448: {  	v0 =	vld [tilespmem:s12+$0x10]  }
0x449: {  	v49 =	vld [tilespmem:s13+$0x10];
	_ =	sdelay $0x4  }
0x44a: {  	v0 =	vadd.f32 v49, v0;
	_ =	sdelay $0x1  }
0x44b: {  	v0 =	vmax.f32 v0, $0.0e+00  }
0x44c: {  	[tilespmem:s25+$0x10] =	vst v0  }
0x44d: {  	v0 =	vld [tilespmem:s12+$0x20]  }
0x44e: {  	v50 =	vld [tilespmem:s13+$0x20];
	_ =	sdelay $0x4  }
0x44f: {  	v0 =	vadd.f32 v50, v0;
	_ =	sdelay $0x1  }
0x450: {  	v0 =	vmax.f32 v0, $0.0e+00  }
0x451: {  	[tilespmem:s25+$0x20] =	vst v0  }
0x452: {  	v0 =	vld [tilespmem:s12+$0x30]  }
0x453: {  	v51 =	vld [tilespmem:s13+$0x30];
	_ =	sdelay $0x4  }
0x454: {  	v0 =	vadd.f32 v51, v0;
	_ =	sdelay $0x1  }
0x455: {  	v0 =	vmax.f32 v0, $0.0e+00  }
0x456: {  	[tilespmem:s25+$0x30] =	vst v0  }
0x457: {  	v0 =	vld [tilespmem:s12+$0x40]  }
0x458: {  	v52 =	vld [tilespmem:s13+$0x40];
	_ =	sdelay $0x4  }
0x459: {  	v0 =	vadd.f32 v52, v0;
	_ =	sdelay $0x1  }
0x45a: {  	v0 =	vmax.f32 v0, $0.0e+00  }
0x45b: {  	[tilespmem:s25+$0x40] =	vst v0  }
0x45c: {  	v0 =	vld [tilespmem:s12+$0x50]  }
0x45d: {  	v53 =	vld [tilespmem:s13+$0x50];
	_ =	sdelay $0x4  }
0x45e: {  	v0 =	vadd.f32 v53, v0;
	_ =	sdelay $0x1  }
0x45f: {  	v0 =	vmax.f32 v0, $0.0e+00  }
0x460: {  	[tilespmem:s25+$0x50] =	vst v0  }
0x461: {  	v0 =	vld [tilespmem:s12+$0x60]  }
0x462: {  	v54 =	vld [tilespmem:s13+$0x60];
	_ =	sdelay $0x4  }
0x463: {  	v0 =	vadd.f32 v54, v0;
	_ =	sdelay $0x1  }
0x464: {  	v0 =	vmax.f32 v0, $0.0e+00  }
0x465: {  	[tilespmem:s25+$0x60] =	vst v0  }
0x466: {  	v0 =	vld [tilespmem:s12+$0x70]  }
0x467: {  	v55 =	vld [tilespmem:s13+$0x70];
	_ =	sdelay $0x4  }
0x468: {  	v0 =	vadd.f32 v55, v0;
	_ =	sdelay $0x1  }
0x469: {  	v0 =	vmax.f32 v0, $0.0e+00  }
0x46a: {  	[tilespmem:s25+$0x70] =	vst v0  }
0x46b: {  	v0 =	vld [tilespmem:s12+$0x80]  }
0x46c: {  	v56 =	vld [tilespmem:s13+$0x80];
	_ =	sdelay $0x4  }
0x46d: {  	v0 =	vadd.f32 v56, v0;
	_ =	sdelay $0x1  }
0x46e: {  	v0 =	vmax.f32 v0, $0.0e+00  }
0x46f: {  	[tilespmem:s25+$0x80] =	vst v0  }
0x470: {  	v0 =	vld [tilespmem:s12+$0x90]  }
0x471: {  	v57 =	vld [tilespmem:s13+$0x90];
	_ =	sdelay $0x4  }
0x472: {  	v0 =	vadd.f32 v57, v0;
	_ =	sdelay $0x1  }
0x473: {  	v0 =	vmax.f32 v0, $0.0e+00  }
0x474: {  	[tilespmem:s25+$0x90] =	vst v0  }
0x475: {  	v0 =	vld [tilespmem:s12+$0xA0]  }
0x476: {  	v58 =	vld [tilespmem:s13+$0xA0];
	_ =	sdelay $0x4  }
0x477: {  	v0 =	vadd.f32 v58, v0;
	_ =	sdelay $0x1  }
0x478: {  	v0 =	vmax.f32 v0, $0.0e+00  }
0x479: {  	[tilespmem:s25+$0xA0] =	vst v0  }
0x47a: {  	v0 =	vld [tilespmem:s12+$0xB0]  }
0x47b: {  	v59 =	vld [tilespmem:s13+$0xB0];
	_ =	sdelay $0x4  }
0x47c: {  	v0 =	vadd.f32 v59, v0;
	_ =	sdelay $0x1  }
0x47d: {  	v0 =	vmax.f32 v0, $0.0e+00  }
0x47e: {  	[tilespmem:s25+$0xB0] =	vst v0  }
0x47f: {  	v0 =	vld [tilespmem:s12+$0xC0]  }
0x480: {  	v60 =	vld [tilespmem:s13+$0xC0];
	_ =	sdelay $0x4  }
0x481: {  	v0 =	vadd.f32 v60, v0;
	_ =	sdelay $0x1  }
0x482: {  	v0 =	vmax.f32 v0, $0.0e+00  }
0x483: {  	[tilespmem:s25+$0xC0] =	vst v0  }
0x484: {  	v0 =	vld [tilespmem:s12+$0xD0]  }
0x485: {  	v61 =	vld [tilespmem:s13+$0xD0];
	_ =	sdelay $0x4  }
0x486: {  	v0 =	vadd.f32 v61, v0;
	_ =	sdelay $0x1  }
0x487: {  	v0 =	vmax.f32 v0, $0.0e+00  }
0x488: {  	[tilespmem:s25+$0xD0] =	vst v0  }
0x489: {  	v0 =	vld [tilespmem:s12+$0xE0]  }
0x48a: {  	v62 =	vld [tilespmem:s13+$0xE0];
	_ =	sdelay $0x4  }
0x48b: {  	v0 =	vadd.f32 v62, v0;
	_ =	sdelay $0x1  }
0x48c: {  	v0 =	vmax.f32 v0, $0.0e+00  }
0x48d: {  	[tilespmem:s25+$0xE0] =	vst v0  }
0x48e: {  	v0 =	vld [tilespmem:s12+$0xF0]  }
0x48f: {  	v63 =	vld [tilespmem:s13+$0xF0];
	_ =	sdelay $0x1  }
0x490: {  	s10 =	sadd.s32 $0x4, s10  }
0x491: {  	p1 =	slt.u32 s10, $0x24  }
.Ltmp6:
0x492: {  	_ = 	snop;
	(pc) =	sbr.rel @p1 .LBB2_14-.Ltmp6, $3  }
0x493: {  	v0 =	vadd.f32 v63, v0;
	_ =	sdelay $0x1  }
0x494: {  	v0 =	vmax.f32 v0, $0.0e+00  }
0x495: {  	s12 =	sadd.s32 $0x200, s12;
	s13 =	sadd.s32 $0x200, s13;
	[tilespmem:s25+$0xF0] =	vst v0;
	s25 =	sadd.s32 $0x200, s25  }
0x496: {  	[spmem:s4] =	stream.indirect.scatter.add.f32 [tilespmem:s22], [sflag:$0x8], $0x80, s21, s30, $0xb8;
	[tilespmem:$0x1DD80] =	vst v63  }
0x497: {  	_ =	swait.ge [sflag:s23], $0x1400  }
0x498: {  	[sflag:s23] =	ssyncset.done $0x0  }
0x499: {  	[sflag:s23] =	ssyncadd.s32 $0xFFFFEC00  }
0x49a: {  	_ =	swait.ge [sflag:s24], $0x1400  }
0x49b: {  	[sflag:s24] =	ssyncset.done $0x0  }
0x49c: {  	[sflag:s24] =	ssyncadd.s32 $0xFFFFEC00  }
0x49d: {  	[bflag:$0x0] =	sbarrier.arrive $0xFFFF  }
0x49e: {  	s25 =	rddreg [dreg:$0x5]  }
0x49f: {  	s10 =	rddreg [dreg:$0xf]  }
0x4a0: {  	s13 =	simm.s32 $0x9;
	s12 =	rddreg [dreg:$0x13]  }
0x4a1: {  	[hbm:s10], [sflag:s25] =	dma.local [spmem:s12], $0x2700  }
0x4a2: {  	_ =	swait.ge [sflag:s13], $0x2700  }
0x4a3: {  	[sflag:s13] =	ssyncset.done $0x0;
	s10 =	rddreg [dreg:$0x10]  }
0x4a4: {  	s12 =	rddreg [dreg:$0x14];
	[sflag:s13] =	ssyncadd.s32 $0xFFFFD900  }
0x4a5: {  	[hbm:s10], [sflag:s25] =	dma.local @!p0 [spmem:s12], $0x100  }
0x4a6: {  	s10 =	simm.s32 @!p0 $0x9  }
0x4a7: {  	_ =	swait.ge @!p0 [sflag:s10], $0x100  }
0x4a8: {  	s26 =	sadd.s32 $0x1, s26;
	s29 =	rddreg [dreg:$0x11]  }
0x4a9: {  	p1 =	sne.s32 s26, s29  }
.Ltmp7:
0x4aa: {  	_ = 	snop;
	(pc) =	sbr.rel @p1 .LBB2_1-.Ltmp7, $3  }
0x4ab: {  	_ =	sdelay $0x1  }
0x4ac: {  	[sflag:s10] =	ssyncset.done @!p0 $0x0  }
0x4ad: {  	[sflag:s10] =	ssyncadd.s32 @!p0 $0xFFFFFF00  }
0x4ae: {  	_ =	sfence.sel $0x180000  }
0x4af: {  	[bflag:$0x0] =	sbarrier.arrive $0xFFFF  }
0x4b0: {  	_ =	strace $0x90000047  }
0x4b1: {  	s0 =	stileid.u32;
	[bflag:$0x2] =	sbarrier.arrive $0xFFFF  }
0x4b2: {  	p0 =	sne.s32 s0, $0x0;
	s0 =	rddreg [dreg:$0x3]  }
0x4b3: {  	s0 =	sadd.s32 @!p0 $0x100000, s0  }
0x4b4: {  	[sflag:s0] =	ssyncadd.tile.s32 @!p0 $0x1;
	_ =	shalt  }
.Lfunc_end2:
_tile_overlayer_lowered:
.L_overlay_start_2:
0x4b5: {  	(tag) =	ssettag $0x2  }
0x4b6: {  	s0 =	rddreg [dreg:$0x0];
	s2 =	stileid.u32  }
0x4b7: {  	s1 =	rddreg [dreg:$0x1];
	p0 =	sne.s32 s2, $0x0  }
0x4b8: {  	s3 =	rddreg [dreg:$0x2];
	[bflag:$0x3] =	sbarrier.arrive $0xFFFF;
	s2 =	simm.s32 @!p0 $0x1C09  }
0x4b9: {  	[timem:s3], [sflag:s2] =	dma.local @!p0 [hbm:s0], s1  }
0x4ba: {  	s0 =	simm.s32 @!p0 $0x9  }
0x4bb: {  	_ =	swait.ge @!p0 [sflag:s0], s1  }
0x4bc: {  	s1 =	ssub.s32 @!p0 $0x0, s1;
	[sflag:s0] =	ssyncset.done @!p0 $0x0  }
0x4bd: {  	[sflag:s0] =	ssyncadd.s32 @!p0 s1  }
0x4be: {  	[bflag:$0x3] =	sbarrier.arrive $0xFFFF  }
0x4bf: {  	_ =	shalt  }

</sc_bundles>
